<compile_context>
chip_gen: v7x
topology: tpu7x:2x2x1
jax: 0.10.2.dev20260603
libtpu: 0.0.44.dev20260713+nightly
codegen_flags: <defaults>
</compile_context>

<pallas_src>
import functools

import jax
import jax.numpy as jnp
from jax import lax
from jax.experimental import pallas as pl
from jax.experimental.pallas import tpu as pltpu
from jax.experimental.pallas import tpu_sc as plsc

NC = 2
NS = 16
NW = NC * NS
L = 16

X_MAX = 100.0
ALPHA = 0.75
LN2 = 0.6931471805599453
W_BIAS = ALPHA * 4.605170185988091


def _ln(x):
    bits = plsc.bitcast(x, jnp.int32)
    e = lax.shift_right_arithmetic(bits, 23) - 127
    mbits = (bits & 0x007FFFFF) | 0x3F800000
    m = plsc.bitcast(mbits, jnp.float32)
    big = m > 1.41421356
    m = jnp.where(big, m * 0.5, m)
    ef = e.astype(jnp.float32) + jnp.where(big, 1.0, 0.0)
    s = (m - 1.0) / (m + 1.0)
    z = s * s
    p = jnp.float32(1.0 / 9.0)
    p = p * z + jnp.float32(1.0 / 7.0)
    p = p * z + jnp.float32(0.2)
    p = p * z + jnp.float32(1.0 / 3.0)
    p = p * z + jnp.float32(1.0)
    return ef * jnp.float32(LN2) + 2.0 * s * p


def _make_glove(B, E):
    assert B % NW == 0 and E % L == 0
    b_per_w = B // NW
    CHUNK = 128
    n_chunks = b_per_w // CHUNK
    EJ = E // L

    mesh = plsc.VectorSubcoreMesh(
        core_axis_name="c", subcore_axis_name="s", num_cores=NC, num_subcores=NS
    )

    @functools.partial(
        pl.kernel,
        out_type=jax.ShapeDtypeStruct((NW, L), jnp.float32),
        mesh=mesh,
        compiler_params=pltpu.CompilerParams(needs_layout_passes=False),
        scratch_types=[
            pltpu.VMEM((b_per_w,), jnp.int32),
            pltpu.VMEM((b_per_w,), jnp.int32),
            pltpu.VMEM((b_per_w,), jnp.float32),
            pltpu.VMEM((2, CHUNK, E), jnp.float32),
            pltpu.VMEM((2, CHUNK, E), jnp.float32),
            pltpu.VMEM((2, CHUNK), jnp.float32),
            pltpu.VMEM((2, CHUNK), jnp.float32),
            pltpu.VMEM((CHUNK * L,), jnp.float32),
            pltpu.VMEM((L,), jnp.float32),
            pltpu.SemaphoreType.DMA((2,)),
        ],
    )
    def glove(fidx_hbm, cidx_hbm, cooc_hbm, ftab_hbm, ctab_hbm, fb_hbm, cb_hbm,
              out_hbm, fidx_v, cidx_v, cooc_v, frows_v, crows_v, fbv, cbv,
              pv, accv, sems):
        wid = lax.axis_index("s") * NC + lax.axis_index("c")
        base = wid * b_per_w

        stage = [
            pltpu.make_async_copy(fidx_hbm.at[pl.ds(base, b_per_w)], fidx_v,
                                  sems.at[0]),
            pltpu.make_async_copy(cidx_hbm.at[pl.ds(base, b_per_w)], cidx_v,
                                  sems.at[0]),
            pltpu.make_async_copy(cooc_hbm.at[pl.ds(base, b_per_w)], cooc_v,
                                  sems.at[1]),
        ]
        for cp in stage:
            cp.start()
        stage[0].wait()
        stage[1].wait()

        def copies(k, buf):
            sem = sems.at[buf]
            fi = fidx_v.at[pl.ds(k * CHUNK, CHUNK)]
            ci = cidx_v.at[pl.ds(k * CHUNK, CHUNK)]
            return [
                pltpu.make_async_copy(ftab_hbm.at[fi], frows_v.at[buf], sem),
                pltpu.make_async_copy(ctab_hbm.at[ci], crows_v.at[buf], sem),
                pltpu.make_async_copy(fb_hbm.at[fi], fbv.at[buf], sem),
                pltpu.make_async_copy(cb_hbm.at[ci], cbv.at[buf], sem),
            ]

        def fire(k, buf):
            for cp in copies(k, buf):
                cp.start()

        def drain(k, buf):
            for cp in copies(k, buf):
                cp.wait()

        rid16 = lax.iota(jnp.int32, 16) * L
        fire(0, 0)
        stage[2].wait()
        acc0 = jnp.zeros((L,), jnp.float32)

        def chunk_body(k, acc):
            buf = k % 2
            drain(k, buf)

            @pl.when(k + 1 < n_chunks)
            def _():
                fire(k + 1, (k + 1) % 2)

            @plsc.parallel_loop(0, CHUNK // L, carry=acc, unroll=2)
            def group(g, acc):
                pbase = g * L
                pvbase = pbase * L
                PB = 4
                for p0 in range(0, L, PB):
                    accs = [None] * PB
                    for j in range(EJ):
                        for p in range(PB):
                            fv = frows_v[buf, pbase + p0 + p, pl.ds(j * L, L)]
                            cv = crows_v[buf, pbase + p0 + p, pl.ds(j * L, L)]
                            prod = fv * cv
                            accs[p] = prod if j == 0 else accs[p] + prod
                    for p in range(PB):
                        pv[pl.ds(pvbase + (p0 + p) * L, L)] = accs[p]
                dots0 = plsc.load_gather(pv, [rid16 + pvbase])
                dots1 = plsc.load_gather(pv, [rid16 + (pvbase + 1)])
                for j in range(2, L, 2):
                    dots0 += plsc.load_gather(pv, [rid16 + (pvbase + j)])
                    dots1 += plsc.load_gather(pv, [rid16 + (pvbase + j + 1)])
                dots = dots0 + dots1
                f_b = fbv[buf, pl.ds(pbase, L)]
                c_b = cbv[buf, pl.ds(pbase, L)]
                x = cooc_v[pl.ds(k * CHUNK + pbase, L)]
                lnx = _ln(x)
                d = dots + f_b + c_b - lnx
                w = jnp.minimum(jnp.exp(ALPHA * lnx - W_BIAS), 1.0)
                return acc + w * d * d

            return group

        acc = lax.fori_loop(0, n_chunks, chunk_body, acc0)

        accv[:] = acc
        pltpu.sync_copy(accv, out_hbm.at[wid])

    return glove


def kernel(focal_input, context_input, cooc_count, focal_table, context_table,
           focal_biases, context_biases):
    B = focal_input.shape[0]
    E = focal_table.shape[1]
    glove = _make_glove(B, E)
    partials = glove(
        focal_input.astype(jnp.int32), context_input.astype(jnp.int32),
        cooc_count, focal_table, context_table, focal_biases, context_biases)
    return jnp.sum(partials) / B

# --- scband reference (transcript-rebuilt; emitter-appended) ---
"""Pipeline reference for scband-glo-ve-45054206935279 (READ-ONLY COPY).

The authoritative reference and input builder live on the scoring server;
editing this copy changes nothing except your own understanding.
"""

import jax, jax.numpy as jnp
import numpy as np

V = 100000
E = 128
B = 16384
X_MAX = 100.0
ALPHA = 0.75


def setup_inputs(seed: int = 0) -> dict:
    key = jax.random.key(seed)
    k1, k2, k3, k4, k5, k6, k7 = jax.random.split(key, 7)
    return {
        "focal_input": jax.random.randint(k1, (B,), 0, V, dtype=jnp.int64 if jax.config.jax_enable_x64 else jnp.int32),
        "context_input": jax.random.randint(k2, (B,), 0, V, dtype=jnp.int64 if jax.config.jax_enable_x64 else jnp.int32),
        # cooc counts must be strictly positive (log is taken); uniform in (1e-3, 1]
        "cooc_count": jax.random.uniform(k3, (B,), dtype=jnp.float32, minval=1e-3, maxval=1.0),
        # learned parameters (nn.Embedding default init ~ N(0,1); biases ~ N(0,1))
        "focal_table": jax.random.normal(k4, (V, E), dtype=jnp.float32),
        "context_table": jax.random.normal(k5, (V, E), dtype=jnp.float32),
        "focal_biases": jax.random.normal(k6, (V,), dtype=jnp.float32),
        "context_biases": jax.random.normal(k7, (V,), dtype=jnp.float32),
    }


def reference(focal_input, context_input, cooc_count, focal_table, context_table, focal_biases, context_biases):
    # embedding lookups (gathers)
    focal_emb = jnp.take(focal_table, focal_input, axis=0)      # [B, E]
    context_emb = jnp.take(context_table, context_input, axis=0)  # [B, E]
    focal_bias = jnp.take(focal_biases, focal_input, axis=0)    # [B]
    context_bias = jnp.take(context_biases, context_input, axis=0)  # [B]
    # dot product per pair
    emb_prods = jnp.sum(focal_emb * context_emb, axis=1)        # [B]
    distance_expr = jnp.square(emb_prods + focal_bias + context_bias - jnp.log(cooc_count))
    weight_factor = jnp.clip(jnp.power(cooc_count / X_MAX, ALPHA), 0.0, 1.0)
    loss = jnp.mean(weight_factor * distance_expr)
    return loss

if __name__ == "__main__":
    import jax
    _d = setup_inputs()
    print(jax.jit(kernel)(*tuple(_d.values())))

</pallas_src>

<mosaic_0001>
#map = affine_map<(d0, d1) -> (0)>
#map1 = affine_map<(d0, d1) -> (0, 0)>
module attributes {stable_mosaic.version = 14 : i64} {
  func.func @glove(%arg0: i32, %arg1: i32, %arg2: memref<16384xi32, #tpu.memory_space<hbm>>, %arg3: memref<16384xi32, #tpu.memory_space<hbm>>, %arg4: memref<16384xf32, #tpu.memory_space<hbm>>, %arg5: memref<100000x128xf32, #tpu.memory_space<hbm>>, %arg6: memref<100000x128xf32, #tpu.memory_space<hbm>>, %arg7: memref<100000xf32, #tpu.memory_space<hbm>>, %arg8: memref<100000xf32, #tpu.memory_space<hbm>>, %arg9: memref<32x16xf32, #tpu.memory_space<hbm>>, %arg10: memref<512xi32, #tpu.memory_space<vmem>>, %arg11: memref<512xi32, #tpu.memory_space<vmem>>, %arg12: memref<512xf32, #tpu.memory_space<vmem>>, %arg13: memref<2x128x128xf32, #tpu.memory_space<vmem>>, %arg14: memref<2x128x128xf32, #tpu.memory_space<vmem>>, %arg15: memref<2x128xf32, #tpu.memory_space<vmem>>, %arg16: memref<2x128xf32, #tpu.memory_space<vmem>>, %arg17: memref<2048xf32, #tpu.memory_space<vmem>>, %arg18: memref<16xf32, #tpu.memory_space<vmem>>, %arg19: memref<2x!tpu.dma_semaphore, #tpu.memory_space<semaphore_mem>>) attributes {dimension_semantics = [#tpu.dimension_semantics<core_parallel>, #tpu.dimension_semantics<subcore_parallel>], iteration_bounds = array<i64: 2, 16>, scalar_prefetch = 0 : i64, scratch_operands = 10 : i64, tpu.core_type = #tpu.core_type<sc_vector_subcore>, window_params = [{transform_indices = #map}, {transform_indices = #map}, {transform_indices = #map}, {transform_indices = #map1}, {transform_indices = #map1}, {transform_indices = #map}, {transform_indices = #map}, {transform_indices = #map1}]} {
    %mul3A = arith.constant 2 : i32
    %mul3A_0 = arith.muli %arg1, %mul3A : i32
    %add3A = arith.addi %mul3A_0, %arg0 : i32
    %mul3A_1 = arith.constant 512 : i32
    %mul3A_2 = arith.muli %add3A, %mul3A_1 : i32
    %dma_start3A = arith.constant 0 : i32
    %dma_start3A_3 = tpu.memref_slice %arg2[%mul3A_2] : memref<16384xi32, #tpu.memory_space<hbm>> -> memref<512xi32, #tpu.memory_space<hbm>>
    %dma_start3A_4 = tpu.memref_slice %arg19[%dma_start3A] : memref<2x!tpu.dma_semaphore, #tpu.memory_space<semaphore_mem>> -> memref<1x!tpu.dma_semaphore, #tpu.memory_space<semaphore_mem>>
    %dma_start3A_5 = tpu.memref_squeeze %dma_start3A_4 : memref<1x!tpu.dma_semaphore, #tpu.memory_space<semaphore_mem>> -> memref<!tpu.dma_semaphore, #tpu.memory_space<semaphore_mem>>
    %dma_start3A_6 = tpu.memref_slice %arg2[%mul3A_2] : memref<16384xi32, #tpu.memory_space<hbm>> -> memref<512xi32, #tpu.memory_space<hbm>>
    tpu.enqueue_dma source(%dma_start3A_6 : memref<512xi32, #tpu.memory_space<hbm>>) target(%arg10 : memref<512xi32, #tpu.memory_space<vmem>>) target_semaphore(%dma_start3A_5 : memref<!tpu.dma_semaphore, #tpu.memory_space<semaphore_mem>>)
    %dma_start3A_7 = arith.constant 0 : i32
    %dma_start3A_8 = tpu.memref_slice %arg3[%mul3A_2] : memref<16384xi32, #tpu.memory_space<hbm>> -> memref<512xi32, #tpu.memory_space<hbm>>
    %dma_start3A_9 = tpu.memref_slice %arg19[%dma_start3A_7] : memref<2x!tpu.dma_semaphore, #tpu.memory_space<semaphore_mem>> -> memref<1x!tpu.dma_semaphore, #tpu.memory_space<semaphore_mem>>
    %dma_start3A_10 = tpu.memref_squeeze %dma_start3A_9 : memref<1x!tpu.dma_semaphore, #tpu.memory_space<semaphore_mem>> -> memref<!tpu.dma_semaphore, #tpu.memory_space<semaphore_mem>>
    %dma_start3A_11 = tpu.memref_slice %arg3[%mul3A_2] : memref<16384xi32, #tpu.memory_space<hbm>> -> memref<512xi32, #tpu.memory_space<hbm>>
    tpu.enqueue_dma source(%dma_start3A_11 : memref<512xi32, #tpu.memory_space<hbm>>) target(%arg11 : memref<512xi32, #tpu.memory_space<vmem>>) target_semaphore(%dma_start3A_10 : memref<!tpu.dma_semaphore, #tpu.memory_space<semaphore_mem>>)
    %dma_start3A_12 = arith.constant 1 : i32
    %dma_start3A_13 = tpu.memref_slice %arg4[%mul3A_2] : memref<16384xf32, #tpu.memory_space<hbm>> -> memref<512xf32, #tpu.memory_space<hbm>>
    %dma_start3A_14 = tpu.memref_slice %arg19[%dma_start3A_12] : memref<2x!tpu.dma_semaphore, #tpu.memory_space<semaphore_mem>> -> memref<1x!tpu.dma_semaphore, #tpu.memory_space<semaphore_mem>>
    %dma_start3A_15 = tpu.memref_squeeze %dma_start3A_14 : memref<1x!tpu.dma_semaphore, #tpu.memory_space<semaphore_mem>> -> memref<!tpu.dma_semaphore, #tpu.memory_space<semaphore_mem>>
    %dma_start3A_16 = tpu.memref_slice %arg4[%mul3A_2] : memref<16384xf32, #tpu.memory_space<hbm>> -> memref<512xf32, #tpu.memory_space<hbm>>
    tpu.enqueue_dma source(%dma_start3A_16 : memref<512xf32, #tpu.memory_space<hbm>>) target(%arg12 : memref<512xf32, #tpu.memory_space<vmem>>) target_semaphore(%dma_start3A_15 : memref<!tpu.dma_semaphore, #tpu.memory_space<semaphore_mem>>)
    %dma_wait3A = arith.constant 0 : i32
    %dma_wait3A_17 = tpu.memref_slice %arg2[%mul3A_2] : memref<16384xi32, #tpu.memory_space<hbm>> -> memref<512xi32, #tpu.memory_space<hbm>>
    %dma_wait3A_18 = tpu.memref_slice %arg19[%dma_wait3A] : memref<2x!tpu.dma_semaphore, #tpu.memory_space<semaphore_mem>> -> memref<1x!tpu.dma_semaphore, #tpu.memory_space<semaphore_mem>>
    %dma_wait3A_19 = tpu.memref_squeeze %dma_wait3A_18 : memref<1x!tpu.dma_semaphore, #tpu.memory_space<semaphore_mem>> -> memref<!tpu.dma_semaphore, #tpu.memory_space<semaphore_mem>>
    %dma_wait3A_20 = tpu.memref_slice %arg2[%mul3A_2] : memref<16384xi32, #tpu.memory_space<hbm>> -> memref<512xi32, #tpu.memory_space<hbm>>
    tpu.wait_dma2 semaphore(%dma_wait3A_19 : memref<!tpu.dma_semaphore, #tpu.memory_space<semaphore_mem>>) src(%dma_wait3A_20 : memref<512xi32, #tpu.memory_space<hbm>>) dst(%arg10 : memref<512xi32, #tpu.memory_space<vmem>>)
    %dma_wait3A_21 = arith.constant 0 : i32
    %dma_wait3A_22 = tpu.memref_slice %arg3[%mul3A_2] : memref<16384xi32, #tpu.memory_space<hbm>> -> memref<512xi32, #tpu.memory_space<hbm>>
    %dma_wait3A_23 = tpu.memref_slice %arg19[%dma_wait3A_21] : memref<2x!tpu.dma_semaphore, #tpu.memory_space<semaphore_mem>> -> memref<1x!tpu.dma_semaphore, #tpu.memory_space<semaphore_mem>>
    %dma_wait3A_24 = tpu.memref_squeeze %dma_wait3A_23 : memref<1x!tpu.dma_semaphore, #tpu.memory_space<semaphore_mem>> -> memref<!tpu.dma_semaphore, #tpu.memory_space<semaphore_mem>>
    %dma_wait3A_25 = tpu.memref_slice %arg3[%mul3A_2] : memref<16384xi32, #tpu.memory_space<hbm>> -> memref<512xi32, #tpu.memory_space<hbm>>
    tpu.wait_dma2 semaphore(%dma_wait3A_24 : memref<!tpu.dma_semaphore, #tpu.memory_space<semaphore_mem>>) src(%dma_wait3A_25 : memref<512xi32, #tpu.memory_space<hbm>>) dst(%arg11 : memref<512xi32, #tpu.memory_space<vmem>>)
    %iota3A = tpu.iota {dimensions = array<i32: 0>} : vector<16xi32>
    %mul3A_26 = arith.constant 16 : i32
    %mul3A_27 = vector.broadcast %mul3A_26 : i32 to vector<16xi32>
    %mul3A_28 = arith.muli %iota3A, %mul3A_27 : vector<16xi32>
    %dma_start3A_29 = arith.constant 0 : i32
    %dma_start3A_30 = arith.constant 0 : i32
    %dma_start3A_31 = arith.constant 0 : i32
    %dma_start3A_32 = arith.constant 0 : i32
    %dma_start3A_33 = tpu.memref_slice %arg13[%dma_start3A_29, %dma_start3A_31, %dma_start3A_32] : memref<2x128x128xf32, #tpu.memory_space<vmem>> -> memref<1x128x128xf32, #tpu.memory_space<vmem>>
    %dma_start3A_34 = tpu.memref_squeeze %dma_start3A_33 : memref<1x128x128xf32, #tpu.memory_space<vmem>> -> memref<128x128xf32, #tpu.memory_space<vmem>>
    %dma_start3A_35 = arith.constant 0 : i32
    %dma_start3A_36 = tpu.memref_slice %arg10[%dma_start3A_35] : memref<512xi32, #tpu.memory_space<vmem>> -> memref<128xi32, #tpu.memory_space<vmem>>
    %dma_start3A_37 = arith.constant 0 : i32
    %dma_start3A_38 = arith.constant 0 : i32
    %dma_start3A_39 = tpu.memref_slice %arg5[%dma_start3A_37, %dma_start3A_38] : memref<100000x128xf32, #tpu.memory_space<hbm>> -> memref<100000x128xf32, #tpu.memory_space<hbm>>
    %dma_start3A_40 = tpu.memref_slice %arg19[%dma_start3A_30] : memref<2x!tpu.dma_semaphore, #tpu.memory_space<semaphore_mem>> -> memref<1x!tpu.dma_semaphore, #tpu.memory_space<semaphore_mem>>
    %dma_start3A_41 = tpu.memref_squeeze %dma_start3A_40 : memref<1x!tpu.dma_semaphore, #tpu.memory_space<semaphore_mem>> -> memref<!tpu.dma_semaphore, #tpu.memory_space<semaphore_mem>>
    tpu.enqueue_indirect_dma source(%dma_start3A_39 : memref<100000x128xf32, #tpu.memory_space<hbm>>) target(%dma_start3A_34 : memref<128x128xf32, #tpu.memory_space<vmem>>) offsets(%dma_start3A_36 : memref<128xi32, #tpu.memory_space<vmem>>) semaphore(%dma_start3A_41 : memref<!tpu.dma_semaphore, #tpu.memory_space<semaphore_mem>>)
    %dma_start3A_42 = arith.constant 0 : i32
    %dma_start3A_43 = arith.constant 0 : i32
    %dma_start3A_44 = arith.constant 0 : i32
    %dma_start3A_45 = arith.constant 0 : i32
    %dma_start3A_46 = tpu.memref_slice %arg14[%dma_start3A_42, %dma_start3A_44, %dma_start3A_45] : memref<2x128x128xf32, #tpu.memory_space<vmem>> -> memref<1x128x128xf32, #tpu.memory_space<vmem>>
    %dma_start3A_47 = tpu.memref_squeeze %dma_start3A_46 : memref<1x128x128xf32, #tpu.memory_space<vmem>> -> memref<128x128xf32, #tpu.memory_space<vmem>>
    %dma_start3A_48 = arith.constant 0 : i32
    %dma_start3A_49 = tpu.memref_slice %arg11[%dma_start3A_48] : memref<512xi32, #tpu.memory_space<vmem>> -> memref<128xi32, #tpu.memory_space<vmem>>
    %dma_start3A_50 = arith.constant 0 : i32
    %dma_start3A_51 = arith.constant 0 : i32
    %dma_start3A_52 = tpu.memref_slice %arg6[%dma_start3A_50, %dma_start3A_51] : memref<100000x128xf32, #tpu.memory_space<hbm>> -> memref<100000x128xf32, #tpu.memory_space<hbm>>
    %dma_start3A_53 = tpu.memref_slice %arg19[%dma_start3A_43] : memref<2x!tpu.dma_semaphore, #tpu.memory_space<semaphore_mem>> -> memref<1x!tpu.dma_semaphore, #tpu.memory_space<semaphore_mem>>
    %dma_start3A_54 = tpu.memref_squeeze %dma_start3A_53 : memref<1x!tpu.dma_semaphore, #tpu.memory_space<semaphore_mem>> -> memref<!tpu.dma_semaphore, #tpu.memory_space<semaphore_mem>>
    tpu.enqueue_indirect_dma source(%dma_start3A_52 : memref<100000x128xf32, #tpu.memory_space<hbm>>) target(%dma_start3A_47 : memref<128x128xf32, #tpu.memory_space<vmem>>) offsets(%dma_start3A_49 : memref<128xi32, #tpu.memory_space<vmem>>) semaphore(%dma_start3A_54 : memref<!tpu.dma_semaphore, #tpu.memory_space<semaphore_mem>>)
    %dma_start3A_55 = arith.constant 0 : i32
    %dma_start3A_56 = arith.constant 0 : i32
    %dma_start3A_57 = arith.constant 0 : i32
    %dma_start3A_58 = tpu.memref_slice %arg15[%dma_start3A_55, %dma_start3A_57] : memref<2x128xf32, #tpu.memory_space<vmem>> -> memref<1x128xf32, #tpu.memory_space<vmem>>
    %dma_start3A_59 = tpu.memref_squeeze %dma_start3A_58 : memref<1x128xf32, #tpu.memory_space<vmem>> -> memref<128xf32, #tpu.memory_space<vmem>>
    %dma_start3A_60 = arith.constant 0 : i32
    %dma_start3A_61 = tpu.memref_slice %arg10[%dma_start3A_60] : memref<512xi32, #tpu.memory_space<vmem>> -> memref<128xi32, #tpu.memory_space<vmem>>
    %dma_start3A_62 = arith.constant 0 : i32
    %dma_start3A_63 = tpu.memref_slice %arg7[%dma_start3A_62] : memref<100000xf32, #tpu.memory_space<hbm>> -> memref<100000xf32, #tpu.memory_space<hbm>>
    %dma_start3A_64 = tpu.memref_slice %arg19[%dma_start3A_56] : memref<2x!tpu.dma_semaphore, #tpu.memory_space<semaphore_mem>> -> memref<1x!tpu.dma_semaphore, #tpu.memory_space<semaphore_mem>>
    %dma_start3A_65 = tpu.memref_squeeze %dma_start3A_64 : memref<1x!tpu.dma_semaphore, #tpu.memory_space<semaphore_mem>> -> memref<!tpu.dma_semaphore, #tpu.memory_space<semaphore_mem>>
    tpu.enqueue_indirect_dma source(%dma_start3A_63 : memref<100000xf32, #tpu.memory_space<hbm>>) target(%dma_start3A_59 : memref<128xf32, #tpu.memory_space<vmem>>) offsets(%dma_start3A_61 : memref<128xi32, #tpu.memory_space<vmem>>) semaphore(%dma_start3A_65 : memref<!tpu.dma_semaphore, #tpu.memory_space<semaphore_mem>>)
    %dma_start3A_66 = arith.constant 0 : i32
    %dma_start3A_67 = arith.constant 0 : i32
    %dma_start3A_68 = arith.constant 0 : i32
    %dma_start3A_69 = tpu.memref_slice %arg16[%dma_start3A_66, %dma_start3A_68] : memref<2x128xf32, #tpu.memory_space<vmem>> -> memref<1x128xf32, #tpu.memory_space<vmem>>
    %dma_start3A_70 = tpu.memref_squeeze %dma_start3A_69 : memref<1x128xf32, #tpu.memory_space<vmem>> -> memref<128xf32, #tpu.memory_space<vmem>>
    %dma_start3A_71 = arith.constant 0 : i32
    %dma_start3A_72 = tpu.memref_slice %arg11[%dma_start3A_71] : memref<512xi32, #tpu.memory_space<vmem>> -> memref<128xi32, #tpu.memory_space<vmem>>
    %dma_start3A_73 = arith.constant 0 : i32
    %dma_start3A_74 = tpu.memref_slice %arg8[%dma_start3A_73] : memref<100000xf32, #tpu.memory_space<hbm>> -> memref<100000xf32, #tpu.memory_space<hbm>>
    %dma_start3A_75 = tpu.memref_slice %arg19[%dma_start3A_67] : memref<2x!tpu.dma_semaphore, #tpu.memory_space<semaphore_mem>> -> memref<1x!tpu.dma_semaphore, #tpu.memory_space<semaphore_mem>>
    %dma_start3A_76 = tpu.memref_squeeze %dma_start3A_75 : memref<1x!tpu.dma_semaphore, #tpu.memory_space<semaphore_mem>> -> memref<!tpu.dma_semaphore, #tpu.memory_space<semaphore_mem>>
    tpu.enqueue_indirect_dma source(%dma_start3A_74 : memref<100000xf32, #tpu.memory_space<hbm>>) target(%dma_start3A_70 : memref<128xf32, #tpu.memory_space<vmem>>) offsets(%dma_start3A_72 : memref<128xi32, #tpu.memory_space<vmem>>) semaphore(%dma_start3A_76 : memref<!tpu.dma_semaphore, #tpu.memory_space<semaphore_mem>>)
    %dma_wait3A_77 = arith.constant 1 : i32
    %dma_wait3A_78 = tpu.memref_slice %arg4[%mul3A_2] : memref<16384xf32, #tpu.memory_space<hbm>> -> memref<512xf32, #tpu.memory_space<hbm>>
    %dma_wait3A_79 = tpu.memref_slice %arg19[%dma_wait3A_77] : memref<2x!tpu.dma_semaphore, #tpu.memory_space<semaphore_mem>> -> memref<1x!tpu.dma_semaphore, #tpu.memory_space<semaphore_mem>>
    %dma_wait3A_80 = tpu.memref_squeeze %dma_wait3A_79 : memref<1x!tpu.dma_semaphore, #tpu.memory_space<semaphore_mem>> -> memref<!tpu.dma_semaphore, #tpu.memory_space<semaphore_mem>>
    %dma_wait3A_81 = tpu.memref_slice %arg4[%mul3A_2] : memref<16384xf32, #tpu.memory_space<hbm>> -> memref<512xf32, #tpu.memory_space<hbm>>
    tpu.wait_dma2 semaphore(%dma_wait3A_80 : memref<!tpu.dma_semaphore, #tpu.memory_space<semaphore_mem>>) src(%dma_wait3A_81 : memref<512xf32, #tpu.memory_space<hbm>>) dst(%arg12 : memref<512xf32, #tpu.memory_space<vmem>>)
    %broadcast_in_dim3A = arith.constant 0.000000e+00 : f32
    %broadcast_in_dim3A_82 = vector.broadcast %broadcast_in_dim3A : f32 to vector<16xf32>
    %scan3A = arith.constant 0 : i32
    %scan3A_83 = arith.constant 4 : i32
    %scan3A_84 = arith.addi %scan3A, %scan3A_83 : i32
    %scan3A_85 = arith.constant 1 : i32
    %scan3A_86 = scf.for %scan3A_89 = %scan3A to %scan3A_84 step %scan3A_85 iter_args(%scan3A_90 = %broadcast_in_dim3A_82) -> (vector<16xf32>)  : i32 {
      %jit3A = arith.constant 2 : i32
      %eq3A = arith.constant 0 : i32
      %eq3A_91 = arith.cmpi eq, %jit3A, %eq3A : i32
      %jit3A_92 = arith.constant 1 : i32
      %select_n3A = arith.select %eq3A_91, %jit3A_92, %jit3A : i32
      %rem3A = arith.remsi %scan3A_89, %select_n3A : i32
      %ne3A = arith.constant 0 : i32
      %ne3A_93 = arith.cmpi ne, %rem3A, %ne3A : i32
      %lt3A = arith.constant 0 : i32
      %lt3A_94 = arith.cmpi slt, %rem3A, %lt3A : i32
      %lt3A_95 = arith.constant 0 : i32
      %lt3A_96 = arith.cmpi slt, %select_n3A, %lt3A_95 : i32
      %ne3A_97 = arith.xori %lt3A_94, %lt3A_96 : i1
      %and3A = arith.andi %ne3A_97, %ne3A_93 : i1
      %add3A_98 = arith.addi %rem3A, %select_n3A : i32
      %select_n3A_99 = arith.select %and3A, %add3A_98, %rem3A : i32
      %mul3A_100 = arith.constant 128 : i32
      %mul3A_101 = arith.muli %scan3A_89, %mul3A_100 : i32
      %mul3A_102 = arith.constant 128 : i32
      %mul3A_103 = arith.muli %scan3A_89, %mul3A_102 : i32
      %dma_wait3A_104 = arith.constant 0 : i32
      %dma_wait3A_105 = arith.constant 0 : i32
      %dma_wait3A_106 = tpu.memref_slice %arg13[%select_n3A_99, %dma_wait3A_104, %dma_wait3A_105] : memref<2x128x128xf32, #tpu.memory_space<vmem>> -> memref<1x128x128xf32, #tpu.memory_space<vmem>>
      %dma_wait3A_107 = tpu.memref_squeeze %dma_wait3A_106 : memref<1x128x128xf32, #tpu.memory_space<vmem>> -> memref<128x128xf32, #tpu.memory_space<vmem>>
      %dma_wait3A_108 = tpu.memref_slice %arg10[%mul3A_101] : memref<512xi32, #tpu.memory_space<vmem>> -> memref<128xi32, #tpu.memory_space<vmem>>
      %dma_wait3A_109 = arith.constant 0 : i32
      %dma_wait3A_110 = arith.constant 0 : i32
      %dma_wait3A_111 = tpu.memref_slice %arg5[%dma_wait3A_109, %dma_wait3A_110] : memref<100000x128xf32, #tpu.memory_space<hbm>> -> memref<100000x128xf32, #tpu.memory_space<hbm>>
      %dma_wait3A_112 = tpu.memref_slice %arg19[%select_n3A_99] : memref<2x!tpu.dma_semaphore, #tpu.memory_space<semaphore_mem>> -> memref<1x!tpu.dma_semaphore, #tpu.memory_space<semaphore_mem>>
      %dma_wait3A_113 = tpu.memref_squeeze %dma_wait3A_112 : memref<1x!tpu.dma_semaphore, #tpu.memory_space<semaphore_mem>> -> memref<!tpu.dma_semaphore, #tpu.memory_space<semaphore_mem>>
      tpu.wait_indirect_dma semaphore(%dma_wait3A_113 : memref<!tpu.dma_semaphore, #tpu.memory_space<semaphore_mem>>) src(%dma_wait3A_111 : memref<100000x128xf32, #tpu.memory_space<hbm>>) dst(%dma_wait3A_107 : memref<128x128xf32, #tpu.memory_space<vmem>>)
      %dma_wait3A_114 = arith.constant 0 : i32
      %dma_wait3A_115 = arith.constant 0 : i32
      %dma_wait3A_116 = tpu.memref_slice %arg14[%select_n3A_99, %dma_wait3A_114, %dma_wait3A_115] : memref<2x128x128xf32, #tpu.memory_space<vmem>> -> memref<1x128x128xf32, #tpu.memory_space<vmem>>
      %dma_wait3A_117 = tpu.memref_squeeze %dma_wait3A_116 : memref<1x128x128xf32, #tpu.memory_space<vmem>> -> memref<128x128xf32, #tpu.memory_space<vmem>>
      %dma_wait3A_118 = tpu.memref_slice %arg11[%mul3A_103] : memref<512xi32, #tpu.memory_space<vmem>> -> memref<128xi32, #tpu.memory_space<vmem>>
      %dma_wait3A_119 = arith.constant 0 : i32
      %dma_wait3A_120 = arith.constant 0 : i32
      %dma_wait3A_121 = tpu.memref_slice %arg6[%dma_wait3A_119, %dma_wait3A_120] : memref<100000x128xf32, #tpu.memory_space<hbm>> -> memref<100000x128xf32, #tpu.memory_space<hbm>>
      %dma_wait3A_122 = tpu.memref_slice %arg19[%select_n3A_99] : memref<2x!tpu.dma_semaphore, #tpu.memory_space<semaphore_mem>> -> memref<1x!tpu.dma_semaphore, #tpu.memory_space<semaphore_mem>>
      %dma_wait3A_123 = tpu.memref_squeeze %dma_wait3A_122 : memref<1x!tpu.dma_semaphore, #tpu.memory_space<semaphore_mem>> -> memref<!tpu.dma_semaphore, #tpu.memory_space<semaphore_mem>>
      tpu.wait_indirect_dma semaphore(%dma_wait3A_123 : memref<!tpu.dma_semaphore, #tpu.memory_space<semaphore_mem>>) src(%dma_wait3A_121 : memref<100000x128xf32, #tpu.memory_space<hbm>>) dst(%dma_wait3A_117 : memref<128x128xf32, #tpu.memory_space<vmem>>)
      %dma_wait3A_124 = arith.constant 0 : i32
      %dma_wait3A_125 = tpu.memref_slice %arg15[%select_n3A_99, %dma_wait3A_124] : memref<2x128xf32, #tpu.memory_space<vmem>> -> memref<1x128xf32, #tpu.memory_space<vmem>>
      %dma_wait3A_126 = tpu.memref_squeeze %dma_wait3A_125 : memref<1x128xf32, #tpu.memory_space<vmem>> -> memref<128xf32, #tpu.memory_space<vmem>>
      %dma_wait3A_127 = tpu.memref_slice %arg10[%mul3A_101] : memref<512xi32, #tpu.memory_space<vmem>> -> memref<128xi32, #tpu.memory_space<vmem>>
      %dma_wait3A_128 = arith.constant 0 : i32
      %dma_wait3A_129 = tpu.memref_slice %arg7[%dma_wait3A_128] : memref<100000xf32, #tpu.memory_space<hbm>> -> memref<100000xf32, #tpu.memory_space<hbm>>
      %dma_wait3A_130 = tpu.memref_slice %arg19[%select_n3A_99] : memref<2x!tpu.dma_semaphore, #tpu.memory_space<semaphore_mem>> -> memref<1x!tpu.dma_semaphore, #tpu.memory_space<semaphore_mem>>
      %dma_wait3A_131 = tpu.memref_squeeze %dma_wait3A_130 : memref<1x!tpu.dma_semaphore, #tpu.memory_space<semaphore_mem>> -> memref<!tpu.dma_semaphore, #tpu.memory_space<semaphore_mem>>
      tpu.wait_indirect_dma semaphore(%dma_wait3A_131 : memref<!tpu.dma_semaphore, #tpu.memory_space<semaphore_mem>>) src(%dma_wait3A_129 : memref<100000xf32, #tpu.memory_space<hbm>>) dst(%dma_wait3A_126 : memref<128xf32, #tpu.memory_space<vmem>>)
      %dma_wait3A_132 = arith.constant 0 : i32
      %dma_wait3A_133 = tpu.memref_slice %arg16[%select_n3A_99, %dma_wait3A_132] : memref<2x128xf32, #tpu.memory_space<vmem>> -> memref<1x128xf32, #tpu.memory_space<vmem>>
      %dma_wait3A_134 = tpu.memref_squeeze %dma_wait3A_133 : memref<1x128xf32, #tpu.memory_space<vmem>> -> memref<128xf32, #tpu.memory_space<vmem>>
      %dma_wait3A_135 = tpu.memref_slice %arg11[%mul3A_103] : memref<512xi32, #tpu.memory_space<vmem>> -> memref<128xi32, #tpu.memory_space<vmem>>
      %dma_wait3A_136 = arith.constant 0 : i32
      %dma_wait3A_137 = tpu.memref_slice %arg8[%dma_wait3A_136] : memref<100000xf32, #tpu.memory_space<hbm>> -> memref<100000xf32, #tpu.memory_space<hbm>>
      %dma_wait3A_138 = tpu.memref_slice %arg19[%select_n3A_99] : memref<2x!tpu.dma_semaphore, #tpu.memory_space<semaphore_mem>> -> memref<1x!tpu.dma_semaphore, #tpu.memory_space<semaphore_mem>>
      %dma_wait3A_139 = tpu.memref_squeeze %dma_wait3A_138 : memref<1x!tpu.dma_semaphore, #tpu.memory_space<semaphore_mem>> -> memref<!tpu.dma_semaphore, #tpu.memory_space<semaphore_mem>>
      tpu.wait_indirect_dma semaphore(%dma_wait3A_139 : memref<!tpu.dma_semaphore, #tpu.memory_space<semaphore_mem>>) src(%dma_wait3A_137 : memref<100000xf32, #tpu.memory_space<hbm>>) dst(%dma_wait3A_134 : memref<128xf32, #tpu.memory_space<vmem>>)
      %add3A_140 = arith.constant 1 : i32
      %add3A_141 = arith.addi %scan3A_89, %add3A_140 : i32
      %lt3A_142 = arith.constant 4 : i32
      %lt3A_143 = arith.cmpi slt, %add3A_141, %lt3A_142 : i32
      %convert_element_type3A = arith.extui %lt3A_143 : i1 to i32
      %cond3A = arith.constant 0 : i32
      %cond3A_144 = arith.cmpi ne, %convert_element_type3A, %cond3A : i32
      scf.if %cond3A_144 {
        %add3A_148 = arith.constant 1 : i32
        %add3A_149 = arith.addi %scan3A_89, %add3A_148 : i32
        %add3A_150 = arith.constant 1 : i32
        %add3A_151 = arith.addi %scan3A_89, %add3A_150 : i32
        %jit3A_152 = arith.constant 2 : i32
        %eq3A_153 = arith.constant 0 : i32
        %eq3A_154 = arith.cmpi eq, %jit3A_152, %eq3A_153 : i32
        %jit3A_155 = arith.constant 1 : i32
        %select_n3A_156 = arith.select %eq3A_154, %jit3A_155, %jit3A_152 : i32
        %rem3A_157 = arith.remsi %add3A_151, %select_n3A_156 : i32
        %ne3A_158 = arith.constant 0 : i32
        %ne3A_159 = arith.cmpi ne, %rem3A_157, %ne3A_158 : i32
        %lt3A_160 = arith.constant 0 : i32
        %lt3A_161 = arith.cmpi slt, %rem3A_157, %lt3A_160 : i32
        %lt3A_162 = arith.constant 0 : i32
        %lt3A_163 = arith.cmpi slt, %select_n3A_156, %lt3A_162 : i32
        %ne3A_164 = arith.xori %lt3A_161, %lt3A_163 : i1
        %and3A_165 = arith.andi %ne3A_164, %ne3A_159 : i1
        %add3A_166 = arith.addi %rem3A_157, %select_n3A_156 : i32
        %select_n3A_167 = arith.select %and3A_165, %add3A_166, %rem3A_157 : i32
        %mul3A_168 = arith.constant 128 : i32
        %mul3A_169 = arith.muli %add3A_149, %mul3A_168 : i32
        %mul3A_170 = arith.constant 128 : i32
        %mul3A_171 = arith.muli %add3A_149, %mul3A_170 : i32
        %dma_start3A_172 = arith.constant 0 : i32
        %dma_start3A_173 = arith.constant 0 : i32
        %dma_start3A_174 = tpu.memref_slice %arg13[%select_n3A_167, %dma_start3A_172, %dma_start3A_173] : memref<2x128x128xf32, #tpu.memory_space<vmem>> -> memref<1x128x128xf32, #tpu.memory_space<vmem>>
        %dma_start3A_175 = tpu.memref_squeeze %dma_start3A_174 : memref<1x128x128xf32, #tpu.memory_space<vmem>> -> memref<128x128xf32, #tpu.memory_space<vmem>>
        %dma_start3A_176 = tpu.memref_slice %arg10[%mul3A_169] : memref<512xi32, #tpu.memory_space<vmem>> -> memref<128xi32, #tpu.memory_space<vmem>>
        %dma_start3A_177 = arith.constant 0 : i32
        %dma_start3A_178 = arith.constant 0 : i32
        %dma_start3A_179 = tpu.memref_slice %arg5[%dma_start3A_177, %dma_start3A_178] : memref<100000x128xf32, #tpu.memory_space<hbm>> -> memref<100000x128xf32, #tpu.memory_space<hbm>>
        %dma_start3A_180 = tpu.memref_slice %arg19[%select_n3A_167] : memref<2x!tpu.dma_semaphore, #tpu.memory_space<semaphore_mem>> -> memref<1x!tpu.dma_semaphore, #tpu.memory_space<semaphore_mem>>
        %dma_start3A_181 = tpu.memref_squeeze %dma_start3A_180 : memref<1x!tpu.dma_semaphore, #tpu.memory_space<semaphore_mem>> -> memref<!tpu.dma_semaphore, #tpu.memory_space<semaphore_mem>>
        tpu.enqueue_indirect_dma source(%dma_start3A_179 : memref<100000x128xf32, #tpu.memory_space<hbm>>) target(%dma_start3A_175 : memref<128x128xf32, #tpu.memory_space<vmem>>) offsets(%dma_start3A_176 : memref<128xi32, #tpu.memory_space<vmem>>) semaphore(%dma_start3A_181 : memref<!tpu.dma_semaphore, #tpu.memory_space<semaphore_mem>>)
        %dma_start3A_182 = arith.constant 0 : i32
        %dma_start3A_183 = arith.constant 0 : i32
        %dma_start3A_184 = tpu.memref_slice %arg14[%select_n3A_167, %dma_start3A_182, %dma_start3A_183] : memref<2x128x128xf32, #tpu.memory_space<vmem>> -> memref<1x128x128xf32, #tpu.memory_space<vmem>>
        %dma_start3A_185 = tpu.memref_squeeze %dma_start3A_184 : memref<1x128x128xf32, #tpu.memory_space<vmem>> -> memref<128x128xf32, #tpu.memory_space<vmem>>
        %dma_start3A_186 = tpu.memref_slice %arg11[%mul3A_171] : memref<512xi32, #tpu.memory_space<vmem>> -> memref<128xi32, #tpu.memory_space<vmem>>
        %dma_start3A_187 = arith.constant 0 : i32
        %dma_start3A_188 = arith.constant 0 : i32
        %dma_start3A_189 = tpu.memref_slice %arg6[%dma_start3A_187, %dma_start3A_188] : memref<100000x128xf32, #tpu.memory_space<hbm>> -> memref<100000x128xf32, #tpu.memory_space<hbm>>
        %dma_start3A_190 = tpu.memref_slice %arg19[%select_n3A_167] : memref<2x!tpu.dma_semaphore, #tpu.memory_space<semaphore_mem>> -> memref<1x!tpu.dma_semaphore, #tpu.memory_space<semaphore_mem>>
        %dma_start3A_191 = tpu.memref_squeeze %dma_start3A_190 : memref<1x!tpu.dma_semaphore, #tpu.memory_space<semaphore_mem>> -> memref<!tpu.dma_semaphore, #tpu.memory_space<semaphore_mem>>
        tpu.enqueue_indirect_dma source(%dma_start3A_189 : memref<100000x128xf32, #tpu.memory_space<hbm>>) target(%dma_start3A_185 : memref<128x128xf32, #tpu.memory_space<vmem>>) offsets(%dma_start3A_186 : memref<128xi32, #tpu.memory_space<vmem>>) semaphore(%dma_start3A_191 : memref<!tpu.dma_semaphore, #tpu.memory_space<semaphore_mem>>)
        %dma_start3A_192 = arith.constant 0 : i32
        %dma_start3A_193 = tpu.memref_slice %arg15[%select_n3A_167, %dma_start3A_192] : memref<2x128xf32, #tpu.memory_space<vmem>> -> memref<1x128xf32, #tpu.memory_space<vmem>>
        %dma_start3A_194 = tpu.memref_squeeze %dma_start3A_193 : memref<1x128xf32, #tpu.memory_space<vmem>> -> memref<128xf32, #tpu.memory_space<vmem>>
        %dma_start3A_195 = tpu.memref_slice %arg10[%mul3A_169] : memref<512xi32, #tpu.memory_space<vmem>> -> memref<128xi32, #tpu.memory_space<vmem>>
        %dma_start3A_196 = arith.constant 0 : i32
        %dma_start3A_197 = tpu.memref_slice %arg7[%dma_start3A_196] : memref<100000xf32, #tpu.memory_space<hbm>> -> memref<100000xf32, #tpu.memory_space<hbm>>
        %dma_start3A_198 = tpu.memref_slice %arg19[%select_n3A_167] : memref<2x!tpu.dma_semaphore, #tpu.memory_space<semaphore_mem>> -> memref<1x!tpu.dma_semaphore, #tpu.memory_space<semaphore_mem>>
        %dma_start3A_199 = tpu.memref_squeeze %dma_start3A_198 : memref<1x!tpu.dma_semaphore, #tpu.memory_space<semaphore_mem>> -> memref<!tpu.dma_semaphore, #tpu.memory_space<semaphore_mem>>
        tpu.enqueue_indirect_dma source(%dma_start3A_197 : memref<100000xf32, #tpu.memory_space<hbm>>) target(%dma_start3A_194 : memref<128xf32, #tpu.memory_space<vmem>>) offsets(%dma_start3A_195 : memref<128xi32, #tpu.memory_space<vmem>>) semaphore(%dma_start3A_199 : memref<!tpu.dma_semaphore, #tpu.memory_space<semaphore_mem>>)
        %dma_start3A_200 = arith.constant 0 : i32
        %dma_start3A_201 = tpu.memref_slice %arg16[%select_n3A_167, %dma_start3A_200] : memref<2x128xf32, #tpu.memory_space<vmem>> -> memref<1x128xf32, #tpu.memory_space<vmem>>
        %dma_start3A_202 = tpu.memref_squeeze %dma_start3A_201 : memref<1x128xf32, #tpu.memory_space<vmem>> -> memref<128xf32, #tpu.memory_space<vmem>>
        %dma_start3A_203 = tpu.memref_slice %arg11[%mul3A_171] : memref<512xi32, #tpu.memory_space<vmem>> -> memref<128xi32, #tpu.memory_space<vmem>>
        %dma_start3A_204 = arith.constant 0 : i32
        %dma_start3A_205 = tpu.memref_slice %arg8[%dma_start3A_204] : memref<100000xf32, #tpu.memory_space<hbm>> -> memref<100000xf32, #tpu.memory_space<hbm>>
        %dma_start3A_206 = tpu.memref_slice %arg19[%select_n3A_167] : memref<2x!tpu.dma_semaphore, #tpu.memory_space<semaphore_mem>> -> memref<1x!tpu.dma_semaphore, #tpu.memory_space<semaphore_mem>>
        %dma_start3A_207 = tpu.memref_squeeze %dma_start3A_206 : memref<1x!tpu.dma_semaphore, #tpu.memory_space<semaphore_mem>> -> memref<!tpu.dma_semaphore, #tpu.memory_space<semaphore_mem>>
        tpu.enqueue_indirect_dma source(%dma_start3A_205 : memref<100000xf32, #tpu.memory_space<hbm>>) target(%dma_start3A_202 : memref<128xf32, #tpu.memory_space<vmem>>) offsets(%dma_start3A_203 : memref<128xi32, #tpu.memory_space<vmem>>) semaphore(%dma_start3A_207 : memref<!tpu.dma_semaphore, #tpu.memory_space<semaphore_mem>>)
      } else {
      }
      %parallel_loop3A = arith.constant 0 : i32
      %parallel_loop3A_145 = arith.constant 8 : i32
      %parallel_loop3A_146 = arith.constant 1 : i32
      %parallel_loop3A_147 = scf.for %parallel_loop3A_148 = %parallel_loop3A to %parallel_loop3A_145 step %parallel_loop3A_146 iter_args(%parallel_loop3A_149 = %scan3A_90) -> (vector<16xf32>)  : i32 {
        %parallel_loop3A_150 = arith.constant 16 : i32
        %parallel_loop3A_151 = arith.muli %parallel_loop3A_148, %parallel_loop3A_150 : i32
        %parallel_loop3A_152 = arith.constant 16 : i32
        %parallel_loop3A_153 = arith.muli %parallel_loop3A_151, %parallel_loop3A_152 : i32
        %parallel_loop3A_154 = arith.constant 0 : i32
        %parallel_loop3A_155 = arith.addi %parallel_loop3A_151, %parallel_loop3A_154 : i32
        %parallel_loop3A_156 = arith.constant 0 : i32
        %parallel_loop3A_157 = arith.addi %parallel_loop3A_155, %parallel_loop3A_156 : i32
        %parallel_loop3A_158 = arith.index_cast %select_n3A_99 : i32 to index
        %parallel_loop3A_159 = arith.index_cast %parallel_loop3A_157 : i32 to index
        %parallel_loop3A_160 = arith.constant 0 : index
        %parallel_loop3A_161 = tpu.vector_load %arg13[%parallel_loop3A_158, %parallel_loop3A_159, %parallel_loop3A_160] {strides = array<i32>} : memref<2x128x128xf32, #tpu.memory_space<vmem>>, vector<16xf32>,
        %parallel_loop3A_162 = arith.constant 0 : i32
        %parallel_loop3A_163 = arith.addi %parallel_loop3A_151, %parallel_loop3A_162 : i32
        %parallel_loop3A_164 = arith.constant 0 : i32
        %parallel_loop3A_165 = arith.addi %parallel_loop3A_163, %parallel_loop3A_164 : i32
        %parallel_loop3A_166 = arith.index_cast %select_n3A_99 : i32 to index
        %parallel_loop3A_167 = arith.index_cast %parallel_loop3A_165 : i32 to index
        %parallel_loop3A_168 = arith.constant 0 : index
        %parallel_loop3A_169 = tpu.vector_load %arg14[%parallel_loop3A_166, %parallel_loop3A_167, %parallel_loop3A_168] {strides = array<i32>} : memref<2x128x128xf32, #tpu.memory_space<vmem>>, vector<16xf32>,
        %parallel_loop3A_170 = arith.mulf %parallel_loop3A_161, %parallel_loop3A_169 : vector<16xf32>
        %parallel_loop3A_171 = arith.constant 0 : i32
        %parallel_loop3A_172 = arith.addi %parallel_loop3A_151, %parallel_loop3A_171 : i32
        %parallel_loop3A_173 = arith.constant 1 : i32
        %parallel_loop3A_174 = arith.addi %parallel_loop3A_172, %parallel_loop3A_173 : i32
        %parallel_loop3A_175 = arith.index_cast %select_n3A_99 : i32 to index
        %parallel_loop3A_176 = arith.index_cast %parallel_loop3A_174 : i32 to index
        %parallel_loop3A_177 = arith.constant 0 : index
        %parallel_loop3A_178 = tpu.vector_load %arg13[%parallel_loop3A_175, %parallel_loop3A_176, %parallel_loop3A_177] {strides = array<i32>} : memref<2x128x128xf32, #tpu.memory_space<vmem>>, vector<16xf32>,
        %parallel_loop3A_179 = arith.constant 0 : i32
        %parallel_loop3A_180 = arith.addi %parallel_loop3A_151, %parallel_loop3A_179 : i32
        %parallel_loop3A_181 = arith.constant 1 : i32
        %parallel_loop3A_182 = arith.addi %parallel_loop3A_180, %parallel_loop3A_181 : i32
        %parallel_loop3A_183 = arith.index_cast %select_n3A_99 : i32 to index
        %parallel_loop3A_184 = arith.index_cast %parallel_loop3A_182 : i32 to index
        %parallel_loop3A_185 = arith.constant 0 : index
        %parallel_loop3A_186 = tpu.vector_load %arg14[%parallel_loop3A_183, %parallel_loop3A_184, %parallel_loop3A_185] {strides = array<i32>} : memref<2x128x128xf32, #tpu.memory_space<vmem>>, vector<16xf32>,
        %parallel_loop3A_187 = arith.mulf %parallel_loop3A_178, %parallel_loop3A_186 : vector<16xf32>
        %parallel_loop3A_188 = arith.constant 0 : i32
        %parallel_loop3A_189 = arith.addi %parallel_loop3A_151, %parallel_loop3A_188 : i32
        %parallel_loop3A_190 = arith.constant 2 : i32
        %parallel_loop3A_191 = arith.addi %parallel_loop3A_189, %parallel_loop3A_190 : i32
        %parallel_loop3A_192 = arith.index_cast %select_n3A_99 : i32 to index
        %parallel_loop3A_193 = arith.index_cast %parallel_loop3A_191 : i32 to index
        %parallel_loop3A_194 = arith.constant 0 : index
        %parallel_loop3A_195 = tpu.vector_load %arg13[%parallel_loop3A_192, %parallel_loop3A_193, %parallel_loop3A_194] {strides = array<i32>} : memref<2x128x128xf32, #tpu.memory_space<vmem>>, vector<16xf32>,
        %parallel_loop3A_196 = arith.constant 0 : i32
        %parallel_loop3A_197 = arith.addi %parallel_loop3A_151, %parallel_loop3A_196 : i32
        %parallel_loop3A_198 = arith.constant 2 : i32
        %parallel_loop3A_199 = arith.addi %parallel_loop3A_197, %parallel_loop3A_198 : i32
        %parallel_loop3A_200 = arith.index_cast %select_n3A_99 : i32 to index
        %parallel_loop3A_201 = arith.index_cast %parallel_loop3A_199 : i32 to index
        %parallel_loop3A_202 = arith.constant 0 : index
        %parallel_loop3A_203 = tpu.vector_load %arg14[%parallel_loop3A_200, %parallel_loop3A_201, %parallel_loop3A_202] {strides = array<i32>} : memref<2x128x128xf32, #tpu.memory_space<vmem>>, vector<16xf32>,
        %parallel_loop3A_204 = arith.mulf %parallel_loop3A_195, %parallel_loop3A_203 : vector<16xf32>
        %parallel_loop3A_205 = arith.constant 0 : i32
        %parallel_loop3A_206 = arith.addi %parallel_loop3A_151, %parallel_loop3A_205 : i32
        %parallel_loop3A_207 = arith.constant 3 : i32
        %parallel_loop3A_208 = arith.addi %parallel_loop3A_206, %parallel_loop3A_207 : i32
        %parallel_loop3A_209 = arith.index_cast %select_n3A_99 : i32 to index
        %parallel_loop3A_210 = arith.index_cast %parallel_loop3A_208 : i32 to index
        %parallel_loop3A_211 = arith.constant 0 : index
        %parallel_loop3A_212 = tpu.vector_load %arg13[%parallel_loop3A_209, %parallel_loop3A_210, %parallel_loop3A_211] {strides = array<i32>} : memref<2x128x128xf32, #tpu.memory_space<vmem>>, vector<16xf32>,
        %parallel_loop3A_213 = arith.constant 0 : i32
        %parallel_loop3A_214 = arith.addi %parallel_loop3A_151, %parallel_loop3A_213 : i32
        %parallel_loop3A_215 = arith.constant 3 : i32
        %parallel_loop3A_216 = arith.addi %parallel_loop3A_214, %parallel_loop3A_215 : i32
        %parallel_loop3A_217 = arith.index_cast %select_n3A_99 : i32 to index
        %parallel_loop3A_218 = arith.index_cast %parallel_loop3A_216 : i32 to index
        %parallel_loop3A_219 = arith.constant 0 : index
        %parallel_loop3A_220 = tpu.vector_load %arg14[%parallel_loop3A_217, %parallel_loop3A_218, %parallel_loop3A_219] {strides = array<i32>} : memref<2x128x128xf32, #tpu.memory_space<vmem>>, vector<16xf32>,
        %parallel_loop3A_221 = arith.mulf %parallel_loop3A_212, %parallel_loop3A_220 : vector<16xf32>
        %parallel_loop3A_222 = arith.constant 0 : i32
        %parallel_loop3A_223 = arith.addi %parallel_loop3A_151, %parallel_loop3A_222 : i32
        %parallel_loop3A_224 = arith.constant 0 : i32
        %parallel_loop3A_225 = arith.addi %parallel_loop3A_223, %parallel_loop3A_224 : i32
        %parallel_loop3A_226 = arith.index_cast %select_n3A_99 : i32 to index
        %parallel_loop3A_227 = arith.index_cast %parallel_loop3A_225 : i32 to index
        %parallel_loop3A_228 = arith.constant 16 : index
        %parallel_loop3A_229 = tpu.vector_load %arg13[%parallel_loop3A_226, %parallel_loop3A_227, %parallel_loop3A_228] {strides = array<i32>} : memref<2x128x128xf32, #tpu.memory_space<vmem>>, vector<16xf32>,
        %parallel_loop3A_230 = arith.constant 0 : i32
        %parallel_loop3A_231 = arith.addi %parallel_loop3A_151, %parallel_loop3A_230 : i32
        %parallel_loop3A_232 = arith.constant 0 : i32
        %parallel_loop3A_233 = arith.addi %parallel_loop3A_231, %parallel_loop3A_232 : i32
        %parallel_loop3A_234 = arith.index_cast %select_n3A_99 : i32 to index
        %parallel_loop3A_235 = arith.index_cast %parallel_loop3A_233 : i32 to index
        %parallel_loop3A_236 = arith.constant 16 : index
        %parallel_loop3A_237 = tpu.vector_load %arg14[%parallel_loop3A_234, %parallel_loop3A_235, %parallel_loop3A_236] {strides = array<i32>} : memref<2x128x128xf32, #tpu.memory_space<vmem>>, vector<16xf32>,
        %parallel_loop3A_238 = arith.mulf %parallel_loop3A_229, %parallel_loop3A_237 : vector<16xf32>
        %parallel_loop3A_239 = arith.addf %parallel_loop3A_170, %parallel_loop3A_238 : vector<16xf32>
        %parallel_loop3A_240 = arith.constant 0 : i32
        %parallel_loop3A_241 = arith.addi %parallel_loop3A_151, %parallel_loop3A_240 : i32
        %parallel_loop3A_242 = arith.constant 1 : i32
        %parallel_loop3A_243 = arith.addi %parallel_loop3A_241, %parallel_loop3A_242 : i32
        %parallel_loop3A_244 = arith.index_cast %select_n3A_99 : i32 to index
        %parallel_loop3A_245 = arith.index_cast %parallel_loop3A_243 : i32 to index
        %parallel_loop3A_246 = arith.constant 16 : index
        %parallel_loop3A_247 = tpu.vector_load %arg13[%parallel_loop3A_244, %parallel_loop3A_245, %parallel_loop3A_246] {strides = array<i32>} : memref<2x128x128xf32, #tpu.memory_space<vmem>>, vector<16xf32>,
        %parallel_loop3A_248 = arith.constant 0 : i32
        %parallel_loop3A_249 = arith.addi %parallel_loop3A_151, %parallel_loop3A_248 : i32
        %parallel_loop3A_250 = arith.constant 1 : i32
        %parallel_loop3A_251 = arith.addi %parallel_loop3A_249, %parallel_loop3A_250 : i32
        %parallel_loop3A_252 = arith.index_cast %select_n3A_99 : i32 to index
        %parallel_loop3A_253 = arith.index_cast %parallel_loop3A_251 : i32 to index
        %parallel_loop3A_254 = arith.constant 16 : index
        %parallel_loop3A_255 = tpu.vector_load %arg14[%parallel_loop3A_252, %parallel_loop3A_253, %parallel_loop3A_254] {strides = array<i32>} : memref<2x128x128xf32, #tpu.memory_space<vmem>>, vector<16xf32>,
        %parallel_loop3A_256 = arith.mulf %parallel_loop3A_247, %parallel_loop3A_255 : vector<16xf32>
        %parallel_loop3A_257 = arith.addf %parallel_loop3A_187, %parallel_loop3A_256 : vector<16xf32>
        %parallel_loop3A_258 = arith.constant 0 : i32
        %parallel_loop3A_259 = arith.addi %parallel_loop3A_151, %parallel_loop3A_258 : i32
        %parallel_loop3A_260 = arith.constant 2 : i32
        %parallel_loop3A_261 = arith.addi %parallel_loop3A_259, %parallel_loop3A_260 : i32
        %parallel_loop3A_262 = arith.index_cast %select_n3A_99 : i32 to index
        %parallel_loop3A_263 = arith.index_cast %parallel_loop3A_261 : i32 to index
        %parallel_loop3A_264 = arith.constant 16 : index
        %parallel_loop3A_265 = tpu.vector_load %arg13[%parallel_loop3A_262, %parallel_loop3A_263, %parallel_loop3A_264] {strides = array<i32>} : memref<2x128x128xf32, #tpu.memory_space<vmem>>, vector<16xf32>,
        %parallel_loop3A_266 = arith.constant 0 : i32
        %parallel_loop3A_267 = arith.addi %parallel_loop3A_151, %parallel_loop3A_266 : i32
        %parallel_loop3A_268 = arith.constant 2 : i32
        %parallel_loop3A_269 = arith.addi %parallel_loop3A_267, %parallel_loop3A_268 : i32
        %parallel_loop3A_270 = arith.index_cast %select_n3A_99 : i32 to index
        %parallel_loop3A_271 = arith.index_cast %parallel_loop3A_269 : i32 to index
        %parallel_loop3A_272 = arith.constant 16 : index
        %parallel_loop3A_273 = tpu.vector_load %arg14[%parallel_loop3A_270, %parallel_loop3A_271, %parallel_loop3A_272] {strides = array<i32>} : memref<2x128x128xf32, #tpu.memory_space<vmem>>, vector<16xf32>,
        %parallel_loop3A_274 = arith.mulf %parallel_loop3A_265, %parallel_loop3A_273 : vector<16xf32>
        %parallel_loop3A_275 = arith.addf %parallel_loop3A_204, %parallel_loop3A_274 : vector<16xf32>
        %parallel_loop3A_276 = arith.constant 0 : i32
        %parallel_loop3A_277 = arith.addi %parallel_loop3A_151, %parallel_loop3A_276 : i32
        %parallel_loop3A_278 = arith.constant 3 : i32
        %parallel_loop3A_279 = arith.addi %parallel_loop3A_277, %parallel_loop3A_278 : i32
        %parallel_loop3A_280 = arith.index_cast %select_n3A_99 : i32 to index
        %parallel_loop3A_281 = arith.index_cast %parallel_loop3A_279 : i32 to index
        %parallel_loop3A_282 = arith.constant 16 : index
        %parallel_loop3A_283 = tpu.vector_load %arg13[%parallel_loop3A_280, %parallel_loop3A_281, %parallel_loop3A_282] {strides = array<i32>} : memref<2x128x128xf32, #tpu.memory_space<vmem>>, vector<16xf32>,
        %parallel_loop3A_284 = arith.constant 0 : i32
        %parallel_loop3A_285 = arith.addi %parallel_loop3A_151, %parallel_loop3A_284 : i32
        %parallel_loop3A_286 = arith.constant 3 : i32
        %parallel_loop3A_287 = arith.addi %parallel_loop3A_285, %parallel_loop3A_286 : i32
        %parallel_loop3A_288 = arith.index_cast %select_n3A_99 : i32 to index
        %parallel_loop3A_289 = arith.index_cast %parallel_loop3A_287 : i32 to index
        %parallel_loop3A_290 = arith.constant 16 : index
        %parallel_loop3A_291 = tpu.vector_load %arg14[%parallel_loop3A_288, %parallel_loop3A_289, %parallel_loop3A_290] {strides = array<i32>} : memref<2x128x128xf32, #tpu.memory_space<vmem>>, vector<16xf32>,
        %parallel_loop3A_292 = arith.mulf %parallel_loop3A_283, %parallel_loop3A_291 : vector<16xf32>
        %parallel_loop3A_293 = arith.addf %parallel_loop3A_221, %parallel_loop3A_292 : vector<16xf32>
        %parallel_loop3A_294 = arith.constant 0 : i32
        %parallel_loop3A_295 = arith.addi %parallel_loop3A_151, %parallel_loop3A_294 : i32
        %parallel_loop3A_296 = arith.constant 0 : i32
        %parallel_loop3A_297 = arith.addi %parallel_loop3A_295, %parallel_loop3A_296 : i32
        %parallel_loop3A_298 = arith.index_cast %select_n3A_99 : i32 to index
        %parallel_loop3A_299 = arith.index_cast %parallel_loop3A_297 : i32 to index
        %parallel_loop3A_300 = arith.constant 32 : index
        %parallel_loop3A_301 = tpu.vector_load %arg13[%parallel_loop3A_298, %parallel_loop3A_299, %parallel_loop3A_300] {strides = array<i32>} : memref<2x128x128xf32, #tpu.memory_space<vmem>>, vector<16xf32>,
        %parallel_loop3A_302 = arith.constant 0 : i32
        %parallel_loop3A_303 = arith.addi %parallel_loop3A_151, %parallel_loop3A_302 : i32
        %parallel_loop3A_304 = arith.constant 0 : i32
        %parallel_loop3A_305 = arith.addi %parallel_loop3A_303, %parallel_loop3A_304 : i32
        %parallel_loop3A_306 = arith.index_cast %select_n3A_99 : i32 to index
        %parallel_loop3A_307 = arith.index_cast %parallel_loop3A_305 : i32 to index
        %parallel_loop3A_308 = arith.constant 32 : index
        %parallel_loop3A_309 = tpu.vector_load %arg14[%parallel_loop3A_306, %parallel_loop3A_307, %parallel_loop3A_308] {strides = array<i32>} : memref<2x128x128xf32, #tpu.memory_space<vmem>>, vector<16xf32>,
        %parallel_loop3A_310 = arith.mulf %parallel_loop3A_301, %parallel_loop3A_309 : vector<16xf32>
        %parallel_loop3A_311 = arith.addf %parallel_loop3A_239, %parallel_loop3A_310 : vector<16xf32>
        %parallel_loop3A_312 = arith.constant 0 : i32
        %parallel_loop3A_313 = arith.addi %parallel_loop3A_151, %parallel_loop3A_312 : i32
        %parallel_loop3A_314 = arith.constant 1 : i32
        %parallel_loop3A_315 = arith.addi %parallel_loop3A_313, %parallel_loop3A_314 : i32
        %parallel_loop3A_316 = arith.index_cast %select_n3A_99 : i32 to index
        %parallel_loop3A_317 = arith.index_cast %parallel_loop3A_315 : i32 to index
        %parallel_loop3A_318 = arith.constant 32 : index
        %parallel_loop3A_319 = tpu.vector_load %arg13[%parallel_loop3A_316, %parallel_loop3A_317, %parallel_loop3A_318] {strides = array<i32>} : memref<2x128x128xf32, #tpu.memory_space<vmem>>, vector<16xf32>,
        %parallel_loop3A_320 = arith.constant 0 : i32
        %parallel_loop3A_321 = arith.addi %parallel_loop3A_151, %parallel_loop3A_320 : i32
        %parallel_loop3A_322 = arith.constant 1 : i32
        %parallel_loop3A_323 = arith.addi %parallel_loop3A_321, %parallel_loop3A_322 : i32
        %parallel_loop3A_324 = arith.index_cast %select_n3A_99 : i32 to index
        %parallel_loop3A_325 = arith.index_cast %parallel_loop3A_323 : i32 to index
        %parallel_loop3A_326 = arith.constant 32 : index
        %parallel_loop3A_327 = tpu.vector_load %arg14[%parallel_loop3A_324, %parallel_loop3A_325, %parallel_loop3A_326] {strides = array<i32>} : memref<2x128x128xf32, #tpu.memory_space<vmem>>, vector<16xf32>,
        %parallel_loop3A_328 = arith.mulf %parallel_loop3A_319, %parallel_loop3A_327 : vector<16xf32>
        %parallel_loop3A_329 = arith.addf %parallel_loop3A_257, %parallel_loop3A_328 : vector<16xf32>
        %parallel_loop3A_330 = arith.constant 0 : i32
        %parallel_loop3A_331 = arith.addi %parallel_loop3A_151, %parallel_loop3A_330 : i32
        %parallel_loop3A_332 = arith.constant 2 : i32
        %parallel_loop3A_333 = arith.addi %parallel_loop3A_331, %parallel_loop3A_332 : i32
        %parallel_loop3A_334 = arith.index_cast %select_n3A_99 : i32 to index
        %parallel_loop3A_335 = arith.index_cast %parallel_loop3A_333 : i32 to index
        %parallel_loop3A_336 = arith.constant 32 : index
        %parallel_loop3A_337 = tpu.vector_load %arg13[%parallel_loop3A_334, %parallel_loop3A_335, %parallel_loop3A_336] {strides = array<i32>} : memref<2x128x128xf32, #tpu.memory_space<vmem>>, vector<16xf32>,
        %parallel_loop3A_338 = arith.constant 0 : i32
        %parallel_loop3A_339 = arith.addi %parallel_loop3A_151, %parallel_loop3A_338 : i32
        %parallel_loop3A_340 = arith.constant 2 : i32
        %parallel_loop3A_341 = arith.addi %parallel_loop3A_339, %parallel_loop3A_340 : i32
        %parallel_loop3A_342 = arith.index_cast %select_n3A_99 : i32 to index
        %parallel_loop3A_343 = arith.index_cast %parallel_loop3A_341 : i32 to index
        %parallel_loop3A_344 = arith.constant 32 : index
        %parallel_loop3A_345 = tpu.vector_load %arg14[%parallel_loop3A_342, %parallel_loop3A_343, %parallel_loop3A_344] {strides = array<i32>} : memref<2x128x128xf32, #tpu.memory_space<vmem>>, vector<16xf32>,
        %parallel_loop3A_346 = arith.mulf %parallel_loop3A_337, %parallel_loop3A_345 : vector<16xf32>
        %parallel_loop3A_347 = arith.addf %parallel_loop3A_275, %parallel_loop3A_346 : vector<16xf32>
        %parallel_loop3A_348 = arith.constant 0 : i32
        %parallel_loop3A_349 = arith.addi %parallel_loop3A_151, %parallel_loop3A_348 : i32
        %parallel_loop3A_350 = arith.constant 3 : i32
        %parallel_loop3A_351 = arith.addi %parallel_loop3A_349, %parallel_loop3A_350 : i32
        %parallel_loop3A_352 = arith.index_cast %select_n3A_99 : i32 to index
        %parallel_loop3A_353 = arith.index_cast %parallel_loop3A_351 : i32 to index
        %parallel_loop3A_354 = arith.constant 32 : index
        %parallel_loop3A_355 = tpu.vector_load %arg13[%parallel_loop3A_352, %parallel_loop3A_353, %parallel_loop3A_354] {strides = array<i32>} : memref<2x128x128xf32, #tpu.memory_space<vmem>>, vector<16xf32>,
        %parallel_loop3A_356 = arith.constant 0 : i32
        %parallel_loop3A_357 = arith.addi %parallel_loop3A_151, %parallel_loop3A_356 : i32
        %parallel_loop3A_358 = arith.constant 3 : i32
        %parallel_loop3A_359 = arith.addi %parallel_loop3A_357, %parallel_loop3A_358 : i32
        %parallel_loop3A_360 = arith.index_cast %select_n3A_99 : i32 to index
        %parallel_loop3A_361 = arith.index_cast %parallel_loop3A_359 : i32 to index
        %parallel_loop3A_362 = arith.constant 32 : index
        %parallel_loop3A_363 = tpu.vector_load %arg14[%parallel_loop3A_360, %parallel_loop3A_361, %parallel_loop3A_362] {strides = array<i32>} : memref<2x128x128xf32, #tpu.memory_space<vmem>>, vector<16xf32>,
        %parallel_loop3A_364 = arith.mulf %parallel_loop3A_355, %parallel_loop3A_363 : vector<16xf32>
        %parallel_loop3A_365 = arith.addf %parallel_loop3A_293, %parallel_loop3A_364 : vector<16xf32>
        %parallel_loop3A_366 = arith.constant 0 : i32
        %parallel_loop3A_367 = arith.addi %parallel_loop3A_151, %parallel_loop3A_366 : i32
        %parallel_loop3A_368 = arith.constant 0 : i32
        %parallel_loop3A_369 = arith.addi %parallel_loop3A_367, %parallel_loop3A_368 : i32
        %parallel_loop3A_370 = arith.index_cast %select_n3A_99 : i32 to index
        %parallel_loop3A_371 = arith.index_cast %parallel_loop3A_369 : i32 to index
        %parallel_loop3A_372 = arith.constant 48 : index
        %parallel_loop3A_373 = tpu.vector_load %arg13[%parallel_loop3A_370, %parallel_loop3A_371, %parallel_loop3A_372] {strides = array<i32>} : memref<2x128x128xf32, #tpu.memory_space<vmem>>, vector<16xf32>,
        %parallel_loop3A_374 = arith.constant 0 : i32
        %parallel_loop3A_375 = arith.addi %parallel_loop3A_151, %parallel_loop3A_374 : i32
        %parallel_loop3A_376 = arith.constant 0 : i32
        %parallel_loop3A_377 = arith.addi %parallel_loop3A_375, %parallel_loop3A_376 : i32
        %parallel_loop3A_378 = arith.index_cast %select_n3A_99 : i32 to index
        %parallel_loop3A_379 = arith.index_cast %parallel_loop3A_377 : i32 to index
        %parallel_loop3A_380 = arith.constant 48 : index
        %parallel_loop3A_381 = tpu.vector_load %arg14[%parallel_loop3A_378, %parallel_loop3A_379, %parallel_loop3A_380] {strides = array<i32>} : memref<2x128x128xf32, #tpu.memory_space<vmem>>, vector<16xf32>,
        %parallel_loop3A_382 = arith.mulf %parallel_loop3A_373, %parallel_loop3A_381 : vector<16xf32>
        %parallel_loop3A_383 = arith.addf %parallel_loop3A_311, %parallel_loop3A_382 : vector<16xf32>
        %parallel_loop3A_384 = arith.constant 0 : i32
        %parallel_loop3A_385 = arith.addi %parallel_loop3A_151, %parallel_loop3A_384 : i32
        %parallel_loop3A_386 = arith.constant 1 : i32
        %parallel_loop3A_387 = arith.addi %parallel_loop3A_385, %parallel_loop3A_386 : i32
        %parallel_loop3A_388 = arith.index_cast %select_n3A_99 : i32 to index
        %parallel_loop3A_389 = arith.index_cast %parallel_loop3A_387 : i32 to index
        %parallel_loop3A_390 = arith.constant 48 : index
        %parallel_loop3A_391 = tpu.vector_load %arg13[%parallel_loop3A_388, %parallel_loop3A_389, %parallel_loop3A_390] {strides = array<i32>} : memref<2x128x128xf32, #tpu.memory_space<vmem>>, vector<16xf32>,
        %parallel_loop3A_392 = arith.constant 0 : i32
        %parallel_loop3A_393 = arith.addi %parallel_loop3A_151, %parallel_loop3A_392 : i32
        %parallel_loop3A_394 = arith.constant 1 : i32
        %parallel_loop3A_395 = arith.addi %parallel_loop3A_393, %parallel_loop3A_394 : i32
        %parallel_loop3A_396 = arith.index_cast %select_n3A_99 : i32 to index
        %parallel_loop3A_397 = arith.index_cast %parallel_loop3A_395 : i32 to index
        %parallel_loop3A_398 = arith.constant 48 : index
        %parallel_loop3A_399 = tpu.vector_load %arg14[%parallel_loop3A_396, %parallel_loop3A_397, %parallel_loop3A_398] {strides = array<i32>} : memref<2x128x128xf32, #tpu.memory_space<vmem>>, vector<16xf32>,
        %parallel_loop3A_400 = arith.mulf %parallel_loop3A_391, %parallel_loop3A_399 : vector<16xf32>
        %parallel_loop3A_401 = arith.addf %parallel_loop3A_329, %parallel_loop3A_400 : vector<16xf32>
        %parallel_loop3A_402 = arith.constant 0 : i32
        %parallel_loop3A_403 = arith.addi %parallel_loop3A_151, %parallel_loop3A_402 : i32
        %parallel_loop3A_404 = arith.constant 2 : i32
        %parallel_loop3A_405 = arith.addi %parallel_loop3A_403, %parallel_loop3A_404 : i32
        %parallel_loop3A_406 = arith.index_cast %select_n3A_99 : i32 to index
        %parallel_loop3A_407 = arith.index_cast %parallel_loop3A_405 : i32 to index
        %parallel_loop3A_408 = arith.constant 48 : index
        %parallel_loop3A_409 = tpu.vector_load %arg13[%parallel_loop3A_406, %parallel_loop3A_407, %parallel_loop3A_408] {strides = array<i32>} : memref<2x128x128xf32, #tpu.memory_space<vmem>>, vector<16xf32>,
        %parallel_loop3A_410 = arith.constant 0 : i32
        %parallel_loop3A_411 = arith.addi %parallel_loop3A_151, %parallel_loop3A_410 : i32
        %parallel_loop3A_412 = arith.constant 2 : i32
        %parallel_loop3A_413 = arith.addi %parallel_loop3A_411, %parallel_loop3A_412 : i32
        %parallel_loop3A_414 = arith.index_cast %select_n3A_99 : i32 to index
        %parallel_loop3A_415 = arith.index_cast %parallel_loop3A_413 : i32 to index
        %parallel_loop3A_416 = arith.constant 48 : index
        %parallel_loop3A_417 = tpu.vector_load %arg14[%parallel_loop3A_414, %parallel_loop3A_415, %parallel_loop3A_416] {strides = array<i32>} : memref<2x128x128xf32, #tpu.memory_space<vmem>>, vector<16xf32>,
        %parallel_loop3A_418 = arith.mulf %parallel_loop3A_409, %parallel_loop3A_417 : vector<16xf32>
        %parallel_loop3A_419 = arith.addf %parallel_loop3A_347, %parallel_loop3A_418 : vector<16xf32>
        %parallel_loop3A_420 = arith.constant 0 : i32
        %parallel_loop3A_421 = arith.addi %parallel_loop3A_151, %parallel_loop3A_420 : i32
        %parallel_loop3A_422 = arith.constant 3 : i32
        %parallel_loop3A_423 = arith.addi %parallel_loop3A_421, %parallel_loop3A_422 : i32
        %parallel_loop3A_424 = arith.index_cast %select_n3A_99 : i32 to index
        %parallel_loop3A_425 = arith.index_cast %parallel_loop3A_423 : i32 to index
        %parallel_loop3A_426 = arith.constant 48 : index
        %parallel_loop3A_427 = tpu.vector_load %arg13[%parallel_loop3A_424, %parallel_loop3A_425, %parallel_loop3A_426] {strides = array<i32>} : memref<2x128x128xf32, #tpu.memory_space<vmem>>, vector<16xf32>,
        %parallel_loop3A_428 = arith.constant 0 : i32
        %parallel_loop3A_429 = arith.addi %parallel_loop3A_151, %parallel_loop3A_428 : i32
        %parallel_loop3A_430 = arith.constant 3 : i32
        %parallel_loop3A_431 = arith.addi %parallel_loop3A_429, %parallel_loop3A_430 : i32
        %parallel_loop3A_432 = arith.index_cast %select_n3A_99 : i32 to index
        %parallel_loop3A_433 = arith.index_cast %parallel_loop3A_431 : i32 to index
        %parallel_loop3A_434 = arith.constant 48 : index
        %parallel_loop3A_435 = tpu.vector_load %arg14[%parallel_loop3A_432, %parallel_loop3A_433, %parallel_loop3A_434] {strides = array<i32>} : memref<2x128x128xf32, #tpu.memory_space<vmem>>, vector<16xf32>,
        %parallel_loop3A_436 = arith.mulf %parallel_loop3A_427, %parallel_loop3A_435 : vector<16xf32>
        %parallel_loop3A_437 = arith.addf %parallel_loop3A_365, %parallel_loop3A_436 : vector<16xf32>
        %parallel_loop3A_438 = arith.constant 0 : i32
        %parallel_loop3A_439 = arith.addi %parallel_loop3A_151, %parallel_loop3A_438 : i32
        %parallel_loop3A_440 = arith.constant 0 : i32
        %parallel_loop3A_441 = arith.addi %parallel_loop3A_439, %parallel_loop3A_440 : i32
        %parallel_loop3A_442 = arith.index_cast %select_n3A_99 : i32 to index
        %parallel_loop3A_443 = arith.index_cast %parallel_loop3A_441 : i32 to index
        %parallel_loop3A_444 = arith.constant 64 : index
        %parallel_loop3A_445 = tpu.vector_load %arg13[%parallel_loop3A_442, %parallel_loop3A_443, %parallel_loop3A_444] {strides = array<i32>} : memref<2x128x128xf32, #tpu.memory_space<vmem>>, vector<16xf32>,
        %parallel_loop3A_446 = arith.constant 0 : i32
        %parallel_loop3A_447 = arith.addi %parallel_loop3A_151, %parallel_loop3A_446 : i32
        %parallel_loop3A_448 = arith.constant 0 : i32
        %parallel_loop3A_449 = arith.addi %parallel_loop3A_447, %parallel_loop3A_448 : i32
        %parallel_loop3A_450 = arith.index_cast %select_n3A_99 : i32 to index
        %parallel_loop3A_451 = arith.index_cast %parallel_loop3A_449 : i32 to index
        %parallel_loop3A_452 = arith.constant 64 : index
        %parallel_loop3A_453 = tpu.vector_load %arg14[%parallel_loop3A_450, %parallel_loop3A_451, %parallel_loop3A_452] {strides = array<i32>} : memref<2x128x128xf32, #tpu.memory_space<vmem>>, vector<16xf32>,
        %parallel_loop3A_454 = arith.mulf %parallel_loop3A_445, %parallel_loop3A_453 : vector<16xf32>
        %parallel_loop3A_455 = arith.addf %parallel_loop3A_383, %parallel_loop3A_454 : vector<16xf32>
        %parallel_loop3A_456 = arith.constant 0 : i32
        %parallel_loop3A_457 = arith.addi %parallel_loop3A_151, %parallel_loop3A_456 : i32
        %parallel_loop3A_458 = arith.constant 1 : i32
        %parallel_loop3A_459 = arith.addi %parallel_loop3A_457, %parallel_loop3A_458 : i32
        %parallel_loop3A_460 = arith.index_cast %select_n3A_99 : i32 to index
        %parallel_loop3A_461 = arith.index_cast %parallel_loop3A_459 : i32 to index
        %parallel_loop3A_462 = arith.constant 64 : index
        %parallel_loop3A_463 = tpu.vector_load %arg13[%parallel_loop3A_460, %parallel_loop3A_461, %parallel_loop3A_462] {strides = array<i32>} : memref<2x128x128xf32, #tpu.memory_space<vmem>>, vector<16xf32>,
        %parallel_loop3A_464 = arith.constant 0 : i32
        %parallel_loop3A_465 = arith.addi %parallel_loop3A_151, %parallel_loop3A_464 : i32
        %parallel_loop3A_466 = arith.constant 1 : i32
        %parallel_loop3A_467 = arith.addi %parallel_loop3A_465, %parallel_loop3A_466 : i32
        %parallel_loop3A_468 = arith.index_cast %select_n3A_99 : i32 to index
        %parallel_loop3A_469 = arith.index_cast %parallel_loop3A_467 : i32 to index
        %parallel_loop3A_470 = arith.constant 64 : index
        %parallel_loop3A_471 = tpu.vector_load %arg14[%parallel_loop3A_468, %parallel_loop3A_469, %parallel_loop3A_470] {strides = array<i32>} : memref<2x128x128xf32, #tpu.memory_space<vmem>>, vector<16xf32>,
        %parallel_loop3A_472 = arith.mulf %parallel_loop3A_463, %parallel_loop3A_471 : vector<16xf32>
        %parallel_loop3A_473 = arith.addf %parallel_loop3A_401, %parallel_loop3A_472 : vector<16xf32>
        %parallel_loop3A_474 = arith.constant 0 : i32
        %parallel_loop3A_475 = arith.addi %parallel_loop3A_151, %parallel_loop3A_474 : i32
        %parallel_loop3A_476 = arith.constant 2 : i32
        %parallel_loop3A_477 = arith.addi %parallel_loop3A_475, %parallel_loop3A_476 : i32
        %parallel_loop3A_478 = arith.index_cast %select_n3A_99 : i32 to index
        %parallel_loop3A_479 = arith.index_cast %parallel_loop3A_477 : i32 to index
        %parallel_loop3A_480 = arith.constant 64 : index
        %parallel_loop3A_481 = tpu.vector_load %arg13[%parallel_loop3A_478, %parallel_loop3A_479, %parallel_loop3A_480] {strides = array<i32>} : memref<2x128x128xf32, #tpu.memory_space<vmem>>, vector<16xf32>,
        %parallel_loop3A_482 = arith.constant 0 : i32
        %parallel_loop3A_483 = arith.addi %parallel_loop3A_151, %parallel_loop3A_482 : i32
        %parallel_loop3A_484 = arith.constant 2 : i32
        %parallel_loop3A_485 = arith.addi %parallel_loop3A_483, %parallel_loop3A_484 : i32
        %parallel_loop3A_486 = arith.index_cast %select_n3A_99 : i32 to index
        %parallel_loop3A_487 = arith.index_cast %parallel_loop3A_485 : i32 to index
        %parallel_loop3A_488 = arith.constant 64 : index
        %parallel_loop3A_489 = tpu.vector_load %arg14[%parallel_loop3A_486, %parallel_loop3A_487, %parallel_loop3A_488] {strides = array<i32>} : memref<2x128x128xf32, #tpu.memory_space<vmem>>, vector<16xf32>,
        %parallel_loop3A_490 = arith.mulf %parallel_loop3A_481, %parallel_loop3A_489 : vector<16xf32>
        %parallel_loop3A_491 = arith.addf %parallel_loop3A_419, %parallel_loop3A_490 : vector<16xf32>
        %parallel_loop3A_492 = arith.constant 0 : i32
        %parallel_loop3A_493 = arith.addi %parallel_loop3A_151, %parallel_loop3A_492 : i32
        %parallel_loop3A_494 = arith.constant 3 : i32
        %parallel_loop3A_495 = arith.addi %parallel_loop3A_493, %parallel_loop3A_494 : i32
        %parallel_loop3A_496 = arith.index_cast %select_n3A_99 : i32 to index
        %parallel_loop3A_497 = arith.index_cast %parallel_loop3A_495 : i32 to index
        %parallel_loop3A_498 = arith.constant 64 : index
        %parallel_loop3A_499 = tpu.vector_load %arg13[%parallel_loop3A_496, %parallel_loop3A_497, %parallel_loop3A_498] {strides = array<i32>} : memref<2x128x128xf32, #tpu.memory_space<vmem>>, vector<16xf32>,
        %parallel_loop3A_500 = arith.constant 0 : i32
        %parallel_loop3A_501 = arith.addi %parallel_loop3A_151, %parallel_loop3A_500 : i32
        %parallel_loop3A_502 = arith.constant 3 : i32
        %parallel_loop3A_503 = arith.addi %parallel_loop3A_501, %parallel_loop3A_502 : i32
        %parallel_loop3A_504 = arith.index_cast %select_n3A_99 : i32 to index
        %parallel_loop3A_505 = arith.index_cast %parallel_loop3A_503 : i32 to index
        %parallel_loop3A_506 = arith.constant 64 : index
        %parallel_loop3A_507 = tpu.vector_load %arg14[%parallel_loop3A_504, %parallel_loop3A_505, %parallel_loop3A_506] {strides = array<i32>} : memref<2x128x128xf32, #tpu.memory_space<vmem>>, vector<16xf32>,
        %parallel_loop3A_508 = arith.mulf %parallel_loop3A_499, %parallel_loop3A_507 : vector<16xf32>
        %parallel_loop3A_509 = arith.addf %parallel_loop3A_437, %parallel_loop3A_508 : vector<16xf32>
        %parallel_loop3A_510 = arith.constant 0 : i32
        %parallel_loop3A_511 = arith.addi %parallel_loop3A_151, %parallel_loop3A_510 : i32
        %parallel_loop3A_512 = arith.constant 0 : i32
        %parallel_loop3A_513 = arith.addi %parallel_loop3A_511, %parallel_loop3A_512 : i32
        %parallel_loop3A_514 = arith.index_cast %select_n3A_99 : i32 to index
        %parallel_loop3A_515 = arith.index_cast %parallel_loop3A_513 : i32 to index
        %parallel_loop3A_516 = arith.constant 80 : index
        %parallel_loop3A_517 = tpu.vector_load %arg13[%parallel_loop3A_514, %parallel_loop3A_515, %parallel_loop3A_516] {strides = array<i32>} : memref<2x128x128xf32, #tpu.memory_space<vmem>>, vector<16xf32>,
        %parallel_loop3A_518 = arith.constant 0 : i32
        %parallel_loop3A_519 = arith.addi %parallel_loop3A_151, %parallel_loop3A_518 : i32
        %parallel_loop3A_520 = arith.constant 0 : i32
        %parallel_loop3A_521 = arith.addi %parallel_loop3A_519, %parallel_loop3A_520 : i32
        %parallel_loop3A_522 = arith.index_cast %select_n3A_99 : i32 to index
        %parallel_loop3A_523 = arith.index_cast %parallel_loop3A_521 : i32 to index
        %parallel_loop3A_524 = arith.constant 80 : index
        %parallel_loop3A_525 = tpu.vector_load %arg14[%parallel_loop3A_522, %parallel_loop3A_523, %parallel_loop3A_524] {strides = array<i32>} : memref<2x128x128xf32, #tpu.memory_space<vmem>>, vector<16xf32>,
        %parallel_loop3A_526 = arith.mulf %parallel_loop3A_517, %parallel_loop3A_525 : vector<16xf32>
        %parallel_loop3A_527 = arith.addf %parallel_loop3A_455, %parallel_loop3A_526 : vector<16xf32>
        %parallel_loop3A_528 = arith.constant 0 : i32
        %parallel_loop3A_529 = arith.addi %parallel_loop3A_151, %parallel_loop3A_528 : i32
        %parallel_loop3A_530 = arith.constant 1 : i32
        %parallel_loop3A_531 = arith.addi %parallel_loop3A_529, %parallel_loop3A_530 : i32
        %parallel_loop3A_532 = arith.index_cast %select_n3A_99 : i32 to index
        %parallel_loop3A_533 = arith.index_cast %parallel_loop3A_531 : i32 to index
        %parallel_loop3A_534 = arith.constant 80 : index
        %parallel_loop3A_535 = tpu.vector_load %arg13[%parallel_loop3A_532, %parallel_loop3A_533, %parallel_loop3A_534] {strides = array<i32>} : memref<2x128x128xf32, #tpu.memory_space<vmem>>, vector<16xf32>,
        %parallel_loop3A_536 = arith.constant 0 : i32
        %parallel_loop3A_537 = arith.addi %parallel_loop3A_151, %parallel_loop3A_536 : i32
        %parallel_loop3A_538 = arith.constant 1 : i32
        %parallel_loop3A_539 = arith.addi %parallel_loop3A_537, %parallel_loop3A_538 : i32
        %parallel_loop3A_540 = arith.index_cast %select_n3A_99 : i32 to index
        %parallel_loop3A_541 = arith.index_cast %parallel_loop3A_539 : i32 to index
        %parallel_loop3A_542 = arith.constant 80 : index
        %parallel_loop3A_543 = tpu.vector_load %arg14[%parallel_loop3A_540, %parallel_loop3A_541, %parallel_loop3A_542] {strides = array<i32>} : memref<2x128x128xf32, #tpu.memory_space<vmem>>, vector<16xf32>,
        %parallel_loop3A_544 = arith.mulf %parallel_loop3A_535, %parallel_loop3A_543 : vector<16xf32>
        %parallel_loop3A_545 = arith.addf %parallel_loop3A_473, %parallel_loop3A_544 : vector<16xf32>
        %parallel_loop3A_546 = arith.constant 0 : i32
        %parallel_loop3A_547 = arith.addi %parallel_loop3A_151, %parallel_loop3A_546 : i32
        %parallel_loop3A_548 = arith.constant 2 : i32
        %parallel_loop3A_549 = arith.addi %parallel_loop3A_547, %parallel_loop3A_548 : i32
        %parallel_loop3A_550 = arith.index_cast %select_n3A_99 : i32 to index
        %parallel_loop3A_551 = arith.index_cast %parallel_loop3A_549 : i32 to index
        %parallel_loop3A_552 = arith.constant 80 : index
        %parallel_loop3A_553 = tpu.vector_load %arg13[%parallel_loop3A_550, %parallel_loop3A_551, %parallel_loop3A_552] {strides = array<i32>} : memref<2x128x128xf32, #tpu.memory_space<vmem>>, vector<16xf32>,
        %parallel_loop3A_554 = arith.constant 0 : i32
        %parallel_loop3A_555 = arith.addi %parallel_loop3A_151, %parallel_loop3A_554 : i32
        %parallel_loop3A_556 = arith.constant 2 : i32
        %parallel_loop3A_557 = arith.addi %parallel_loop3A_555, %parallel_loop3A_556 : i32
        %parallel_loop3A_558 = arith.index_cast %select_n3A_99 : i32 to index
        %parallel_loop3A_559 = arith.index_cast %parallel_loop3A_557 : i32 to index
        %parallel_loop3A_560 = arith.constant 80 : index
        %parallel_loop3A_561 = tpu.vector_load %arg14[%parallel_loop3A_558, %parallel_loop3A_559, %parallel_loop3A_560] {strides = array<i32>} : memref<2x128x128xf32, #tpu.memory_space<vmem>>, vector<16xf32>,
        %parallel_loop3A_562 = arith.mulf %parallel_loop3A_553, %parallel_loop3A_561 : vector<16xf32>
        %parallel_loop3A_563 = arith.addf %parallel_loop3A_491, %parallel_loop3A_562 : vector<16xf32>
        %parallel_loop3A_564 = arith.constant 0 : i32
        %parallel_loop3A_565 = arith.addi %parallel_loop3A_151, %parallel_loop3A_564 : i32
        %parallel_loop3A_566 = arith.constant 3 : i32
        %parallel_loop3A_567 = arith.addi %parallel_loop3A_565, %parallel_loop3A_566 : i32
        %parallel_loop3A_568 = arith.index_cast %select_n3A_99 : i32 to index
        %parallel_loop3A_569 = arith.index_cast %parallel_loop3A_567 : i32 to index
        %parallel_loop3A_570 = arith.constant 80 : index
        %parallel_loop3A_571 = tpu.vector_load %arg13[%parallel_loop3A_568, %parallel_loop3A_569, %parallel_loop3A_570] {strides = array<i32>} : memref<2x128x128xf32, #tpu.memory_space<vmem>>, vector<16xf32>,
        %parallel_loop3A_572 = arith.constant 0 : i32
        %parallel_loop3A_573 = arith.addi %parallel_loop3A_151, %parallel_loop3A_572 : i32
        %parallel_loop3A_574 = arith.constant 3 : i32
        %parallel_loop3A_575 = arith.addi %parallel_loop3A_573, %parallel_loop3A_574 : i32
        %parallel_loop3A_576 = arith.index_cast %select_n3A_99 : i32 to index
        %parallel_loop3A_577 = arith.index_cast %parallel_loop3A_575 : i32 to index
        %parallel_loop3A_578 = arith.constant 80 : index
        %parallel_loop3A_579 = tpu.vector_load %arg14[%parallel_loop3A_576, %parallel_loop3A_577, %parallel_loop3A_578] {strides = array<i32>} : memref<2x128x128xf32, #tpu.memory_space<vmem>>, vector<16xf32>,
        %parallel_loop3A_580 = arith.mulf %parallel_loop3A_571, %parallel_loop3A_579 : vector<16xf32>
        %parallel_loop3A_581 = arith.addf %parallel_loop3A_509, %parallel_loop3A_580 : vector<16xf32>
        %parallel_loop3A_582 = arith.constant 0 : i32
        %parallel_loop3A_583 = arith.addi %parallel_loop3A_151, %parallel_loop3A_582 : i32
        %parallel_loop3A_584 = arith.constant 0 : i32
        %parallel_loop3A_585 = arith.addi %parallel_loop3A_583, %parallel_loop3A_584 : i32
        %parallel_loop3A_586 = arith.index_cast %select_n3A_99 : i32 to index
        %parallel_loop3A_587 = arith.index_cast %parallel_loop3A_585 : i32 to index
        %parallel_loop3A_588 = arith.constant 96 : index
        %parallel_loop3A_589 = tpu.vector_load %arg13[%parallel_loop3A_586, %parallel_loop3A_587, %parallel_loop3A_588] {strides = array<i32>} : memref<2x128x128xf32, #tpu.memory_space<vmem>>, vector<16xf32>,
        %parallel_loop3A_590 = arith.constant 0 : i32
        %parallel_loop3A_591 = arith.addi %parallel_loop3A_151, %parallel_loop3A_590 : i32
        %parallel_loop3A_592 = arith.constant 0 : i32
        %parallel_loop3A_593 = arith.addi %parallel_loop3A_591, %parallel_loop3A_592 : i32
        %parallel_loop3A_594 = arith.index_cast %select_n3A_99 : i32 to index
        %parallel_loop3A_595 = arith.index_cast %parallel_loop3A_593 : i32 to index
        %parallel_loop3A_596 = arith.constant 96 : index
        %parallel_loop3A_597 = tpu.vector_load %arg14[%parallel_loop3A_594, %parallel_loop3A_595, %parallel_loop3A_596] {strides = array<i32>} : memref<2x128x128xf32, #tpu.memory_space<vmem>>, vector<16xf32>,
        %parallel_loop3A_598 = arith.mulf %parallel_loop3A_589, %parallel_loop3A_597 : vector<16xf32>
        %parallel_loop3A_599 = arith.addf %parallel_loop3A_527, %parallel_loop3A_598 : vector<16xf32>
        %parallel_loop3A_600 = arith.constant 0 : i32
        %parallel_loop3A_601 = arith.addi %parallel_loop3A_151, %parallel_loop3A_600 : i32
        %parallel_loop3A_602 = arith.constant 1 : i32
        %parallel_loop3A_603 = arith.addi %parallel_loop3A_601, %parallel_loop3A_602 : i32
        %parallel_loop3A_604 = arith.index_cast %select_n3A_99 : i32 to index
        %parallel_loop3A_605 = arith.index_cast %parallel_loop3A_603 : i32 to index
        %parallel_loop3A_606 = arith.constant 96 : index
        %parallel_loop3A_607 = tpu.vector_load %arg13[%parallel_loop3A_604, %parallel_loop3A_605, %parallel_loop3A_606] {strides = array<i32>} : memref<2x128x128xf32, #tpu.memory_space<vmem>>, vector<16xf32>,
        %parallel_loop3A_608 = arith.constant 0 : i32
        %parallel_loop3A_609 = arith.addi %parallel_loop3A_151, %parallel_loop3A_608 : i32
        %parallel_loop3A_610 = arith.constant 1 : i32
        %parallel_loop3A_611 = arith.addi %parallel_loop3A_609, %parallel_loop3A_610 : i32
        %parallel_loop3A_612 = arith.index_cast %select_n3A_99 : i32 to index
        %parallel_loop3A_613 = arith.index_cast %parallel_loop3A_611 : i32 to index
        %parallel_loop3A_614 = arith.constant 96 : index
        %parallel_loop3A_615 = tpu.vector_load %arg14[%parallel_loop3A_612, %parallel_loop3A_613, %parallel_loop3A_614] {strides = array<i32>} : memref<2x128x128xf32, #tpu.memory_space<vmem>>, vector<16xf32>,
        %parallel_loop3A_616 = arith.mulf %parallel_loop3A_607, %parallel_loop3A_615 : vector<16xf32>
        %parallel_loop3A_617 = arith.addf %parallel_loop3A_545, %parallel_loop3A_616 : vector<16xf32>
        %parallel_loop3A_618 = arith.constant 0 : i32
        %parallel_loop3A_619 = arith.addi %parallel_loop3A_151, %parallel_loop3A_618 : i32
        %parallel_loop3A_620 = arith.constant 2 : i32
        %parallel_loop3A_621 = arith.addi %parallel_loop3A_619, %parallel_loop3A_620 : i32
        %parallel_loop3A_622 = arith.index_cast %select_n3A_99 : i32 to index
        %parallel_loop3A_623 = arith.index_cast %parallel_loop3A_621 : i32 to index
        %parallel_loop3A_624 = arith.constant 96 : index
        %parallel_loop3A_625 = tpu.vector_load %arg13[%parallel_loop3A_622, %parallel_loop3A_623, %parallel_loop3A_624] {strides = array<i32>} : memref<2x128x128xf32, #tpu.memory_space<vmem>>, vector<16xf32>,
        %parallel_loop3A_626 = arith.constant 0 : i32
        %parallel_loop3A_627 = arith.addi %parallel_loop3A_151, %parallel_loop3A_626 : i32
        %parallel_loop3A_628 = arith.constant 2 : i32
        %parallel_loop3A_629 = arith.addi %parallel_loop3A_627, %parallel_loop3A_628 : i32
        %parallel_loop3A_630 = arith.index_cast %select_n3A_99 : i32 to index
        %parallel_loop3A_631 = arith.index_cast %parallel_loop3A_629 : i32 to index
        %parallel_loop3A_632 = arith.constant 96 : index
        %parallel_loop3A_633 = tpu.vector_load %arg14[%parallel_loop3A_630, %parallel_loop3A_631, %parallel_loop3A_632] {strides = array<i32>} : memref<2x128x128xf32, #tpu.memory_space<vmem>>, vector<16xf32>,
        %parallel_loop3A_634 = arith.mulf %parallel_loop3A_625, %parallel_loop3A_633 : vector<16xf32>
        %parallel_loop3A_635 = arith.addf %parallel_loop3A_563, %parallel_loop3A_634 : vector<16xf32>
        %parallel_loop3A_636 = arith.constant 0 : i32
        %parallel_loop3A_637 = arith.addi %parallel_loop3A_151, %parallel_loop3A_636 : i32
        %parallel_loop3A_638 = arith.constant 3 : i32
        %parallel_loop3A_639 = arith.addi %parallel_loop3A_637, %parallel_loop3A_638 : i32
        %parallel_loop3A_640 = arith.index_cast %select_n3A_99 : i32 to index
        %parallel_loop3A_641 = arith.index_cast %parallel_loop3A_639 : i32 to index
        %parallel_loop3A_642 = arith.constant 96 : index
        %parallel_loop3A_643 = tpu.vector_load %arg13[%parallel_loop3A_640, %parallel_loop3A_641, %parallel_loop3A_642] {strides = array<i32>} : memref<2x128x128xf32, #tpu.memory_space<vmem>>, vector<16xf32>,
        %parallel_loop3A_644 = arith.constant 0 : i32
        %parallel_loop3A_645 = arith.addi %parallel_loop3A_151, %parallel_loop3A_644 : i32
        %parallel_loop3A_646 = arith.constant 3 : i32
        %parallel_loop3A_647 = arith.addi %parallel_loop3A_645, %parallel_loop3A_646 : i32
        %parallel_loop3A_648 = arith.index_cast %select_n3A_99 : i32 to index
        %parallel_loop3A_649 = arith.index_cast %parallel_loop3A_647 : i32 to index
        %parallel_loop3A_650 = arith.constant 96 : index
        %parallel_loop3A_651 = tpu.vector_load %arg14[%parallel_loop3A_648, %parallel_loop3A_649, %parallel_loop3A_650] {strides = array<i32>} : memref<2x128x128xf32, #tpu.memory_space<vmem>>, vector<16xf32>,
        %parallel_loop3A_652 = arith.mulf %parallel_loop3A_643, %parallel_loop3A_651 : vector<16xf32>
        %parallel_loop3A_653 = arith.addf %parallel_loop3A_581, %parallel_loop3A_652 : vector<16xf32>
        %parallel_loop3A_654 = arith.constant 0 : i32
        %parallel_loop3A_655 = arith.addi %parallel_loop3A_151, %parallel_loop3A_654 : i32
        %parallel_loop3A_656 = arith.constant 0 : i32
        %parallel_loop3A_657 = arith.addi %parallel_loop3A_655, %parallel_loop3A_656 : i32
        %parallel_loop3A_658 = arith.index_cast %select_n3A_99 : i32 to index
        %parallel_loop3A_659 = arith.index_cast %parallel_loop3A_657 : i32 to index
        %parallel_loop3A_660 = arith.constant 112 : index
        %parallel_loop3A_661 = tpu.vector_load %arg13[%parallel_loop3A_658, %parallel_loop3A_659, %parallel_loop3A_660] {strides = array<i32>} : memref<2x128x128xf32, #tpu.memory_space<vmem>>, vector<16xf32>,
        %parallel_loop3A_662 = arith.constant 0 : i32
        %parallel_loop3A_663 = arith.addi %parallel_loop3A_151, %parallel_loop3A_662 : i32
        %parallel_loop3A_664 = arith.constant 0 : i32
        %parallel_loop3A_665 = arith.addi %parallel_loop3A_663, %parallel_loop3A_664 : i32
        %parallel_loop3A_666 = arith.index_cast %select_n3A_99 : i32 to index
        %parallel_loop3A_667 = arith.index_cast %parallel_loop3A_665 : i32 to index
        %parallel_loop3A_668 = arith.constant 112 : index
        %parallel_loop3A_669 = tpu.vector_load %arg14[%parallel_loop3A_666, %parallel_loop3A_667, %parallel_loop3A_668] {strides = array<i32>} : memref<2x128x128xf32, #tpu.memory_space<vmem>>, vector<16xf32>,
        %parallel_loop3A_670 = arith.mulf %parallel_loop3A_661, %parallel_loop3A_669 : vector<16xf32>
        %parallel_loop3A_671 = arith.addf %parallel_loop3A_599, %parallel_loop3A_670 : vector<16xf32>
        %parallel_loop3A_672 = arith.constant 0 : i32
        %parallel_loop3A_673 = arith.addi %parallel_loop3A_151, %parallel_loop3A_672 : i32
        %parallel_loop3A_674 = arith.constant 1 : i32
        %parallel_loop3A_675 = arith.addi %parallel_loop3A_673, %parallel_loop3A_674 : i32
        %parallel_loop3A_676 = arith.index_cast %select_n3A_99 : i32 to index
        %parallel_loop3A_677 = arith.index_cast %parallel_loop3A_675 : i32 to index
        %parallel_loop3A_678 = arith.constant 112 : index
        %parallel_loop3A_679 = tpu.vector_load %arg13[%parallel_loop3A_676, %parallel_loop3A_677, %parallel_loop3A_678] {strides = array<i32>} : memref<2x128x128xf32, #tpu.memory_space<vmem>>, vector<16xf32>,
        %parallel_loop3A_680 = arith.constant 0 : i32
        %parallel_loop3A_681 = arith.addi %parallel_loop3A_151, %parallel_loop3A_680 : i32
        %parallel_loop3A_682 = arith.constant 1 : i32
        %parallel_loop3A_683 = arith.addi %parallel_loop3A_681, %parallel_loop3A_682 : i32
        %parallel_loop3A_684 = arith.index_cast %select_n3A_99 : i32 to index
        %parallel_loop3A_685 = arith.index_cast %parallel_loop3A_683 : i32 to index
        %parallel_loop3A_686 = arith.constant 112 : index
        %parallel_loop3A_687 = tpu.vector_load %arg14[%parallel_loop3A_684, %parallel_loop3A_685, %parallel_loop3A_686] {strides = array<i32>} : memref<2x128x128xf32, #tpu.memory_space<vmem>>, vector<16xf32>,
        %parallel_loop3A_688 = arith.mulf %parallel_loop3A_679, %parallel_loop3A_687 : vector<16xf32>
        %parallel_loop3A_689 = arith.addf %parallel_loop3A_617, %parallel_loop3A_688 : vector<16xf32>
        %parallel_loop3A_690 = arith.constant 0 : i32
        %parallel_loop3A_691 = arith.addi %parallel_loop3A_151, %parallel_loop3A_690 : i32
        %parallel_loop3A_692 = arith.constant 2 : i32
        %parallel_loop3A_693 = arith.addi %parallel_loop3A_691, %parallel_loop3A_692 : i32
        %parallel_loop3A_694 = arith.index_cast %select_n3A_99 : i32 to index
        %parallel_loop3A_695 = arith.index_cast %parallel_loop3A_693 : i32 to index
        %parallel_loop3A_696 = arith.constant 112 : index
        %parallel_loop3A_697 = tpu.vector_load %arg13[%parallel_loop3A_694, %parallel_loop3A_695, %parallel_loop3A_696] {strides = array<i32>} : memref<2x128x128xf32, #tpu.memory_space<vmem>>, vector<16xf32>,
        %parallel_loop3A_698 = arith.constant 0 : i32
        %parallel_loop3A_699 = arith.addi %parallel_loop3A_151, %parallel_loop3A_698 : i32
        %parallel_loop3A_700 = arith.constant 2 : i32
        %parallel_loop3A_701 = arith.addi %parallel_loop3A_699, %parallel_loop3A_700 : i32
        %parallel_loop3A_702 = arith.index_cast %select_n3A_99 : i32 to index
        %parallel_loop3A_703 = arith.index_cast %parallel_loop3A_701 : i32 to index
        %parallel_loop3A_704 = arith.constant 112 : index
        %parallel_loop3A_705 = tpu.vector_load %arg14[%parallel_loop3A_702, %parallel_loop3A_703, %parallel_loop3A_704] {strides = array<i32>} : memref<2x128x128xf32, #tpu.memory_space<vmem>>, vector<16xf32>,
        %parallel_loop3A_706 = arith.mulf %parallel_loop3A_697, %parallel_loop3A_705 : vector<16xf32>
        %parallel_loop3A_707 = arith.addf %parallel_loop3A_635, %parallel_loop3A_706 : vector<16xf32>
        %parallel_loop3A_708 = arith.constant 0 : i32
        %parallel_loop3A_709 = arith.addi %parallel_loop3A_151, %parallel_loop3A_708 : i32
        %parallel_loop3A_710 = arith.constant 3 : i32
        %parallel_loop3A_711 = arith.addi %parallel_loop3A_709, %parallel_loop3A_710 : i32
        %parallel_loop3A_712 = arith.index_cast %select_n3A_99 : i32 to index
        %parallel_loop3A_713 = arith.index_cast %parallel_loop3A_711 : i32 to index
        %parallel_loop3A_714 = arith.constant 112 : index
        %parallel_loop3A_715 = tpu.vector_load %arg13[%parallel_loop3A_712, %parallel_loop3A_713, %parallel_loop3A_714] {strides = array<i32>} : memref<2x128x128xf32, #tpu.memory_space<vmem>>, vector<16xf32>,
        %parallel_loop3A_716 = arith.constant 0 : i32
        %parallel_loop3A_717 = arith.addi %parallel_loop3A_151, %parallel_loop3A_716 : i32
        %parallel_loop3A_718 = arith.constant 3 : i32
        %parallel_loop3A_719 = arith.addi %parallel_loop3A_717, %parallel_loop3A_718 : i32
        %parallel_loop3A_720 = arith.index_cast %select_n3A_99 : i32 to index
        %parallel_loop3A_721 = arith.index_cast %parallel_loop3A_719 : i32 to index
        %parallel_loop3A_722 = arith.constant 112 : index
        %parallel_loop3A_723 = tpu.vector_load %arg14[%parallel_loop3A_720, %parallel_loop3A_721, %parallel_loop3A_722] {strides = array<i32>} : memref<2x128x128xf32, #tpu.memory_space<vmem>>, vector<16xf32>,
        %parallel_loop3A_724 = arith.mulf %parallel_loop3A_715, %parallel_loop3A_723 : vector<16xf32>
        %parallel_loop3A_725 = arith.addf %parallel_loop3A_653, %parallel_loop3A_724 : vector<16xf32>
        %parallel_loop3A_726 = arith.constant 0 : i32
        %parallel_loop3A_727 = arith.addi %parallel_loop3A_153, %parallel_loop3A_726 : i32
        %parallel_loop3A_728 = arith.index_cast %parallel_loop3A_727 : i32 to index
        %parallel_loop3A_729 = tpu.vector_load %arg17[%parallel_loop3A_728] {strides = array<i32>} : memref<2048xf32, #tpu.memory_space<vmem>>, vector<16xf32>,
        tpu.vector_store %arg17[%parallel_loop3A_728], %parallel_loop3A_671 {strides = array<i32>} : memref<2048xf32, #tpu.memory_space<vmem>>, vector<16xf32>,
        %parallel_loop3A_730 = arith.constant 16 : i32
        %parallel_loop3A_731 = arith.addi %parallel_loop3A_153, %parallel_loop3A_730 : i32
        %parallel_loop3A_732 = arith.index_cast %parallel_loop3A_731 : i32 to index
        %parallel_loop3A_733 = tpu.vector_load %arg17[%parallel_loop3A_732] {strides = array<i32>} : memref<2048xf32, #tpu.memory_space<vmem>>, vector<16xf32>,
        tpu.vector_store %arg17[%parallel_loop3A_732], %parallel_loop3A_689 {strides = array<i32>} : memref<2048xf32, #tpu.memory_space<vmem>>, vector<16xf32>,
        %parallel_loop3A_734 = arith.constant 32 : i32
        %parallel_loop3A_735 = arith.addi %parallel_loop3A_153, %parallel_loop3A_734 : i32
        %parallel_loop3A_736 = arith.index_cast %parallel_loop3A_735 : i32 to index
        %parallel_loop3A_737 = tpu.vector_load %arg17[%parallel_loop3A_736] {strides = array<i32>} : memref<2048xf32, #tpu.memory_space<vmem>>, vector<16xf32>,
        tpu.vector_store %arg17[%parallel_loop3A_736], %parallel_loop3A_707 {strides = array<i32>} : memref<2048xf32, #tpu.memory_space<vmem>>, vector<16xf32>,
        %parallel_loop3A_738 = arith.constant 48 : i32
        %parallel_loop3A_739 = arith.addi %parallel_loop3A_153, %parallel_loop3A_738 : i32
        %parallel_loop3A_740 = arith.index_cast %parallel_loop3A_739 : i32 to index
        %parallel_loop3A_741 = tpu.vector_load %arg17[%parallel_loop3A_740] {strides = array<i32>} : memref<2048xf32, #tpu.memory_space<vmem>>, vector<16xf32>,
        tpu.vector_store %arg17[%parallel_loop3A_740], %parallel_loop3A_725 {strides = array<i32>} : memref<2048xf32, #tpu.memory_space<vmem>>, vector<16xf32>,
        %parallel_loop3A_742 = arith.constant 4 : i32
        %parallel_loop3A_743 = arith.addi %parallel_loop3A_151, %parallel_loop3A_742 : i32
        %parallel_loop3A_744 = arith.constant 0 : i32
        %parallel_loop3A_745 = arith.addi %parallel_loop3A_743, %parallel_loop3A_744 : i32
        %parallel_loop3A_746 = arith.index_cast %select_n3A_99 : i32 to index
        %parallel_loop3A_747 = arith.index_cast %parallel_loop3A_745 : i32 to index
        %parallel_loop3A_748 = arith.constant 0 : index
        %parallel_loop3A_749 = tpu.vector_load %arg13[%parallel_loop3A_746, %parallel_loop3A_747, %parallel_loop3A_748] {strides = array<i32>} : memref<2x128x128xf32, #tpu.memory_space<vmem>>, vector<16xf32>,
        %parallel_loop3A_750 = arith.constant 4 : i32
        %parallel_loop3A_751 = arith.addi %parallel_loop3A_151, %parallel_loop3A_750 : i32
        %parallel_loop3A_752 = arith.constant 0 : i32
        %parallel_loop3A_753 = arith.addi %parallel_loop3A_751, %parallel_loop3A_752 : i32
        %parallel_loop3A_754 = arith.index_cast %select_n3A_99 : i32 to index
        %parallel_loop3A_755 = arith.index_cast %parallel_loop3A_753 : i32 to index
        %parallel_loop3A_756 = arith.constant 0 : index
        %parallel_loop3A_757 = tpu.vector_load %arg14[%parallel_loop3A_754, %parallel_loop3A_755, %parallel_loop3A_756] {strides = array<i32>} : memref<2x128x128xf32, #tpu.memory_space<vmem>>, vector<16xf32>,
        %parallel_loop3A_758 = arith.mulf %parallel_loop3A_749, %parallel_loop3A_757 : vector<16xf32>
        %parallel_loop3A_759 = arith.constant 4 : i32
        %parallel_loop3A_760 = arith.addi %parallel_loop3A_151, %parallel_loop3A_759 : i32
        %parallel_loop3A_761 = arith.constant 1 : i32
        %parallel_loop3A_762 = arith.addi %parallel_loop3A_760, %parallel_loop3A_761 : i32
        %parallel_loop3A_763 = arith.index_cast %select_n3A_99 : i32 to index
        %parallel_loop3A_764 = arith.index_cast %parallel_loop3A_762 : i32 to index
        %parallel_loop3A_765 = arith.constant 0 : index
        %parallel_loop3A_766 = tpu.vector_load %arg13[%parallel_loop3A_763, %parallel_loop3A_764, %parallel_loop3A_765] {strides = array<i32>} : memref<2x128x128xf32, #tpu.memory_space<vmem>>, vector<16xf32>,
        %parallel_loop3A_767 = arith.constant 4 : i32
        %parallel_loop3A_768 = arith.addi %parallel_loop3A_151, %parallel_loop3A_767 : i32
        %parallel_loop3A_769 = arith.constant 1 : i32
        %parallel_loop3A_770 = arith.addi %parallel_loop3A_768, %parallel_loop3A_769 : i32
        %parallel_loop3A_771 = arith.index_cast %select_n3A_99 : i32 to index
        %parallel_loop3A_772 = arith.index_cast %parallel_loop3A_770 : i32 to index
        %parallel_loop3A_773 = arith.constant 0 : index
        %parallel_loop3A_774 = tpu.vector_load %arg14[%parallel_loop3A_771, %parallel_loop3A_772, %parallel_loop3A_773] {strides = array<i32>} : memref<2x128x128xf32, #tpu.memory_space<vmem>>, vector<16xf32>,
        %parallel_loop3A_775 = arith.mulf %parallel_loop3A_766, %parallel_loop3A_774 : vector<16xf32>
        %parallel_loop3A_776 = arith.constant 4 : i32
        %parallel_loop3A_777 = arith.addi %parallel_loop3A_151, %parallel_loop3A_776 : i32
        %parallel_loop3A_778 = arith.constant 2 : i32
        %parallel_loop3A_779 = arith.addi %parallel_loop3A_777, %parallel_loop3A_778 : i32
        %parallel_loop3A_780 = arith.index_cast %select_n3A_99 : i32 to index
        %parallel_loop3A_781 = arith.index_cast %parallel_loop3A_779 : i32 to index
        %parallel_loop3A_782 = arith.constant 0 : index
        %parallel_loop3A_783 = tpu.vector_load %arg13[%parallel_loop3A_780, %parallel_loop3A_781, %parallel_loop3A_782] {strides = array<i32>} : memref<2x128x128xf32, #tpu.memory_space<vmem>>, vector<16xf32>,
        %parallel_loop3A_784 = arith.constant 4 : i32
        %parallel_loop3A_785 = arith.addi %parallel_loop3A_151, %parallel_loop3A_784 : i32
        %parallel_loop3A_786 = arith.constant 2 : i32
        %parallel_loop3A_787 = arith.addi %parallel_loop3A_785, %parallel_loop3A_786 : i32
        %parallel_loop3A_788 = arith.index_cast %select_n3A_99 : i32 to index
        %parallel_loop3A_789 = arith.index_cast %parallel_loop3A_787 : i32 to index
        %parallel_loop3A_790 = arith.constant 0 : index
        %parallel_loop3A_791 = tpu.vector_load %arg14[%parallel_loop3A_788, %parallel_loop3A_789, %parallel_loop3A_790] {strides = array<i32>} : memref<2x128x128xf32, #tpu.memory_space<vmem>>, vector<16xf32>,
        %parallel_loop3A_792 = arith.mulf %parallel_loop3A_783, %parallel_loop3A_791 : vector<16xf32>
        %parallel_loop3A_793 = arith.constant 4 : i32
        %parallel_loop3A_794 = arith.addi %parallel_loop3A_151, %parallel_loop3A_793 : i32
        %parallel_loop3A_795 = arith.constant 3 : i32
        %parallel_loop3A_796 = arith.addi %parallel_loop3A_794, %parallel_loop3A_795 : i32
        %parallel_loop3A_797 = arith.index_cast %select_n3A_99 : i32 to index
        %parallel_loop3A_798 = arith.index_cast %parallel_loop3A_796 : i32 to index
        %parallel_loop3A_799 = arith.constant 0 : index
        %parallel_loop3A_800 = tpu.vector_load %arg13[%parallel_loop3A_797, %parallel_loop3A_798, %parallel_loop3A_799] {strides = array<i32>} : memref<2x128x128xf32, #tpu.memory_space<vmem>>, vector<16xf32>,
        %parallel_loop3A_801 = arith.constant 4 : i32
        %parallel_loop3A_802 = arith.addi %parallel_loop3A_151, %parallel_loop3A_801 : i32
        %parallel_loop3A_803 = arith.constant 3 : i32
        %parallel_loop3A_804 = arith.addi %parallel_loop3A_802, %parallel_loop3A_803 : i32
        %parallel_loop3A_805 = arith.index_cast %select_n3A_99 : i32 to index
        %parallel_loop3A_806 = arith.index_cast %parallel_loop3A_804 : i32 to index
        %parallel_loop3A_807 = arith.constant 0 : index
        %parallel_loop3A_808 = tpu.vector_load %arg14[%parallel_loop3A_805, %parallel_loop3A_806, %parallel_loop3A_807] {strides = array<i32>} : memref<2x128x128xf32, #tpu.memory_space<vmem>>, vector<16xf32>,
        %parallel_loop3A_809 = arith.mulf %parallel_loop3A_800, %parallel_loop3A_808 : vector<16xf32>
        %parallel_loop3A_810 = arith.constant 4 : i32
        %parallel_loop3A_811 = arith.addi %parallel_loop3A_151, %parallel_loop3A_810 : i32
        %parallel_loop3A_812 = arith.constant 0 : i32
        %parallel_loop3A_813 = arith.addi %parallel_loop3A_811, %parallel_loop3A_812 : i32
        %parallel_loop3A_814 = arith.index_cast %select_n3A_99 : i32 to index
        %parallel_loop3A_815 = arith.index_cast %parallel_loop3A_813 : i32 to index
        %parallel_loop3A_816 = arith.constant 16 : index
        %parallel_loop3A_817 = tpu.vector_load %arg13[%parallel_loop3A_814, %parallel_loop3A_815, %parallel_loop3A_816] {strides = array<i32>} : memref<2x128x128xf32, #tpu.memory_space<vmem>>, vector<16xf32>,
        %parallel_loop3A_818 = arith.constant 4 : i32
        %parallel_loop3A_819 = arith.addi %parallel_loop3A_151, %parallel_loop3A_818 : i32
        %parallel_loop3A_820 = arith.constant 0 : i32
        %parallel_loop3A_821 = arith.addi %parallel_loop3A_819, %parallel_loop3A_820 : i32
        %parallel_loop3A_822 = arith.index_cast %select_n3A_99 : i32 to index
        %parallel_loop3A_823 = arith.index_cast %parallel_loop3A_821 : i32 to index
        %parallel_loop3A_824 = arith.constant 16 : index
        %parallel_loop3A_825 = tpu.vector_load %arg14[%parallel_loop3A_822, %parallel_loop3A_823, %parallel_loop3A_824] {strides = array<i32>} : memref<2x128x128xf32, #tpu.memory_space<vmem>>, vector<16xf32>,
        %parallel_loop3A_826 = arith.mulf %parallel_loop3A_817, %parallel_loop3A_825 : vector<16xf32>
        %parallel_loop3A_827 = arith.addf %parallel_loop3A_758, %parallel_loop3A_826 : vector<16xf32>
        %parallel_loop3A_828 = arith.constant 4 : i32
        %parallel_loop3A_829 = arith.addi %parallel_loop3A_151, %parallel_loop3A_828 : i32
        %parallel_loop3A_830 = arith.constant 1 : i32
        %parallel_loop3A_831 = arith.addi %parallel_loop3A_829, %parallel_loop3A_830 : i32
        %parallel_loop3A_832 = arith.index_cast %select_n3A_99 : i32 to index
        %parallel_loop3A_833 = arith.index_cast %parallel_loop3A_831 : i32 to index
        %parallel_loop3A_834 = arith.constant 16 : index
        %parallel_loop3A_835 = tpu.vector_load %arg13[%parallel_loop3A_832, %parallel_loop3A_833, %parallel_loop3A_834] {strides = array<i32>} : memref<2x128x128xf32, #tpu.memory_space<vmem>>, vector<16xf32>,
        %parallel_loop3A_836 = arith.constant 4 : i32
        %parallel_loop3A_837 = arith.addi %parallel_loop3A_151, %parallel_loop3A_836 : i32
        %parallel_loop3A_838 = arith.constant 1 : i32
        %parallel_loop3A_839 = arith.addi %parallel_loop3A_837, %parallel_loop3A_838 : i32
        %parallel_loop3A_840 = arith.index_cast %select_n3A_99 : i32 to index
        %parallel_loop3A_841 = arith.index_cast %parallel_loop3A_839 : i32 to index
        %parallel_loop3A_842 = arith.constant 16 : index
        %parallel_loop3A_843 = tpu.vector_load %arg14[%parallel_loop3A_840, %parallel_loop3A_841, %parallel_loop3A_842] {strides = array<i32>} : memref<2x128x128xf32, #tpu.memory_space<vmem>>, vector<16xf32>,
        %parallel_loop3A_844 = arith.mulf %parallel_loop3A_835, %parallel_loop3A_843 : vector<16xf32>
        %parallel_loop3A_845 = arith.addf %parallel_loop3A_775, %parallel_loop3A_844 : vector<16xf32>
        %parallel_loop3A_846 = arith.constant 4 : i32
        %parallel_loop3A_847 = arith.addi %parallel_loop3A_151, %parallel_loop3A_846 : i32
        %parallel_loop3A_848 = arith.constant 2 : i32
        %parallel_loop3A_849 = arith.addi %parallel_loop3A_847, %parallel_loop3A_848 : i32
        %parallel_loop3A_850 = arith.index_cast %select_n3A_99 : i32 to index
        %parallel_loop3A_851 = arith.index_cast %parallel_loop3A_849 : i32 to index
        %parallel_loop3A_852 = arith.constant 16 : index
        %parallel_loop3A_853 = tpu.vector_load %arg13[%parallel_loop3A_850, %parallel_loop3A_851, %parallel_loop3A_852] {strides = array<i32>} : memref<2x128x128xf32, #tpu.memory_space<vmem>>, vector<16xf32>,
        %parallel_loop3A_854 = arith.constant 4 : i32
        %parallel_loop3A_855 = arith.addi %parallel_loop3A_151, %parallel_loop3A_854 : i32
        %parallel_loop3A_856 = arith.constant 2 : i32
        %parallel_loop3A_857 = arith.addi %parallel_loop3A_855, %parallel_loop3A_856 : i32
        %parallel_loop3A_858 = arith.index_cast %select_n3A_99 : i32 to index
        %parallel_loop3A_859 = arith.index_cast %parallel_loop3A_857 : i32 to index
        %parallel_loop3A_860 = arith.constant 16 : index
        %parallel_loop3A_861 = tpu.vector_load %arg14[%parallel_loop3A_858, %parallel_loop3A_859, %parallel_loop3A_860] {strides = array<i32>} : memref<2x128x128xf32, #tpu.memory_space<vmem>>, vector<16xf32>,
        %parallel_loop3A_862 = arith.mulf %parallel_loop3A_853, %parallel_loop3A_861 : vector<16xf32>
        %parallel_loop3A_863 = arith.addf %parallel_loop3A_792, %parallel_loop3A_862 : vector<16xf32>
        %parallel_loop3A_864 = arith.constant 4 : i32
        %parallel_loop3A_865 = arith.addi %parallel_loop3A_151, %parallel_loop3A_864 : i32
        %parallel_loop3A_866 = arith.constant 3 : i32
        %parallel_loop3A_867 = arith.addi %parallel_loop3A_865, %parallel_loop3A_866 : i32
        %parallel_loop3A_868 = arith.index_cast %select_n3A_99 : i32 to index
        %parallel_loop3A_869 = arith.index_cast %parallel_loop3A_867 : i32 to index
        %parallel_loop3A_870 = arith.constant 16 : index
        %parallel_loop3A_871 = tpu.vector_load %arg13[%parallel_loop3A_868, %parallel_loop3A_869, %parallel_loop3A_870] {strides = array<i32>} : memref<2x128x128xf32, #tpu.memory_space<vmem>>, vector<16xf32>,
        %parallel_loop3A_872 = arith.constant 4 : i32
        %parallel_loop3A_873 = arith.addi %parallel_loop3A_151, %parallel_loop3A_872 : i32
        %parallel_loop3A_874 = arith.constant 3 : i32
        %parallel_loop3A_875 = arith.addi %parallel_loop3A_873, %parallel_loop3A_874 : i32
        %parallel_loop3A_876 = arith.index_cast %select_n3A_99 : i32 to index
        %parallel_loop3A_877 = arith.index_cast %parallel_loop3A_875 : i32 to index
        %parallel_loop3A_878 = arith.constant 16 : index
        %parallel_loop3A_879 = tpu.vector_load %arg14[%parallel_loop3A_876, %parallel_loop3A_877, %parallel_loop3A_878] {strides = array<i32>} : memref<2x128x128xf32, #tpu.memory_space<vmem>>, vector<16xf32>,
        %parallel_loop3A_880 = arith.mulf %parallel_loop3A_871, %parallel_loop3A_879 : vector<16xf32>
        %parallel_loop3A_881 = arith.addf %parallel_loop3A_809, %parallel_loop3A_880 : vector<16xf32>
        %parallel_loop3A_882 = arith.constant 4 : i32
        %parallel_loop3A_883 = arith.addi %parallel_loop3A_151, %parallel_loop3A_882 : i32
        %parallel_loop3A_884 = arith.constant 0 : i32
        %parallel_loop3A_885 = arith.addi %parallel_loop3A_883, %parallel_loop3A_884 : i32
        %parallel_loop3A_886 = arith.index_cast %select_n3A_99 : i32 to index
        %parallel_loop3A_887 = arith.index_cast %parallel_loop3A_885 : i32 to index
        %parallel_loop3A_888 = arith.constant 32 : index
        %parallel_loop3A_889 = tpu.vector_load %arg13[%parallel_loop3A_886, %parallel_loop3A_887, %parallel_loop3A_888] {strides = array<i32>} : memref<2x128x128xf32, #tpu.memory_space<vmem>>, vector<16xf32>,
        %parallel_loop3A_890 = arith.constant 4 : i32
        %parallel_loop3A_891 = arith.addi %parallel_loop3A_151, %parallel_loop3A_890 : i32
        %parallel_loop3A_892 = arith.constant 0 : i32
        %parallel_loop3A_893 = arith.addi %parallel_loop3A_891, %parallel_loop3A_892 : i32
        %parallel_loop3A_894 = arith.index_cast %select_n3A_99 : i32 to index
        %parallel_loop3A_895 = arith.index_cast %parallel_loop3A_893 : i32 to index
        %parallel_loop3A_896 = arith.constant 32 : index
        %parallel_loop3A_897 = tpu.vector_load %arg14[%parallel_loop3A_894, %parallel_loop3A_895, %parallel_loop3A_896] {strides = array<i32>} : memref<2x128x128xf32, #tpu.memory_space<vmem>>, vector<16xf32>,
        %parallel_loop3A_898 = arith.mulf %parallel_loop3A_889, %parallel_loop3A_897 : vector<16xf32>
        %parallel_loop3A_899 = arith.addf %parallel_loop3A_827, %parallel_loop3A_898 : vector<16xf32>
        %parallel_loop3A_900 = arith.constant 4 : i32
        %parallel_loop3A_901 = arith.addi %parallel_loop3A_151, %parallel_loop3A_900 : i32
        %parallel_loop3A_902 = arith.constant 1 : i32
        %parallel_loop3A_903 = arith.addi %parallel_loop3A_901, %parallel_loop3A_902 : i32
        %parallel_loop3A_904 = arith.index_cast %select_n3A_99 : i32 to index
        %parallel_loop3A_905 = arith.index_cast %parallel_loop3A_903 : i32 to index
        %parallel_loop3A_906 = arith.constant 32 : index
        %parallel_loop3A_907 = tpu.vector_load %arg13[%parallel_loop3A_904, %parallel_loop3A_905, %parallel_loop3A_906] {strides = array<i32>} : memref<2x128x128xf32, #tpu.memory_space<vmem>>, vector<16xf32>,
        %parallel_loop3A_908 = arith.constant 4 : i32
        %parallel_loop3A_909 = arith.addi %parallel_loop3A_151, %parallel_loop3A_908 : i32
        %parallel_loop3A_910 = arith.constant 1 : i32
        %parallel_loop3A_911 = arith.addi %parallel_loop3A_909, %parallel_loop3A_910 : i32
        %parallel_loop3A_912 = arith.index_cast %select_n3A_99 : i32 to index
        %parallel_loop3A_913 = arith.index_cast %parallel_loop3A_911 : i32 to index
        %parallel_loop3A_914 = arith.constant 32 : index
        %parallel_loop3A_915 = tpu.vector_load %arg14[%parallel_loop3A_912, %parallel_loop3A_913, %parallel_loop3A_914] {strides = array<i32>} : memref<2x128x128xf32, #tpu.memory_space<vmem>>, vector<16xf32>,
        %parallel_loop3A_916 = arith.mulf %parallel_loop3A_907, %parallel_loop3A_915 : vector<16xf32>
        %parallel_loop3A_917 = arith.addf %parallel_loop3A_845, %parallel_loop3A_916 : vector<16xf32>
        %parallel_loop3A_918 = arith.constant 4 : i32
        %parallel_loop3A_919 = arith.addi %parallel_loop3A_151, %parallel_loop3A_918 : i32
        %parallel_loop3A_920 = arith.constant 2 : i32
        %parallel_loop3A_921 = arith.addi %parallel_loop3A_919, %parallel_loop3A_920 : i32
        %parallel_loop3A_922 = arith.index_cast %select_n3A_99 : i32 to index
        %parallel_loop3A_923 = arith.index_cast %parallel_loop3A_921 : i32 to index
        %parallel_loop3A_924 = arith.constant 32 : index
        %parallel_loop3A_925 = tpu.vector_load %arg13[%parallel_loop3A_922, %parallel_loop3A_923, %parallel_loop3A_924] {strides = array<i32>} : memref<2x128x128xf32, #tpu.memory_space<vmem>>, vector<16xf32>,
        %parallel_loop3A_926 = arith.constant 4 : i32
        %parallel_loop3A_927 = arith.addi %parallel_loop3A_151, %parallel_loop3A_926 : i32
        %parallel_loop3A_928 = arith.constant 2 : i32
        %parallel_loop3A_929 = arith.addi %parallel_loop3A_927, %parallel_loop3A_928 : i32
        %parallel_loop3A_930 = arith.index_cast %select_n3A_99 : i32 to index
        %parallel_loop3A_931 = arith.index_cast %parallel_loop3A_929 : i32 to index
        %parallel_loop3A_932 = arith.constant 32 : index
        %parallel_loop3A_933 = tpu.vector_load %arg14[%parallel_loop3A_930, %parallel_loop3A_931, %parallel_loop3A_932] {strides = array<i32>} : memref<2x128x128xf32, #tpu.memory_space<vmem>>, vector<16xf32>,
        %parallel_loop3A_934 = arith.mulf %parallel_loop3A_925, %parallel_loop3A_933 : vector<16xf32>
        %parallel_loop3A_935 = arith.addf %parallel_loop3A_863, %parallel_loop3A_934 : vector<16xf32>
        %parallel_loop3A_936 = arith.constant 4 : i32
        %parallel_loop3A_937 = arith.addi %parallel_loop3A_151, %parallel_loop3A_936 : i32
        %parallel_loop3A_938 = arith.constant 3 : i32
        %parallel_loop3A_939 = arith.addi %parallel_loop3A_937, %parallel_loop3A_938 : i32
        %parallel_loop3A_940 = arith.index_cast %select_n3A_99 : i32 to index
        %parallel_loop3A_941 = arith.index_cast %parallel_loop3A_939 : i32 to index
        %parallel_loop3A_942 = arith.constant 32 : index
        %parallel_loop3A_943 = tpu.vector_load %arg13[%parallel_loop3A_940, %parallel_loop3A_941, %parallel_loop3A_942] {strides = array<i32>} : memref<2x128x128xf32, #tpu.memory_space<vmem>>, vector<16xf32>,
        %parallel_loop3A_944 = arith.constant 4 : i32
        %parallel_loop3A_945 = arith.addi %parallel_loop3A_151, %parallel_loop3A_944 : i32
        %parallel_loop3A_946 = arith.constant 3 : i32
        %parallel_loop3A_947 = arith.addi %parallel_loop3A_945, %parallel_loop3A_946 : i32
        %parallel_loop3A_948 = arith.index_cast %select_n3A_99 : i32 to index
        %parallel_loop3A_949 = arith.index_cast %parallel_loop3A_947 : i32 to index
        %parallel_loop3A_950 = arith.constant 32 : index
        %parallel_loop3A_951 = tpu.vector_load %arg14[%parallel_loop3A_948, %parallel_loop3A_949, %parallel_loop3A_950] {strides = array<i32>} : memref<2x128x128xf32, #tpu.memory_space<vmem>>, vector<16xf32>,
        %parallel_loop3A_952 = arith.mulf %parallel_loop3A_943, %parallel_loop3A_951 : vector<16xf32>
        %parallel_loop3A_953 = arith.addf %parallel_loop3A_881, %parallel_loop3A_952 : vector<16xf32>
        %parallel_loop3A_954 = arith.constant 4 : i32
        %parallel_loop3A_955 = arith.addi %parallel_loop3A_151, %parallel_loop3A_954 : i32
        %parallel_loop3A_956 = arith.constant 0 : i32
        %parallel_loop3A_957 = arith.addi %parallel_loop3A_955, %parallel_loop3A_956 : i32
        %parallel_loop3A_958 = arith.index_cast %select_n3A_99 : i32 to index
        %parallel_loop3A_959 = arith.index_cast %parallel_loop3A_957 : i32 to index
        %parallel_loop3A_960 = arith.constant 48 : index
        %parallel_loop3A_961 = tpu.vector_load %arg13[%parallel_loop3A_958, %parallel_loop3A_959, %parallel_loop3A_960] {strides = array<i32>} : memref<2x128x128xf32, #tpu.memory_space<vmem>>, vector<16xf32>,
        %parallel_loop3A_962 = arith.constant 4 : i32
        %parallel_loop3A_963 = arith.addi %parallel_loop3A_151, %parallel_loop3A_962 : i32
        %parallel_loop3A_964 = arith.constant 0 : i32
        %parallel_loop3A_965 = arith.addi %parallel_loop3A_963, %parallel_loop3A_964 : i32
        %parallel_loop3A_966 = arith.index_cast %select_n3A_99 : i32 to index
        %parallel_loop3A_967 = arith.index_cast %parallel_loop3A_965 : i32 to index
        %parallel_loop3A_968 = arith.constant 48 : index
        %parallel_loop3A_969 = tpu.vector_load %arg14[%parallel_loop3A_966, %parallel_loop3A_967, %parallel_loop3A_968] {strides = array<i32>} : memref<2x128x128xf32, #tpu.memory_space<vmem>>, vector<16xf32>,
        %parallel_loop3A_970 = arith.mulf %parallel_loop3A_961, %parallel_loop3A_969 : vector<16xf32>
        %parallel_loop3A_971 = arith.addf %parallel_loop3A_899, %parallel_loop3A_970 : vector<16xf32>
        %parallel_loop3A_972 = arith.constant 4 : i32
        %parallel_loop3A_973 = arith.addi %parallel_loop3A_151, %parallel_loop3A_972 : i32
        %parallel_loop3A_974 = arith.constant 1 : i32
        %parallel_loop3A_975 = arith.addi %parallel_loop3A_973, %parallel_loop3A_974 : i32
        %parallel_loop3A_976 = arith.index_cast %select_n3A_99 : i32 to index
        %parallel_loop3A_977 = arith.index_cast %parallel_loop3A_975 : i32 to index
        %parallel_loop3A_978 = arith.constant 48 : index
        %parallel_loop3A_979 = tpu.vector_load %arg13[%parallel_loop3A_976, %parallel_loop3A_977, %parallel_loop3A_978] {strides = array<i32>} : memref<2x128x128xf32, #tpu.memory_space<vmem>>, vector<16xf32>,
        %parallel_loop3A_980 = arith.constant 4 : i32
        %parallel_loop3A_981 = arith.addi %parallel_loop3A_151, %parallel_loop3A_980 : i32
        %parallel_loop3A_982 = arith.constant 1 : i32
        %parallel_loop3A_983 = arith.addi %parallel_loop3A_981, %parallel_loop3A_982 : i32
        %parallel_loop3A_984 = arith.index_cast %select_n3A_99 : i32 to index
        %parallel_loop3A_985 = arith.index_cast %parallel_loop3A_983 : i32 to index
        %parallel_loop3A_986 = arith.constant 48 : index
        %parallel_loop3A_987 = tpu.vector_load %arg14[%parallel_loop3A_984, %parallel_loop3A_985, %parallel_loop3A_986] {strides = array<i32>} : memref<2x128x128xf32, #tpu.memory_space<vmem>>, vector<16xf32>,
        %parallel_loop3A_988 = arith.mulf %parallel_loop3A_979, %parallel_loop3A_987 : vector<16xf32>
        %parallel_loop3A_989 = arith.addf %parallel_loop3A_917, %parallel_loop3A_988 : vector<16xf32>
        %parallel_loop3A_990 = arith.constant 4 : i32
        %parallel_loop3A_991 = arith.addi %parallel_loop3A_151, %parallel_loop3A_990 : i32
        %parallel_loop3A_992 = arith.constant 2 : i32
        %parallel_loop3A_993 = arith.addi %parallel_loop3A_991, %parallel_loop3A_992 : i32
        %parallel_loop3A_994 = arith.index_cast %select_n3A_99 : i32 to index
        %parallel_loop3A_995 = arith.index_cast %parallel_loop3A_993 : i32 to index
        %parallel_loop3A_996 = arith.constant 48 : index
        %parallel_loop3A_997 = tpu.vector_load %arg13[%parallel_loop3A_994, %parallel_loop3A_995, %parallel_loop3A_996] {strides = array<i32>} : memref<2x128x128xf32, #tpu.memory_space<vmem>>, vector<16xf32>,
        %parallel_loop3A_998 = arith.constant 4 : i32
        %parallel_loop3A_999 = arith.addi %parallel_loop3A_151, %parallel_loop3A_998 : i32
        %parallel_loop3A_1000 = arith.constant 2 : i32
        %parallel_loop3A_1001 = arith.addi %parallel_loop3A_999, %parallel_loop3A_1000 : i32
        %parallel_loop3A_1002 = arith.index_cast %select_n3A_99 : i32 to index
        %parallel_loop3A_1003 = arith.index_cast %parallel_loop3A_1001 : i32 to index
        %parallel_loop3A_1004 = arith.constant 48 : index
        %parallel_loop3A_1005 = tpu.vector_load %arg14[%parallel_loop3A_1002, %parallel_loop3A_1003, %parallel_loop3A_1004] {strides = array<i32>} : memref<2x128x128xf32, #tpu.memory_space<vmem>>, vector<16xf32>,
        %parallel_loop3A_1006 = arith.mulf %parallel_loop3A_997, %parallel_loop3A_1005 : vector<16xf32>
        %parallel_loop3A_1007 = arith.addf %parallel_loop3A_935, %parallel_loop3A_1006 : vector<16xf32>
        %parallel_loop3A_1008 = arith.constant 4 : i32
        %parallel_loop3A_1009 = arith.addi %parallel_loop3A_151, %parallel_loop3A_1008 : i32
        %parallel_loop3A_1010 = arith.constant 3 : i32
        %parallel_loop3A_1011 = arith.addi %parallel_loop3A_1009, %parallel_loop3A_1010 : i32
        %parallel_loop3A_1012 = arith.index_cast %select_n3A_99 : i32 to index
        %parallel_loop3A_1013 = arith.index_cast %parallel_loop3A_1011 : i32 to index
        %parallel_loop3A_1014 = arith.constant 48 : index
        %parallel_loop3A_1015 = tpu.vector_load %arg13[%parallel_loop3A_1012, %parallel_loop3A_1013, %parallel_loop3A_1014] {strides = array<i32>} : memref<2x128x128xf32, #tpu.memory_space<vmem>>, vector<16xf32>,
        %parallel_loop3A_1016 = arith.constant 4 : i32
        %parallel_loop3A_1017 = arith.addi %parallel_loop3A_151, %parallel_loop3A_1016 : i32
        %parallel_loop3A_1018 = arith.constant 3 : i32
        %parallel_loop3A_1019 = arith.addi %parallel_loop3A_1017, %parallel_loop3A_1018 : i32
        %parallel_loop3A_1020 = arith.index_cast %select_n3A_99 : i32 to index
        %parallel_loop3A_1021 = arith.index_cast %parallel_loop3A_1019 : i32 to index
        %parallel_loop3A_1022 = arith.constant 48 : index
        %parallel_loop3A_1023 = tpu.vector_load %arg14[%parallel_loop3A_1020, %parallel_loop3A_1021, %parallel_loop3A_1022] {strides = array<i32>} : memref<2x128x128xf32, #tpu.memory_space<vmem>>, vector<16xf32>,
        %parallel_loop3A_1024 = arith.mulf %parallel_loop3A_1015, %parallel_loop3A_1023 : vector<16xf32>
        %parallel_loop3A_1025 = arith.addf %parallel_loop3A_953, %parallel_loop3A_1024 : vector<16xf32>
        %parallel_loop3A_1026 = arith.constant 4 : i32
        %parallel_loop3A_1027 = arith.addi %parallel_loop3A_151, %parallel_loop3A_1026 : i32
        %parallel_loop3A_1028 = arith.constant 0 : i32
        %parallel_loop3A_1029 = arith.addi %parallel_loop3A_1027, %parallel_loop3A_1028 : i32
        %parallel_loop3A_1030 = arith.index_cast %select_n3A_99 : i32 to index
        %parallel_loop3A_1031 = arith.index_cast %parallel_loop3A_1029 : i32 to index
        %parallel_loop3A_1032 = arith.constant 64 : index
        %parallel_loop3A_1033 = tpu.vector_load %arg13[%parallel_loop3A_1030, %parallel_loop3A_1031, %parallel_loop3A_1032] {strides = array<i32>} : memref<2x128x128xf32, #tpu.memory_space<vmem>>, vector<16xf32>,
        %parallel_loop3A_1034 = arith.constant 4 : i32
        %parallel_loop3A_1035 = arith.addi %parallel_loop3A_151, %parallel_loop3A_1034 : i32
        %parallel_loop3A_1036 = arith.constant 0 : i32
        %parallel_loop3A_1037 = arith.addi %parallel_loop3A_1035, %parallel_loop3A_1036 : i32
        %parallel_loop3A_1038 = arith.index_cast %select_n3A_99 : i32 to index
        %parallel_loop3A_1039 = arith.index_cast %parallel_loop3A_1037 : i32 to index
        %parallel_loop3A_1040 = arith.constant 64 : index
        %parallel_loop3A_1041 = tpu.vector_load %arg14[%parallel_loop3A_1038, %parallel_loop3A_1039, %parallel_loop3A_1040] {strides = array<i32>} : memref<2x128x128xf32, #tpu.memory_space<vmem>>, vector<16xf32>,
        %parallel_loop3A_1042 = arith.mulf %parallel_loop3A_1033, %parallel_loop3A_1041 : vector<16xf32>
        %parallel_loop3A_1043 = arith.addf %parallel_loop3A_971, %parallel_loop3A_1042 : vector<16xf32>
        %parallel_loop3A_1044 = arith.constant 4 : i32
        %parallel_loop3A_1045 = arith.addi %parallel_loop3A_151, %parallel_loop3A_1044 : i32
        %parallel_loop3A_1046 = arith.constant 1 : i32
        %parallel_loop3A_1047 = arith.addi %parallel_loop3A_1045, %parallel_loop3A_1046 : i32
        %parallel_loop3A_1048 = arith.index_cast %select_n3A_99 : i32 to index
        %parallel_loop3A_1049 = arith.index_cast %parallel_loop3A_1047 : i32 to index
        %parallel_loop3A_1050 = arith.constant 64 : index
        %parallel_loop3A_1051 = tpu.vector_load %arg13[%parallel_loop3A_1048, %parallel_loop3A_1049, %parallel_loop3A_1050] {strides = array<i32>} : memref<2x128x128xf32, #tpu.memory_space<vmem>>, vector<16xf32>,
        %parallel_loop3A_1052 = arith.constant 4 : i32
        %parallel_loop3A_1053 = arith.addi %parallel_loop3A_151, %parallel_loop3A_1052 : i32
        %parallel_loop3A_1054 = arith.constant 1 : i32
        %parallel_loop3A_1055 = arith.addi %parallel_loop3A_1053, %parallel_loop3A_1054 : i32
        %parallel_loop3A_1056 = arith.index_cast %select_n3A_99 : i32 to index
        %parallel_loop3A_1057 = arith.index_cast %parallel_loop3A_1055 : i32 to index
        %parallel_loop3A_1058 = arith.constant 64 : index
        %parallel_loop3A_1059 = tpu.vector_load %arg14[%parallel_loop3A_1056, %parallel_loop3A_1057, %parallel_loop3A_1058] {strides = array<i32>} : memref<2x128x128xf32, #tpu.memory_space<vmem>>, vector<16xf32>,
        %parallel_loop3A_1060 = arith.mulf %parallel_loop3A_1051, %parallel_loop3A_1059 : vector<16xf32>
        %parallel_loop3A_1061 = arith.addf %parallel_loop3A_989, %parallel_loop3A_1060 : vector<16xf32>
        %parallel_loop3A_1062 = arith.constant 4 : i32
        %parallel_loop3A_1063 = arith.addi %parallel_loop3A_151, %parallel_loop3A_1062 : i32
        %parallel_loop3A_1064 = arith.constant 2 : i32
        %parallel_loop3A_1065 = arith.addi %parallel_loop3A_1063, %parallel_loop3A_1064 : i32
        %parallel_loop3A_1066 = arith.index_cast %select_n3A_99 : i32 to index
        %parallel_loop3A_1067 = arith.index_cast %parallel_loop3A_1065 : i32 to index
        %parallel_loop3A_1068 = arith.constant 64 : index
        %parallel_loop3A_1069 = tpu.vector_load %arg13[%parallel_loop3A_1066, %parallel_loop3A_1067, %parallel_loop3A_1068] {strides = array<i32>} : memref<2x128x128xf32, #tpu.memory_space<vmem>>, vector<16xf32>,
        %parallel_loop3A_1070 = arith.constant 4 : i32
        %parallel_loop3A_1071 = arith.addi %parallel_loop3A_151, %parallel_loop3A_1070 : i32
        %parallel_loop3A_1072 = arith.constant 2 : i32
        %parallel_loop3A_1073 = arith.addi %parallel_loop3A_1071, %parallel_loop3A_1072 : i32
        %parallel_loop3A_1074 = arith.index_cast %select_n3A_99 : i32 to index
        %parallel_loop3A_1075 = arith.index_cast %parallel_loop3A_1073 : i32 to index
        %parallel_loop3A_1076 = arith.constant 64 : index
        %parallel_loop3A_1077 = tpu.vector_load %arg14[%parallel_loop3A_1074, %parallel_loop3A_1075, %parallel_loop3A_1076] {strides = array<i32>} : memref<2x128x128xf32, #tpu.memory_space<vmem>>, vector<16xf32>,
        %parallel_loop3A_1078 = arith.mulf %parallel_loop3A_1069, %parallel_loop3A_1077 : vector<16xf32>
        %parallel_loop3A_1079 = arith.addf %parallel_loop3A_1007, %parallel_loop3A_1078 : vector<16xf32>
        %parallel_loop3A_1080 = arith.constant 4 : i32
        %parallel_loop3A_1081 = arith.addi %parallel_loop3A_151, %parallel_loop3A_1080 : i32
        %parallel_loop3A_1082 = arith.constant 3 : i32
        %parallel_loop3A_1083 = arith.addi %parallel_loop3A_1081, %parallel_loop3A_1082 : i32
        %parallel_loop3A_1084 = arith.index_cast %select_n3A_99 : i32 to index
        %parallel_loop3A_1085 = arith.index_cast %parallel_loop3A_1083 : i32 to index
        %parallel_loop3A_1086 = arith.constant 64 : index
        %parallel_loop3A_1087 = tpu.vector_load %arg13[%parallel_loop3A_1084, %parallel_loop3A_1085, %parallel_loop3A_1086] {strides = array<i32>} : memref<2x128x128xf32, #tpu.memory_space<vmem>>, vector<16xf32>,
        %parallel_loop3A_1088 = arith.constant 4 : i32
        %parallel_loop3A_1089 = arith.addi %parallel_loop3A_151, %parallel_loop3A_1088 : i32
        %parallel_loop3A_1090 = arith.constant 3 : i32
        %parallel_loop3A_1091 = arith.addi %parallel_loop3A_1089, %parallel_loop3A_1090 : i32
        %parallel_loop3A_1092 = arith.index_cast %select_n3A_99 : i32 to index
        %parallel_loop3A_1093 = arith.index_cast %parallel_loop3A_1091 : i32 to index
        %parallel_loop3A_1094 = arith.constant 64 : index
        %parallel_loop3A_1095 = tpu.vector_load %arg14[%parallel_loop3A_1092, %parallel_loop3A_1093, %parallel_loop3A_1094] {strides = array<i32>} : memref<2x128x128xf32, #tpu.memory_space<vmem>>, vector<16xf32>,
        %parallel_loop3A_1096 = arith.mulf %parallel_loop3A_1087, %parallel_loop3A_1095 : vector<16xf32>
        %parallel_loop3A_1097 = arith.addf %parallel_loop3A_1025, %parallel_loop3A_1096 : vector<16xf32>
        %parallel_loop3A_1098 = arith.constant 4 : i32
        %parallel_loop3A_1099 = arith.addi %parallel_loop3A_151, %parallel_loop3A_1098 : i32
        %parallel_loop3A_1100 = arith.constant 0 : i32
        %parallel_loop3A_1101 = arith.addi %parallel_loop3A_1099, %parallel_loop3A_1100 : i32
        %parallel_loop3A_1102 = arith.index_cast %select_n3A_99 : i32 to index
        %parallel_loop3A_1103 = arith.index_cast %parallel_loop3A_1101 : i32 to index
        %parallel_loop3A_1104 = arith.constant 80 : index
        %parallel_loop3A_1105 = tpu.vector_load %arg13[%parallel_loop3A_1102, %parallel_loop3A_1103, %parallel_loop3A_1104] {strides = array<i32>} : memref<2x128x128xf32, #tpu.memory_space<vmem>>, vector<16xf32>,
        %parallel_loop3A_1106 = arith.constant 4 : i32
        %parallel_loop3A_1107 = arith.addi %parallel_loop3A_151, %parallel_loop3A_1106 : i32
        %parallel_loop3A_1108 = arith.constant 0 : i32
        %parallel_loop3A_1109 = arith.addi %parallel_loop3A_1107, %parallel_loop3A_1108 : i32
        %parallel_loop3A_1110 = arith.index_cast %select_n3A_99 : i32 to index
        %parallel_loop3A_1111 = arith.index_cast %parallel_loop3A_1109 : i32 to index
        %parallel_loop3A_1112 = arith.constant 80 : index
        %parallel_loop3A_1113 = tpu.vector_load %arg14[%parallel_loop3A_1110, %parallel_loop3A_1111, %parallel_loop3A_1112] {strides = array<i32>} : memref<2x128x128xf32, #tpu.memory_space<vmem>>, vector<16xf32>,
        %parallel_loop3A_1114 = arith.mulf %parallel_loop3A_1105, %parallel_loop3A_1113 : vector<16xf32>
        %parallel_loop3A_1115 = arith.addf %parallel_loop3A_1043, %parallel_loop3A_1114 : vector<16xf32>
        %parallel_loop3A_1116 = arith.constant 4 : i32
        %parallel_loop3A_1117 = arith.addi %parallel_loop3A_151, %parallel_loop3A_1116 : i32
        %parallel_loop3A_1118 = arith.constant 1 : i32
        %parallel_loop3A_1119 = arith.addi %parallel_loop3A_1117, %parallel_loop3A_1118 : i32
        %parallel_loop3A_1120 = arith.index_cast %select_n3A_99 : i32 to index
        %parallel_loop3A_1121 = arith.index_cast %parallel_loop3A_1119 : i32 to index
        %parallel_loop3A_1122 = arith.constant 80 : index
        %parallel_loop3A_1123 = tpu.vector_load %arg13[%parallel_loop3A_1120, %parallel_loop3A_1121, %parallel_loop3A_1122] {strides = array<i32>} : memref<2x128x128xf32, #tpu.memory_space<vmem>>, vector<16xf32>,
        %parallel_loop3A_1124 = arith.constant 4 : i32
        %parallel_loop3A_1125 = arith.addi %parallel_loop3A_151, %parallel_loop3A_1124 : i32
        %parallel_loop3A_1126 = arith.constant 1 : i32
        %parallel_loop3A_1127 = arith.addi %parallel_loop3A_1125, %parallel_loop3A_1126 : i32
        %parallel_loop3A_1128 = arith.index_cast %select_n3A_99 : i32 to index
        %parallel_loop3A_1129 = arith.index_cast %parallel_loop3A_1127 : i32 to index
        %parallel_loop3A_1130 = arith.constant 80 : index
        %parallel_loop3A_1131 = tpu.vector_load %arg14[%parallel_loop3A_1128, %parallel_loop3A_1129, %parallel_loop3A_1130] {strides = array<i32>} : memref<2x128x128xf32, #tpu.memory_space<vmem>>, vector<16xf32>,
        %parallel_loop3A_1132 = arith.mulf %parallel_loop3A_1123, %parallel_loop3A_1131 : vector<16xf32>
        %parallel_loop3A_1133 = arith.addf %parallel_loop3A_1061, %parallel_loop3A_1132 : vector<16xf32>
        %parallel_loop3A_1134 = arith.constant 4 : i32
        %parallel_loop3A_1135 = arith.addi %parallel_loop3A_151, %parallel_loop3A_1134 : i32
        %parallel_loop3A_1136 = arith.constant 2 : i32
        %parallel_loop3A_1137 = arith.addi %parallel_loop3A_1135, %parallel_loop3A_1136 : i32
        %parallel_loop3A_1138 = arith.index_cast %select_n3A_99 : i32 to index
        %parallel_loop3A_1139 = arith.index_cast %parallel_loop3A_1137 : i32 to index
        %parallel_loop3A_1140 = arith.constant 80 : index
        %parallel_loop3A_1141 = tpu.vector_load %arg13[%parallel_loop3A_1138, %parallel_loop3A_1139, %parallel_loop3A_1140] {strides = array<i32>} : memref<2x128x128xf32, #tpu.memory_space<vmem>>, vector<16xf32>,
        %parallel_loop3A_1142 = arith.constant 4 : i32
        %parallel_loop3A_1143 = arith.addi %parallel_loop3A_151, %parallel_loop3A_1142 : i32
        %parallel_loop3A_1144 = arith.constant 2 : i32
        %parallel_loop3A_1145 = arith.addi %parallel_loop3A_1143, %parallel_loop3A_1144 : i32
        %parallel_loop3A_1146 = arith.index_cast %select_n3A_99 : i32 to index
        %parallel_loop3A_1147 = arith.index_cast %parallel_loop3A_1145 : i32 to index
        %parallel_loop3A_1148 = arith.constant 80 : index
        %parallel_loop3A_1149 = tpu.vector_load %arg14[%parallel_loop3A_1146, %parallel_loop3A_1147, %parallel_loop3A_1148] {strides = array<i32>} : memref<2x128x128xf32, #tpu.memory_space<vmem>>, vector<16xf32>,
        %parallel_loop3A_1150 = arith.mulf %parallel_loop3A_1141, %parallel_loop3A_1149 : vector<16xf32>
        %parallel_loop3A_1151 = arith.addf %parallel_loop3A_1079, %parallel_loop3A_1150 : vector<16xf32>
        %parallel_loop3A_1152 = arith.constant 4 : i32
        %parallel_loop3A_1153 = arith.addi %parallel_loop3A_151, %parallel_loop3A_1152 : i32
        %parallel_loop3A_1154 = arith.constant 3 : i32
        %parallel_loop3A_1155 = arith.addi %parallel_loop3A_1153, %parallel_loop3A_1154 : i32
        %parallel_loop3A_1156 = arith.index_cast %select_n3A_99 : i32 to index
        %parallel_loop3A_1157 = arith.index_cast %parallel_loop3A_1155 : i32 to index
        %parallel_loop3A_1158 = arith.constant 80 : index
        %parallel_loop3A_1159 = tpu.vector_load %arg13[%parallel_loop3A_1156, %parallel_loop3A_1157, %parallel_loop3A_1158] {strides = array<i32>} : memref<2x128x128xf32, #tpu.memory_space<vmem>>, vector<16xf32>,
        %parallel_loop3A_1160 = arith.constant 4 : i32
        %parallel_loop3A_1161 = arith.addi %parallel_loop3A_151, %parallel_loop3A_1160 : i32
        %parallel_loop3A_1162 = arith.constant 3 : i32
        %parallel_loop3A_1163 = arith.addi %parallel_loop3A_1161, %parallel_loop3A_1162 : i32
        %parallel_loop3A_1164 = arith.index_cast %select_n3A_99 : i32 to index
        %parallel_loop3A_1165 = arith.index_cast %parallel_loop3A_1163 : i32 to index
        %parallel_loop3A_1166 = arith.constant 80 : index
        %parallel_loop3A_1167 = tpu.vector_load %arg14[%parallel_loop3A_1164, %parallel_loop3A_1165, %parallel_loop3A_1166] {strides = array<i32>} : memref<2x128x128xf32, #tpu.memory_space<vmem>>, vector<16xf32>,
        %parallel_loop3A_1168 = arith.mulf %parallel_loop3A_1159, %parallel_loop3A_1167 : vector<16xf32>
        %parallel_loop3A_1169 = arith.addf %parallel_loop3A_1097, %parallel_loop3A_1168 : vector<16xf32>
        %parallel_loop3A_1170 = arith.constant 4 : i32
        %parallel_loop3A_1171 = arith.addi %parallel_loop3A_151, %parallel_loop3A_1170 : i32
        %parallel_loop3A_1172 = arith.constant 0 : i32
        %parallel_loop3A_1173 = arith.addi %parallel_loop3A_1171, %parallel_loop3A_1172 : i32
        %parallel_loop3A_1174 = arith.index_cast %select_n3A_99 : i32 to index
        %parallel_loop3A_1175 = arith.index_cast %parallel_loop3A_1173 : i32 to index
        %parallel_loop3A_1176 = arith.constant 96 : index
        %parallel_loop3A_1177 = tpu.vector_load %arg13[%parallel_loop3A_1174, %parallel_loop3A_1175, %parallel_loop3A_1176] {strides = array<i32>} : memref<2x128x128xf32, #tpu.memory_space<vmem>>, vector<16xf32>,
        %parallel_loop3A_1178 = arith.constant 4 : i32
        %parallel_loop3A_1179 = arith.addi %parallel_loop3A_151, %parallel_loop3A_1178 : i32
        %parallel_loop3A_1180 = arith.constant 0 : i32
        %parallel_loop3A_1181 = arith.addi %parallel_loop3A_1179, %parallel_loop3A_1180 : i32
        %parallel_loop3A_1182 = arith.index_cast %select_n3A_99 : i32 to index
        %parallel_loop3A_1183 = arith.index_cast %parallel_loop3A_1181 : i32 to index
        %parallel_loop3A_1184 = arith.constant 96 : index
        %parallel_loop3A_1185 = tpu.vector_load %arg14[%parallel_loop3A_1182, %parallel_loop3A_1183, %parallel_loop3A_1184] {strides = array<i32>} : memref<2x128x128xf32, #tpu.memory_space<vmem>>, vector<16xf32>,
        %parallel_loop3A_1186 = arith.mulf %parallel_loop3A_1177, %parallel_loop3A_1185 : vector<16xf32>
        %parallel_loop3A_1187 = arith.addf %parallel_loop3A_1115, %parallel_loop3A_1186 : vector<16xf32>
        %parallel_loop3A_1188 = arith.constant 4 : i32
        %parallel_loop3A_1189 = arith.addi %parallel_loop3A_151, %parallel_loop3A_1188 : i32
        %parallel_loop3A_1190 = arith.constant 1 : i32
        %parallel_loop3A_1191 = arith.addi %parallel_loop3A_1189, %parallel_loop3A_1190 : i32
        %parallel_loop3A_1192 = arith.index_cast %select_n3A_99 : i32 to index
        %parallel_loop3A_1193 = arith.index_cast %parallel_loop3A_1191 : i32 to index
        %parallel_loop3A_1194 = arith.constant 96 : index
        %parallel_loop3A_1195 = tpu.vector_load %arg13[%parallel_loop3A_1192, %parallel_loop3A_1193, %parallel_loop3A_1194] {strides = array<i32>} : memref<2x128x128xf32, #tpu.memory_space<vmem>>, vector<16xf32>,
        %parallel_loop3A_1196 = arith.constant 4 : i32
        %parallel_loop3A_1197 = arith.addi %parallel_loop3A_151, %parallel_loop3A_1196 : i32
        %parallel_loop3A_1198 = arith.constant 1 : i32
        %parallel_loop3A_1199 = arith.addi %parallel_loop3A_1197, %parallel_loop3A_1198 : i32
        %parallel_loop3A_1200 = arith.index_cast %select_n3A_99 : i32 to index
        %parallel_loop3A_1201 = arith.index_cast %parallel_loop3A_1199 : i32 to index
        %parallel_loop3A_1202 = arith.constant 96 : index
        %parallel_loop3A_1203 = tpu.vector_load %arg14[%parallel_loop3A_1200, %parallel_loop3A_1201, %parallel_loop3A_1202] {strides = array<i32>} : memref<2x128x128xf32, #tpu.memory_space<vmem>>, vector<16xf32>,
        %parallel_loop3A_1204 = arith.mulf %parallel_loop3A_1195, %parallel_loop3A_1203 : vector<16xf32>
        %parallel_loop3A_1205 = arith.addf %parallel_loop3A_1133, %parallel_loop3A_1204 : vector<16xf32>
        %parallel_loop3A_1206 = arith.constant 4 : i32
        %parallel_loop3A_1207 = arith.addi %parallel_loop3A_151, %parallel_loop3A_1206 : i32
        %parallel_loop3A_1208 = arith.constant 2 : i32
        %parallel_loop3A_1209 = arith.addi %parallel_loop3A_1207, %parallel_loop3A_1208 : i32
        %parallel_loop3A_1210 = arith.index_cast %select_n3A_99 : i32 to index
        %parallel_loop3A_1211 = arith.index_cast %parallel_loop3A_1209 : i32 to index
        %parallel_loop3A_1212 = arith.constant 96 : index
        %parallel_loop3A_1213 = tpu.vector_load %arg13[%parallel_loop3A_1210, %parallel_loop3A_1211, %parallel_loop3A_1212] {strides = array<i32>} : memref<2x128x128xf32, #tpu.memory_space<vmem>>, vector<16xf32>,
        %parallel_loop3A_1214 = arith.constant 4 : i32
        %parallel_loop3A_1215 = arith.addi %parallel_loop3A_151, %parallel_loop3A_1214 : i32
        %parallel_loop3A_1216 = arith.constant 2 : i32
        %parallel_loop3A_1217 = arith.addi %parallel_loop3A_1215, %parallel_loop3A_1216 : i32
        %parallel_loop3A_1218 = arith.index_cast %select_n3A_99 : i32 to index
        %parallel_loop3A_1219 = arith.index_cast %parallel_loop3A_1217 : i32 to index
        %parallel_loop3A_1220 = arith.constant 96 : index
        %parallel_loop3A_1221 = tpu.vector_load %arg14[%parallel_loop3A_1218, %parallel_loop3A_1219, %parallel_loop3A_1220] {strides = array<i32>} : memref<2x128x128xf32, #tpu.memory_space<vmem>>, vector<16xf32>,
        %parallel_loop3A_1222 = arith.mulf %parallel_loop3A_1213, %parallel_loop3A_1221 : vector<16xf32>
        %parallel_loop3A_1223 = arith.addf %parallel_loop3A_1151, %parallel_loop3A_1222 : vector<16xf32>
        %parallel_loop3A_1224 = arith.constant 4 : i32
        %parallel_loop3A_1225 = arith.addi %parallel_loop3A_151, %parallel_loop3A_1224 : i32
        %parallel_loop3A_1226 = arith.constant 3 : i32
        %parallel_loop3A_1227 = arith.addi %parallel_loop3A_1225, %parallel_loop3A_1226 : i32
        %parallel_loop3A_1228 = arith.index_cast %select_n3A_99 : i32 to index
        %parallel_loop3A_1229 = arith.index_cast %parallel_loop3A_1227 : i32 to index
        %parallel_loop3A_1230 = arith.constant 96 : index
        %parallel_loop3A_1231 = tpu.vector_load %arg13[%parallel_loop3A_1228, %parallel_loop3A_1229, %parallel_loop3A_1230] {strides = array<i32>} : memref<2x128x128xf32, #tpu.memory_space<vmem>>, vector<16xf32>,
        %parallel_loop3A_1232 = arith.constant 4 : i32
        %parallel_loop3A_1233 = arith.addi %parallel_loop3A_151, %parallel_loop3A_1232 : i32
        %parallel_loop3A_1234 = arith.constant 3 : i32
        %parallel_loop3A_1235 = arith.addi %parallel_loop3A_1233, %parallel_loop3A_1234 : i32
        %parallel_loop3A_1236 = arith.index_cast %select_n3A_99 : i32 to index
        %parallel_loop3A_1237 = arith.index_cast %parallel_loop3A_1235 : i32 to index
        %parallel_loop3A_1238 = arith.constant 96 : index
        %parallel_loop3A_1239 = tpu.vector_load %arg14[%parallel_loop3A_1236, %parallel_loop3A_1237, %parallel_loop3A_1238] {strides = array<i32>} : memref<2x128x128xf32, #tpu.memory_space<vmem>>, vector<16xf32>,
        %parallel_loop3A_1240 = arith.mulf %parallel_loop3A_1231, %parallel_loop3A_1239 : vector<16xf32>
        %parallel_loop3A_1241 = arith.addf %parallel_loop3A_1169, %parallel_loop3A_1240 : vector<16xf32>
        %parallel_loop3A_1242 = arith.constant 4 : i32
        %parallel_loop3A_1243 = arith.addi %parallel_loop3A_151, %parallel_loop3A_1242 : i32
        %parallel_loop3A_1244 = arith.constant 0 : i32
        %parallel_loop3A_1245 = arith.addi %parallel_loop3A_1243, %parallel_loop3A_1244 : i32
        %parallel_loop3A_1246 = arith.index_cast %select_n3A_99 : i32 to index
        %parallel_loop3A_1247 = arith.index_cast %parallel_loop3A_1245 : i32 to index
        %parallel_loop3A_1248 = arith.constant 112 : index
        %parallel_loop3A_1249 = tpu.vector_load %arg13[%parallel_loop3A_1246, %parallel_loop3A_1247, %parallel_loop3A_1248] {strides = array<i32>} : memref<2x128x128xf32, #tpu.memory_space<vmem>>, vector<16xf32>,
        %parallel_loop3A_1250 = arith.constant 4 : i32
        %parallel_loop3A_1251 = arith.addi %parallel_loop3A_151, %parallel_loop3A_1250 : i32
        %parallel_loop3A_1252 = arith.constant 0 : i32
        %parallel_loop3A_1253 = arith.addi %parallel_loop3A_1251, %parallel_loop3A_1252 : i32
        %parallel_loop3A_1254 = arith.index_cast %select_n3A_99 : i32 to index
        %parallel_loop3A_1255 = arith.index_cast %parallel_loop3A_1253 : i32 to index
        %parallel_loop3A_1256 = arith.constant 112 : index
        %parallel_loop3A_1257 = tpu.vector_load %arg14[%parallel_loop3A_1254, %parallel_loop3A_1255, %parallel_loop3A_1256] {strides = array<i32>} : memref<2x128x128xf32, #tpu.memory_space<vmem>>, vector<16xf32>,
        %parallel_loop3A_1258 = arith.mulf %parallel_loop3A_1249, %parallel_loop3A_1257 : vector<16xf32>
        %parallel_loop3A_1259 = arith.addf %parallel_loop3A_1187, %parallel_loop3A_1258 : vector<16xf32>
        %parallel_loop3A_1260 = arith.constant 4 : i32
        %parallel_loop3A_1261 = arith.addi %parallel_loop3A_151, %parallel_loop3A_1260 : i32
        %parallel_loop3A_1262 = arith.constant 1 : i32
        %parallel_loop3A_1263 = arith.addi %parallel_loop3A_1261, %parallel_loop3A_1262 : i32
        %parallel_loop3A_1264 = arith.index_cast %select_n3A_99 : i32 to index
        %parallel_loop3A_1265 = arith.index_cast %parallel_loop3A_1263 : i32 to index
        %parallel_loop3A_1266 = arith.constant 112 : index
        %parallel_loop3A_1267 = tpu.vector_load %arg13[%parallel_loop3A_1264, %parallel_loop3A_1265, %parallel_loop3A_1266] {strides = array<i32>} : memref<2x128x128xf32, #tpu.memory_space<vmem>>, vector<16xf32>,
        %parallel_loop3A_1268 = arith.constant 4 : i32
        %parallel_loop3A_1269 = arith.addi %parallel_loop3A_151, %parallel_loop3A_1268 : i32
        %parallel_loop3A_1270 = arith.constant 1 : i32
        %parallel_loop3A_1271 = arith.addi %parallel_loop3A_1269, %parallel_loop3A_1270 : i32
        %parallel_loop3A_1272 = arith.index_cast %select_n3A_99 : i32 to index
        %parallel_loop3A_1273 = arith.index_cast %parallel_loop3A_1271 : i32 to index
        %parallel_loop3A_1274 = arith.constant 112 : index
        %parallel_loop3A_1275 = tpu.vector_load %arg14[%parallel_loop3A_1272, %parallel_loop3A_1273, %parallel_loop3A_1274] {strides = array<i32>} : memref<2x128x128xf32, #tpu.memory_space<vmem>>, vector<16xf32>,
        %parallel_loop3A_1276 = arith.mulf %parallel_loop3A_1267, %parallel_loop3A_1275 : vector<16xf32>
        %parallel_loop3A_1277 = arith.addf %parallel_loop3A_1205, %parallel_loop3A_1276 : vector<16xf32>
        %parallel_loop3A_1278 = arith.constant 4 : i32
        %parallel_loop3A_1279 = arith.addi %parallel_loop3A_151, %parallel_loop3A_1278 : i32
        %parallel_loop3A_1280 = arith.constant 2 : i32
        %parallel_loop3A_1281 = arith.addi %parallel_loop3A_1279, %parallel_loop3A_1280 : i32
        %parallel_loop3A_1282 = arith.index_cast %select_n3A_99 : i32 to index
        %parallel_loop3A_1283 = arith.index_cast %parallel_loop3A_1281 : i32 to index
        %parallel_loop3A_1284 = arith.constant 112 : index
        %parallel_loop3A_1285 = tpu.vector_load %arg13[%parallel_loop3A_1282, %parallel_loop3A_1283, %parallel_loop3A_1284] {strides = array<i32>} : memref<2x128x128xf32, #tpu.memory_space<vmem>>, vector<16xf32>,
        %parallel_loop3A_1286 = arith.constant 4 : i32
        %parallel_loop3A_1287 = arith.addi %parallel_loop3A_151, %parallel_loop3A_1286 : i32
        %parallel_loop3A_1288 = arith.constant 2 : i32
        %parallel_loop3A_1289 = arith.addi %parallel_loop3A_1287, %parallel_loop3A_1288 : i32
        %parallel_loop3A_1290 = arith.index_cast %select_n3A_99 : i32 to index
        %parallel_loop3A_1291 = arith.index_cast %parallel_loop3A_1289 : i32 to index
        %parallel_loop3A_1292 = arith.constant 112 : index
        %parallel_loop3A_1293 = tpu.vector_load %arg14[%parallel_loop3A_1290, %parallel_loop3A_1291, %parallel_loop3A_1292] {strides = array<i32>} : memref<2x128x128xf32, #tpu.memory_space<vmem>>, vector<16xf32>,
        %parallel_loop3A_1294 = arith.mulf %parallel_loop3A_1285, %parallel_loop3A_1293 : vector<16xf32>
        %parallel_loop3A_1295 = arith.addf %parallel_loop3A_1223, %parallel_loop3A_1294 : vector<16xf32>
        %parallel_loop3A_1296 = arith.constant 4 : i32
        %parallel_loop3A_1297 = arith.addi %parallel_loop3A_151, %parallel_loop3A_1296 : i32
        %parallel_loop3A_1298 = arith.constant 3 : i32
        %parallel_loop3A_1299 = arith.addi %parallel_loop3A_1297, %parallel_loop3A_1298 : i32
        %parallel_loop3A_1300 = arith.index_cast %select_n3A_99 : i32 to index
        %parallel_loop3A_1301 = arith.index_cast %parallel_loop3A_1299 : i32 to index
        %parallel_loop3A_1302 = arith.constant 112 : index
        %parallel_loop3A_1303 = tpu.vector_load %arg13[%parallel_loop3A_1300, %parallel_loop3A_1301, %parallel_loop3A_1302] {strides = array<i32>} : memref<2x128x128xf32, #tpu.memory_space<vmem>>, vector<16xf32>,
        %parallel_loop3A_1304 = arith.constant 4 : i32
        %parallel_loop3A_1305 = arith.addi %parallel_loop3A_151, %parallel_loop3A_1304 : i32
        %parallel_loop3A_1306 = arith.constant 3 : i32
        %parallel_loop3A_1307 = arith.addi %parallel_loop3A_1305, %parallel_loop3A_1306 : i32
        %parallel_loop3A_1308 = arith.index_cast %select_n3A_99 : i32 to index
        %parallel_loop3A_1309 = arith.index_cast %parallel_loop3A_1307 : i32 to index
        %parallel_loop3A_1310 = arith.constant 112 : index
        %parallel_loop3A_1311 = tpu.vector_load %arg14[%parallel_loop3A_1308, %parallel_loop3A_1309, %parallel_loop3A_1310] {strides = array<i32>} : memref<2x128x128xf32, #tpu.memory_space<vmem>>, vector<16xf32>,
        %parallel_loop3A_1312 = arith.mulf %parallel_loop3A_1303, %parallel_loop3A_1311 : vector<16xf32>
        %parallel_loop3A_1313 = arith.addf %parallel_loop3A_1241, %parallel_loop3A_1312 : vector<16xf32>
        %parallel_loop3A_1314 = arith.constant 64 : i32
        %parallel_loop3A_1315 = arith.addi %parallel_loop3A_153, %parallel_loop3A_1314 : i32
        %parallel_loop3A_1316 = arith.index_cast %parallel_loop3A_1315 : i32 to index
        %parallel_loop3A_1317 = tpu.vector_load %arg17[%parallel_loop3A_1316] {strides = array<i32>} : memref<2048xf32, #tpu.memory_space<vmem>>, vector<16xf32>,
        tpu.vector_store %arg17[%parallel_loop3A_1316], %parallel_loop3A_1259 {strides = array<i32>} : memref<2048xf32, #tpu.memory_space<vmem>>, vector<16xf32>,
        %parallel_loop3A_1318 = arith.constant 80 : i32
        %parallel_loop3A_1319 = arith.addi %parallel_loop3A_153, %parallel_loop3A_1318 : i32
        %parallel_loop3A_1320 = arith.index_cast %parallel_loop3A_1319 : i32 to index
        %parallel_loop3A_1321 = tpu.vector_load %arg17[%parallel_loop3A_1320] {strides = array<i32>} : memref<2048xf32, #tpu.memory_space<vmem>>, vector<16xf32>,
        tpu.vector_store %arg17[%parallel_loop3A_1320], %parallel_loop3A_1277 {strides = array<i32>} : memref<2048xf32, #tpu.memory_space<vmem>>, vector<16xf32>,
        %parallel_loop3A_1322 = arith.constant 96 : i32
        %parallel_loop3A_1323 = arith.addi %parallel_loop3A_153, %parallel_loop3A_1322 : i32
        %parallel_loop3A_1324 = arith.index_cast %parallel_loop3A_1323 : i32 to index
        %parallel_loop3A_1325 = tpu.vector_load %arg17[%parallel_loop3A_1324] {strides = array<i32>} : memref<2048xf32, #tpu.memory_space<vmem>>, vector<16xf32>,
        tpu.vector_store %arg17[%parallel_loop3A_1324], %parallel_loop3A_1295 {strides = array<i32>} : memref<2048xf32, #tpu.memory_space<vmem>>, vector<16xf32>,
        %parallel_loop3A_1326 = arith.constant 112 : i32
        %parallel_loop3A_1327 = arith.addi %parallel_loop3A_153, %parallel_loop3A_1326 : i32
        %parallel_loop3A_1328 = arith.index_cast %parallel_loop3A_1327 : i32 to index
        %parallel_loop3A_1329 = tpu.vector_load %arg17[%parallel_loop3A_1328] {strides = array<i32>} : memref<2048xf32, #tpu.memory_space<vmem>>, vector<16xf32>,
        tpu.vector_store %arg17[%parallel_loop3A_1328], %parallel_loop3A_1313 {strides = array<i32>} : memref<2048xf32, #tpu.memory_space<vmem>>, vector<16xf32>,
        %parallel_loop3A_1330 = arith.constant 8 : i32
        %parallel_loop3A_1331 = arith.addi %parallel_loop3A_151, %parallel_loop3A_1330 : i32
        %parallel_loop3A_1332 = arith.constant 0 : i32
        %parallel_loop3A_1333 = arith.addi %parallel_loop3A_1331, %parallel_loop3A_1332 : i32
        %parallel_loop3A_1334 = arith.index_cast %select_n3A_99 : i32 to index
        %parallel_loop3A_1335 = arith.index_cast %parallel_loop3A_1333 : i32 to index
        %parallel_loop3A_1336 = arith.constant 0 : index
        %parallel_loop3A_1337 = tpu.vector_load %arg13[%parallel_loop3A_1334, %parallel_loop3A_1335, %parallel_loop3A_1336] {strides = array<i32>} : memref<2x128x128xf32, #tpu.memory_space<vmem>>, vector<16xf32>,
        %parallel_loop3A_1338 = arith.constant 8 : i32
        %parallel_loop3A_1339 = arith.addi %parallel_loop3A_151, %parallel_loop3A_1338 : i32
        %parallel_loop3A_1340 = arith.constant 0 : i32
        %parallel_loop3A_1341 = arith.addi %parallel_loop3A_1339, %parallel_loop3A_1340 : i32
        %parallel_loop3A_1342 = arith.index_cast %select_n3A_99 : i32 to index
        %parallel_loop3A_1343 = arith.index_cast %parallel_loop3A_1341 : i32 to index
        %parallel_loop3A_1344 = arith.constant 0 : index
        %parallel_loop3A_1345 = tpu.vector_load %arg14[%parallel_loop3A_1342, %parallel_loop3A_1343, %parallel_loop3A_1344] {strides = array<i32>} : memref<2x128x128xf32, #tpu.memory_space<vmem>>, vector<16xf32>,
        %parallel_loop3A_1346 = arith.mulf %parallel_loop3A_1337, %parallel_loop3A_1345 : vector<16xf32>
        %parallel_loop3A_1347 = arith.constant 8 : i32
        %parallel_loop3A_1348 = arith.addi %parallel_loop3A_151, %parallel_loop3A_1347 : i32
        %parallel_loop3A_1349 = arith.constant 1 : i32
        %parallel_loop3A_1350 = arith.addi %parallel_loop3A_1348, %parallel_loop3A_1349 : i32
        %parallel_loop3A_1351 = arith.index_cast %select_n3A_99 : i32 to index
        %parallel_loop3A_1352 = arith.index_cast %parallel_loop3A_1350 : i32 to index
        %parallel_loop3A_1353 = arith.constant 0 : index
        %parallel_loop3A_1354 = tpu.vector_load %arg13[%parallel_loop3A_1351, %parallel_loop3A_1352, %parallel_loop3A_1353] {strides = array<i32>} : memref<2x128x128xf32, #tpu.memory_space<vmem>>, vector<16xf32>,
        %parallel_loop3A_1355 = arith.constant 8 : i32
        %parallel_loop3A_1356 = arith.addi %parallel_loop3A_151, %parallel_loop3A_1355 : i32
        %parallel_loop3A_1357 = arith.constant 1 : i32
        %parallel_loop3A_1358 = arith.addi %parallel_loop3A_1356, %parallel_loop3A_1357 : i32
        %parallel_loop3A_1359 = arith.index_cast %select_n3A_99 : i32 to index
        %parallel_loop3A_1360 = arith.index_cast %parallel_loop3A_1358 : i32 to index
        %parallel_loop3A_1361 = arith.constant 0 : index
        %parallel_loop3A_1362 = tpu.vector_load %arg14[%parallel_loop3A_1359, %parallel_loop3A_1360, %parallel_loop3A_1361] {strides = array<i32>} : memref<2x128x128xf32, #tpu.memory_space<vmem>>, vector<16xf32>,
        %parallel_loop3A_1363 = arith.mulf %parallel_loop3A_1354, %parallel_loop3A_1362 : vector<16xf32>
        %parallel_loop3A_1364 = arith.constant 8 : i32
        %parallel_loop3A_1365 = arith.addi %parallel_loop3A_151, %parallel_loop3A_1364 : i32
        %parallel_loop3A_1366 = arith.constant 2 : i32
        %parallel_loop3A_1367 = arith.addi %parallel_loop3A_1365, %parallel_loop3A_1366 : i32
        %parallel_loop3A_1368 = arith.index_cast %select_n3A_99 : i32 to index
        %parallel_loop3A_1369 = arith.index_cast %parallel_loop3A_1367 : i32 to index
        %parallel_loop3A_1370 = arith.constant 0 : index
        %parallel_loop3A_1371 = tpu.vector_load %arg13[%parallel_loop3A_1368, %parallel_loop3A_1369, %parallel_loop3A_1370] {strides = array<i32>} : memref<2x128x128xf32, #tpu.memory_space<vmem>>, vector<16xf32>,
        %parallel_loop3A_1372 = arith.constant 8 : i32
        %parallel_loop3A_1373 = arith.addi %parallel_loop3A_151, %parallel_loop3A_1372 : i32
        %parallel_loop3A_1374 = arith.constant 2 : i32
        %parallel_loop3A_1375 = arith.addi %parallel_loop3A_1373, %parallel_loop3A_1374 : i32
        %parallel_loop3A_1376 = arith.index_cast %select_n3A_99 : i32 to index
        %parallel_loop3A_1377 = arith.index_cast %parallel_loop3A_1375 : i32 to index
        %parallel_loop3A_1378 = arith.constant 0 : index
        %parallel_loop3A_1379 = tpu.vector_load %arg14[%parallel_loop3A_1376, %parallel_loop3A_1377, %parallel_loop3A_1378] {strides = array<i32>} : memref<2x128x128xf32, #tpu.memory_space<vmem>>, vector<16xf32>,
        %parallel_loop3A_1380 = arith.mulf %parallel_loop3A_1371, %parallel_loop3A_1379 : vector<16xf32>
        %parallel_loop3A_1381 = arith.constant 8 : i32
        %parallel_loop3A_1382 = arith.addi %parallel_loop3A_151, %parallel_loop3A_1381 : i32
        %parallel_loop3A_1383 = arith.constant 3 : i32
        %parallel_loop3A_1384 = arith.addi %parallel_loop3A_1382, %parallel_loop3A_1383 : i32
        %parallel_loop3A_1385 = arith.index_cast %select_n3A_99 : i32 to index
        %parallel_loop3A_1386 = arith.index_cast %parallel_loop3A_1384 : i32 to index
        %parallel_loop3A_1387 = arith.constant 0 : index
        %parallel_loop3A_1388 = tpu.vector_load %arg13[%parallel_loop3A_1385, %parallel_loop3A_1386, %parallel_loop3A_1387] {strides = array<i32>} : memref<2x128x128xf32, #tpu.memory_space<vmem>>, vector<16xf32>,
        %parallel_loop3A_1389 = arith.constant 8 : i32
        %parallel_loop3A_1390 = arith.addi %parallel_loop3A_151, %parallel_loop3A_1389 : i32
        %parallel_loop3A_1391 = arith.constant 3 : i32
        %parallel_loop3A_1392 = arith.addi %parallel_loop3A_1390, %parallel_loop3A_1391 : i32
        %parallel_loop3A_1393 = arith.index_cast %select_n3A_99 : i32 to index
        %parallel_loop3A_1394 = arith.index_cast %parallel_loop3A_1392 : i32 to index
        %parallel_loop3A_1395 = arith.constant 0 : index
        %parallel_loop3A_1396 = tpu.vector_load %arg14[%parallel_loop3A_1393, %parallel_loop3A_1394, %parallel_loop3A_1395] {strides = array<i32>} : memref<2x128x128xf32, #tpu.memory_space<vmem>>, vector<16xf32>,
        %parallel_loop3A_1397 = arith.mulf %parallel_loop3A_1388, %parallel_loop3A_1396 : vector<16xf32>
        %parallel_loop3A_1398 = arith.constant 8 : i32
        %parallel_loop3A_1399 = arith.addi %parallel_loop3A_151, %parallel_loop3A_1398 : i32
        %parallel_loop3A_1400 = arith.constant 0 : i32
        %parallel_loop3A_1401 = arith.addi %parallel_loop3A_1399, %parallel_loop3A_1400 : i32
        %parallel_loop3A_1402 = arith.index_cast %select_n3A_99 : i32 to index
        %parallel_loop3A_1403 = arith.index_cast %parallel_loop3A_1401 : i32 to index
        %parallel_loop3A_1404 = arith.constant 16 : index
        %parallel_loop3A_1405 = tpu.vector_load %arg13[%parallel_loop3A_1402, %parallel_loop3A_1403, %parallel_loop3A_1404] {strides = array<i32>} : memref<2x128x128xf32, #tpu.memory_space<vmem>>, vector<16xf32>,
        %parallel_loop3A_1406 = arith.constant 8 : i32
        %parallel_loop3A_1407 = arith.addi %parallel_loop3A_151, %parallel_loop3A_1406 : i32
        %parallel_loop3A_1408 = arith.constant 0 : i32
        %parallel_loop3A_1409 = arith.addi %parallel_loop3A_1407, %parallel_loop3A_1408 : i32
        %parallel_loop3A_1410 = arith.index_cast %select_n3A_99 : i32 to index
        %parallel_loop3A_1411 = arith.index_cast %parallel_loop3A_1409 : i32 to index
        %parallel_loop3A_1412 = arith.constant 16 : index
        %parallel_loop3A_1413 = tpu.vector_load %arg14[%parallel_loop3A_1410, %parallel_loop3A_1411, %parallel_loop3A_1412] {strides = array<i32>} : memref<2x128x128xf32, #tpu.memory_space<vmem>>, vector<16xf32>,
        %parallel_loop3A_1414 = arith.mulf %parallel_loop3A_1405, %parallel_loop3A_1413 : vector<16xf32>
        %parallel_loop3A_1415 = arith.addf %parallel_loop3A_1346, %parallel_loop3A_1414 : vector<16xf32>
        %parallel_loop3A_1416 = arith.constant 8 : i32
        %parallel_loop3A_1417 = arith.addi %parallel_loop3A_151, %parallel_loop3A_1416 : i32
        %parallel_loop3A_1418 = arith.constant 1 : i32
        %parallel_loop3A_1419 = arith.addi %parallel_loop3A_1417, %parallel_loop3A_1418 : i32
        %parallel_loop3A_1420 = arith.index_cast %select_n3A_99 : i32 to index
        %parallel_loop3A_1421 = arith.index_cast %parallel_loop3A_1419 : i32 to index
        %parallel_loop3A_1422 = arith.constant 16 : index
        %parallel_loop3A_1423 = tpu.vector_load %arg13[%parallel_loop3A_1420, %parallel_loop3A_1421, %parallel_loop3A_1422] {strides = array<i32>} : memref<2x128x128xf32, #tpu.memory_space<vmem>>, vector<16xf32>,
        %parallel_loop3A_1424 = arith.constant 8 : i32
        %parallel_loop3A_1425 = arith.addi %parallel_loop3A_151, %parallel_loop3A_1424 : i32
        %parallel_loop3A_1426 = arith.constant 1 : i32
        %parallel_loop3A_1427 = arith.addi %parallel_loop3A_1425, %parallel_loop3A_1426 : i32
        %parallel_loop3A_1428 = arith.index_cast %select_n3A_99 : i32 to index
        %parallel_loop3A_1429 = arith.index_cast %parallel_loop3A_1427 : i32 to index
        %parallel_loop3A_1430 = arith.constant 16 : index
        %parallel_loop3A_1431 = tpu.vector_load %arg14[%parallel_loop3A_1428, %parallel_loop3A_1429, %parallel_loop3A_1430] {strides = array<i32>} : memref<2x128x128xf32, #tpu.memory_space<vmem>>, vector<16xf32>,
        %parallel_loop3A_1432 = arith.mulf %parallel_loop3A_1423, %parallel_loop3A_1431 : vector<16xf32>
        %parallel_loop3A_1433 = arith.addf %parallel_loop3A_1363, %parallel_loop3A_1432 : vector<16xf32>
        %parallel_loop3A_1434 = arith.constant 8 : i32
        %parallel_loop3A_1435 = arith.addi %parallel_loop3A_151, %parallel_loop3A_1434 : i32
        %parallel_loop3A_1436 = arith.constant 2 : i32
        %parallel_loop3A_1437 = arith.addi %parallel_loop3A_1435, %parallel_loop3A_1436 : i32
        %parallel_loop3A_1438 = arith.index_cast %select_n3A_99 : i32 to index
        %parallel_loop3A_1439 = arith.index_cast %parallel_loop3A_1437 : i32 to index
        %parallel_loop3A_1440 = arith.constant 16 : index
        %parallel_loop3A_1441 = tpu.vector_load %arg13[%parallel_loop3A_1438, %parallel_loop3A_1439, %parallel_loop3A_1440] {strides = array<i32>} : memref<2x128x128xf32, #tpu.memory_space<vmem>>, vector<16xf32>,
        %parallel_loop3A_1442 = arith.constant 8 : i32
        %parallel_loop3A_1443 = arith.addi %parallel_loop3A_151, %parallel_loop3A_1442 : i32
        %parallel_loop3A_1444 = arith.constant 2 : i32
        %parallel_loop3A_1445 = arith.addi %parallel_loop3A_1443, %parallel_loop3A_1444 : i32
        %parallel_loop3A_1446 = arith.index_cast %select_n3A_99 : i32 to index
        %parallel_loop3A_1447 = arith.index_cast %parallel_loop3A_1445 : i32 to index
        %parallel_loop3A_1448 = arith.constant 16 : index
        %parallel_loop3A_1449 = tpu.vector_load %arg14[%parallel_loop3A_1446, %parallel_loop3A_1447, %parallel_loop3A_1448] {strides = array<i32>} : memref<2x128x128xf32, #tpu.memory_space<vmem>>, vector<16xf32>,
        %parallel_loop3A_1450 = arith.mulf %parallel_loop3A_1441, %parallel_loop3A_1449 : vector<16xf32>
        %parallel_loop3A_1451 = arith.addf %parallel_loop3A_1380, %parallel_loop3A_1450 : vector<16xf32>
        %parallel_loop3A_1452 = arith.constant 8 : i32
        %parallel_loop3A_1453 = arith.addi %parallel_loop3A_151, %parallel_loop3A_1452 : i32
        %parallel_loop3A_1454 = arith.constant 3 : i32
        %parallel_loop3A_1455 = arith.addi %parallel_loop3A_1453, %parallel_loop3A_1454 : i32
        %parallel_loop3A_1456 = arith.index_cast %select_n3A_99 : i32 to index
        %parallel_loop3A_1457 = arith.index_cast %parallel_loop3A_1455 : i32 to index
        %parallel_loop3A_1458 = arith.constant 16 : index
        %parallel_loop3A_1459 = tpu.vector_load %arg13[%parallel_loop3A_1456, %parallel_loop3A_1457, %parallel_loop3A_1458] {strides = array<i32>} : memref<2x128x128xf32, #tpu.memory_space<vmem>>, vector<16xf32>,
        %parallel_loop3A_1460 = arith.constant 8 : i32
        %parallel_loop3A_1461 = arith.addi %parallel_loop3A_151, %parallel_loop3A_1460 : i32
        %parallel_loop3A_1462 = arith.constant 3 : i32
        %parallel_loop3A_1463 = arith.addi %parallel_loop3A_1461, %parallel_loop3A_1462 : i32
        %parallel_loop3A_1464 = arith.index_cast %select_n3A_99 : i32 to index
        %parallel_loop3A_1465 = arith.index_cast %parallel_loop3A_1463 : i32 to index
        %parallel_loop3A_1466 = arith.constant 16 : index
        %parallel_loop3A_1467 = tpu.vector_load %arg14[%parallel_loop3A_1464, %parallel_loop3A_1465, %parallel_loop3A_1466] {strides = array<i32>} : memref<2x128x128xf32, #tpu.memory_space<vmem>>, vector<16xf32>,
        %parallel_loop3A_1468 = arith.mulf %parallel_loop3A_1459, %parallel_loop3A_1467 : vector<16xf32>
        %parallel_loop3A_1469 = arith.addf %parallel_loop3A_1397, %parallel_loop3A_1468 : vector<16xf32>
        %parallel_loop3A_1470 = arith.constant 8 : i32
        %parallel_loop3A_1471 = arith.addi %parallel_loop3A_151, %parallel_loop3A_1470 : i32
        %parallel_loop3A_1472 = arith.constant 0 : i32
        %parallel_loop3A_1473 = arith.addi %parallel_loop3A_1471, %parallel_loop3A_1472 : i32
        %parallel_loop3A_1474 = arith.index_cast %select_n3A_99 : i32 to index
        %parallel_loop3A_1475 = arith.index_cast %parallel_loop3A_1473 : i32 to index
        %parallel_loop3A_1476 = arith.constant 32 : index
        %parallel_loop3A_1477 = tpu.vector_load %arg13[%parallel_loop3A_1474, %parallel_loop3A_1475, %parallel_loop3A_1476] {strides = array<i32>} : memref<2x128x128xf32, #tpu.memory_space<vmem>>, vector<16xf32>,
        %parallel_loop3A_1478 = arith.constant 8 : i32
        %parallel_loop3A_1479 = arith.addi %parallel_loop3A_151, %parallel_loop3A_1478 : i32
        %parallel_loop3A_1480 = arith.constant 0 : i32
        %parallel_loop3A_1481 = arith.addi %parallel_loop3A_1479, %parallel_loop3A_1480 : i32
        %parallel_loop3A_1482 = arith.index_cast %select_n3A_99 : i32 to index
        %parallel_loop3A_1483 = arith.index_cast %parallel_loop3A_1481 : i32 to index
        %parallel_loop3A_1484 = arith.constant 32 : index
        %parallel_loop3A_1485 = tpu.vector_load %arg14[%parallel_loop3A_1482, %parallel_loop3A_1483, %parallel_loop3A_1484] {strides = array<i32>} : memref<2x128x128xf32, #tpu.memory_space<vmem>>, vector<16xf32>,
        %parallel_loop3A_1486 = arith.mulf %parallel_loop3A_1477, %parallel_loop3A_1485 : vector<16xf32>
        %parallel_loop3A_1487 = arith.addf %parallel_loop3A_1415, %parallel_loop3A_1486 : vector<16xf32>
        %parallel_loop3A_1488 = arith.constant 8 : i32
        %parallel_loop3A_1489 = arith.addi %parallel_loop3A_151, %parallel_loop3A_1488 : i32
        %parallel_loop3A_1490 = arith.constant 1 : i32
        %parallel_loop3A_1491 = arith.addi %parallel_loop3A_1489, %parallel_loop3A_1490 : i32
        %parallel_loop3A_1492 = arith.index_cast %select_n3A_99 : i32 to index
        %parallel_loop3A_1493 = arith.index_cast %parallel_loop3A_1491 : i32 to index
        %parallel_loop3A_1494 = arith.constant 32 : index
        %parallel_loop3A_1495 = tpu.vector_load %arg13[%parallel_loop3A_1492, %parallel_loop3A_1493, %parallel_loop3A_1494] {strides = array<i32>} : memref<2x128x128xf32, #tpu.memory_space<vmem>>, vector<16xf32>,
        %parallel_loop3A_1496 = arith.constant 8 : i32
        %parallel_loop3A_1497 = arith.addi %parallel_loop3A_151, %parallel_loop3A_1496 : i32
        %parallel_loop3A_1498 = arith.constant 1 : i32
        %parallel_loop3A_1499 = arith.addi %parallel_loop3A_1497, %parallel_loop3A_1498 : i32
        %parallel_loop3A_1500 = arith.index_cast %select_n3A_99 : i32 to index
        %parallel_loop3A_1501 = arith.index_cast %parallel_loop3A_1499 : i32 to index
        %parallel_loop3A_1502 = arith.constant 32 : index
        %parallel_loop3A_1503 = tpu.vector_load %arg14[%parallel_loop3A_1500, %parallel_loop3A_1501, %parallel_loop3A_1502] {strides = array<i32>} : memref<2x128x128xf32, #tpu.memory_space<vmem>>, vector<16xf32>,
        %parallel_loop3A_1504 = arith.mulf %parallel_loop3A_1495, %parallel_loop3A_1503 : vector<16xf32>
        %parallel_loop3A_1505 = arith.addf %parallel_loop3A_1433, %parallel_loop3A_1504 : vector<16xf32>
        %parallel_loop3A_1506 = arith.constant 8 : i32
        %parallel_loop3A_1507 = arith.addi %parallel_loop3A_151, %parallel_loop3A_1506 : i32
        %parallel_loop3A_1508 = arith.constant 2 : i32
        %parallel_loop3A_1509 = arith.addi %parallel_loop3A_1507, %parallel_loop3A_1508 : i32
        %parallel_loop3A_1510 = arith.index_cast %select_n3A_99 : i32 to index
        %parallel_loop3A_1511 = arith.index_cast %parallel_loop3A_1509 : i32 to index
        %parallel_loop3A_1512 = arith.constant 32 : index
        %parallel_loop3A_1513 = tpu.vector_load %arg13[%parallel_loop3A_1510, %parallel_loop3A_1511, %parallel_loop3A_1512] {strides = array<i32>} : memref<2x128x128xf32, #tpu.memory_space<vmem>>, vector<16xf32>,
        %parallel_loop3A_1514 = arith.constant 8 : i32
        %parallel_loop3A_1515 = arith.addi %parallel_loop3A_151, %parallel_loop3A_1514 : i32
        %parallel_loop3A_1516 = arith.constant 2 : i32
        %parallel_loop3A_1517 = arith.addi %parallel_loop3A_1515, %parallel_loop3A_1516 : i32
        %parallel_loop3A_1518 = arith.index_cast %select_n3A_99 : i32 to index
        %parallel_loop3A_1519 = arith.index_cast %parallel_loop3A_1517 : i32 to index
        %parallel_loop3A_1520 = arith.constant 32 : index
        %parallel_loop3A_1521 = tpu.vector_load %arg14[%parallel_loop3A_1518, %parallel_loop3A_1519, %parallel_loop3A_1520] {strides = array<i32>} : memref<2x128x128xf32, #tpu.memory_space<vmem>>, vector<16xf32>,
        %parallel_loop3A_1522 = arith.mulf %parallel_loop3A_1513, %parallel_loop3A_1521 : vector<16xf32>
        %parallel_loop3A_1523 = arith.addf %parallel_loop3A_1451, %parallel_loop3A_1522 : vector<16xf32>
        %parallel_loop3A_1524 = arith.constant 8 : i32
        %parallel_loop3A_1525 = arith.addi %parallel_loop3A_151, %parallel_loop3A_1524 : i32
        %parallel_loop3A_1526 = arith.constant 3 : i32
        %parallel_loop3A_1527 = arith.addi %parallel_loop3A_1525, %parallel_loop3A_1526 : i32
        %parallel_loop3A_1528 = arith.index_cast %select_n3A_99 : i32 to index
        %parallel_loop3A_1529 = arith.index_cast %parallel_loop3A_1527 : i32 to index
        %parallel_loop3A_1530 = arith.constant 32 : index
        %parallel_loop3A_1531 = tpu.vector_load %arg13[%parallel_loop3A_1528, %parallel_loop3A_1529, %parallel_loop3A_1530] {strides = array<i32>} : memref<2x128x128xf32, #tpu.memory_space<vmem>>, vector<16xf32>,
        %parallel_loop3A_1532 = arith.constant 8 : i32
        %parallel_loop3A_1533 = arith.addi %parallel_loop3A_151, %parallel_loop3A_1532 : i32
        %parallel_loop3A_1534 = arith.constant 3 : i32
        %parallel_loop3A_1535 = arith.addi %parallel_loop3A_1533, %parallel_loop3A_1534 : i32
        %parallel_loop3A_1536 = arith.index_cast %select_n3A_99 : i32 to index
        %parallel_loop3A_1537 = arith.index_cast %parallel_loop3A_1535 : i32 to index
        %parallel_loop3A_1538 = arith.constant 32 : index
        %parallel_loop3A_1539 = tpu.vector_load %arg14[%parallel_loop3A_1536, %parallel_loop3A_1537, %parallel_loop3A_1538] {strides = array<i32>} : memref<2x128x128xf32, #tpu.memory_space<vmem>>, vector<16xf32>,
        %parallel_loop3A_1540 = arith.mulf %parallel_loop3A_1531, %parallel_loop3A_1539 : vector<16xf32>
        %parallel_loop3A_1541 = arith.addf %parallel_loop3A_1469, %parallel_loop3A_1540 : vector<16xf32>
        %parallel_loop3A_1542 = arith.constant 8 : i32
        %parallel_loop3A_1543 = arith.addi %parallel_loop3A_151, %parallel_loop3A_1542 : i32
        %parallel_loop3A_1544 = arith.constant 0 : i32
        %parallel_loop3A_1545 = arith.addi %parallel_loop3A_1543, %parallel_loop3A_1544 : i32
        %parallel_loop3A_1546 = arith.index_cast %select_n3A_99 : i32 to index
        %parallel_loop3A_1547 = arith.index_cast %parallel_loop3A_1545 : i32 to index
        %parallel_loop3A_1548 = arith.constant 48 : index
        %parallel_loop3A_1549 = tpu.vector_load %arg13[%parallel_loop3A_1546, %parallel_loop3A_1547, %parallel_loop3A_1548] {strides = array<i32>} : memref<2x128x128xf32, #tpu.memory_space<vmem>>, vector<16xf32>,
        %parallel_loop3A_1550 = arith.constant 8 : i32
        %parallel_loop3A_1551 = arith.addi %parallel_loop3A_151, %parallel_loop3A_1550 : i32
        %parallel_loop3A_1552 = arith.constant 0 : i32
        %parallel_loop3A_1553 = arith.addi %parallel_loop3A_1551, %parallel_loop3A_1552 : i32
        %parallel_loop3A_1554 = arith.index_cast %select_n3A_99 : i32 to index
        %parallel_loop3A_1555 = arith.index_cast %parallel_loop3A_1553 : i32 to index
        %parallel_loop3A_1556 = arith.constant 48 : index
        %parallel_loop3A_1557 = tpu.vector_load %arg14[%parallel_loop3A_1554, %parallel_loop3A_1555, %parallel_loop3A_1556] {strides = array<i32>} : memref<2x128x128xf32, #tpu.memory_space<vmem>>, vector<16xf32>,
        %parallel_loop3A_1558 = arith.mulf %parallel_loop3A_1549, %parallel_loop3A_1557 : vector<16xf32>
        %parallel_loop3A_1559 = arith.addf %parallel_loop3A_1487, %parallel_loop3A_1558 : vector<16xf32>
        %parallel_loop3A_1560 = arith.constant 8 : i32
        %parallel_loop3A_1561 = arith.addi %parallel_loop3A_151, %parallel_loop3A_1560 : i32
        %parallel_loop3A_1562 = arith.constant 1 : i32
        %parallel_loop3A_1563 = arith.addi %parallel_loop3A_1561, %parallel_loop3A_1562 : i32
        %parallel_loop3A_1564 = arith.index_cast %select_n3A_99 : i32 to index
        %parallel_loop3A_1565 = arith.index_cast %parallel_loop3A_1563 : i32 to index
        %parallel_loop3A_1566 = arith.constant 48 : index
        %parallel_loop3A_1567 = tpu.vector_load %arg13[%parallel_loop3A_1564, %parallel_loop3A_1565, %parallel_loop3A_1566] {strides = array<i32>} : memref<2x128x128xf32, #tpu.memory_space<vmem>>, vector<16xf32>,
        %parallel_loop3A_1568 = arith.constant 8 : i32
        %parallel_loop3A_1569 = arith.addi %parallel_loop3A_151, %parallel_loop3A_1568 : i32
        %parallel_loop3A_1570 = arith.constant 1 : i32
        %parallel_loop3A_1571 = arith.addi %parallel_loop3A_1569, %parallel_loop3A_1570 : i32
        %parallel_loop3A_1572 = arith.index_cast %select_n3A_99 : i32 to index
        %parallel_loop3A_1573 = arith.index_cast %parallel_loop3A_1571 : i32 to index
        %parallel_loop3A_1574 = arith.constant 48 : index
        %parallel_loop3A_1575 = tpu.vector_load %arg14[%parallel_loop3A_1572, %parallel_loop3A_1573, %parallel_loop3A_1574] {strides = array<i32>} : memref<2x128x128xf32, #tpu.memory_space<vmem>>, vector<16xf32>,
        %parallel_loop3A_1576 = arith.mulf %parallel_loop3A_1567, %parallel_loop3A_1575 : vector<16xf32>
        %parallel_loop3A_1577 = arith.addf %parallel_loop3A_1505, %parallel_loop3A_1576 : vector<16xf32>
        %parallel_loop3A_1578 = arith.constant 8 : i32
        %parallel_loop3A_1579 = arith.addi %parallel_loop3A_151, %parallel_loop3A_1578 : i32
        %parallel_loop3A_1580 = arith.constant 2 : i32
        %parallel_loop3A_1581 = arith.addi %parallel_loop3A_1579, %parallel_loop3A_1580 : i32
        %parallel_loop3A_1582 = arith.index_cast %select_n3A_99 : i32 to index
        %parallel_loop3A_1583 = arith.index_cast %parallel_loop3A_1581 : i32 to index
        %parallel_loop3A_1584 = arith.constant 48 : index
        %parallel_loop3A_1585 = tpu.vector_load %arg13[%parallel_loop3A_1582, %parallel_loop3A_1583, %parallel_loop3A_1584] {strides = array<i32>} : memref<2x128x128xf32, #tpu.memory_space<vmem>>, vector<16xf32>,
        %parallel_loop3A_1586 = arith.constant 8 : i32
        %parallel_loop3A_1587 = arith.addi %parallel_loop3A_151, %parallel_loop3A_1586 : i32
        %parallel_loop3A_1588 = arith.constant 2 : i32
        %parallel_loop3A_1589 = arith.addi %parallel_loop3A_1587, %parallel_loop3A_1588 : i32
        %parallel_loop3A_1590 = arith.index_cast %select_n3A_99 : i32 to index
        %parallel_loop3A_1591 = arith.index_cast %parallel_loop3A_1589 : i32 to index
        %parallel_loop3A_1592 = arith.constant 48 : index
        %parallel_loop3A_1593 = tpu.vector_load %arg14[%parallel_loop3A_1590, %parallel_loop3A_1591, %parallel_loop3A_1592] {strides = array<i32>} : memref<2x128x128xf32, #tpu.memory_space<vmem>>, vector<16xf32>,
        %parallel_loop3A_1594 = arith.mulf %parallel_loop3A_1585, %parallel_loop3A_1593 : vector<16xf32>
        %parallel_loop3A_1595 = arith.addf %parallel_loop3A_1523, %parallel_loop3A_1594 : vector<16xf32>
        %parallel_loop3A_1596 = arith.constant 8 : i32
        %parallel_loop3A_1597 = arith.addi %parallel_loop3A_151, %parallel_loop3A_1596 : i32
        %parallel_loop3A_1598 = arith.constant 3 : i32
        %parallel_loop3A_1599 = arith.addi %parallel_loop3A_1597, %parallel_loop3A_1598 : i32
        %parallel_loop3A_1600 = arith.index_cast %select_n3A_99 : i32 to index
        %parallel_loop3A_1601 = arith.index_cast %parallel_loop3A_1599 : i32 to index
        %parallel_loop3A_1602 = arith.constant 48 : index
        %parallel_loop3A_1603 = tpu.vector_load %arg13[%parallel_loop3A_1600, %parallel_loop3A_1601, %parallel_loop3A_1602] {strides = array<i32>} : memref<2x128x128xf32, #tpu.memory_space<vmem>>, vector<16xf32>,
        %parallel_loop3A_1604 = arith.constant 8 : i32
        %parallel_loop3A_1605 = arith.addi %parallel_loop3A_151, %parallel_loop3A_1604 : i32
        %parallel_loop3A_1606 = arith.constant 3 : i32
        %parallel_loop3A_1607 = arith.addi %parallel_loop3A_1605, %parallel_loop3A_1606 : i32
        %parallel_loop3A_1608 = arith.index_cast %select_n3A_99 : i32 to index
        %parallel_loop3A_1609 = arith.index_cast %parallel_loop3A_1607 : i32 to index
        %parallel_loop3A_1610 = arith.constant 48 : index
        %parallel_loop3A_1611 = tpu.vector_load %arg14[%parallel_loop3A_1608, %parallel_loop3A_1609, %parallel_loop3A_1610] {strides = array<i32>} : memref<2x128x128xf32, #tpu.memory_space<vmem>>, vector<16xf32>,
        %parallel_loop3A_1612 = arith.mulf %parallel_loop3A_1603, %parallel_loop3A_1611 : vector<16xf32>
        %parallel_loop3A_1613 = arith.addf %parallel_loop3A_1541, %parallel_loop3A_1612 : vector<16xf32>
        %parallel_loop3A_1614 = arith.constant 8 : i32
        %parallel_loop3A_1615 = arith.addi %parallel_loop3A_151, %parallel_loop3A_1614 : i32
        %parallel_loop3A_1616 = arith.constant 0 : i32
        %parallel_loop3A_1617 = arith.addi %parallel_loop3A_1615, %parallel_loop3A_1616 : i32
        %parallel_loop3A_1618 = arith.index_cast %select_n3A_99 : i32 to index
        %parallel_loop3A_1619 = arith.index_cast %parallel_loop3A_1617 : i32 to index
        %parallel_loop3A_1620 = arith.constant 64 : index
        %parallel_loop3A_1621 = tpu.vector_load %arg13[%parallel_loop3A_1618, %parallel_loop3A_1619, %parallel_loop3A_1620] {strides = array<i32>} : memref<2x128x128xf32, #tpu.memory_space<vmem>>, vector<16xf32>,
        %parallel_loop3A_1622 = arith.constant 8 : i32
        %parallel_loop3A_1623 = arith.addi %parallel_loop3A_151, %parallel_loop3A_1622 : i32
        %parallel_loop3A_1624 = arith.constant 0 : i32
        %parallel_loop3A_1625 = arith.addi %parallel_loop3A_1623, %parallel_loop3A_1624 : i32
        %parallel_loop3A_1626 = arith.index_cast %select_n3A_99 : i32 to index
        %parallel_loop3A_1627 = arith.index_cast %parallel_loop3A_1625 : i32 to index
        %parallel_loop3A_1628 = arith.constant 64 : index
        %parallel_loop3A_1629 = tpu.vector_load %arg14[%parallel_loop3A_1626, %parallel_loop3A_1627, %parallel_loop3A_1628] {strides = array<i32>} : memref<2x128x128xf32, #tpu.memory_space<vmem>>, vector<16xf32>,
        %parallel_loop3A_1630 = arith.mulf %parallel_loop3A_1621, %parallel_loop3A_1629 : vector<16xf32>
        %parallel_loop3A_1631 = arith.addf %parallel_loop3A_1559, %parallel_loop3A_1630 : vector<16xf32>
        %parallel_loop3A_1632 = arith.constant 8 : i32
        %parallel_loop3A_1633 = arith.addi %parallel_loop3A_151, %parallel_loop3A_1632 : i32
        %parallel_loop3A_1634 = arith.constant 1 : i32
        %parallel_loop3A_1635 = arith.addi %parallel_loop3A_1633, %parallel_loop3A_1634 : i32
        %parallel_loop3A_1636 = arith.index_cast %select_n3A_99 : i32 to index
        %parallel_loop3A_1637 = arith.index_cast %parallel_loop3A_1635 : i32 to index
        %parallel_loop3A_1638 = arith.constant 64 : index
        %parallel_loop3A_1639 = tpu.vector_load %arg13[%parallel_loop3A_1636, %parallel_loop3A_1637, %parallel_loop3A_1638] {strides = array<i32>} : memref<2x128x128xf32, #tpu.memory_space<vmem>>, vector<16xf32>,
        %parallel_loop3A_1640 = arith.constant 8 : i32
        %parallel_loop3A_1641 = arith.addi %parallel_loop3A_151, %parallel_loop3A_1640 : i32
        %parallel_loop3A_1642 = arith.constant 1 : i32
        %parallel_loop3A_1643 = arith.addi %parallel_loop3A_1641, %parallel_loop3A_1642 : i32
        %parallel_loop3A_1644 = arith.index_cast %select_n3A_99 : i32 to index
        %parallel_loop3A_1645 = arith.index_cast %parallel_loop3A_1643 : i32 to index
        %parallel_loop3A_1646 = arith.constant 64 : index
        %parallel_loop3A_1647 = tpu.vector_load %arg14[%parallel_loop3A_1644, %parallel_loop3A_1645, %parallel_loop3A_1646] {strides = array<i32>} : memref<2x128x128xf32, #tpu.memory_space<vmem>>, vector<16xf32>,
        %parallel_loop3A_1648 = arith.mulf %parallel_loop3A_1639, %parallel_loop3A_1647 : vector<16xf32>
        %parallel_loop3A_1649 = arith.addf %parallel_loop3A_1577, %parallel_loop3A_1648 : vector<16xf32>
        %parallel_loop3A_1650 = arith.constant 8 : i32
        %parallel_loop3A_1651 = arith.addi %parallel_loop3A_151, %parallel_loop3A_1650 : i32
        %parallel_loop3A_1652 = arith.constant 2 : i32
        %parallel_loop3A_1653 = arith.addi %parallel_loop3A_1651, %parallel_loop3A_1652 : i32
        %parallel_loop3A_1654 = arith.index_cast %select_n3A_99 : i32 to index
        %parallel_loop3A_1655 = arith.index_cast %parallel_loop3A_1653 : i32 to index
        %parallel_loop3A_1656 = arith.constant 64 : index
        %parallel_loop3A_1657 = tpu.vector_load %arg13[%parallel_loop3A_1654, %parallel_loop3A_1655, %parallel_loop3A_1656] {strides = array<i32>} : memref<2x128x128xf32, #tpu.memory_space<vmem>>, vector<16xf32>,
        %parallel_loop3A_1658 = arith.constant 8 : i32
        %parallel_loop3A_1659 = arith.addi %parallel_loop3A_151, %parallel_loop3A_1658 : i32
        %parallel_loop3A_1660 = arith.constant 2 : i32
        %parallel_loop3A_1661 = arith.addi %parallel_loop3A_1659, %parallel_loop3A_1660 : i32
        %parallel_loop3A_1662 = arith.index_cast %select_n3A_99 : i32 to index
        %parallel_loop3A_1663 = arith.index_cast %parallel_loop3A_1661 : i32 to index
        %parallel_loop3A_1664 = arith.constant 64 : index
        %parallel_loop3A_1665 = tpu.vector_load %arg14[%parallel_loop3A_1662, %parallel_loop3A_1663, %parallel_loop3A_1664] {strides = array<i32>} : memref<2x128x128xf32, #tpu.memory_space<vmem>>, vector<16xf32>,
        %parallel_loop3A_1666 = arith.mulf %parallel_loop3A_1657, %parallel_loop3A_1665 : vector<16xf32>
        %parallel_loop3A_1667 = arith.addf %parallel_loop3A_1595, %parallel_loop3A_1666 : vector<16xf32>
        %parallel_loop3A_1668 = arith.constant 8 : i32
        %parallel_loop3A_1669 = arith.addi %parallel_loop3A_151, %parallel_loop3A_1668 : i32
        %parallel_loop3A_1670 = arith.constant 3 : i32
        %parallel_loop3A_1671 = arith.addi %parallel_loop3A_1669, %parallel_loop3A_1670 : i32
        %parallel_loop3A_1672 = arith.index_cast %select_n3A_99 : i32 to index
        %parallel_loop3A_1673 = arith.index_cast %parallel_loop3A_1671 : i32 to index
        %parallel_loop3A_1674 = arith.constant 64 : index
        %parallel_loop3A_1675 = tpu.vector_load %arg13[%parallel_loop3A_1672, %parallel_loop3A_1673, %parallel_loop3A_1674] {strides = array<i32>} : memref<2x128x128xf32, #tpu.memory_space<vmem>>, vector<16xf32>,
        %parallel_loop3A_1676 = arith.constant 8 : i32
        %parallel_loop3A_1677 = arith.addi %parallel_loop3A_151, %parallel_loop3A_1676 : i32
        %parallel_loop3A_1678 = arith.constant 3 : i32
        %parallel_loop3A_1679 = arith.addi %parallel_loop3A_1677, %parallel_loop3A_1678 : i32
        %parallel_loop3A_1680 = arith.index_cast %select_n3A_99 : i32 to index
        %parallel_loop3A_1681 = arith.index_cast %parallel_loop3A_1679 : i32 to index
        %parallel_loop3A_1682 = arith.constant 64 : index
        %parallel_loop3A_1683 = tpu.vector_load %arg14[%parallel_loop3A_1680, %parallel_loop3A_1681, %parallel_loop3A_1682] {strides = array<i32>} : memref<2x128x128xf32, #tpu.memory_space<vmem>>, vector<16xf32>,
        %parallel_loop3A_1684 = arith.mulf %parallel_loop3A_1675, %parallel_loop3A_1683 : vector<16xf32>
        %parallel_loop3A_1685 = arith.addf %parallel_loop3A_1613, %parallel_loop3A_1684 : vector<16xf32>
        %parallel_loop3A_1686 = arith.constant 8 : i32
        %parallel_loop3A_1687 = arith.addi %parallel_loop3A_151, %parallel_loop3A_1686 : i32
        %parallel_loop3A_1688 = arith.constant 0 : i32
        %parallel_loop3A_1689 = arith.addi %parallel_loop3A_1687, %parallel_loop3A_1688 : i32
        %parallel_loop3A_1690 = arith.index_cast %select_n3A_99 : i32 to index
        %parallel_loop3A_1691 = arith.index_cast %parallel_loop3A_1689 : i32 to index
        %parallel_loop3A_1692 = arith.constant 80 : index
        %parallel_loop3A_1693 = tpu.vector_load %arg13[%parallel_loop3A_1690, %parallel_loop3A_1691, %parallel_loop3A_1692] {strides = array<i32>} : memref<2x128x128xf32, #tpu.memory_space<vmem>>, vector<16xf32>,
        %parallel_loop3A_1694 = arith.constant 8 : i32
        %parallel_loop3A_1695 = arith.addi %parallel_loop3A_151, %parallel_loop3A_1694 : i32
        %parallel_loop3A_1696 = arith.constant 0 : i32
        %parallel_loop3A_1697 = arith.addi %parallel_loop3A_1695, %parallel_loop3A_1696 : i32
        %parallel_loop3A_1698 = arith.index_cast %select_n3A_99 : i32 to index
        %parallel_loop3A_1699 = arith.index_cast %parallel_loop3A_1697 : i32 to index
        %parallel_loop3A_1700 = arith.constant 80 : index
        %parallel_loop3A_1701 = tpu.vector_load %arg14[%parallel_loop3A_1698, %parallel_loop3A_1699, %parallel_loop3A_1700] {strides = array<i32>} : memref<2x128x128xf32, #tpu.memory_space<vmem>>, vector<16xf32>,
        %parallel_loop3A_1702 = arith.mulf %parallel_loop3A_1693, %parallel_loop3A_1701 : vector<16xf32>
        %parallel_loop3A_1703 = arith.addf %parallel_loop3A_1631, %parallel_loop3A_1702 : vector<16xf32>
        %parallel_loop3A_1704 = arith.constant 8 : i32
        %parallel_loop3A_1705 = arith.addi %parallel_loop3A_151, %parallel_loop3A_1704 : i32
        %parallel_loop3A_1706 = arith.constant 1 : i32
        %parallel_loop3A_1707 = arith.addi %parallel_loop3A_1705, %parallel_loop3A_1706 : i32
        %parallel_loop3A_1708 = arith.index_cast %select_n3A_99 : i32 to index
        %parallel_loop3A_1709 = arith.index_cast %parallel_loop3A_1707 : i32 to index
        %parallel_loop3A_1710 = arith.constant 80 : index
        %parallel_loop3A_1711 = tpu.vector_load %arg13[%parallel_loop3A_1708, %parallel_loop3A_1709, %parallel_loop3A_1710] {strides = array<i32>} : memref<2x128x128xf32, #tpu.memory_space<vmem>>, vector<16xf32>,
        %parallel_loop3A_1712 = arith.constant 8 : i32
        %parallel_loop3A_1713 = arith.addi %parallel_loop3A_151, %parallel_loop3A_1712 : i32
        %parallel_loop3A_1714 = arith.constant 1 : i32
        %parallel_loop3A_1715 = arith.addi %parallel_loop3A_1713, %parallel_loop3A_1714 : i32
        %parallel_loop3A_1716 = arith.index_cast %select_n3A_99 : i32 to index
        %parallel_loop3A_1717 = arith.index_cast %parallel_loop3A_1715 : i32 to index
        %parallel_loop3A_1718 = arith.constant 80 : index
        %parallel_loop3A_1719 = tpu.vector_load %arg14[%parallel_loop3A_1716, %parallel_loop3A_1717, %parallel_loop3A_1718] {strides = array<i32>} : memref<2x128x128xf32, #tpu.memory_space<vmem>>, vector<16xf32>,
        %parallel_loop3A_1720 = arith.mulf %parallel_loop3A_1711, %parallel_loop3A_1719 : vector<16xf32>
        %parallel_loop3A_1721 = arith.addf %parallel_loop3A_1649, %parallel_loop3A_1720 : vector<16xf32>
        %parallel_loop3A_1722 = arith.constant 8 : i32
        %parallel_loop3A_1723 = arith.addi %parallel_loop3A_151, %parallel_loop3A_1722 : i32
        %parallel_loop3A_1724 = arith.constant 2 : i32
        %parallel_loop3A_1725 = arith.addi %parallel_loop3A_1723, %parallel_loop3A_1724 : i32
        %parallel_loop3A_1726 = arith.index_cast %select_n3A_99 : i32 to index
        %parallel_loop3A_1727 = arith.index_cast %parallel_loop3A_1725 : i32 to index
        %parallel_loop3A_1728 = arith.constant 80 : index
        %parallel_loop3A_1729 = tpu.vector_load %arg13[%parallel_loop3A_1726, %parallel_loop3A_1727, %parallel_loop3A_1728] {strides = array<i32>} : memref<2x128x128xf32, #tpu.memory_space<vmem>>, vector<16xf32>,
        %parallel_loop3A_1730 = arith.constant 8 : i32
        %parallel_loop3A_1731 = arith.addi %parallel_loop3A_151, %parallel_loop3A_1730 : i32
        %parallel_loop3A_1732 = arith.constant 2 : i32
        %parallel_loop3A_1733 = arith.addi %parallel_loop3A_1731, %parallel_loop3A_1732 : i32
        %parallel_loop3A_1734 = arith.index_cast %select_n3A_99 : i32 to index
        %parallel_loop3A_1735 = arith.index_cast %parallel_loop3A_1733 : i32 to index
        %parallel_loop3A_1736 = arith.constant 80 : index
        %parallel_loop3A_1737 = tpu.vector_load %arg14[%parallel_loop3A_1734, %parallel_loop3A_1735, %parallel_loop3A_1736] {strides = array<i32>} : memref<2x128x128xf32, #tpu.memory_space<vmem>>, vector<16xf32>,
        %parallel_loop3A_1738 = arith.mulf %parallel_loop3A_1729, %parallel_loop3A_1737 : vector<16xf32>
        %parallel_loop3A_1739 = arith.addf %parallel_loop3A_1667, %parallel_loop3A_1738 : vector<16xf32>
        %parallel_loop3A_1740 = arith.constant 8 : i32
        %parallel_loop3A_1741 = arith.addi %parallel_loop3A_151, %parallel_loop3A_1740 : i32
        %parallel_loop3A_1742 = arith.constant 3 : i32
        %parallel_loop3A_1743 = arith.addi %parallel_loop3A_1741, %parallel_loop3A_1742 : i32
        %parallel_loop3A_1744 = arith.index_cast %select_n3A_99 : i32 to index
        %parallel_loop3A_1745 = arith.index_cast %parallel_loop3A_1743 : i32 to index
        %parallel_loop3A_1746 = arith.constant 80 : index
        %parallel_loop3A_1747 = tpu.vector_load %arg13[%parallel_loop3A_1744, %parallel_loop3A_1745, %parallel_loop3A_1746] {strides = array<i32>} : memref<2x128x128xf32, #tpu.memory_space<vmem>>, vector<16xf32>,
        %parallel_loop3A_1748 = arith.constant 8 : i32
        %parallel_loop3A_1749 = arith.addi %parallel_loop3A_151, %parallel_loop3A_1748 : i32
        %parallel_loop3A_1750 = arith.constant 3 : i32
        %parallel_loop3A_1751 = arith.addi %parallel_loop3A_1749, %parallel_loop3A_1750 : i32
        %parallel_loop3A_1752 = arith.index_cast %select_n3A_99 : i32 to index
        %parallel_loop3A_1753 = arith.index_cast %parallel_loop3A_1751 : i32 to index
        %parallel_loop3A_1754 = arith.constant 80 : index
        %parallel_loop3A_1755 = tpu.vector_load %arg14[%parallel_loop3A_1752, %parallel_loop3A_1753, %parallel_loop3A_1754] {strides = array<i32>} : memref<2x128x128xf32, #tpu.memory_space<vmem>>, vector<16xf32>,
        %parallel_loop3A_1756 = arith.mulf %parallel_loop3A_1747, %parallel_loop3A_1755 : vector<16xf32>
        %parallel_loop3A_1757 = arith.addf %parallel_loop3A_1685, %parallel_loop3A_1756 : vector<16xf32>
        %parallel_loop3A_1758 = arith.constant 8 : i32
        %parallel_loop3A_1759 = arith.addi %parallel_loop3A_151, %parallel_loop3A_1758 : i32
        %parallel_loop3A_1760 = arith.constant 0 : i32
        %parallel_loop3A_1761 = arith.addi %parallel_loop3A_1759, %parallel_loop3A_1760 : i32
        %parallel_loop3A_1762 = arith.index_cast %select_n3A_99 : i32 to index
        %parallel_loop3A_1763 = arith.index_cast %parallel_loop3A_1761 : i32 to index
        %parallel_loop3A_1764 = arith.constant 96 : index
        %parallel_loop3A_1765 = tpu.vector_load %arg13[%parallel_loop3A_1762, %parallel_loop3A_1763, %parallel_loop3A_1764] {strides = array<i32>} : memref<2x128x128xf32, #tpu.memory_space<vmem>>, vector<16xf32>,
        %parallel_loop3A_1766 = arith.constant 8 : i32
        %parallel_loop3A_1767 = arith.addi %parallel_loop3A_151, %parallel_loop3A_1766 : i32
        %parallel_loop3A_1768 = arith.constant 0 : i32
        %parallel_loop3A_1769 = arith.addi %parallel_loop3A_1767, %parallel_loop3A_1768 : i32
        %parallel_loop3A_1770 = arith.index_cast %select_n3A_99 : i32 to index
        %parallel_loop3A_1771 = arith.index_cast %parallel_loop3A_1769 : i32 to index
        %parallel_loop3A_1772 = arith.constant 96 : index
        %parallel_loop3A_1773 = tpu.vector_load %arg14[%parallel_loop3A_1770, %parallel_loop3A_1771, %parallel_loop3A_1772] {strides = array<i32>} : memref<2x128x128xf32, #tpu.memory_space<vmem>>, vector<16xf32>,
        %parallel_loop3A_1774 = arith.mulf %parallel_loop3A_1765, %parallel_loop3A_1773 : vector<16xf32>
        %parallel_loop3A_1775 = arith.addf %parallel_loop3A_1703, %parallel_loop3A_1774 : vector<16xf32>
        %parallel_loop3A_1776 = arith.constant 8 : i32
        %parallel_loop3A_1777 = arith.addi %parallel_loop3A_151, %parallel_loop3A_1776 : i32
        %parallel_loop3A_1778 = arith.constant 1 : i32
        %parallel_loop3A_1779 = arith.addi %parallel_loop3A_1777, %parallel_loop3A_1778 : i32
        %parallel_loop3A_1780 = arith.index_cast %select_n3A_99 : i32 to index
        %parallel_loop3A_1781 = arith.index_cast %parallel_loop3A_1779 : i32 to index
        %parallel_loop3A_1782 = arith.constant 96 : index
        %parallel_loop3A_1783 = tpu.vector_load %arg13[%parallel_loop3A_1780, %parallel_loop3A_1781, %parallel_loop3A_1782] {strides = array<i32>} : memref<2x128x128xf32, #tpu.memory_space<vmem>>, vector<16xf32>,
        %parallel_loop3A_1784 = arith.constant 8 : i32
        %parallel_loop3A_1785 = arith.addi %parallel_loop3A_151, %parallel_loop3A_1784 : i32
        %parallel_loop3A_1786 = arith.constant 1 : i32
        %parallel_loop3A_1787 = arith.addi %parallel_loop3A_1785, %parallel_loop3A_1786 : i32
        %parallel_loop3A_1788 = arith.index_cast %select_n3A_99 : i32 to index
        %parallel_loop3A_1789 = arith.index_cast %parallel_loop3A_1787 : i32 to index
        %parallel_loop3A_1790 = arith.constant 96 : index
        %parallel_loop3A_1791 = tpu.vector_load %arg14[%parallel_loop3A_1788, %parallel_loop3A_1789, %parallel_loop3A_1790] {strides = array<i32>} : memref<2x128x128xf32, #tpu.memory_space<vmem>>, vector<16xf32>,
        %parallel_loop3A_1792 = arith.mulf %parallel_loop3A_1783, %parallel_loop3A_1791 : vector<16xf32>
        %parallel_loop3A_1793 = arith.addf %parallel_loop3A_1721, %parallel_loop3A_1792 : vector<16xf32>
        %parallel_loop3A_1794 = arith.constant 8 : i32
        %parallel_loop3A_1795 = arith.addi %parallel_loop3A_151, %parallel_loop3A_1794 : i32
        %parallel_loop3A_1796 = arith.constant 2 : i32
        %parallel_loop3A_1797 = arith.addi %parallel_loop3A_1795, %parallel_loop3A_1796 : i32
        %parallel_loop3A_1798 = arith.index_cast %select_n3A_99 : i32 to index
        %parallel_loop3A_1799 = arith.index_cast %parallel_loop3A_1797 : i32 to index
        %parallel_loop3A_1800 = arith.constant 96 : index
        %parallel_loop3A_1801 = tpu.vector_load %arg13[%parallel_loop3A_1798, %parallel_loop3A_1799, %parallel_loop3A_1800] {strides = array<i32>} : memref<2x128x128xf32, #tpu.memory_space<vmem>>, vector<16xf32>,
        %parallel_loop3A_1802 = arith.constant 8 : i32
        %parallel_loop3A_1803 = arith.addi %parallel_loop3A_151, %parallel_loop3A_1802 : i32
        %parallel_loop3A_1804 = arith.constant 2 : i32
        %parallel_loop3A_1805 = arith.addi %parallel_loop3A_1803, %parallel_loop3A_1804 : i32
        %parallel_loop3A_1806 = arith.index_cast %select_n3A_99 : i32 to index
        %parallel_loop3A_1807 = arith.index_cast %parallel_loop3A_1805 : i32 to index
        %parallel_loop3A_1808 = arith.constant 96 : index
        %parallel_loop3A_1809 = tpu.vector_load %arg14[%parallel_loop3A_1806, %parallel_loop3A_1807, %parallel_loop3A_1808] {strides = array<i32>} : memref<2x128x128xf32, #tpu.memory_space<vmem>>, vector<16xf32>,
        %parallel_loop3A_1810 = arith.mulf %parallel_loop3A_1801, %parallel_loop3A_1809 : vector<16xf32>
        %parallel_loop3A_1811 = arith.addf %parallel_loop3A_1739, %parallel_loop3A_1810 : vector<16xf32>
        %parallel_loop3A_1812 = arith.constant 8 : i32
        %parallel_loop3A_1813 = arith.addi %parallel_loop3A_151, %parallel_loop3A_1812 : i32
        %parallel_loop3A_1814 = arith.constant 3 : i32
        %parallel_loop3A_1815 = arith.addi %parallel_loop3A_1813, %parallel_loop3A_1814 : i32
        %parallel_loop3A_1816 = arith.index_cast %select_n3A_99 : i32 to index
        %parallel_loop3A_1817 = arith.index_cast %parallel_loop3A_1815 : i32 to index
        %parallel_loop3A_1818 = arith.constant 96 : index
        %parallel_loop3A_1819 = tpu.vector_load %arg13[%parallel_loop3A_1816, %parallel_loop3A_1817, %parallel_loop3A_1818] {strides = array<i32>} : memref<2x128x128xf32, #tpu.memory_space<vmem>>, vector<16xf32>,
        %parallel_loop3A_1820 = arith.constant 8 : i32
        %parallel_loop3A_1821 = arith.addi %parallel_loop3A_151, %parallel_loop3A_1820 : i32
        %parallel_loop3A_1822 = arith.constant 3 : i32
        %parallel_loop3A_1823 = arith.addi %parallel_loop3A_1821, %parallel_loop3A_1822 : i32
        %parallel_loop3A_1824 = arith.index_cast %select_n3A_99 : i32 to index
        %parallel_loop3A_1825 = arith.index_cast %parallel_loop3A_1823 : i32 to index
        %parallel_loop3A_1826 = arith.constant 96 : index
        %parallel_loop3A_1827 = tpu.vector_load %arg14[%parallel_loop3A_1824, %parallel_loop3A_1825, %parallel_loop3A_1826] {strides = array<i32>} : memref<2x128x128xf32, #tpu.memory_space<vmem>>, vector<16xf32>,
        %parallel_loop3A_1828 = arith.mulf %parallel_loop3A_1819, %parallel_loop3A_1827 : vector<16xf32>
        %parallel_loop3A_1829 = arith.addf %parallel_loop3A_1757, %parallel_loop3A_1828 : vector<16xf32>
        %parallel_loop3A_1830 = arith.constant 8 : i32
        %parallel_loop3A_1831 = arith.addi %parallel_loop3A_151, %parallel_loop3A_1830 : i32
        %parallel_loop3A_1832 = arith.constant 0 : i32
        %parallel_loop3A_1833 = arith.addi %parallel_loop3A_1831, %parallel_loop3A_1832 : i32
        %parallel_loop3A_1834 = arith.index_cast %select_n3A_99 : i32 to index
        %parallel_loop3A_1835 = arith.index_cast %parallel_loop3A_1833 : i32 to index
        %parallel_loop3A_1836 = arith.constant 112 : index
        %parallel_loop3A_1837 = tpu.vector_load %arg13[%parallel_loop3A_1834, %parallel_loop3A_1835, %parallel_loop3A_1836] {strides = array<i32>} : memref<2x128x128xf32, #tpu.memory_space<vmem>>, vector<16xf32>,
        %parallel_loop3A_1838 = arith.constant 8 : i32
        %parallel_loop3A_1839 = arith.addi %parallel_loop3A_151, %parallel_loop3A_1838 : i32
        %parallel_loop3A_1840 = arith.constant 0 : i32
        %parallel_loop3A_1841 = arith.addi %parallel_loop3A_1839, %parallel_loop3A_1840 : i32
        %parallel_loop3A_1842 = arith.index_cast %select_n3A_99 : i32 to index
        %parallel_loop3A_1843 = arith.index_cast %parallel_loop3A_1841 : i32 to index
        %parallel_loop3A_1844 = arith.constant 112 : index
        %parallel_loop3A_1845 = tpu.vector_load %arg14[%parallel_loop3A_1842, %parallel_loop3A_1843, %parallel_loop3A_1844] {strides = array<i32>} : memref<2x128x128xf32, #tpu.memory_space<vmem>>, vector<16xf32>,
        %parallel_loop3A_1846 = arith.mulf %parallel_loop3A_1837, %parallel_loop3A_1845 : vector<16xf32>
        %parallel_loop3A_1847 = arith.addf %parallel_loop3A_1775, %parallel_loop3A_1846 : vector<16xf32>
        %parallel_loop3A_1848 = arith.constant 8 : i32
        %parallel_loop3A_1849 = arith.addi %parallel_loop3A_151, %parallel_loop3A_1848 : i32
        %parallel_loop3A_1850 = arith.constant 1 : i32
        %parallel_loop3A_1851 = arith.addi %parallel_loop3A_1849, %parallel_loop3A_1850 : i32
        %parallel_loop3A_1852 = arith.index_cast %select_n3A_99 : i32 to index
        %parallel_loop3A_1853 = arith.index_cast %parallel_loop3A_1851 : i32 to index
        %parallel_loop3A_1854 = arith.constant 112 : index
        %parallel_loop3A_1855 = tpu.vector_load %arg13[%parallel_loop3A_1852, %parallel_loop3A_1853, %parallel_loop3A_1854] {strides = array<i32>} : memref<2x128x128xf32, #tpu.memory_space<vmem>>, vector<16xf32>,
        %parallel_loop3A_1856 = arith.constant 8 : i32
        %parallel_loop3A_1857 = arith.addi %parallel_loop3A_151, %parallel_loop3A_1856 : i32
        %parallel_loop3A_1858 = arith.constant 1 : i32
        %parallel_loop3A_1859 = arith.addi %parallel_loop3A_1857, %parallel_loop3A_1858 : i32
        %parallel_loop3A_1860 = arith.index_cast %select_n3A_99 : i32 to index
        %parallel_loop3A_1861 = arith.index_cast %parallel_loop3A_1859 : i32 to index
        %parallel_loop3A_1862 = arith.constant 112 : index
        %parallel_loop3A_1863 = tpu.vector_load %arg14[%parallel_loop3A_1860, %parallel_loop3A_1861, %parallel_loop3A_1862] {strides = array<i32>} : memref<2x128x128xf32, #tpu.memory_space<vmem>>, vector<16xf32>,
        %parallel_loop3A_1864 = arith.mulf %parallel_loop3A_1855, %parallel_loop3A_1863 : vector<16xf32>
        %parallel_loop3A_1865 = arith.addf %parallel_loop3A_1793, %parallel_loop3A_1864 : vector<16xf32>
        %parallel_loop3A_1866 = arith.constant 8 : i32
        %parallel_loop3A_1867 = arith.addi %parallel_loop3A_151, %parallel_loop3A_1866 : i32
        %parallel_loop3A_1868 = arith.constant 2 : i32
        %parallel_loop3A_1869 = arith.addi %parallel_loop3A_1867, %parallel_loop3A_1868 : i32
        %parallel_loop3A_1870 = arith.index_cast %select_n3A_99 : i32 to index
        %parallel_loop3A_1871 = arith.index_cast %parallel_loop3A_1869 : i32 to index
        %parallel_loop3A_1872 = arith.constant 112 : index
        %parallel_loop3A_1873 = tpu.vector_load %arg13[%parallel_loop3A_1870, %parallel_loop3A_1871, %parallel_loop3A_1872] {strides = array<i32>} : memref<2x128x128xf32, #tpu.memory_space<vmem>>, vector<16xf32>,
        %parallel_loop3A_1874 = arith.constant 8 : i32
        %parallel_loop3A_1875 = arith.addi %parallel_loop3A_151, %parallel_loop3A_1874 : i32
        %parallel_loop3A_1876 = arith.constant 2 : i32
        %parallel_loop3A_1877 = arith.addi %parallel_loop3A_1875, %parallel_loop3A_1876 : i32
        %parallel_loop3A_1878 = arith.index_cast %select_n3A_99 : i32 to index
        %parallel_loop3A_1879 = arith.index_cast %parallel_loop3A_1877 : i32 to index
        %parallel_loop3A_1880 = arith.constant 112 : index
        %parallel_loop3A_1881 = tpu.vector_load %arg14[%parallel_loop3A_1878, %parallel_loop3A_1879, %parallel_loop3A_1880] {strides = array<i32>} : memref<2x128x128xf32, #tpu.memory_space<vmem>>, vector<16xf32>,
        %parallel_loop3A_1882 = arith.mulf %parallel_loop3A_1873, %parallel_loop3A_1881 : vector<16xf32>
        %parallel_loop3A_1883 = arith.addf %parallel_loop3A_1811, %parallel_loop3A_1882 : vector<16xf32>
        %parallel_loop3A_1884 = arith.constant 8 : i32
        %parallel_loop3A_1885 = arith.addi %parallel_loop3A_151, %parallel_loop3A_1884 : i32
        %parallel_loop3A_1886 = arith.constant 3 : i32
        %parallel_loop3A_1887 = arith.addi %parallel_loop3A_1885, %parallel_loop3A_1886 : i32
        %parallel_loop3A_1888 = arith.index_cast %select_n3A_99 : i32 to index
        %parallel_loop3A_1889 = arith.index_cast %parallel_loop3A_1887 : i32 to index
        %parallel_loop3A_1890 = arith.constant 112 : index
        %parallel_loop3A_1891 = tpu.vector_load %arg13[%parallel_loop3A_1888, %parallel_loop3A_1889, %parallel_loop3A_1890] {strides = array<i32>} : memref<2x128x128xf32, #tpu.memory_space<vmem>>, vector<16xf32>,
        %parallel_loop3A_1892 = arith.constant 8 : i32
        %parallel_loop3A_1893 = arith.addi %parallel_loop3A_151, %parallel_loop3A_1892 : i32
        %parallel_loop3A_1894 = arith.constant 3 : i32
        %parallel_loop3A_1895 = arith.addi %parallel_loop3A_1893, %parallel_loop3A_1894 : i32
        %parallel_loop3A_1896 = arith.index_cast %select_n3A_99 : i32 to index
        %parallel_loop3A_1897 = arith.index_cast %parallel_loop3A_1895 : i32 to index
        %parallel_loop3A_1898 = arith.constant 112 : index
        %parallel_loop3A_1899 = tpu.vector_load %arg14[%parallel_loop3A_1896, %parallel_loop3A_1897, %parallel_loop3A_1898] {strides = array<i32>} : memref<2x128x128xf32, #tpu.memory_space<vmem>>, vector<16xf32>,
        %parallel_loop3A_1900 = arith.mulf %parallel_loop3A_1891, %parallel_loop3A_1899 : vector<16xf32>
        %parallel_loop3A_1901 = arith.addf %parallel_loop3A_1829, %parallel_loop3A_1900 : vector<16xf32>
        %parallel_loop3A_1902 = arith.constant 128 : i32
        %parallel_loop3A_1903 = arith.addi %parallel_loop3A_153, %parallel_loop3A_1902 : i32
        %parallel_loop3A_1904 = arith.index_cast %parallel_loop3A_1903 : i32 to index
        %parallel_loop3A_1905 = tpu.vector_load %arg17[%parallel_loop3A_1904] {strides = array<i32>} : memref<2048xf32, #tpu.memory_space<vmem>>, vector<16xf32>,
        tpu.vector_store %arg17[%parallel_loop3A_1904], %parallel_loop3A_1847 {strides = array<i32>} : memref<2048xf32, #tpu.memory_space<vmem>>, vector<16xf32>,
        %parallel_loop3A_1906 = arith.constant 144 : i32
        %parallel_loop3A_1907 = arith.addi %parallel_loop3A_153, %parallel_loop3A_1906 : i32
        %parallel_loop3A_1908 = arith.index_cast %parallel_loop3A_1907 : i32 to index
        %parallel_loop3A_1909 = tpu.vector_load %arg17[%parallel_loop3A_1908] {strides = array<i32>} : memref<2048xf32, #tpu.memory_space<vmem>>, vector<16xf32>,
        tpu.vector_store %arg17[%parallel_loop3A_1908], %parallel_loop3A_1865 {strides = array<i32>} : memref<2048xf32, #tpu.memory_space<vmem>>, vector<16xf32>,
        %parallel_loop3A_1910 = arith.constant 160 : i32
        %parallel_loop3A_1911 = arith.addi %parallel_loop3A_153, %parallel_loop3A_1910 : i32
        %parallel_loop3A_1912 = arith.index_cast %parallel_loop3A_1911 : i32 to index
        %parallel_loop3A_1913 = tpu.vector_load %arg17[%parallel_loop3A_1912] {strides = array<i32>} : memref<2048xf32, #tpu.memory_space<vmem>>, vector<16xf32>,
        tpu.vector_store %arg17[%parallel_loop3A_1912], %parallel_loop3A_1883 {strides = array<i32>} : memref<2048xf32, #tpu.memory_space<vmem>>, vector<16xf32>,
        %parallel_loop3A_1914 = arith.constant 176 : i32
        %parallel_loop3A_1915 = arith.addi %parallel_loop3A_153, %parallel_loop3A_1914 : i32
        %parallel_loop3A_1916 = arith.index_cast %parallel_loop3A_1915 : i32 to index
        %parallel_loop3A_1917 = tpu.vector_load %arg17[%parallel_loop3A_1916] {strides = array<i32>} : memref<2048xf32, #tpu.memory_space<vmem>>, vector<16xf32>,
        tpu.vector_store %arg17[%parallel_loop3A_1916], %parallel_loop3A_1901 {strides = array<i32>} : memref<2048xf32, #tpu.memory_space<vmem>>, vector<16xf32>,
        %parallel_loop3A_1918 = arith.constant 12 : i32
        %parallel_loop3A_1919 = arith.addi %parallel_loop3A_151, %parallel_loop3A_1918 : i32
        %parallel_loop3A_1920 = arith.constant 0 : i32
        %parallel_loop3A_1921 = arith.addi %parallel_loop3A_1919, %parallel_loop3A_1920 : i32
        %parallel_loop3A_1922 = arith.index_cast %select_n3A_99 : i32 to index
        %parallel_loop3A_1923 = arith.index_cast %parallel_loop3A_1921 : i32 to index
        %parallel_loop3A_1924 = arith.constant 0 : index
        %parallel_loop3A_1925 = tpu.vector_load %arg13[%parallel_loop3A_1922, %parallel_loop3A_1923, %parallel_loop3A_1924] {strides = array<i32>} : memref<2x128x128xf32, #tpu.memory_space<vmem>>, vector<16xf32>,
        %parallel_loop3A_1926 = arith.constant 12 : i32
        %parallel_loop3A_1927 = arith.addi %parallel_loop3A_151, %parallel_loop3A_1926 : i32
        %parallel_loop3A_1928 = arith.constant 0 : i32
        %parallel_loop3A_1929 = arith.addi %parallel_loop3A_1927, %parallel_loop3A_1928 : i32
        %parallel_loop3A_1930 = arith.index_cast %select_n3A_99 : i32 to index
        %parallel_loop3A_1931 = arith.index_cast %parallel_loop3A_1929 : i32 to index
        %parallel_loop3A_1932 = arith.constant 0 : index
        %parallel_loop3A_1933 = tpu.vector_load %arg14[%parallel_loop3A_1930, %parallel_loop3A_1931, %parallel_loop3A_1932] {strides = array<i32>} : memref<2x128x128xf32, #tpu.memory_space<vmem>>, vector<16xf32>,
        %parallel_loop3A_1934 = arith.mulf %parallel_loop3A_1925, %parallel_loop3A_1933 : vector<16xf32>
        %parallel_loop3A_1935 = arith.constant 12 : i32
        %parallel_loop3A_1936 = arith.addi %parallel_loop3A_151, %parallel_loop3A_1935 : i32
        %parallel_loop3A_1937 = arith.constant 1 : i32
        %parallel_loop3A_1938 = arith.addi %parallel_loop3A_1936, %parallel_loop3A_1937 : i32
        %parallel_loop3A_1939 = arith.index_cast %select_n3A_99 : i32 to index
        %parallel_loop3A_1940 = arith.index_cast %parallel_loop3A_1938 : i32 to index
        %parallel_loop3A_1941 = arith.constant 0 : index
        %parallel_loop3A_1942 = tpu.vector_load %arg13[%parallel_loop3A_1939, %parallel_loop3A_1940, %parallel_loop3A_1941] {strides = array<i32>} : memref<2x128x128xf32, #tpu.memory_space<vmem>>, vector<16xf32>,
        %parallel_loop3A_1943 = arith.constant 12 : i32
        %parallel_loop3A_1944 = arith.addi %parallel_loop3A_151, %parallel_loop3A_1943 : i32
        %parallel_loop3A_1945 = arith.constant 1 : i32
        %parallel_loop3A_1946 = arith.addi %parallel_loop3A_1944, %parallel_loop3A_1945 : i32
        %parallel_loop3A_1947 = arith.index_cast %select_n3A_99 : i32 to index
        %parallel_loop3A_1948 = arith.index_cast %parallel_loop3A_1946 : i32 to index
        %parallel_loop3A_1949 = arith.constant 0 : index
        %parallel_loop3A_1950 = tpu.vector_load %arg14[%parallel_loop3A_1947, %parallel_loop3A_1948, %parallel_loop3A_1949] {strides = array<i32>} : memref<2x128x128xf32, #tpu.memory_space<vmem>>, vector<16xf32>,
        %parallel_loop3A_1951 = arith.mulf %parallel_loop3A_1942, %parallel_loop3A_1950 : vector<16xf32>
        %parallel_loop3A_1952 = arith.constant 12 : i32
        %parallel_loop3A_1953 = arith.addi %parallel_loop3A_151, %parallel_loop3A_1952 : i32
        %parallel_loop3A_1954 = arith.constant 2 : i32
        %parallel_loop3A_1955 = arith.addi %parallel_loop3A_1953, %parallel_loop3A_1954 : i32
        %parallel_loop3A_1956 = arith.index_cast %select_n3A_99 : i32 to index
        %parallel_loop3A_1957 = arith.index_cast %parallel_loop3A_1955 : i32 to index
        %parallel_loop3A_1958 = arith.constant 0 : index
        %parallel_loop3A_1959 = tpu.vector_load %arg13[%parallel_loop3A_1956, %parallel_loop3A_1957, %parallel_loop3A_1958] {strides = array<i32>} : memref<2x128x128xf32, #tpu.memory_space<vmem>>, vector<16xf32>,
        %parallel_loop3A_1960 = arith.constant 12 : i32
        %parallel_loop3A_1961 = arith.addi %parallel_loop3A_151, %parallel_loop3A_1960 : i32
        %parallel_loop3A_1962 = arith.constant 2 : i32
        %parallel_loop3A_1963 = arith.addi %parallel_loop3A_1961, %parallel_loop3A_1962 : i32
        %parallel_loop3A_1964 = arith.index_cast %select_n3A_99 : i32 to index
        %parallel_loop3A_1965 = arith.index_cast %parallel_loop3A_1963 : i32 to index
        %parallel_loop3A_1966 = arith.constant 0 : index
        %parallel_loop3A_1967 = tpu.vector_load %arg14[%parallel_loop3A_1964, %parallel_loop3A_1965, %parallel_loop3A_1966] {strides = array<i32>} : memref<2x128x128xf32, #tpu.memory_space<vmem>>, vector<16xf32>,
        %parallel_loop3A_1968 = arith.mulf %parallel_loop3A_1959, %parallel_loop3A_1967 : vector<16xf32>
        %parallel_loop3A_1969 = arith.constant 12 : i32
        %parallel_loop3A_1970 = arith.addi %parallel_loop3A_151, %parallel_loop3A_1969 : i32
        %parallel_loop3A_1971 = arith.constant 3 : i32
        %parallel_loop3A_1972 = arith.addi %parallel_loop3A_1970, %parallel_loop3A_1971 : i32
        %parallel_loop3A_1973 = arith.index_cast %select_n3A_99 : i32 to index
        %parallel_loop3A_1974 = arith.index_cast %parallel_loop3A_1972 : i32 to index
        %parallel_loop3A_1975 = arith.constant 0 : index
        %parallel_loop3A_1976 = tpu.vector_load %arg13[%parallel_loop3A_1973, %parallel_loop3A_1974, %parallel_loop3A_1975] {strides = array<i32>} : memref<2x128x128xf32, #tpu.memory_space<vmem>>, vector<16xf32>,
        %parallel_loop3A_1977 = arith.constant 12 : i32
        %parallel_loop3A_1978 = arith.addi %parallel_loop3A_151, %parallel_loop3A_1977 : i32
        %parallel_loop3A_1979 = arith.constant 3 : i32
        %parallel_loop3A_1980 = arith.addi %parallel_loop3A_1978, %parallel_loop3A_1979 : i32
        %parallel_loop3A_1981 = arith.index_cast %select_n3A_99 : i32 to index
        %parallel_loop3A_1982 = arith.index_cast %parallel_loop3A_1980 : i32 to index
        %parallel_loop3A_1983 = arith.constant 0 : index
        %parallel_loop3A_1984 = tpu.vector_load %arg14[%parallel_loop3A_1981, %parallel_loop3A_1982, %parallel_loop3A_1983] {strides = array<i32>} : memref<2x128x128xf32, #tpu.memory_space<vmem>>, vector<16xf32>,
        %parallel_loop3A_1985 = arith.mulf %parallel_loop3A_1976, %parallel_loop3A_1984 : vector<16xf32>
        %parallel_loop3A_1986 = arith.constant 12 : i32
        %parallel_loop3A_1987 = arith.addi %parallel_loop3A_151, %parallel_loop3A_1986 : i32
        %parallel_loop3A_1988 = arith.constant 0 : i32
        %parallel_loop3A_1989 = arith.addi %parallel_loop3A_1987, %parallel_loop3A_1988 : i32
        %parallel_loop3A_1990 = arith.index_cast %select_n3A_99 : i32 to index
        %parallel_loop3A_1991 = arith.index_cast %parallel_loop3A_1989 : i32 to index
        %parallel_loop3A_1992 = arith.constant 16 : index
        %parallel_loop3A_1993 = tpu.vector_load %arg13[%parallel_loop3A_1990, %parallel_loop3A_1991, %parallel_loop3A_1992] {strides = array<i32>} : memref<2x128x128xf32, #tpu.memory_space<vmem>>, vector<16xf32>,
        %parallel_loop3A_1994 = arith.constant 12 : i32
        %parallel_loop3A_1995 = arith.addi %parallel_loop3A_151, %parallel_loop3A_1994 : i32
        %parallel_loop3A_1996 = arith.constant 0 : i32
        %parallel_loop3A_1997 = arith.addi %parallel_loop3A_1995, %parallel_loop3A_1996 : i32
        %parallel_loop3A_1998 = arith.index_cast %select_n3A_99 : i32 to index
        %parallel_loop3A_1999 = arith.index_cast %parallel_loop3A_1997 : i32 to index
        %parallel_loop3A_2000 = arith.constant 16 : index
        %parallel_loop3A_2001 = tpu.vector_load %arg14[%parallel_loop3A_1998, %parallel_loop3A_1999, %parallel_loop3A_2000] {strides = array<i32>} : memref<2x128x128xf32, #tpu.memory_space<vmem>>, vector<16xf32>,
        %parallel_loop3A_2002 = arith.mulf %parallel_loop3A_1993, %parallel_loop3A_2001 : vector<16xf32>
        %parallel_loop3A_2003 = arith.addf %parallel_loop3A_1934, %parallel_loop3A_2002 : vector<16xf32>
        %parallel_loop3A_2004 = arith.constant 12 : i32
        %parallel_loop3A_2005 = arith.addi %parallel_loop3A_151, %parallel_loop3A_2004 : i32
        %parallel_loop3A_2006 = arith.constant 1 : i32
        %parallel_loop3A_2007 = arith.addi %parallel_loop3A_2005, %parallel_loop3A_2006 : i32
        %parallel_loop3A_2008 = arith.index_cast %select_n3A_99 : i32 to index
        %parallel_loop3A_2009 = arith.index_cast %parallel_loop3A_2007 : i32 to index
        %parallel_loop3A_2010 = arith.constant 16 : index
        %parallel_loop3A_2011 = tpu.vector_load %arg13[%parallel_loop3A_2008, %parallel_loop3A_2009, %parallel_loop3A_2010] {strides = array<i32>} : memref<2x128x128xf32, #tpu.memory_space<vmem>>, vector<16xf32>,
        %parallel_loop3A_2012 = arith.constant 12 : i32
        %parallel_loop3A_2013 = arith.addi %parallel_loop3A_151, %parallel_loop3A_2012 : i32
        %parallel_loop3A_2014 = arith.constant 1 : i32
        %parallel_loop3A_2015 = arith.addi %parallel_loop3A_2013, %parallel_loop3A_2014 : i32
        %parallel_loop3A_2016 = arith.index_cast %select_n3A_99 : i32 to index
        %parallel_loop3A_2017 = arith.index_cast %parallel_loop3A_2015 : i32 to index
        %parallel_loop3A_2018 = arith.constant 16 : index
        %parallel_loop3A_2019 = tpu.vector_load %arg14[%parallel_loop3A_2016, %parallel_loop3A_2017, %parallel_loop3A_2018] {strides = array<i32>} : memref<2x128x128xf32, #tpu.memory_space<vmem>>, vector<16xf32>,
        %parallel_loop3A_2020 = arith.mulf %parallel_loop3A_2011, %parallel_loop3A_2019 : vector<16xf32>
        %parallel_loop3A_2021 = arith.addf %parallel_loop3A_1951, %parallel_loop3A_2020 : vector<16xf32>
        %parallel_loop3A_2022 = arith.constant 12 : i32
        %parallel_loop3A_2023 = arith.addi %parallel_loop3A_151, %parallel_loop3A_2022 : i32
        %parallel_loop3A_2024 = arith.constant 2 : i32
        %parallel_loop3A_2025 = arith.addi %parallel_loop3A_2023, %parallel_loop3A_2024 : i32
        %parallel_loop3A_2026 = arith.index_cast %select_n3A_99 : i32 to index
        %parallel_loop3A_2027 = arith.index_cast %parallel_loop3A_2025 : i32 to index
        %parallel_loop3A_2028 = arith.constant 16 : index
        %parallel_loop3A_2029 = tpu.vector_load %arg13[%parallel_loop3A_2026, %parallel_loop3A_2027, %parallel_loop3A_2028] {strides = array<i32>} : memref<2x128x128xf32, #tpu.memory_space<vmem>>, vector<16xf32>,
        %parallel_loop3A_2030 = arith.constant 12 : i32
        %parallel_loop3A_2031 = arith.addi %parallel_loop3A_151, %parallel_loop3A_2030 : i32
        %parallel_loop3A_2032 = arith.constant 2 : i32
        %parallel_loop3A_2033 = arith.addi %parallel_loop3A_2031, %parallel_loop3A_2032 : i32
        %parallel_loop3A_2034 = arith.index_cast %select_n3A_99 : i32 to index
        %parallel_loop3A_2035 = arith.index_cast %parallel_loop3A_2033 : i32 to index
        %parallel_loop3A_2036 = arith.constant 16 : index
        %parallel_loop3A_2037 = tpu.vector_load %arg14[%parallel_loop3A_2034, %parallel_loop3A_2035, %parallel_loop3A_2036] {strides = array<i32>} : memref<2x128x128xf32, #tpu.memory_space<vmem>>, vector<16xf32>,
        %parallel_loop3A_2038 = arith.mulf %parallel_loop3A_2029, %parallel_loop3A_2037 : vector<16xf32>
        %parallel_loop3A_2039 = arith.addf %parallel_loop3A_1968, %parallel_loop3A_2038 : vector<16xf32>
        %parallel_loop3A_2040 = arith.constant 12 : i32
        %parallel_loop3A_2041 = arith.addi %parallel_loop3A_151, %parallel_loop3A_2040 : i32
        %parallel_loop3A_2042 = arith.constant 3 : i32
        %parallel_loop3A_2043 = arith.addi %parallel_loop3A_2041, %parallel_loop3A_2042 : i32
        %parallel_loop3A_2044 = arith.index_cast %select_n3A_99 : i32 to index
        %parallel_loop3A_2045 = arith.index_cast %parallel_loop3A_2043 : i32 to index
        %parallel_loop3A_2046 = arith.constant 16 : index
        %parallel_loop3A_2047 = tpu.vector_load %arg13[%parallel_loop3A_2044, %parallel_loop3A_2045, %parallel_loop3A_2046] {strides = array<i32>} : memref<2x128x128xf32, #tpu.memory_space<vmem>>, vector<16xf32>,
        %parallel_loop3A_2048 = arith.constant 12 : i32
        %parallel_loop3A_2049 = arith.addi %parallel_loop3A_151, %parallel_loop3A_2048 : i32
        %parallel_loop3A_2050 = arith.constant 3 : i32
        %parallel_loop3A_2051 = arith.addi %parallel_loop3A_2049, %parallel_loop3A_2050 : i32
        %parallel_loop3A_2052 = arith.index_cast %select_n3A_99 : i32 to index
        %parallel_loop3A_2053 = arith.index_cast %parallel_loop3A_2051 : i32 to index
        %parallel_loop3A_2054 = arith.constant 16 : index
        %parallel_loop3A_2055 = tpu.vector_load %arg14[%parallel_loop3A_2052, %parallel_loop3A_2053, %parallel_loop3A_2054] {strides = array<i32>} : memref<2x128x128xf32, #tpu.memory_space<vmem>>, vector<16xf32>,
        %parallel_loop3A_2056 = arith.mulf %parallel_loop3A_2047, %parallel_loop3A_2055 : vector<16xf32>
        %parallel_loop3A_2057 = arith.addf %parallel_loop3A_1985, %parallel_loop3A_2056 : vector<16xf32>
        %parallel_loop3A_2058 = arith.constant 12 : i32
        %parallel_loop3A_2059 = arith.addi %parallel_loop3A_151, %parallel_loop3A_2058 : i32
        %parallel_loop3A_2060 = arith.constant 0 : i32
        %parallel_loop3A_2061 = arith.addi %parallel_loop3A_2059, %parallel_loop3A_2060 : i32
        %parallel_loop3A_2062 = arith.index_cast %select_n3A_99 : i32 to index
        %parallel_loop3A_2063 = arith.index_cast %parallel_loop3A_2061 : i32 to index
        %parallel_loop3A_2064 = arith.constant 32 : index
        %parallel_loop3A_2065 = tpu.vector_load %arg13[%parallel_loop3A_2062, %parallel_loop3A_2063, %parallel_loop3A_2064] {strides = array<i32>} : memref<2x128x128xf32, #tpu.memory_space<vmem>>, vector<16xf32>,
        %parallel_loop3A_2066 = arith.constant 12 : i32
        %parallel_loop3A_2067 = arith.addi %parallel_loop3A_151, %parallel_loop3A_2066 : i32
        %parallel_loop3A_2068 = arith.constant 0 : i32
        %parallel_loop3A_2069 = arith.addi %parallel_loop3A_2067, %parallel_loop3A_2068 : i32
        %parallel_loop3A_2070 = arith.index_cast %select_n3A_99 : i32 to index
        %parallel_loop3A_2071 = arith.index_cast %parallel_loop3A_2069 : i32 to index
        %parallel_loop3A_2072 = arith.constant 32 : index
        %parallel_loop3A_2073 = tpu.vector_load %arg14[%parallel_loop3A_2070, %parallel_loop3A_2071, %parallel_loop3A_2072] {strides = array<i32>} : memref<2x128x128xf32, #tpu.memory_space<vmem>>, vector<16xf32>,
        %parallel_loop3A_2074 = arith.mulf %parallel_loop3A_2065, %parallel_loop3A_2073 : vector<16xf32>
        %parallel_loop3A_2075 = arith.addf %parallel_loop3A_2003, %parallel_loop3A_2074 : vector<16xf32>
        %parallel_loop3A_2076 = arith.constant 12 : i32
        %parallel_loop3A_2077 = arith.addi %parallel_loop3A_151, %parallel_loop3A_2076 : i32
        %parallel_loop3A_2078 = arith.constant 1 : i32
        %parallel_loop3A_2079 = arith.addi %parallel_loop3A_2077, %parallel_loop3A_2078 : i32
        %parallel_loop3A_2080 = arith.index_cast %select_n3A_99 : i32 to index
        %parallel_loop3A_2081 = arith.index_cast %parallel_loop3A_2079 : i32 to index
        %parallel_loop3A_2082 = arith.constant 32 : index
        %parallel_loop3A_2083 = tpu.vector_load %arg13[%parallel_loop3A_2080, %parallel_loop3A_2081, %parallel_loop3A_2082] {strides = array<i32>} : memref<2x128x128xf32, #tpu.memory_space<vmem>>, vector<16xf32>,
        %parallel_loop3A_2084 = arith.constant 12 : i32
        %parallel_loop3A_2085 = arith.addi %parallel_loop3A_151, %parallel_loop3A_2084 : i32
        %parallel_loop3A_2086 = arith.constant 1 : i32
        %parallel_loop3A_2087 = arith.addi %parallel_loop3A_2085, %parallel_loop3A_2086 : i32
        %parallel_loop3A_2088 = arith.index_cast %select_n3A_99 : i32 to index
        %parallel_loop3A_2089 = arith.index_cast %parallel_loop3A_2087 : i32 to index
        %parallel_loop3A_2090 = arith.constant 32 : index
        %parallel_loop3A_2091 = tpu.vector_load %arg14[%parallel_loop3A_2088, %parallel_loop3A_2089, %parallel_loop3A_2090] {strides = array<i32>} : memref<2x128x128xf32, #tpu.memory_space<vmem>>, vector<16xf32>,
        %parallel_loop3A_2092 = arith.mulf %parallel_loop3A_2083, %parallel_loop3A_2091 : vector<16xf32>
        %parallel_loop3A_2093 = arith.addf %parallel_loop3A_2021, %parallel_loop3A_2092 : vector<16xf32>
        %parallel_loop3A_2094 = arith.constant 12 : i32
        %parallel_loop3A_2095 = arith.addi %parallel_loop3A_151, %parallel_loop3A_2094 : i32
        %parallel_loop3A_2096 = arith.constant 2 : i32
        %parallel_loop3A_2097 = arith.addi %parallel_loop3A_2095, %parallel_loop3A_2096 : i32
        %parallel_loop3A_2098 = arith.index_cast %select_n3A_99 : i32 to index
        %parallel_loop3A_2099 = arith.index_cast %parallel_loop3A_2097 : i32 to index
        %parallel_loop3A_2100 = arith.constant 32 : index
        %parallel_loop3A_2101 = tpu.vector_load %arg13[%parallel_loop3A_2098, %parallel_loop3A_2099, %parallel_loop3A_2100] {strides = array<i32>} : memref<2x128x128xf32, #tpu.memory_space<vmem>>, vector<16xf32>,
        %parallel_loop3A_2102 = arith.constant 12 : i32
        %parallel_loop3A_2103 = arith.addi %parallel_loop3A_151, %parallel_loop3A_2102 : i32
        %parallel_loop3A_2104 = arith.constant 2 : i32
        %parallel_loop3A_2105 = arith.addi %parallel_loop3A_2103, %parallel_loop3A_2104 : i32
        %parallel_loop3A_2106 = arith.index_cast %select_n3A_99 : i32 to index
        %parallel_loop3A_2107 = arith.index_cast %parallel_loop3A_2105 : i32 to index
        %parallel_loop3A_2108 = arith.constant 32 : index
        %parallel_loop3A_2109 = tpu.vector_load %arg14[%parallel_loop3A_2106, %parallel_loop3A_2107, %parallel_loop3A_2108] {strides = array<i32>} : memref<2x128x128xf32, #tpu.memory_space<vmem>>, vector<16xf32>,
        %parallel_loop3A_2110 = arith.mulf %parallel_loop3A_2101, %parallel_loop3A_2109 : vector<16xf32>
        %parallel_loop3A_2111 = arith.addf %parallel_loop3A_2039, %parallel_loop3A_2110 : vector<16xf32>
        %parallel_loop3A_2112 = arith.constant 12 : i32
        %parallel_loop3A_2113 = arith.addi %parallel_loop3A_151, %parallel_loop3A_2112 : i32
        %parallel_loop3A_2114 = arith.constant 3 : i32
        %parallel_loop3A_2115 = arith.addi %parallel_loop3A_2113, %parallel_loop3A_2114 : i32
        %parallel_loop3A_2116 = arith.index_cast %select_n3A_99 : i32 to index
        %parallel_loop3A_2117 = arith.index_cast %parallel_loop3A_2115 : i32 to index
        %parallel_loop3A_2118 = arith.constant 32 : index
        %parallel_loop3A_2119 = tpu.vector_load %arg13[%parallel_loop3A_2116, %parallel_loop3A_2117, %parallel_loop3A_2118] {strides = array<i32>} : memref<2x128x128xf32, #tpu.memory_space<vmem>>, vector<16xf32>,
        %parallel_loop3A_2120 = arith.constant 12 : i32
        %parallel_loop3A_2121 = arith.addi %parallel_loop3A_151, %parallel_loop3A_2120 : i32
        %parallel_loop3A_2122 = arith.constant 3 : i32
        %parallel_loop3A_2123 = arith.addi %parallel_loop3A_2121, %parallel_loop3A_2122 : i32
        %parallel_loop3A_2124 = arith.index_cast %select_n3A_99 : i32 to index
        %parallel_loop3A_2125 = arith.index_cast %parallel_loop3A_2123 : i32 to index
        %parallel_loop3A_2126 = arith.constant 32 : index
        %parallel_loop3A_2127 = tpu.vector_load %arg14[%parallel_loop3A_2124, %parallel_loop3A_2125, %parallel_loop3A_2126] {strides = array<i32>} : memref<2x128x128xf32, #tpu.memory_space<vmem>>, vector<16xf32>,
        %parallel_loop3A_2128 = arith.mulf %parallel_loop3A_2119, %parallel_loop3A_2127 : vector<16xf32>
        %parallel_loop3A_2129 = arith.addf %parallel_loop3A_2057, %parallel_loop3A_2128 : vector<16xf32>
        %parallel_loop3A_2130 = arith.constant 12 : i32
        %parallel_loop3A_2131 = arith.addi %parallel_loop3A_151, %parallel_loop3A_2130 : i32
        %parallel_loop3A_2132 = arith.constant 0 : i32
        %parallel_loop3A_2133 = arith.addi %parallel_loop3A_2131, %parallel_loop3A_2132 : i32
        %parallel_loop3A_2134 = arith.index_cast %select_n3A_99 : i32 to index
        %parallel_loop3A_2135 = arith.index_cast %parallel_loop3A_2133 : i32 to index
        %parallel_loop3A_2136 = arith.constant 48 : index
        %parallel_loop3A_2137 = tpu.vector_load %arg13[%parallel_loop3A_2134, %parallel_loop3A_2135, %parallel_loop3A_2136] {strides = array<i32>} : memref<2x128x128xf32, #tpu.memory_space<vmem>>, vector<16xf32>,
        %parallel_loop3A_2138 = arith.constant 12 : i32
        %parallel_loop3A_2139 = arith.addi %parallel_loop3A_151, %parallel_loop3A_2138 : i32
        %parallel_loop3A_2140 = arith.constant 0 : i32
        %parallel_loop3A_2141 = arith.addi %parallel_loop3A_2139, %parallel_loop3A_2140 : i32
        %parallel_loop3A_2142 = arith.index_cast %select_n3A_99 : i32 to index
        %parallel_loop3A_2143 = arith.index_cast %parallel_loop3A_2141 : i32 to index
        %parallel_loop3A_2144 = arith.constant 48 : index
        %parallel_loop3A_2145 = tpu.vector_load %arg14[%parallel_loop3A_2142, %parallel_loop3A_2143, %parallel_loop3A_2144] {strides = array<i32>} : memref<2x128x128xf32, #tpu.memory_space<vmem>>, vector<16xf32>,
        %parallel_loop3A_2146 = arith.mulf %parallel_loop3A_2137, %parallel_loop3A_2145 : vector<16xf32>
        %parallel_loop3A_2147 = arith.addf %parallel_loop3A_2075, %parallel_loop3A_2146 : vector<16xf32>
        %parallel_loop3A_2148 = arith.constant 12 : i32
        %parallel_loop3A_2149 = arith.addi %parallel_loop3A_151, %parallel_loop3A_2148 : i32
        %parallel_loop3A_2150 = arith.constant 1 : i32
        %parallel_loop3A_2151 = arith.addi %parallel_loop3A_2149, %parallel_loop3A_2150 : i32
        %parallel_loop3A_2152 = arith.index_cast %select_n3A_99 : i32 to index
        %parallel_loop3A_2153 = arith.index_cast %parallel_loop3A_2151 : i32 to index
        %parallel_loop3A_2154 = arith.constant 48 : index
        %parallel_loop3A_2155 = tpu.vector_load %arg13[%parallel_loop3A_2152, %parallel_loop3A_2153, %parallel_loop3A_2154] {strides = array<i32>} : memref<2x128x128xf32, #tpu.memory_space<vmem>>, vector<16xf32>,
        %parallel_loop3A_2156 = arith.constant 12 : i32
        %parallel_loop3A_2157 = arith.addi %parallel_loop3A_151, %parallel_loop3A_2156 : i32
        %parallel_loop3A_2158 = arith.constant 1 : i32
        %parallel_loop3A_2159 = arith.addi %parallel_loop3A_2157, %parallel_loop3A_2158 : i32
        %parallel_loop3A_2160 = arith.index_cast %select_n3A_99 : i32 to index
        %parallel_loop3A_2161 = arith.index_cast %parallel_loop3A_2159 : i32 to index
        %parallel_loop3A_2162 = arith.constant 48 : index
        %parallel_loop3A_2163 = tpu.vector_load %arg14[%parallel_loop3A_2160, %parallel_loop3A_2161, %parallel_loop3A_2162] {strides = array<i32>} : memref<2x128x128xf32, #tpu.memory_space<vmem>>, vector<16xf32>,
        %parallel_loop3A_2164 = arith.mulf %parallel_loop3A_2155, %parallel_loop3A_2163 : vector<16xf32>
        %parallel_loop3A_2165 = arith.addf %parallel_loop3A_2093, %parallel_loop3A_2164 : vector<16xf32>
        %parallel_loop3A_2166 = arith.constant 12 : i32
        %parallel_loop3A_2167 = arith.addi %parallel_loop3A_151, %parallel_loop3A_2166 : i32
        %parallel_loop3A_2168 = arith.constant 2 : i32
        %parallel_loop3A_2169 = arith.addi %parallel_loop3A_2167, %parallel_loop3A_2168 : i32
        %parallel_loop3A_2170 = arith.index_cast %select_n3A_99 : i32 to index
        %parallel_loop3A_2171 = arith.index_cast %parallel_loop3A_2169 : i32 to index
        %parallel_loop3A_2172 = arith.constant 48 : index
        %parallel_loop3A_2173 = tpu.vector_load %arg13[%parallel_loop3A_2170, %parallel_loop3A_2171, %parallel_loop3A_2172] {strides = array<i32>} : memref<2x128x128xf32, #tpu.memory_space<vmem>>, vector<16xf32>,
        %parallel_loop3A_2174 = arith.constant 12 : i32
        %parallel_loop3A_2175 = arith.addi %parallel_loop3A_151, %parallel_loop3A_2174 : i32
        %parallel_loop3A_2176 = arith.constant 2 : i32
        %parallel_loop3A_2177 = arith.addi %parallel_loop3A_2175, %parallel_loop3A_2176 : i32
        %parallel_loop3A_2178 = arith.index_cast %select_n3A_99 : i32 to index
        %parallel_loop3A_2179 = arith.index_cast %parallel_loop3A_2177 : i32 to index
        %parallel_loop3A_2180 = arith.constant 48 : index
        %parallel_loop3A_2181 = tpu.vector_load %arg14[%parallel_loop3A_2178, %parallel_loop3A_2179, %parallel_loop3A_2180] {strides = array<i32>} : memref<2x128x128xf32, #tpu.memory_space<vmem>>, vector<16xf32>,
        %parallel_loop3A_2182 = arith.mulf %parallel_loop3A_2173, %parallel_loop3A_2181 : vector<16xf32>
        %parallel_loop3A_2183 = arith.addf %parallel_loop3A_2111, %parallel_loop3A_2182 : vector<16xf32>
        %parallel_loop3A_2184 = arith.constant 12 : i32
        %parallel_loop3A_2185 = arith.addi %parallel_loop3A_151, %parallel_loop3A_2184 : i32
        %parallel_loop3A_2186 = arith.constant 3 : i32
        %parallel_loop3A_2187 = arith.addi %parallel_loop3A_2185, %parallel_loop3A_2186 : i32
        %parallel_loop3A_2188 = arith.index_cast %select_n3A_99 : i32 to index
        %parallel_loop3A_2189 = arith.index_cast %parallel_loop3A_2187 : i32 to index
        %parallel_loop3A_2190 = arith.constant 48 : index
        %parallel_loop3A_2191 = tpu.vector_load %arg13[%parallel_loop3A_2188, %parallel_loop3A_2189, %parallel_loop3A_2190] {strides = array<i32>} : memref<2x128x128xf32, #tpu.memory_space<vmem>>, vector<16xf32>,
        %parallel_loop3A_2192 = arith.constant 12 : i32
        %parallel_loop3A_2193 = arith.addi %parallel_loop3A_151, %parallel_loop3A_2192 : i32
        %parallel_loop3A_2194 = arith.constant 3 : i32
        %parallel_loop3A_2195 = arith.addi %parallel_loop3A_2193, %parallel_loop3A_2194 : i32
        %parallel_loop3A_2196 = arith.index_cast %select_n3A_99 : i32 to index
        %parallel_loop3A_2197 = arith.index_cast %parallel_loop3A_2195 : i32 to index
        %parallel_loop3A_2198 = arith.constant 48 : index
        %parallel_loop3A_2199 = tpu.vector_load %arg14[%parallel_loop3A_2196, %parallel_loop3A_2197, %parallel_loop3A_2198] {strides = array<i32>} : memref<2x128x128xf32, #tpu.memory_space<vmem>>, vector<16xf32>,
        %parallel_loop3A_2200 = arith.mulf %parallel_loop3A_2191, %parallel_loop3A_2199 : vector<16xf32>
        %parallel_loop3A_2201 = arith.addf %parallel_loop3A_2129, %parallel_loop3A_2200 : vector<16xf32>
        %parallel_loop3A_2202 = arith.constant 12 : i32
        %parallel_loop3A_2203 = arith.addi %parallel_loop3A_151, %parallel_loop3A_2202 : i32
        %parallel_loop3A_2204 = arith.constant 0 : i32
        %parallel_loop3A_2205 = arith.addi %parallel_loop3A_2203, %parallel_loop3A_2204 : i32
        %parallel_loop3A_2206 = arith.index_cast %select_n3A_99 : i32 to index
        %parallel_loop3A_2207 = arith.index_cast %parallel_loop3A_2205 : i32 to index
        %parallel_loop3A_2208 = arith.constant 64 : index
        %parallel_loop3A_2209 = tpu.vector_load %arg13[%parallel_loop3A_2206, %parallel_loop3A_2207, %parallel_loop3A_2208] {strides = array<i32>} : memref<2x128x128xf32, #tpu.memory_space<vmem>>, vector<16xf32>,
        %parallel_loop3A_2210 = arith.constant 12 : i32
        %parallel_loop3A_2211 = arith.addi %parallel_loop3A_151, %parallel_loop3A_2210 : i32
        %parallel_loop3A_2212 = arith.constant 0 : i32
        %parallel_loop3A_2213 = arith.addi %parallel_loop3A_2211, %parallel_loop3A_2212 : i32
        %parallel_loop3A_2214 = arith.index_cast %select_n3A_99 : i32 to index
        %parallel_loop3A_2215 = arith.index_cast %parallel_loop3A_2213 : i32 to index
        %parallel_loop3A_2216 = arith.constant 64 : index
        %parallel_loop3A_2217 = tpu.vector_load %arg14[%parallel_loop3A_2214, %parallel_loop3A_2215, %parallel_loop3A_2216] {strides = array<i32>} : memref<2x128x128xf32, #tpu.memory_space<vmem>>, vector<16xf32>,
        %parallel_loop3A_2218 = arith.mulf %parallel_loop3A_2209, %parallel_loop3A_2217 : vector<16xf32>
        %parallel_loop3A_2219 = arith.addf %parallel_loop3A_2147, %parallel_loop3A_2218 : vector<16xf32>
        %parallel_loop3A_2220 = arith.constant 12 : i32
        %parallel_loop3A_2221 = arith.addi %parallel_loop3A_151, %parallel_loop3A_2220 : i32
        %parallel_loop3A_2222 = arith.constant 1 : i32
        %parallel_loop3A_2223 = arith.addi %parallel_loop3A_2221, %parallel_loop3A_2222 : i32
        %parallel_loop3A_2224 = arith.index_cast %select_n3A_99 : i32 to index
        %parallel_loop3A_2225 = arith.index_cast %parallel_loop3A_2223 : i32 to index
        %parallel_loop3A_2226 = arith.constant 64 : index
        %parallel_loop3A_2227 = tpu.vector_load %arg13[%parallel_loop3A_2224, %parallel_loop3A_2225, %parallel_loop3A_2226] {strides = array<i32>} : memref<2x128x128xf32, #tpu.memory_space<vmem>>, vector<16xf32>,
        %parallel_loop3A_2228 = arith.constant 12 : i32
        %parallel_loop3A_2229 = arith.addi %parallel_loop3A_151, %parallel_loop3A_2228 : i32
        %parallel_loop3A_2230 = arith.constant 1 : i32
        %parallel_loop3A_2231 = arith.addi %parallel_loop3A_2229, %parallel_loop3A_2230 : i32
        %parallel_loop3A_2232 = arith.index_cast %select_n3A_99 : i32 to index
        %parallel_loop3A_2233 = arith.index_cast %parallel_loop3A_2231 : i32 to index
        %parallel_loop3A_2234 = arith.constant 64 : index
        %parallel_loop3A_2235 = tpu.vector_load %arg14[%parallel_loop3A_2232, %parallel_loop3A_2233, %parallel_loop3A_2234] {strides = array<i32>} : memref<2x128x128xf32, #tpu.memory_space<vmem>>, vector<16xf32>,
        %parallel_loop3A_2236 = arith.mulf %parallel_loop3A_2227, %parallel_loop3A_2235 : vector<16xf32>
        %parallel_loop3A_2237 = arith.addf %parallel_loop3A_2165, %parallel_loop3A_2236 : vector<16xf32>
        %parallel_loop3A_2238 = arith.constant 12 : i32
        %parallel_loop3A_2239 = arith.addi %parallel_loop3A_151, %parallel_loop3A_2238 : i32
        %parallel_loop3A_2240 = arith.constant 2 : i32
        %parallel_loop3A_2241 = arith.addi %parallel_loop3A_2239, %parallel_loop3A_2240 : i32
        %parallel_loop3A_2242 = arith.index_cast %select_n3A_99 : i32 to index
        %parallel_loop3A_2243 = arith.index_cast %parallel_loop3A_2241 : i32 to index
        %parallel_loop3A_2244 = arith.constant 64 : index
        %parallel_loop3A_2245 = tpu.vector_load %arg13[%parallel_loop3A_2242, %parallel_loop3A_2243, %parallel_loop3A_2244] {strides = array<i32>} : memref<2x128x128xf32, #tpu.memory_space<vmem>>, vector<16xf32>,
        %parallel_loop3A_2246 = arith.constant 12 : i32
        %parallel_loop3A_2247 = arith.addi %parallel_loop3A_151, %parallel_loop3A_2246 : i32
        %parallel_loop3A_2248 = arith.constant 2 : i32
        %parallel_loop3A_2249 = arith.addi %parallel_loop3A_2247, %parallel_loop3A_2248 : i32
        %parallel_loop3A_2250 = arith.index_cast %select_n3A_99 : i32 to index
        %parallel_loop3A_2251 = arith.index_cast %parallel_loop3A_2249 : i32 to index
        %parallel_loop3A_2252 = arith.constant 64 : index
        %parallel_loop3A_2253 = tpu.vector_load %arg14[%parallel_loop3A_2250, %parallel_loop3A_2251, %parallel_loop3A_2252] {strides = array<i32>} : memref<2x128x128xf32, #tpu.memory_space<vmem>>, vector<16xf32>,
        %parallel_loop3A_2254 = arith.mulf %parallel_loop3A_2245, %parallel_loop3A_2253 : vector<16xf32>
        %parallel_loop3A_2255 = arith.addf %parallel_loop3A_2183, %parallel_loop3A_2254 : vector<16xf32>
        %parallel_loop3A_2256 = arith.constant 12 : i32
        %parallel_loop3A_2257 = arith.addi %parallel_loop3A_151, %parallel_loop3A_2256 : i32
        %parallel_loop3A_2258 = arith.constant 3 : i32
        %parallel_loop3A_2259 = arith.addi %parallel_loop3A_2257, %parallel_loop3A_2258 : i32
        %parallel_loop3A_2260 = arith.index_cast %select_n3A_99 : i32 to index
        %parallel_loop3A_2261 = arith.index_cast %parallel_loop3A_2259 : i32 to index
        %parallel_loop3A_2262 = arith.constant 64 : index
        %parallel_loop3A_2263 = tpu.vector_load %arg13[%parallel_loop3A_2260, %parallel_loop3A_2261, %parallel_loop3A_2262] {strides = array<i32>} : memref<2x128x128xf32, #tpu.memory_space<vmem>>, vector<16xf32>,
        %parallel_loop3A_2264 = arith.constant 12 : i32
        %parallel_loop3A_2265 = arith.addi %parallel_loop3A_151, %parallel_loop3A_2264 : i32
        %parallel_loop3A_2266 = arith.constant 3 : i32
        %parallel_loop3A_2267 = arith.addi %parallel_loop3A_2265, %parallel_loop3A_2266 : i32
        %parallel_loop3A_2268 = arith.index_cast %select_n3A_99 : i32 to index
        %parallel_loop3A_2269 = arith.index_cast %parallel_loop3A_2267 : i32 to index
        %parallel_loop3A_2270 = arith.constant 64 : index
        %parallel_loop3A_2271 = tpu.vector_load %arg14[%parallel_loop3A_2268, %parallel_loop3A_2269, %parallel_loop3A_2270] {strides = array<i32>} : memref<2x128x128xf32, #tpu.memory_space<vmem>>, vector<16xf32>,
        %parallel_loop3A_2272 = arith.mulf %parallel_loop3A_2263, %parallel_loop3A_2271 : vector<16xf32>
        %parallel_loop3A_2273 = arith.addf %parallel_loop3A_2201, %parallel_loop3A_2272 : vector<16xf32>
        %parallel_loop3A_2274 = arith.constant 12 : i32
        %parallel_loop3A_2275 = arith.addi %parallel_loop3A_151, %parallel_loop3A_2274 : i32
        %parallel_loop3A_2276 = arith.constant 0 : i32
        %parallel_loop3A_2277 = arith.addi %parallel_loop3A_2275, %parallel_loop3A_2276 : i32
        %parallel_loop3A_2278 = arith.index_cast %select_n3A_99 : i32 to index
        %parallel_loop3A_2279 = arith.index_cast %parallel_loop3A_2277 : i32 to index
        %parallel_loop3A_2280 = arith.constant 80 : index
        %parallel_loop3A_2281 = tpu.vector_load %arg13[%parallel_loop3A_2278, %parallel_loop3A_2279, %parallel_loop3A_2280] {strides = array<i32>} : memref<2x128x128xf32, #tpu.memory_space<vmem>>, vector<16xf32>,
        %parallel_loop3A_2282 = arith.constant 12 : i32
        %parallel_loop3A_2283 = arith.addi %parallel_loop3A_151, %parallel_loop3A_2282 : i32
        %parallel_loop3A_2284 = arith.constant 0 : i32
        %parallel_loop3A_2285 = arith.addi %parallel_loop3A_2283, %parallel_loop3A_2284 : i32
        %parallel_loop3A_2286 = arith.index_cast %select_n3A_99 : i32 to index
        %parallel_loop3A_2287 = arith.index_cast %parallel_loop3A_2285 : i32 to index
        %parallel_loop3A_2288 = arith.constant 80 : index
        %parallel_loop3A_2289 = tpu.vector_load %arg14[%parallel_loop3A_2286, %parallel_loop3A_2287, %parallel_loop3A_2288] {strides = array<i32>} : memref<2x128x128xf32, #tpu.memory_space<vmem>>, vector<16xf32>,
        %parallel_loop3A_2290 = arith.mulf %parallel_loop3A_2281, %parallel_loop3A_2289 : vector<16xf32>
        %parallel_loop3A_2291 = arith.addf %parallel_loop3A_2219, %parallel_loop3A_2290 : vector<16xf32>
        %parallel_loop3A_2292 = arith.constant 12 : i32
        %parallel_loop3A_2293 = arith.addi %parallel_loop3A_151, %parallel_loop3A_2292 : i32
        %parallel_loop3A_2294 = arith.constant 1 : i32
        %parallel_loop3A_2295 = arith.addi %parallel_loop3A_2293, %parallel_loop3A_2294 : i32
        %parallel_loop3A_2296 = arith.index_cast %select_n3A_99 : i32 to index
        %parallel_loop3A_2297 = arith.index_cast %parallel_loop3A_2295 : i32 to index
        %parallel_loop3A_2298 = arith.constant 80 : index
        %parallel_loop3A_2299 = tpu.vector_load %arg13[%parallel_loop3A_2296, %parallel_loop3A_2297, %parallel_loop3A_2298] {strides = array<i32>} : memref<2x128x128xf32, #tpu.memory_space<vmem>>, vector<16xf32>,
        %parallel_loop3A_2300 = arith.constant 12 : i32
        %parallel_loop3A_2301 = arith.addi %parallel_loop3A_151, %parallel_loop3A_2300 : i32
        %parallel_loop3A_2302 = arith.constant 1 : i32
        %parallel_loop3A_2303 = arith.addi %parallel_loop3A_2301, %parallel_loop3A_2302 : i32
        %parallel_loop3A_2304 = arith.index_cast %select_n3A_99 : i32 to index
        %parallel_loop3A_2305 = arith.index_cast %parallel_loop3A_2303 : i32 to index
        %parallel_loop3A_2306 = arith.constant 80 : index
        %parallel_loop3A_2307 = tpu.vector_load %arg14[%parallel_loop3A_2304, %parallel_loop3A_2305, %parallel_loop3A_2306] {strides = array<i32>} : memref<2x128x128xf32, #tpu.memory_space<vmem>>, vector<16xf32>,
        %parallel_loop3A_2308 = arith.mulf %parallel_loop3A_2299, %parallel_loop3A_2307 : vector<16xf32>
        %parallel_loop3A_2309 = arith.addf %parallel_loop3A_2237, %parallel_loop3A_2308 : vector<16xf32>
        %parallel_loop3A_2310 = arith.constant 12 : i32
        %parallel_loop3A_2311 = arith.addi %parallel_loop3A_151, %parallel_loop3A_2310 : i32
        %parallel_loop3A_2312 = arith.constant 2 : i32
        %parallel_loop3A_2313 = arith.addi %parallel_loop3A_2311, %parallel_loop3A_2312 : i32
        %parallel_loop3A_2314 = arith.index_cast %select_n3A_99 : i32 to index
        %parallel_loop3A_2315 = arith.index_cast %parallel_loop3A_2313 : i32 to index
        %parallel_loop3A_2316 = arith.constant 80 : index
        %parallel_loop3A_2317 = tpu.vector_load %arg13[%parallel_loop3A_2314, %parallel_loop3A_2315, %parallel_loop3A_2316] {strides = array<i32>} : memref<2x128x128xf32, #tpu.memory_space<vmem>>, vector<16xf32>,
        %parallel_loop3A_2318 = arith.constant 12 : i32
        %parallel_loop3A_2319 = arith.addi %parallel_loop3A_151, %parallel_loop3A_2318 : i32
        %parallel_loop3A_2320 = arith.constant 2 : i32
        %parallel_loop3A_2321 = arith.addi %parallel_loop3A_2319, %parallel_loop3A_2320 : i32
        %parallel_loop3A_2322 = arith.index_cast %select_n3A_99 : i32 to index
        %parallel_loop3A_2323 = arith.index_cast %parallel_loop3A_2321 : i32 to index
        %parallel_loop3A_2324 = arith.constant 80 : index
        %parallel_loop3A_2325 = tpu.vector_load %arg14[%parallel_loop3A_2322, %parallel_loop3A_2323, %parallel_loop3A_2324] {strides = array<i32>} : memref<2x128x128xf32, #tpu.memory_space<vmem>>, vector<16xf32>,
        %parallel_loop3A_2326 = arith.mulf %parallel_loop3A_2317, %parallel_loop3A_2325 : vector<16xf32>
        %parallel_loop3A_2327 = arith.addf %parallel_loop3A_2255, %parallel_loop3A_2326 : vector<16xf32>
        %parallel_loop3A_2328 = arith.constant 12 : i32
        %parallel_loop3A_2329 = arith.addi %parallel_loop3A_151, %parallel_loop3A_2328 : i32
        %parallel_loop3A_2330 = arith.constant 3 : i32
        %parallel_loop3A_2331 = arith.addi %parallel_loop3A_2329, %parallel_loop3A_2330 : i32
        %parallel_loop3A_2332 = arith.index_cast %select_n3A_99 : i32 to index
        %parallel_loop3A_2333 = arith.index_cast %parallel_loop3A_2331 : i32 to index
        %parallel_loop3A_2334 = arith.constant 80 : index
        %parallel_loop3A_2335 = tpu.vector_load %arg13[%parallel_loop3A_2332, %parallel_loop3A_2333, %parallel_loop3A_2334] {strides = array<i32>} : memref<2x128x128xf32, #tpu.memory_space<vmem>>, vector<16xf32>,
        %parallel_loop3A_2336 = arith.constant 12 : i32
        %parallel_loop3A_2337 = arith.addi %parallel_loop3A_151, %parallel_loop3A_2336 : i32
        %parallel_loop3A_2338 = arith.constant 3 : i32
        %parallel_loop3A_2339 = arith.addi %parallel_loop3A_2337, %parallel_loop3A_2338 : i32
        %parallel_loop3A_2340 = arith.index_cast %select_n3A_99 : i32 to index
        %parallel_loop3A_2341 = arith.index_cast %parallel_loop3A_2339 : i32 to index
        %parallel_loop3A_2342 = arith.constant 80 : index
        %parallel_loop3A_2343 = tpu.vector_load %arg14[%parallel_loop3A_2340, %parallel_loop3A_2341, %parallel_loop3A_2342] {strides = array<i32>} : memref<2x128x128xf32, #tpu.memory_space<vmem>>, vector<16xf32>,
        %parallel_loop3A_2344 = arith.mulf %parallel_loop3A_2335, %parallel_loop3A_2343 : vector<16xf32>
        %parallel_loop3A_2345 = arith.addf %parallel_loop3A_2273, %parallel_loop3A_2344 : vector<16xf32>
        %parallel_loop3A_2346 = arith.constant 12 : i32
        %parallel_loop3A_2347 = arith.addi %parallel_loop3A_151, %parallel_loop3A_2346 : i32
        %parallel_loop3A_2348 = arith.constant 0 : i32
        %parallel_loop3A_2349 = arith.addi %parallel_loop3A_2347, %parallel_loop3A_2348 : i32
        %parallel_loop3A_2350 = arith.index_cast %select_n3A_99 : i32 to index
        %parallel_loop3A_2351 = arith.index_cast %parallel_loop3A_2349 : i32 to index
        %parallel_loop3A_2352 = arith.constant 96 : index
        %parallel_loop3A_2353 = tpu.vector_load %arg13[%parallel_loop3A_2350, %parallel_loop3A_2351, %parallel_loop3A_2352] {strides = array<i32>} : memref<2x128x128xf32, #tpu.memory_space<vmem>>, vector<16xf32>,
        %parallel_loop3A_2354 = arith.constant 12 : i32
        %parallel_loop3A_2355 = arith.addi %parallel_loop3A_151, %parallel_loop3A_2354 : i32
        %parallel_loop3A_2356 = arith.constant 0 : i32
        %parallel_loop3A_2357 = arith.addi %parallel_loop3A_2355, %parallel_loop3A_2356 : i32
        %parallel_loop3A_2358 = arith.index_cast %select_n3A_99 : i32 to index
        %parallel_loop3A_2359 = arith.index_cast %parallel_loop3A_2357 : i32 to index
        %parallel_loop3A_2360 = arith.constant 96 : index
        %parallel_loop3A_2361 = tpu.vector_load %arg14[%parallel_loop3A_2358, %parallel_loop3A_2359, %parallel_loop3A_2360] {strides = array<i32>} : memref<2x128x128xf32, #tpu.memory_space<vmem>>, vector<16xf32>,
        %parallel_loop3A_2362 = arith.mulf %parallel_loop3A_2353, %parallel_loop3A_2361 : vector<16xf32>
        %parallel_loop3A_2363 = arith.addf %parallel_loop3A_2291, %parallel_loop3A_2362 : vector<16xf32>
        %parallel_loop3A_2364 = arith.constant 12 : i32
        %parallel_loop3A_2365 = arith.addi %parallel_loop3A_151, %parallel_loop3A_2364 : i32
        %parallel_loop3A_2366 = arith.constant 1 : i32
        %parallel_loop3A_2367 = arith.addi %parallel_loop3A_2365, %parallel_loop3A_2366 : i32
        %parallel_loop3A_2368 = arith.index_cast %select_n3A_99 : i32 to index
        %parallel_loop3A_2369 = arith.index_cast %parallel_loop3A_2367 : i32 to index
        %parallel_loop3A_2370 = arith.constant 96 : index
        %parallel_loop3A_2371 = tpu.vector_load %arg13[%parallel_loop3A_2368, %parallel_loop3A_2369, %parallel_loop3A_2370] {strides = array<i32>} : memref<2x128x128xf32, #tpu.memory_space<vmem>>, vector<16xf32>,
        %parallel_loop3A_2372 = arith.constant 12 : i32
        %parallel_loop3A_2373 = arith.addi %parallel_loop3A_151, %parallel_loop3A_2372 : i32
        %parallel_loop3A_2374 = arith.constant 1 : i32
        %parallel_loop3A_2375 = arith.addi %parallel_loop3A_2373, %parallel_loop3A_2374 : i32
        %parallel_loop3A_2376 = arith.index_cast %select_n3A_99 : i32 to index
        %parallel_loop3A_2377 = arith.index_cast %parallel_loop3A_2375 : i32 to index
        %parallel_loop3A_2378 = arith.constant 96 : index
        %parallel_loop3A_2379 = tpu.vector_load %arg14[%parallel_loop3A_2376, %parallel_loop3A_2377, %parallel_loop3A_2378] {strides = array<i32>} : memref<2x128x128xf32, #tpu.memory_space<vmem>>, vector<16xf32>,
        %parallel_loop3A_2380 = arith.mulf %parallel_loop3A_2371, %parallel_loop3A_2379 : vector<16xf32>
        %parallel_loop3A_2381 = arith.addf %parallel_loop3A_2309, %parallel_loop3A_2380 : vector<16xf32>
        %parallel_loop3A_2382 = arith.constant 12 : i32
        %parallel_loop3A_2383 = arith.addi %parallel_loop3A_151, %parallel_loop3A_2382 : i32
        %parallel_loop3A_2384 = arith.constant 2 : i32
        %parallel_loop3A_2385 = arith.addi %parallel_loop3A_2383, %parallel_loop3A_2384 : i32
        %parallel_loop3A_2386 = arith.index_cast %select_n3A_99 : i32 to index
        %parallel_loop3A_2387 = arith.index_cast %parallel_loop3A_2385 : i32 to index
        %parallel_loop3A_2388 = arith.constant 96 : index
        %parallel_loop3A_2389 = tpu.vector_load %arg13[%parallel_loop3A_2386, %parallel_loop3A_2387, %parallel_loop3A_2388] {strides = array<i32>} : memref<2x128x128xf32, #tpu.memory_space<vmem>>, vector<16xf32>,
        %parallel_loop3A_2390 = arith.constant 12 : i32
        %parallel_loop3A_2391 = arith.addi %parallel_loop3A_151, %parallel_loop3A_2390 : i32
        %parallel_loop3A_2392 = arith.constant 2 : i32
        %parallel_loop3A_2393 = arith.addi %parallel_loop3A_2391, %parallel_loop3A_2392 : i32
        %parallel_loop3A_2394 = arith.index_cast %select_n3A_99 : i32 to index
        %parallel_loop3A_2395 = arith.index_cast %parallel_loop3A_2393 : i32 to index
        %parallel_loop3A_2396 = arith.constant 96 : index
        %parallel_loop3A_2397 = tpu.vector_load %arg14[%parallel_loop3A_2394, %parallel_loop3A_2395, %parallel_loop3A_2396] {strides = array<i32>} : memref<2x128x128xf32, #tpu.memory_space<vmem>>, vector<16xf32>,
        %parallel_loop3A_2398 = arith.mulf %parallel_loop3A_2389, %parallel_loop3A_2397 : vector<16xf32>
        %parallel_loop3A_2399 = arith.addf %parallel_loop3A_2327, %parallel_loop3A_2398 : vector<16xf32>
        %parallel_loop3A_2400 = arith.constant 12 : i32
        %parallel_loop3A_2401 = arith.addi %parallel_loop3A_151, %parallel_loop3A_2400 : i32
        %parallel_loop3A_2402 = arith.constant 3 : i32
        %parallel_loop3A_2403 = arith.addi %parallel_loop3A_2401, %parallel_loop3A_2402 : i32
        %parallel_loop3A_2404 = arith.index_cast %select_n3A_99 : i32 to index
        %parallel_loop3A_2405 = arith.index_cast %parallel_loop3A_2403 : i32 to index
        %parallel_loop3A_2406 = arith.constant 96 : index
        %parallel_loop3A_2407 = tpu.vector_load %arg13[%parallel_loop3A_2404, %parallel_loop3A_2405, %parallel_loop3A_2406] {strides = array<i32>} : memref<2x128x128xf32, #tpu.memory_space<vmem>>, vector<16xf32>,
        %parallel_loop3A_2408 = arith.constant 12 : i32
        %parallel_loop3A_2409 = arith.addi %parallel_loop3A_151, %parallel_loop3A_2408 : i32
        %parallel_loop3A_2410 = arith.constant 3 : i32
        %parallel_loop3A_2411 = arith.addi %parallel_loop3A_2409, %parallel_loop3A_2410 : i32
        %parallel_loop3A_2412 = arith.index_cast %select_n3A_99 : i32 to index
        %parallel_loop3A_2413 = arith.index_cast %parallel_loop3A_2411 : i32 to index
        %parallel_loop3A_2414 = arith.constant 96 : index
        %parallel_loop3A_2415 = tpu.vector_load %arg14[%parallel_loop3A_2412, %parallel_loop3A_2413, %parallel_loop3A_2414] {strides = array<i32>} : memref<2x128x128xf32, #tpu.memory_space<vmem>>, vector<16xf32>,
        %parallel_loop3A_2416 = arith.mulf %parallel_loop3A_2407, %parallel_loop3A_2415 : vector<16xf32>
        %parallel_loop3A_2417 = arith.addf %parallel_loop3A_2345, %parallel_loop3A_2416 : vector<16xf32>
        %parallel_loop3A_2418 = arith.constant 12 : i32
        %parallel_loop3A_2419 = arith.addi %parallel_loop3A_151, %parallel_loop3A_2418 : i32
        %parallel_loop3A_2420 = arith.constant 0 : i32
        %parallel_loop3A_2421 = arith.addi %parallel_loop3A_2419, %parallel_loop3A_2420 : i32
        %parallel_loop3A_2422 = arith.index_cast %select_n3A_99 : i32 to index
        %parallel_loop3A_2423 = arith.index_cast %parallel_loop3A_2421 : i32 to index
        %parallel_loop3A_2424 = arith.constant 112 : index
        %parallel_loop3A_2425 = tpu.vector_load %arg13[%parallel_loop3A_2422, %parallel_loop3A_2423, %parallel_loop3A_2424] {strides = array<i32>} : memref<2x128x128xf32, #tpu.memory_space<vmem>>, vector<16xf32>,
        %parallel_loop3A_2426 = arith.constant 12 : i32
        %parallel_loop3A_2427 = arith.addi %parallel_loop3A_151, %parallel_loop3A_2426 : i32
        %parallel_loop3A_2428 = arith.constant 0 : i32
        %parallel_loop3A_2429 = arith.addi %parallel_loop3A_2427, %parallel_loop3A_2428 : i32
        %parallel_loop3A_2430 = arith.index_cast %select_n3A_99 : i32 to index
        %parallel_loop3A_2431 = arith.index_cast %parallel_loop3A_2429 : i32 to index
        %parallel_loop3A_2432 = arith.constant 112 : index
        %parallel_loop3A_2433 = tpu.vector_load %arg14[%parallel_loop3A_2430, %parallel_loop3A_2431, %parallel_loop3A_2432] {strides = array<i32>} : memref<2x128x128xf32, #tpu.memory_space<vmem>>, vector<16xf32>,
        %parallel_loop3A_2434 = arith.mulf %parallel_loop3A_2425, %parallel_loop3A_2433 : vector<16xf32>
        %parallel_loop3A_2435 = arith.addf %parallel_loop3A_2363, %parallel_loop3A_2434 : vector<16xf32>
        %parallel_loop3A_2436 = arith.constant 12 : i32
        %parallel_loop3A_2437 = arith.addi %parallel_loop3A_151, %parallel_loop3A_2436 : i32
        %parallel_loop3A_2438 = arith.constant 1 : i32
        %parallel_loop3A_2439 = arith.addi %parallel_loop3A_2437, %parallel_loop3A_2438 : i32
        %parallel_loop3A_2440 = arith.index_cast %select_n3A_99 : i32 to index
        %parallel_loop3A_2441 = arith.index_cast %parallel_loop3A_2439 : i32 to index
        %parallel_loop3A_2442 = arith.constant 112 : index
        %parallel_loop3A_2443 = tpu.vector_load %arg13[%parallel_loop3A_2440, %parallel_loop3A_2441, %parallel_loop3A_2442] {strides = array<i32>} : memref<2x128x128xf32, #tpu.memory_space<vmem>>, vector<16xf32>,
        %parallel_loop3A_2444 = arith.constant 12 : i32
        %parallel_loop3A_2445 = arith.addi %parallel_loop3A_151, %parallel_loop3A_2444 : i32
        %parallel_loop3A_2446 = arith.constant 1 : i32
        %parallel_loop3A_2447 = arith.addi %parallel_loop3A_2445, %parallel_loop3A_2446 : i32
        %parallel_loop3A_2448 = arith.index_cast %select_n3A_99 : i32 to index
        %parallel_loop3A_2449 = arith.index_cast %parallel_loop3A_2447 : i32 to index
        %parallel_loop3A_2450 = arith.constant 112 : index
        %parallel_loop3A_2451 = tpu.vector_load %arg14[%parallel_loop3A_2448, %parallel_loop3A_2449, %parallel_loop3A_2450] {strides = array<i32>} : memref<2x128x128xf32, #tpu.memory_space<vmem>>, vector<16xf32>,
        %parallel_loop3A_2452 = arith.mulf %parallel_loop3A_2443, %parallel_loop3A_2451 : vector<16xf32>
        %parallel_loop3A_2453 = arith.addf %parallel_loop3A_2381, %parallel_loop3A_2452 : vector<16xf32>
        %parallel_loop3A_2454 = arith.constant 12 : i32
        %parallel_loop3A_2455 = arith.addi %parallel_loop3A_151, %parallel_loop3A_2454 : i32
        %parallel_loop3A_2456 = arith.constant 2 : i32
        %parallel_loop3A_2457 = arith.addi %parallel_loop3A_2455, %parallel_loop3A_2456 : i32
        %parallel_loop3A_2458 = arith.index_cast %select_n3A_99 : i32 to index
        %parallel_loop3A_2459 = arith.index_cast %parallel_loop3A_2457 : i32 to index
        %parallel_loop3A_2460 = arith.constant 112 : index
        %parallel_loop3A_2461 = tpu.vector_load %arg13[%parallel_loop3A_2458, %parallel_loop3A_2459, %parallel_loop3A_2460] {strides = array<i32>} : memref<2x128x128xf32, #tpu.memory_space<vmem>>, vector<16xf32>,
        %parallel_loop3A_2462 = arith.constant 12 : i32
        %parallel_loop3A_2463 = arith.addi %parallel_loop3A_151, %parallel_loop3A_2462 : i32
        %parallel_loop3A_2464 = arith.constant 2 : i32
        %parallel_loop3A_2465 = arith.addi %parallel_loop3A_2463, %parallel_loop3A_2464 : i32
        %parallel_loop3A_2466 = arith.index_cast %select_n3A_99 : i32 to index
        %parallel_loop3A_2467 = arith.index_cast %parallel_loop3A_2465 : i32 to index
        %parallel_loop3A_2468 = arith.constant 112 : index
        %parallel_loop3A_2469 = tpu.vector_load %arg14[%parallel_loop3A_2466, %parallel_loop3A_2467, %parallel_loop3A_2468] {strides = array<i32>} : memref<2x128x128xf32, #tpu.memory_space<vmem>>, vector<16xf32>,
        %parallel_loop3A_2470 = arith.mulf %parallel_loop3A_2461, %parallel_loop3A_2469 : vector<16xf32>
        %parallel_loop3A_2471 = arith.addf %parallel_loop3A_2399, %parallel_loop3A_2470 : vector<16xf32>
        %parallel_loop3A_2472 = arith.constant 12 : i32
        %parallel_loop3A_2473 = arith.addi %parallel_loop3A_151, %parallel_loop3A_2472 : i32
        %parallel_loop3A_2474 = arith.constant 3 : i32
        %parallel_loop3A_2475 = arith.addi %parallel_loop3A_2473, %parallel_loop3A_2474 : i32
        %parallel_loop3A_2476 = arith.index_cast %select_n3A_99 : i32 to index
        %parallel_loop3A_2477 = arith.index_cast %parallel_loop3A_2475 : i32 to index
        %parallel_loop3A_2478 = arith.constant 112 : index
        %parallel_loop3A_2479 = tpu.vector_load %arg13[%parallel_loop3A_2476, %parallel_loop3A_2477, %parallel_loop3A_2478] {strides = array<i32>} : memref<2x128x128xf32, #tpu.memory_space<vmem>>, vector<16xf32>,
        %parallel_loop3A_2480 = arith.constant 12 : i32
        %parallel_loop3A_2481 = arith.addi %parallel_loop3A_151, %parallel_loop3A_2480 : i32
        %parallel_loop3A_2482 = arith.constant 3 : i32
        %parallel_loop3A_2483 = arith.addi %parallel_loop3A_2481, %parallel_loop3A_2482 : i32
        %parallel_loop3A_2484 = arith.index_cast %select_n3A_99 : i32 to index
        %parallel_loop3A_2485 = arith.index_cast %parallel_loop3A_2483 : i32 to index
        %parallel_loop3A_2486 = arith.constant 112 : index
        %parallel_loop3A_2487 = tpu.vector_load %arg14[%parallel_loop3A_2484, %parallel_loop3A_2485, %parallel_loop3A_2486] {strides = array<i32>} : memref<2x128x128xf32, #tpu.memory_space<vmem>>, vector<16xf32>,
        %parallel_loop3A_2488 = arith.mulf %parallel_loop3A_2479, %parallel_loop3A_2487 : vector<16xf32>
        %parallel_loop3A_2489 = arith.addf %parallel_loop3A_2417, %parallel_loop3A_2488 : vector<16xf32>
        %parallel_loop3A_2490 = arith.constant 192 : i32
        %parallel_loop3A_2491 = arith.addi %parallel_loop3A_153, %parallel_loop3A_2490 : i32
        %parallel_loop3A_2492 = arith.index_cast %parallel_loop3A_2491 : i32 to index
        %parallel_loop3A_2493 = tpu.vector_load %arg17[%parallel_loop3A_2492] {strides = array<i32>} : memref<2048xf32, #tpu.memory_space<vmem>>, vector<16xf32>,
        tpu.vector_store %arg17[%parallel_loop3A_2492], %parallel_loop3A_2435 {strides = array<i32>} : memref<2048xf32, #tpu.memory_space<vmem>>, vector<16xf32>,
        %parallel_loop3A_2494 = arith.constant 208 : i32
        %parallel_loop3A_2495 = arith.addi %parallel_loop3A_153, %parallel_loop3A_2494 : i32
        %parallel_loop3A_2496 = arith.index_cast %parallel_loop3A_2495 : i32 to index
        %parallel_loop3A_2497 = tpu.vector_load %arg17[%parallel_loop3A_2496] {strides = array<i32>} : memref<2048xf32, #tpu.memory_space<vmem>>, vector<16xf32>,
        tpu.vector_store %arg17[%parallel_loop3A_2496], %parallel_loop3A_2453 {strides = array<i32>} : memref<2048xf32, #tpu.memory_space<vmem>>, vector<16xf32>,
        %parallel_loop3A_2498 = arith.constant 224 : i32
        %parallel_loop3A_2499 = arith.addi %parallel_loop3A_153, %parallel_loop3A_2498 : i32
        %parallel_loop3A_2500 = arith.index_cast %parallel_loop3A_2499 : i32 to index
        %parallel_loop3A_2501 = tpu.vector_load %arg17[%parallel_loop3A_2500] {strides = array<i32>} : memref<2048xf32, #tpu.memory_space<vmem>>, vector<16xf32>,
        tpu.vector_store %arg17[%parallel_loop3A_2500], %parallel_loop3A_2471 {strides = array<i32>} : memref<2048xf32, #tpu.memory_space<vmem>>, vector<16xf32>,
        %parallel_loop3A_2502 = arith.constant 240 : i32
        %parallel_loop3A_2503 = arith.addi %parallel_loop3A_153, %parallel_loop3A_2502 : i32
        %parallel_loop3A_2504 = arith.index_cast %parallel_loop3A_2503 : i32 to index
        %parallel_loop3A_2505 = tpu.vector_load %arg17[%parallel_loop3A_2504] {strides = array<i32>} : memref<2048xf32, #tpu.memory_space<vmem>>, vector<16xf32>,
        tpu.vector_store %arg17[%parallel_loop3A_2504], %parallel_loop3A_2489 {strides = array<i32>} : memref<2048xf32, #tpu.memory_space<vmem>>, vector<16xf32>,
        %parallel_loop3A_2506 = vector.broadcast %parallel_loop3A_153 : i32 to vector<16xi32>
        %parallel_loop3A_2507 = arith.addi %mul3A_28, %parallel_loop3A_2506 : vector<16xi32>
        %parallel_loop3A_2508 = tpu.vector_load_idx %arg17[%parallel_loop3A_2507] : memref<2048xf32, #tpu.memory_space<vmem>>[vector<16xi32>], vector<16xf32>,
        %parallel_loop3A_2509 = arith.constant 1 : i32
        %parallel_loop3A_2510 = arith.addi %parallel_loop3A_153, %parallel_loop3A_2509 : i32
        %parallel_loop3A_2511 = vector.broadcast %parallel_loop3A_2510 : i32 to vector<16xi32>
        %parallel_loop3A_2512 = arith.addi %mul3A_28, %parallel_loop3A_2511 : vector<16xi32>
        %parallel_loop3A_2513 = tpu.vector_load_idx %arg17[%parallel_loop3A_2512] : memref<2048xf32, #tpu.memory_space<vmem>>[vector<16xi32>], vector<16xf32>,
        %parallel_loop3A_2514 = arith.constant 2 : i32
        %parallel_loop3A_2515 = arith.addi %parallel_loop3A_153, %parallel_loop3A_2514 : i32
        %parallel_loop3A_2516 = vector.broadcast %parallel_loop3A_2515 : i32 to vector<16xi32>
        %parallel_loop3A_2517 = arith.addi %mul3A_28, %parallel_loop3A_2516 : vector<16xi32>
        %parallel_loop3A_2518 = tpu.vector_load_idx %arg17[%parallel_loop3A_2517] : memref<2048xf32, #tpu.memory_space<vmem>>[vector<16xi32>], vector<16xf32>,
        %parallel_loop3A_2519 = arith.addf %parallel_loop3A_2508, %parallel_loop3A_2518 : vector<16xf32>
        %parallel_loop3A_2520 = arith.constant 2 : i32
        %parallel_loop3A_2521 = arith.addi %parallel_loop3A_153, %parallel_loop3A_2520 : i32
        %parallel_loop3A_2522 = arith.constant 1 : i32
        %parallel_loop3A_2523 = arith.addi %parallel_loop3A_2521, %parallel_loop3A_2522 : i32
        %parallel_loop3A_2524 = vector.broadcast %parallel_loop3A_2523 : i32 to vector<16xi32>
        %parallel_loop3A_2525 = arith.addi %mul3A_28, %parallel_loop3A_2524 : vector<16xi32>
        %parallel_loop3A_2526 = tpu.vector_load_idx %arg17[%parallel_loop3A_2525] : memref<2048xf32, #tpu.memory_space<vmem>>[vector<16xi32>], vector<16xf32>,
        %parallel_loop3A_2527 = arith.addf %parallel_loop3A_2513, %parallel_loop3A_2526 : vector<16xf32>
        %parallel_loop3A_2528 = arith.constant 4 : i32
        %parallel_loop3A_2529 = arith.addi %parallel_loop3A_153, %parallel_loop3A_2528 : i32
        %parallel_loop3A_2530 = vector.broadcast %parallel_loop3A_2529 : i32 to vector<16xi32>
        %parallel_loop3A_2531 = arith.addi %mul3A_28, %parallel_loop3A_2530 : vector<16xi32>
        %parallel_loop3A_2532 = tpu.vector_load_idx %arg17[%parallel_loop3A_2531] : memref<2048xf32, #tpu.memory_space<vmem>>[vector<16xi32>], vector<16xf32>,
        %parallel_loop3A_2533 = arith.addf %parallel_loop3A_2519, %parallel_loop3A_2532 : vector<16xf32>
        %parallel_loop3A_2534 = arith.constant 4 : i32
        %parallel_loop3A_2535 = arith.addi %parallel_loop3A_153, %parallel_loop3A_2534 : i32
        %parallel_loop3A_2536 = arith.constant 1 : i32
        %parallel_loop3A_2537 = arith.addi %parallel_loop3A_2535, %parallel_loop3A_2536 : i32
        %parallel_loop3A_2538 = vector.broadcast %parallel_loop3A_2537 : i32 to vector<16xi32>
        %parallel_loop3A_2539 = arith.addi %mul3A_28, %parallel_loop3A_2538 : vector<16xi32>
        %parallel_loop3A_2540 = tpu.vector_load_idx %arg17[%parallel_loop3A_2539] : memref<2048xf32, #tpu.memory_space<vmem>>[vector<16xi32>], vector<16xf32>,
        %parallel_loop3A_2541 = arith.addf %parallel_loop3A_2527, %parallel_loop3A_2540 : vector<16xf32>
        %parallel_loop3A_2542 = arith.constant 6 : i32
        %parallel_loop3A_2543 = arith.addi %parallel_loop3A_153, %parallel_loop3A_2542 : i32
        %parallel_loop3A_2544 = vector.broadcast %parallel_loop3A_2543 : i32 to vector<16xi32>
        %parallel_loop3A_2545 = arith.addi %mul3A_28, %parallel_loop3A_2544 : vector<16xi32>
        %parallel_loop3A_2546 = tpu.vector_load_idx %arg17[%parallel_loop3A_2545] : memref<2048xf32, #tpu.memory_space<vmem>>[vector<16xi32>], vector<16xf32>,
        %parallel_loop3A_2547 = arith.addf %parallel_loop3A_2533, %parallel_loop3A_2546 : vector<16xf32>
        %parallel_loop3A_2548 = arith.constant 6 : i32
        %parallel_loop3A_2549 = arith.addi %parallel_loop3A_153, %parallel_loop3A_2548 : i32
        %parallel_loop3A_2550 = arith.constant 1 : i32
        %parallel_loop3A_2551 = arith.addi %parallel_loop3A_2549, %parallel_loop3A_2550 : i32
        %parallel_loop3A_2552 = vector.broadcast %parallel_loop3A_2551 : i32 to vector<16xi32>
        %parallel_loop3A_2553 = arith.addi %mul3A_28, %parallel_loop3A_2552 : vector<16xi32>
        %parallel_loop3A_2554 = tpu.vector_load_idx %arg17[%parallel_loop3A_2553] : memref<2048xf32, #tpu.memory_space<vmem>>[vector<16xi32>], vector<16xf32>,
        %parallel_loop3A_2555 = arith.addf %parallel_loop3A_2541, %parallel_loop3A_2554 : vector<16xf32>
        %parallel_loop3A_2556 = arith.constant 8 : i32
        %parallel_loop3A_2557 = arith.addi %parallel_loop3A_153, %parallel_loop3A_2556 : i32
        %parallel_loop3A_2558 = vector.broadcast %parallel_loop3A_2557 : i32 to vector<16xi32>
        %parallel_loop3A_2559 = arith.addi %mul3A_28, %parallel_loop3A_2558 : vector<16xi32>
        %parallel_loop3A_2560 = tpu.vector_load_idx %arg17[%parallel_loop3A_2559] : memref<2048xf32, #tpu.memory_space<vmem>>[vector<16xi32>], vector<16xf32>,
        %parallel_loop3A_2561 = arith.addf %parallel_loop3A_2547, %parallel_loop3A_2560 : vector<16xf32>
        %parallel_loop3A_2562 = arith.constant 8 : i32
        %parallel_loop3A_2563 = arith.addi %parallel_loop3A_153, %parallel_loop3A_2562 : i32
        %parallel_loop3A_2564 = arith.constant 1 : i32
        %parallel_loop3A_2565 = arith.addi %parallel_loop3A_2563, %parallel_loop3A_2564 : i32
        %parallel_loop3A_2566 = vector.broadcast %parallel_loop3A_2565 : i32 to vector<16xi32>
        %parallel_loop3A_2567 = arith.addi %mul3A_28, %parallel_loop3A_2566 : vector<16xi32>
        %parallel_loop3A_2568 = tpu.vector_load_idx %arg17[%parallel_loop3A_2567] : memref<2048xf32, #tpu.memory_space<vmem>>[vector<16xi32>], vector<16xf32>,
        %parallel_loop3A_2569 = arith.addf %parallel_loop3A_2555, %parallel_loop3A_2568 : vector<16xf32>
        %parallel_loop3A_2570 = arith.constant 10 : i32
        %parallel_loop3A_2571 = arith.addi %parallel_loop3A_153, %parallel_loop3A_2570 : i32
        %parallel_loop3A_2572 = vector.broadcast %parallel_loop3A_2571 : i32 to vector<16xi32>
        %parallel_loop3A_2573 = arith.addi %mul3A_28, %parallel_loop3A_2572 : vector<16xi32>
        %parallel_loop3A_2574 = tpu.vector_load_idx %arg17[%parallel_loop3A_2573] : memref<2048xf32, #tpu.memory_space<vmem>>[vector<16xi32>], vector<16xf32>,
        %parallel_loop3A_2575 = arith.addf %parallel_loop3A_2561, %parallel_loop3A_2574 : vector<16xf32>
        %parallel_loop3A_2576 = arith.constant 10 : i32
        %parallel_loop3A_2577 = arith.addi %parallel_loop3A_153, %parallel_loop3A_2576 : i32
        %parallel_loop3A_2578 = arith.constant 1 : i32
        %parallel_loop3A_2579 = arith.addi %parallel_loop3A_2577, %parallel_loop3A_2578 : i32
        %parallel_loop3A_2580 = vector.broadcast %parallel_loop3A_2579 : i32 to vector<16xi32>
        %parallel_loop3A_2581 = arith.addi %mul3A_28, %parallel_loop3A_2580 : vector<16xi32>
        %parallel_loop3A_2582 = tpu.vector_load_idx %arg17[%parallel_loop3A_2581] : memref<2048xf32, #tpu.memory_space<vmem>>[vector<16xi32>], vector<16xf32>,
        %parallel_loop3A_2583 = arith.addf %parallel_loop3A_2569, %parallel_loop3A_2582 : vector<16xf32>
        %parallel_loop3A_2584 = arith.constant 12 : i32
        %parallel_loop3A_2585 = arith.addi %parallel_loop3A_153, %parallel_loop3A_2584 : i32
        %parallel_loop3A_2586 = vector.broadcast %parallel_loop3A_2585 : i32 to vector<16xi32>
        %parallel_loop3A_2587 = arith.addi %mul3A_28, %parallel_loop3A_2586 : vector<16xi32>
        %parallel_loop3A_2588 = tpu.vector_load_idx %arg17[%parallel_loop3A_2587] : memref<2048xf32, #tpu.memory_space<vmem>>[vector<16xi32>], vector<16xf32>,
        %parallel_loop3A_2589 = arith.addf %parallel_loop3A_2575, %parallel_loop3A_2588 : vector<16xf32>
        %parallel_loop3A_2590 = arith.constant 12 : i32
        %parallel_loop3A_2591 = arith.addi %parallel_loop3A_153, %parallel_loop3A_2590 : i32
        %parallel_loop3A_2592 = arith.constant 1 : i32
        %parallel_loop3A_2593 = arith.addi %parallel_loop3A_2591, %parallel_loop3A_2592 : i32
        %parallel_loop3A_2594 = vector.broadcast %parallel_loop3A_2593 : i32 to vector<16xi32>
        %parallel_loop3A_2595 = arith.addi %mul3A_28, %parallel_loop3A_2594 : vector<16xi32>
        %parallel_loop3A_2596 = tpu.vector_load_idx %arg17[%parallel_loop3A_2595] : memref<2048xf32, #tpu.memory_space<vmem>>[vector<16xi32>], vector<16xf32>,
        %parallel_loop3A_2597 = arith.addf %parallel_loop3A_2583, %parallel_loop3A_2596 : vector<16xf32>
        %parallel_loop3A_2598 = arith.constant 14 : i32
        %parallel_loop3A_2599 = arith.addi %parallel_loop3A_153, %parallel_loop3A_2598 : i32
        %parallel_loop3A_2600 = vector.broadcast %parallel_loop3A_2599 : i32 to vector<16xi32>
        %parallel_loop3A_2601 = arith.addi %mul3A_28, %parallel_loop3A_2600 : vector<16xi32>
        %parallel_loop3A_2602 = tpu.vector_load_idx %arg17[%parallel_loop3A_2601] : memref<2048xf32, #tpu.memory_space<vmem>>[vector<16xi32>], vector<16xf32>,
        %parallel_loop3A_2603 = arith.addf %parallel_loop3A_2589, %parallel_loop3A_2602 : vector<16xf32>
        %parallel_loop3A_2604 = arith.constant 14 : i32
        %parallel_loop3A_2605 = arith.addi %parallel_loop3A_153, %parallel_loop3A_2604 : i32
        %parallel_loop3A_2606 = arith.constant 1 : i32
        %parallel_loop3A_2607 = arith.addi %parallel_loop3A_2605, %parallel_loop3A_2606 : i32
        %parallel_loop3A_2608 = vector.broadcast %parallel_loop3A_2607 : i32 to vector<16xi32>
        %parallel_loop3A_2609 = arith.addi %mul3A_28, %parallel_loop3A_2608 : vector<16xi32>
        %parallel_loop3A_2610 = tpu.vector_load_idx %arg17[%parallel_loop3A_2609] : memref<2048xf32, #tpu.memory_space<vmem>>[vector<16xi32>], vector<16xf32>,
        %parallel_loop3A_2611 = arith.addf %parallel_loop3A_2597, %parallel_loop3A_2610 : vector<16xf32>
        %parallel_loop3A_2612 = arith.addf %parallel_loop3A_2603, %parallel_loop3A_2611 : vector<16xf32>
        %parallel_loop3A_2613 = arith.index_cast %select_n3A_99 : i32 to index
        %parallel_loop3A_2614 = arith.index_cast %parallel_loop3A_151 : i32 to index
        %parallel_loop3A_2615 = tpu.vector_load %arg15[%parallel_loop3A_2613, %parallel_loop3A_2614] {strides = array<i32>} : memref<2x128xf32, #tpu.memory_space<vmem>>, vector<16xf32>,
        %parallel_loop3A_2616 = arith.index_cast %select_n3A_99 : i32 to index
        %parallel_loop3A_2617 = arith.index_cast %parallel_loop3A_151 : i32 to index
        %parallel_loop3A_2618 = tpu.vector_load %arg16[%parallel_loop3A_2616, %parallel_loop3A_2617] {strides = array<i32>} : memref<2x128xf32, #tpu.memory_space<vmem>>, vector<16xf32>,
        %parallel_loop3A_2619 = arith.constant 128 : i32
        %parallel_loop3A_2620 = arith.muli %scan3A_89, %parallel_loop3A_2619 : i32
        %parallel_loop3A_2621 = arith.addi %parallel_loop3A_2620, %parallel_loop3A_151 : i32
        %parallel_loop3A_2622 = arith.index_cast %parallel_loop3A_2621 : i32 to index
        %parallel_loop3A_2623 = tpu.vector_load %arg12[%parallel_loop3A_2622] {strides = array<i32>} : memref<512xf32, #tpu.memory_space<vmem>>, vector<16xf32>,
        %parallel_loop3A_2624 = vector.bitcast %parallel_loop3A_2623 : vector<16xf32> to vector<16xi32>
        %parallel_loop3A_2625 = arith.constant 23 : i32
        %parallel_loop3A_2626 = vector.broadcast %parallel_loop3A_2625 : i32 to vector<16xi32>
        %parallel_loop3A_2627 = arith.shrsi %parallel_loop3A_2624, %parallel_loop3A_2626 : vector<16xi32>
        %parallel_loop3A_2628 = arith.constant 127 : i32
        %parallel_loop3A_2629 = vector.broadcast %parallel_loop3A_2628 : i32 to vector<16xi32>
        %parallel_loop3A_2630 = arith.subi %parallel_loop3A_2627, %parallel_loop3A_2629 : vector<16xi32>
        %parallel_loop3A_2631 = arith.constant 8388607 : i32
        %parallel_loop3A_2632 = vector.broadcast %parallel_loop3A_2631 : i32 to vector<16xi32>
        %parallel_loop3A_2633 = arith.andi %parallel_loop3A_2624, %parallel_loop3A_2632 : vector<16xi32>
        %parallel_loop3A_2634 = arith.constant 1065353216 : i32
        %parallel_loop3A_2635 = vector.broadcast %parallel_loop3A_2634 : i32 to vector<16xi32>
        %parallel_loop3A_2636 = arith.ori %parallel_loop3A_2633, %parallel_loop3A_2635 : vector<16xi32>
        %parallel_loop3A_2637 = vector.bitcast %parallel_loop3A_2636 : vector<16xi32> to vector<16xf32>
        %parallel_loop3A_2638 = arith.constant 1.41421354 : f32
        %parallel_loop3A_2639 = vector.broadcast %parallel_loop3A_2638 : f32 to vector<16xf32>
        %parallel_loop3A_2640 = arith.cmpf ogt, %parallel_loop3A_2637, %parallel_loop3A_2639 : vector<16xf32>
        %parallel_loop3A_2641 = arith.constant 5.000000e-01 : f32
        %parallel_loop3A_2642 = vector.broadcast %parallel_loop3A_2641 : f32 to vector<16xf32>
        %parallel_loop3A_2643 = arith.mulf %parallel_loop3A_2637, %parallel_loop3A_2642 : vector<16xf32>
        %parallel_loop3A_2644 = arith.select %parallel_loop3A_2640, %parallel_loop3A_2643, %parallel_loop3A_2637 : vector<16xi1>, vector<16xf32>
        %parallel_loop3A_2645 = arith.sitofp %parallel_loop3A_2630 : vector<16xi32> to vector<16xf32>
        %parallel_loop3A_2646 = arith.constant 1.000000e+00 : f32
        %parallel_loop3A_2647 = arith.constant 0.000000e+00 : f32
        %parallel_loop3A_2648 = vector.broadcast %parallel_loop3A_2646 : f32 to vector<16xf32>
        %parallel_loop3A_2649 = vector.broadcast %parallel_loop3A_2647 : f32 to vector<16xf32>
        %parallel_loop3A_2650 = arith.select %parallel_loop3A_2640, %parallel_loop3A_2648, %parallel_loop3A_2649 : vector<16xi1>, vector<16xf32>
        %parallel_loop3A_2651 = arith.addf %parallel_loop3A_2645, %parallel_loop3A_2650 : vector<16xf32>
        %parallel_loop3A_2652 = arith.constant 1.000000e+00 : f32
        %parallel_loop3A_2653 = vector.broadcast %parallel_loop3A_2652 : f32 to vector<16xf32>
        %parallel_loop3A_2654 = arith.subf %parallel_loop3A_2644, %parallel_loop3A_2653 : vector<16xf32>
        %parallel_loop3A_2655 = arith.constant 1.000000e+00 : f32
        %parallel_loop3A_2656 = vector.broadcast %parallel_loop3A_2655 : f32 to vector<16xf32>
        %parallel_loop3A_2657 = arith.addf %parallel_loop3A_2644, %parallel_loop3A_2656 : vector<16xf32>
        %parallel_loop3A_2658 = arith.divf %parallel_loop3A_2654, %parallel_loop3A_2657 : vector<16xf32>
        %parallel_loop3A_2659 = arith.mulf %parallel_loop3A_2658, %parallel_loop3A_2658 : vector<16xf32>
        %parallel_loop3A_2660 = arith.constant 0.111111112 : f32
        %parallel_loop3A_2661 = vector.broadcast %parallel_loop3A_2660 : f32 to vector<16xf32>
        %parallel_loop3A_2662 = arith.mulf %parallel_loop3A_2661, %parallel_loop3A_2659 : vector<16xf32>
        %parallel_loop3A_2663 = arith.constant 0.142857149 : f32
        %parallel_loop3A_2664 = vector.broadcast %parallel_loop3A_2663 : f32 to vector<16xf32>
        %parallel_loop3A_2665 = arith.addf %parallel_loop3A_2662, %parallel_loop3A_2664 : vector<16xf32>
        %parallel_loop3A_2666 = arith.mulf %parallel_loop3A_2665, %parallel_loop3A_2659 : vector<16xf32>
        %parallel_loop3A_2667 = arith.constant 2.000000e-01 : f32
        %parallel_loop3A_2668 = vector.broadcast %parallel_loop3A_2667 : f32 to vector<16xf32>
        %parallel_loop3A_2669 = arith.addf %parallel_loop3A_2666, %parallel_loop3A_2668 : vector<16xf32>
        %parallel_loop3A_2670 = arith.mulf %parallel_loop3A_2669, %parallel_loop3A_2659 : vector<16xf32>
        %parallel_loop3A_2671 = arith.constant 0.333333343 : f32
        %parallel_loop3A_2672 = vector.broadcast %parallel_loop3A_2671 : f32 to vector<16xf32>
        %parallel_loop3A_2673 = arith.addf %parallel_loop3A_2670, %parallel_loop3A_2672 : vector<16xf32>
        %parallel_loop3A_2674 = arith.mulf %parallel_loop3A_2673, %parallel_loop3A_2659 : vector<16xf32>
        %parallel_loop3A_2675 = arith.constant 1.000000e+00 : f32
        %parallel_loop3A_2676 = vector.broadcast %parallel_loop3A_2675 : f32 to vector<16xf32>
        %parallel_loop3A_2677 = arith.addf %parallel_loop3A_2674, %parallel_loop3A_2676 : vector<16xf32>
        %parallel_loop3A_2678 = arith.constant 0.693147182 : f32
        %parallel_loop3A_2679 = vector.broadcast %parallel_loop3A_2678 : f32 to vector<16xf32>
        %parallel_loop3A_2680 = arith.mulf %parallel_loop3A_2651, %parallel_loop3A_2679 : vector<16xf32>
        %parallel_loop3A_2681 = arith.constant 2.000000e+00 : f32
        %parallel_loop3A_2682 = vector.broadcast %parallel_loop3A_2681 : f32 to vector<16xf32>
        %parallel_loop3A_2683 = arith.mulf %parallel_loop3A_2682, %parallel_loop3A_2658 : vector<16xf32>
        %parallel_loop3A_2684 = arith.mulf %parallel_loop3A_2683, %parallel_loop3A_2677 : vector<16xf32>
        %parallel_loop3A_2685 = arith.addf %parallel_loop3A_2680, %parallel_loop3A_2684 : vector<16xf32>
        %parallel_loop3A_2686 = arith.addf %parallel_loop3A_2612, %parallel_loop3A_2615 : vector<16xf32>
        %parallel_loop3A_2687 = arith.addf %parallel_loop3A_2686, %parallel_loop3A_2618 : vector<16xf32>
        %parallel_loop3A_2688 = arith.subf %parallel_loop3A_2687, %parallel_loop3A_2685 : vector<16xf32>
        %parallel_loop3A_2689 = arith.constant 7.500000e-01 : f32
        %parallel_loop3A_2690 = vector.broadcast %parallel_loop3A_2689 : f32 to vector<16xf32>
        %parallel_loop3A_2691 = arith.mulf %parallel_loop3A_2690, %parallel_loop3A_2685 : vector<16xf32>
        %parallel_loop3A_2692 = arith.constant 3.45387769 : f32
        %parallel_loop3A_2693 = vector.broadcast %parallel_loop3A_2692 : f32 to vector<16xf32>
        %parallel_loop3A_2694 = arith.subf %parallel_loop3A_2691, %parallel_loop3A_2693 : vector<16xf32>
        %parallel_loop3A_2695 = math.exp %parallel_loop3A_2694 : vector<16xf32>
        %parallel_loop3A_2696 = arith.constant 1.000000e+00 : f32
        %parallel_loop3A_2697 = vector.broadcast %parallel_loop3A_2696 : f32 to vector<16xf32>
        %parallel_loop3A_2698 = arith.minimumf %parallel_loop3A_2695, %parallel_loop3A_2697 : vector<16xf32>
        %parallel_loop3A_2699 = arith.mulf %parallel_loop3A_2698, %parallel_loop3A_2688 : vector<16xf32>
        %parallel_loop3A_2700 = arith.mulf %parallel_loop3A_2699, %parallel_loop3A_2688 : vector<16xf32>
        %parallel_loop3A_2701 = arith.addf %parallel_loop3A_149, %parallel_loop3A_2700 : vector<16xf32>
        scf.yield %parallel_loop3A_2701 : vector<16xf32>
      } {sc.loop_unroll_factor = 2 : i64, sc.parallel_access}
      scf.yield %parallel_loop3A_147 : vector<16xf32>
    }
    %scan3A_87 = arith.constant 4 : i32
    %swap3A = arith.constant 0 : index
    %swap3A_88 = tpu.vector_load %arg18[%swap3A] {strides = array<i32>} : memref<16xf32, #tpu.memory_space<vmem>>, vector<16xf32>,
    tpu.vector_store %arg18[%swap3A], %scan3A_86 {strides = array<i32>} : memref<16xf32, #tpu.memory_space<vmem>>, vector<16xf32>,
    "tpu.region"() ({
      %run_scoped3A = tpu.sem_alloc : memref<!tpu.dma_semaphore, #tpu.memory_space<semaphore_mem>>
      %dma_start3A_89 = arith.constant 0 : i32
      %dma_start3A_90 = tpu.memref_slice %arg9[%add3A, %dma_start3A_89] : memref<32x16xf32, #tpu.memory_space<hbm>> -> memref<1x16xf32, #tpu.memory_space<hbm>>
      %dma_start3A_91 = tpu.memref_squeeze %dma_start3A_90 : memref<1x16xf32, #tpu.memory_space<hbm>> -> memref<16xf32, #tpu.memory_space<hbm>>
      %dma_start3A_92 = arith.constant 0 : i32
      %dma_start3A_93 = tpu.memref_slice %arg9[%add3A, %dma_start3A_92] : memref<32x16xf32, #tpu.memory_space<hbm>> -> memref<1x16xf32, #tpu.memory_space<hbm>>
      %dma_start3A_94 = tpu.memref_squeeze %dma_start3A_93 : memref<1x16xf32, #tpu.memory_space<hbm>> -> memref<16xf32, #tpu.memory_space<hbm>>
      tpu.enqueue_dma source(%arg18 : memref<16xf32, #tpu.memory_space<vmem>>) target(%dma_start3A_94 : memref<16xf32, #tpu.memory_space<hbm>>) target_semaphore(%run_scoped3A : memref<!tpu.dma_semaphore, #tpu.memory_space<semaphore_mem>>)
      %dma_wait3A_95 = arith.constant 0 : i32
      %dma_wait3A_96 = tpu.memref_slice %arg9[%add3A, %dma_wait3A_95] : memref<32x16xf32, #tpu.memory_space<hbm>> -> memref<1x16xf32, #tpu.memory_space<hbm>>
      %dma_wait3A_97 = tpu.memref_squeeze %dma_wait3A_96 : memref<1x16xf32, #tpu.memory_space<hbm>> -> memref<16xf32, #tpu.memory_space<hbm>>
      %dma_wait3A_98 = arith.constant 0 : i32
      %dma_wait3A_99 = tpu.memref_slice %arg9[%add3A, %dma_wait3A_98] : memref<32x16xf32, #tpu.memory_space<hbm>> -> memref<1x16xf32, #tpu.memory_space<hbm>>
      %dma_wait3A_100 = tpu.memref_squeeze %dma_wait3A_99 : memref<1x16xf32, #tpu.memory_space<hbm>> -> memref<16xf32, #tpu.memory_space<hbm>>
      tpu.wait_dma2 semaphore(%run_scoped3A : memref<!tpu.dma_semaphore, #tpu.memory_space<semaphore_mem>>) src(%arg18 : memref<16xf32, #tpu.memory_space<vmem>>) dst(%dma_wait3A_100 : memref<16xf32, #tpu.memory_space<hbm>>)
      tpu.yield
    }) : () -> ()
    return
  }
}

</mosaic_0001>

<sc_bundles>
// kernel: kernel.3.cloned.1.call-start
scs
__scs_entry_jumppad:
0x0: {  	(pc) =	sbr.rel $0x88, $3  }
0x1: {  	(tag) =	ssettag $0x0;
	lr =	simm.s32 $0x1  }
0x2: {  	[smem:$0x3F9A] =	sst lr;
	_ =	strace $0xD0000000  }
0x3: {  	_ = 	snop  }
0x4: {  	_ = 	snop  }
0x5: {  	_ = 	snop  }
0x6: {  	_ = 	snop  }
0x7: {  	_ = 	snop  }
__scs_overlays_trampoline_lowered:
0x8: {  	[smem:$0x3FA9] =	sst s0  }
0x9: {  	[smem:$0x3FAA] =	sst s1  }
0xa: {  	[smem:$0x3FAB] =	sst s2  }
0xb: {  	[smem:$0x3FAC] =	sst s3  }
0xc: {  	[smem:$0x3FAD] =	sst s4  }
0xd: {  	[smem:$0x3FAE] =	sst s5  }
0xe: {  	[smem:$0x3FAF] =	sst s6  }
0xf: {  	[smem:$0x3FB0] =	sst s7  }
0x10: {  	[smem:$0x3FB1] =	sst s8  }
0x11: {  	[smem:$0x3FB2] =	sst s9;
	s0 =	simm.s32 @!p0 $0x0  }
0x12: {  	s1 =	sld [smem:$0x3F98];
	s0 =	simm.s32 @p0 $0x1  }
0x13: {  	[smem:$0x3FB3] =	sst s0;
	s0 =	simm.s32 @!p1 $0x0  }
0x14: {  	s2 =	sld [smem:$0x3F97];
	s0 =	simm.s32 @p1 $0x1  }
0x15: {  	[smem:$0x3FB4] =	sst s0;
	s0 =	simm.s32 @!p2 $0x0  }
0x16: {  	s3 =	sld [smem:$0x3FDB];
	s0 =	simm.s32 @p2 $0x1  }
0x17: {  	s4 =	simm.s32 $0x1BF5;
	[smem:$0x3FB6] =	sst s0  }
0x18: {  	s0 =	sld [smem:$0x3F99];
	_ =	swait.ge [sflag:s4], $0x0  }
0x19: {  	s7 =	sld [smem:$0x3F9A]  }
0x1a: {  	s8 =	sadd.s32 $0xFFFFE003, lr  }
0x1b: {  	s9 =	sadd.s32 $0xFFFFFEF7, lr;
	s5 =	simm.s32 $0xFFFFFFFF;
	p2 =	slt.u32 s8, $0xFFFFF086  }
0x1c: {  	p1 =	slt.u32 s9, $0xF7A;
	s5 =	simm.s32 @!p2 $0x0  }
0x1d: {  	s5 =	simm.s32 @p1 $0x1;
	p0 =	seq.s32 s7, s2  }
0x1e: {  	s7 =	smul.u32 @!p0 $0xF7A, s2;
	p2 =	seq.s32 @!p0 s5, $0x0  }
0x1f: {  	s9 =	smul.u32 $0xF7A, s1;
	s8 =	simm.s32 @!p0 $0x1BF5;
	p2 =	por !p2, p0  }
0x20: {  	[sflag:s8] =	ssyncset.s32 @!p0 $0xFFFFF086;
	s6 =	sadd.s32 @!p0 s3, s7;
	s7 =	simm.s32 @!p0 $0x108  }
0x21: {  	s3 =	sadd.s32 s3, s9;
	s6 =	sadd.s32 @!p0 $0x88, s6;
	s7 =	simm.s32 @p2 $0x1082  }
0x22: {  	[simem:s7], [sflag:s8] =	dma.local @!p0 [hbm:s6], $0xF7A  }
0x23: {  	s9 =	sor.u32 $0xD0000000, s2;
	s6 =	simm.s32 $0x108;
	_ =	swait.ge @!p0 [sflag:s8], $0x0  }
0x24: {  	s3 =	sadd.s32 $0x88, s3;
	s6 =	simm.s32 @!p1 $0x1082;
	[sflag:s4] =	ssyncset.s32 $0xFFFFF086  }
0x25: {  	[simem:s6], [sflag:s4] =	dma.local [hbm:s3], $0xF7A  }
0x26: {  	[smem:$0x3F9A] =	sst s1;
	(tag) =	ssettag s2;
	_ =	strace s9  }
0x27: {  	s1 =	sld [smem:$0x3FAA]  }
0x28: {  	s2 =	sld [smem:$0x3FAB]  }
0x29: {  	s4 =	sld [smem:$0x3FAD]  }
0x2a: {  	p0 =	seq.s32 s5, $0x0;
	s5 =	sld [smem:$0x3FAE]  }
0x2b: {  	s6 =	sld [smem:$0x3FAF]  }
0x2c: {  	s7 =	sld [smem:$0x3FB0]  }
0x2d: {  	s3 =	simm.s32 $0x108;
	s8 =	sld [smem:$0x3FB1]  }
0x2e: {  	s3 =	simm.s32 @!p0 $0x1082;
	s9 =	sld [smem:$0x3FB2]  }
0x2f: {  	lr =	sadd.s32 s0, s3;
	s0 =	sld [smem:$0x3FA9]  }
0x30: {  	s3 =	sld [smem:$0x3FAC]  }
0x31: {  	[smem:$0x3FB5] =	sst s10  }
0x32: {  	s10 =	sld [smem:$0x3FB3];
	_ =	sdelay $0x3  }
0x33: {  	p0 =	seq.s32 s10, $0x1;
	s10 =	sld [smem:$0x3FB5];
	_ =	sdelay $0x3  }
0x34: {  	[smem:$0x3FB5] =	sst s10  }
0x35: {  	s10 =	sld [smem:$0x3FB4];
	_ =	sdelay $0x3  }
0x36: {  	p1 =	seq.s32 s10, $0x1;
	s10 =	sld [smem:$0x3FB5];
	_ =	sdelay $0x3  }
0x37: {  	[smem:$0x3FB5] =	sst s10  }
0x38: {  	s10 =	sld [smem:$0x3FB6]  }
0x39: {  	_ = 	snop;
	(pc) =	sbr.ind lr, $3  }
0x3a: {  	_ = 	snop  }
0x3b: {  	_ = 	snop  }
0x3c: {  	p2 =	seq.s32 s10, $0x1;
	s10 =	sld [smem:$0x3FB5]  }
0x3d: {  	_ =	shalt  }
0x3e: {  	_ =	shalt  }
0x3f: {  	_ =	shalt  }
0x40: {  	_ =	shalt  }
0x41: {  	_ =	shalt  }
0x42: {  	_ =	shalt  }
0x43: {  	_ =	shalt  }
0x44: {  	_ =	shalt  }
0x45: {  	_ =	shalt  }
0x46: {  	_ =	shalt  }
0x47: {  	_ =	shalt  }
0x48: {  	_ =	shalt  }
0x49: {  	_ =	shalt  }
0x4a: {  	_ =	shalt  }
0x4b: {  	_ =	shalt  }
0x4c: {  	_ =	shalt  }
0x4d: {  	_ =	shalt  }
0x4e: {  	_ =	shalt  }
0x4f: {  	_ =	shalt  }
0x50: {  	_ =	shalt  }
0x51: {  	_ =	shalt  }
0x52: {  	_ =	shalt  }
0x53: {  	_ =	shalt  }
0x54: {  	_ =	shalt  }
0x55: {  	_ =	shalt  }
0x56: {  	_ =	shalt  }
0x57: {  	_ =	shalt  }
0x58: {  	_ =	shalt  }
0x59: {  	_ =	shalt  }
0x5a: {  	_ =	shalt  }
0x5b: {  	_ =	shalt  }
0x5c: {  	_ =	shalt  }
0x5d: {  	_ =	shalt  }
0x5e: {  	_ =	shalt  }
0x5f: {  	_ =	shalt  }
0x60: {  	_ =	shalt  }
0x61: {  	_ =	shalt  }
0x62: {  	_ =	shalt  }
0x63: {  	_ =	shalt  }
0x64: {  	_ =	shalt  }
0x65: {  	_ =	shalt  }
0x66: {  	_ =	shalt  }
0x67: {  	_ =	shalt  }
0x68: {  	_ =	shalt  }
0x69: {  	_ =	shalt  }
0x6a: {  	_ =	shalt  }
0x6b: {  	_ =	shalt  }
0x6c: {  	_ =	shalt  }
0x6d: {  	_ =	shalt  }
0x6e: {  	_ =	shalt  }
0x6f: {  	_ =	shalt  }
0x70: {  	_ =	shalt  }
0x71: {  	_ =	shalt  }
0x72: {  	_ =	shalt  }
0x73: {  	_ =	shalt  }
0x74: {  	_ =	shalt  }
0x75: {  	_ =	shalt  }
0x76: {  	_ =	shalt  }
0x77: {  	_ =	shalt  }
0x78: {  	_ =	shalt  }
0x79: {  	_ =	shalt  }
0x7a: {  	_ =	shalt  }
0x7b: {  	_ =	shalt  }
0x7c: {  	_ =	shalt  }
0x7d: {  	_ =	shalt  }
0x7e: {  	_ =	shalt  }
0x7f: {  	_ =	shalt  }
0x80: {  	_ =	shalt  }
0x81: {  	_ =	shalt  }
0x82: {  	_ =	shalt  }
0x83: {  	_ =	shalt  }
0x84: {  	_ =	shalt  }
0x85: {  	_ =	shalt  }
0x86: {  	_ =	shalt  }
0x87: {  	_ =	shalt  }
.Lfunc_end0:
.L_simem_size_0:
called_computation_lowered:
.L_overlay_start_0:
0x88: {  	s2 =	sld [smem:$0x3FD9]  }
0x89: {  	s3 =	sld [smem:$0x3FFE];
	_ =	sdelay $0x1  }
0x8a: {  	s1 =	srdreg.scid  }
0x8b: {  	s0 =	sand.u32 $0x1, s1  }
0x8c: {  	s17 =	sshll.u32 s0, $0xA;
	s2 =	sadd.s32 s3, s2  }
0x8d: {  	s2 =	sadd.s32 s2, s17  }
0x8e: {  	[smem:$0x3FC1] =	sst s2  }
0x8f: {  	_ = 	snop  }
0x90: {  	s2 =	sld [smem:$0x3FC9]  }
0x91: {  	s18 =	sld [smem:$0x3FC8]  }
0x92: {  	s4 =	sld [smem:$0x3FC7]  }
0x93: {  	s5 =	sld [smem:$0x3FC6]  }
0x94: {  	s6 =	sld [smem:$0x3FC5]  }
0x95: {  	s7 =	sld [smem:$0x3FC4]  }
0x96: {  	s8 =	sld [smem:$0x3FC3];
	(tm) =	ssettm $0x1  }
0x97: {  	s9 =	sld [smem:$0x3FFB];
	_ =	sdelay $0x3  }
0x98: {  	_ =	strace s9  }
0x99: {  	s9 =	sld [smem:$0x3FFC];
	_ =	sdelay $0x3  }
0x9a: {  	_ =	strace s9  }
0x9b: {  	s9 =	sld [smem:$0x3FFD];
	_ =	sdelay $0x3  }
0x9c: {  	_ =	strace s9  }
0x9d: {  	_ =	strace $0x8FFFFFFF  }
0x9e: {  	s19 =	sld [smem:$0x3FDB];
	_ =	sdelay $0x1  }
0x9f: {  	s10 =	simm.s32 $_scs_section_size  }
0xa0: {  	s11 =	simm.s32 $_size__tile_overlayer_lowered;
	s12 =	simm.s32 $_tile_overlayer_lowered  }
0xa1: {  	s22 =	simm.s32 $0x1BFF;
	s21 =	sshll.u32 s12, $0x1;
	s9 =	sadd.s32 s10, s19  }
0xa2: {  	s13 =	simm.s32 $0x0;
	s20 =	sshll.u32 s11, $0x1;
	s11 =	sadd.s32 s21, s9  }
0xa3: {  	[timem:s13], [sflag:s22] =	dma.local [hbm:s11], s20  }
0xa4: {  	_ =	swait.ge [sflag:s22], s20  }
0xa5: {  	s10 =	ssub.s32 $0x0, s20;
	[sflag:s22] =	ssyncset.done $0x0  }
0xa6: {  	[sflag:s22] =	ssyncadd.s32 s10;
	_ =	sdelay $0x1  }
0xa7: {  	s23 =	simm.s32 $0x1B8B  }
0xa8: {  	_ =	swait.ge [sflag:s23], $0x1  }
0xa9: {  	[sflag:s23] =	ssyncset.done $0x0  }
0xaa: {  	s25 =	simm.s32 $0x1B8E;
	s24 =	sld [smem:$0x3FFE];
	[sflag:s23] =	ssyncadd.s32 $0xFFFFFFFF  }
0xab: {  	s26 =	simm.s32 $execute0_lowered;
	[smem:$0x3FD2] =	sst s25  }
0xac: {  	s11 =	sshll.u32 s26, $0x1;
	_ =	strace $0x80000046;
	[dreg:$0x1] =	wrdreg $0xFFFFFFFF  }
0xad: {  	s28 =	simm.s32 $_size_execute0_lowered;
	s9 =	sadd.s32 s9, s11;
	[dreg:$0x0] =	wrdreg $0x0  }
0xae: {  	s11 =	sshll.u32 s28, $0x1;
	[dreg:$0x2] =	wrdreg s9  }
0xaf: {  	[dreg:$0x3] =	wrdreg s11  }
0xb0: {  	[dreg:$0x4] =	wrdreg $0xC0  }
0xb1: {  	_ =	task [dreg:s13], $0x5FFFF  }
0xb2: {  	[dreg:$0x1] =	wrdreg $0xFFFFFFFF  }
0xb3: {  	[dreg:$0x0] =	wrdreg $0x60  }
0xb4: {  	[dreg:$0x2] =	wrdreg s2  }
0xb5: {  	[dreg:$0x3] =	wrdreg s18  }
0xb6: {  	[dreg:$0x4] =	wrdreg s4  }
0xb7: {  	[dreg:$0x5] =	wrdreg s5  }
0xb8: {  	[dreg:$0x6] =	wrdreg s6  }
0xb9: {  	[dreg:$0x7] =	wrdreg s7  }
0xba: {  	[dreg:$0x8] =	wrdreg s8  }
0xbb: {  	[dreg:$0x9] =	wrdreg s24  }
0xbc: {  	[dreg:$0xa] =	wrdreg $0x9  }
0xbd: {  	_ =	task.clear_ibuf [dreg:s13], $0xBFFFF;
	_ =	strace $0x90000046  }
0xbe: {  	s29 =	simm.s32 $0x9;
	_ =	strace $0x80000048  }
0xbf: {  	_ =	swait.ge [sflag:s29], $0x1  }
0xc0: {  	[sflag:s29] =	ssyncadd.s32 $0xFFFFFFFF  }
0xc1: {  	_ =	strace $0x90000048  }
0xc2: {  	_ =	sfence  }
0xc3: {  	s30 =	sld [smem:$0x0];
	_ =	sdelay $0x2  }
0xc4: {  	s31 =	sshll.u32 s1, $0xD;
	s1 =	sshrl.u32 s1, $0x2  }
0xc5: {  	s3 =	sand.u32 $0x4000, s31;
	s1 =	sadd.s32 s1, s30  }
0xc6: {  	s0 =	sor.u32 s3, s0;
	s1 =	sshll.u32 s1, $0x11  }
0xc7: {  	s0 =	sor.u32 s1, s0  }
0xc8: {  	s0 =	sadd.s32 $0x8F2B, s0  }
0xc9: {  	[sflag:s0] =	ssyncadd.remote.s32 $0x1  }
0xca: {  	_ =	sfence.sel $0xFFFF  }
0xcb: {  	[dreg:$0x0] =	wrdreg $0xFFFFFFFF;
	(pc) =	sbr.abs _section_cstart, $3  }
0xcc: {  	[dreg:$0x1] =	wrdreg $0xFFFFFFFF  }
0xcd: {  	_ =	task.clear_ibuf [dreg:s13], $0x2FFFF;
	_ =	strace $0x9FFFFFFF  }
0xce: {  	(tm) =	ssettm $0x7FFFFFFF  }
0xcf: {  	_ =	shalt  }
tec
execute0_lowered:
.L_overlay_start_1:
0x0: {  	(tag) =	ssettag $0x1  }
0x1: {  	s1 =	rddreg [dreg:$0x0]  }
0x2: {  	s3 =	rddreg [dreg:$0x1]  }
0x3: {  	s6 =	rddreg [dreg:$0x2]  }
0x4: {  	s2 =	rddreg [dreg:$0x4]  }
0x5: {  	s4 =	rddreg [dreg:$0x5]  }
0x6: {  	s8 =	srdreg.scid;
	s0 =	stileid.u32  }
0x7: {  	s5 =	rddreg [dreg:$0x6];
	s8 =	sand.u32 $0x1, s8;
	s9 =	sshll.u32 s0, $0x1  }
0x8: {  	s12 =	simm.s32 $0x0;
	s10 =	ssub.s32 $0x2, s8;
	s8 =	sor.u32 s8, s9  }
0x9: {  	[smem:$0x7FF] =	sst s12;
	s11 =	sshll.u32 s8, $0x6  }
0xa: {  	s7 =	rddreg [dreg:$0x7];
	_ =	strace $0x80000047;
	s25 =	sadd.s32 s1, s11  }
0xb: {  	s24 =	sshrl.u32 s10, $0x1;
	s26 =	sadd.s32 s3, s11;
	[dreg:$0x9] =	wrdreg s25  }
0xc: {  	v0 =	vlaneseq.u32;
	s29 =	sshll.u32 s8, $0x4;
	s28 =	sadd.s32 s6, s11;
	[dreg:$0xa] =	wrdreg s26  }
0xd: {  	v26 =	vmul.u32 $0x10, v0;
	s9 =	ssub.s32 s10, s24;
	s30 =	sadd.s32 s7, s29;
	[dreg:$0xb] =	wrdreg s28  }
0xe: {  	[dreg:$0xc] =	wrdreg s30;
	s31 =	smax.u32 s9, $0x1  }
0xf: {  	s21 =	simm.s32 $0x10800;
	[tilespmem:$0x1FFF0] =	vst v26;
	s3 =	simm.s32 $0x0;
	[dreg:$0xd] =	wrdreg s31  }
.LBB2_1:
0x10: {  	[dreg:$0xe] =	wrdreg s3  }
0x11: {  	s0 =	rddreg [dreg:$0x9]  }
0x12: {  	[tilespmem:s12], [sflag:$0x1] =	stream.linear.gather [hbm4b:s0+s12], $0x200, $0x38;
	[tilespmem:$0x11080] =	vst v63  }
0x13: {  	s22 =	rddreg [dreg:$0xa];
	s1 =	simm.s32 $0x200  }
0x14: {  	[tilespmem:s1], [sflag:$0x1] =	stream.linear.gather [hbm4b:s22+s12], $0x200, $0x38;
	[tilespmem:$0x11080] =	vst v63  }
0x15: {  	s23 =	rddreg [dreg:$0xb];
	s24 =	simm.s32 $0x400;
	s25 =	simm.s32 $0x1  }
0x16: {  	[tilespmem:s24], [sflag:$0x2] =	stream.linear.gather [hbm4b:s23+s12], $0x200, $0x38;
	[tilespmem:$0x11080] =	vst v63  }
0x17: {  	_ =	swait.ge [sflag:s25], $0x200  }
0x18: {  	[sflag:s25] =	ssyncset.done $0x0  }
0x19: {  	[sflag:s25] =	ssyncadd.s32 $0xFFFFFE00  }
0x1a: {  	_ =	swait.ge [sflag:s25], $0x200  }
0x1b: {  	[sflag:s25] =	ssyncset.done $0x0  }
0x1c: {  	[sflag:s25] =	ssyncadd.s32 $0xFFFFFE00  }
0x1d: {  	s26 =	simm.s32 $0x80;
	s6 =	simm.s32 $0x600;
	s0 =	rddreg [dreg:$0x3]  }
0x1e: {  	[tilespmem:s6], [sflag:$0x1] =	stream.indirect.gather [hbm4b:s0+s26], $0x80, s12, s26, $0xb8;
	[tilespmem:$0x11080] =	vst v63  }
0x1f: {  	s28 =	simm.s32 $0x8600  }
0x20: {  	[tilespmem:s28], [sflag:$0x1] =	stream.indirect.gather [hbm4b:s2+s26], $0x80, s1, s26, $0xb8;
	[tilespmem:$0x11080] =	vst v63  }
0x21: {  	s29 =	simm.s32 $0x10600  }
0x22: {  	[tilespmem:s29], [sflag:$0x1] =	stream.indirect.gather [hbm4b:s4+s26], $0x1, s12, s26, $0xb8;
	[tilespmem:$0x11080] =	vst v63  }
0x23: {  	s30 =	simm.s32 $0x10700;
	s31 =	simm.s32 $0x2  }
0x24: {  	[tilespmem:s30], [sflag:$0x1] =	stream.indirect.gather [hbm4b:s5+s26], $0x1, s1, s26, $0xb8;
	[tilespmem:$0x11080] =	vst v63  }
0x25: {  	_ =	swait.ge [sflag:s31], $0x200  }
0x26: {  	[sflag:s31] =	ssyncset.done $0x0  }
0x27: {  	v0 =	vimm.f32 $0.0e+00;
	s25 =	simm.s32 $0x0;
	[sflag:s31] =	ssyncadd.s32 $0xFFFFFE00  }
.LBB2_3:
0x28: {  	s10 =	sand.u32 $0x1, s25  }
0x29: {  	s1 =	sadd.s32 $0x1, s10  }
0x2a: {  	_ =	swait.ge [sflag:s1], $0x4000  }
0x2b: {  	[sflag:s1] =	ssyncset.done $0x0  }
0x2c: {  	[sflag:s1] =	ssyncadd.s32 $0xFFFFC000  }
0x2d: {  	_ =	swait.ge [sflag:s1], $0x4000  }
0x2e: {  	s6 =	smov.u32 s25;
	[sflag:s1] =	ssyncset.done $0x0  }
0x2f: {  	s25 =	sadd.s32 $0x1, s25;
	p0 =	seq.s32 s6, $0x3;
	[sflag:s1] =	ssyncadd.s32 $0xFFFFC000  }
0x30: {  	s26 =	sshll.u32 s10, $0xE;
	s6 =	sshll.u32 s6, $0x7;
	_ =	swait.ge [sflag:s1], $0x80  }
0x31: {  	s10 =	sshll.u32 s10, $0x7;
	s3 =	sand.u32 @!p0 $0x1, s25;
	[sflag:s1] =	ssyncset.done $0x0  }
0x32: {  	s8 =	sshll.u32 @!p0 s25, $0x7;
	s11 =	simm.s32 @!p0 $0x80;
	[sflag:s1] =	ssyncadd.s32 $0xFFFFFF80  }
0x33: {  	s28 =	sor.u32 $0x80, s26;
	s29 =	sor.u32 $0x100, s26;
	_ =	swait.ge [sflag:s1], $0x80  }
0x34: {  	s30 =	sor.u32 $0x180, s26;
	s31 =	sor.u32 $0x200, s26;
	[sflag:s1] =	ssyncset.done $0x0  }
0x35: {  	s13 =	sor.u32 $0x380, s26;
	s7 =	sshll.u32 @!p0 s3, $0xE;
	[sflag:s1] =	ssyncadd.s32 $0xFFFFFF80  }
0x36: {  	s9 =	sadd.s32 @!p0 $0x1, s3;
	s1 =	sor.u32 @!p0 $0x600, s7;
	s0 =	rddreg [dreg:$0x3]  }
0x37: {  	[tilespmem:s1], [sflag:s9] =	stream.indirect.gather @!p0 [hbm4b:s0+s11], $0x80, s8, s11, $0xb8;
	[tilespmem:$0x11080] =	vst v63  }
0x38: {  	s16 =	sor.u32 $0x400, s26;
	s1 =	sor.u32 @!p0 $0x8600, s7;
	s7 =	sadd.s32 @!p0 $0x200, s8  }
0x39: {  	[tilespmem:s1], [sflag:s9] =	stream.indirect.gather @!p0 [hbm4b:s2+s11], $0x80, s7, s11, $0xb8;
	[tilespmem:$0x11080] =	vst v63  }
0x3a: {  	s17 =	sor.u32 $0x480, s26;
	s18 =	sor.u32 $0x500, s26;
	s1 =	sshll.u32 @!p0 s3, $0x7  }
0x3b: {  	s19 =	sor.u32 $0x580, s26;
	s6 =	sand.u32 $0x3FFFFF80, s6;
	s3 =	sor.u32 @!p0 $0x10600, s1  }
0x3c: {  	[tilespmem:s3], [sflag:s9] =	stream.indirect.gather @!p0 [hbm4b:s4+s11], $0x1, s8, s11, $0xb8;
	[tilespmem:$0x11080] =	vst v63  }
0x3d: {  	s22 =	sor.u32 $0x600, s26;
	s6 =	sadd.s32 $0x400, s6;
	s1 =	sor.u32 @!p0 $0x10700, s1  }
0x3e: {  	[tilespmem:s1], [sflag:s9] =	stream.indirect.gather @!p0 [hbm4b:s5+s11], $0x1, s7, s11, $0xb8;
	[tilespmem:$0x11080] =	vst v63  }
0x3f: {  	v1 =	vmov s6;
	s3 =	sor.u32 $0x300, s26;
	s8 =	sor.u32 $0x700, s26;
	s1 =	sor.u32 $0x280, s26  }
0x40: {  	[tilespmem:$0x1FFE0] =	vst v1;
	s7 =	sor.u32 $0x680, s26;
	s9 =	sor.u32 $0x780, s26;
	s11 =	simm.s32 $0x0  }
.LBB2_4:
0x41: {  	s15 =	sshll.u32 s11, $0xB  }
0x42: {  	s20 =	sor.u32 s26, s15  }
0x43: {  	v1 =	vld [tilespmem:s20+$0x600]  }
0x44: {  	s14 =	sor.u32 s28, s15;
	v4 =	vld [tilespmem:s20+$0x8600]  }
0x45: {  	v5 =	vld [tilespmem:s14+$0x600]  }
0x46: {  	s12 =	sor.u32 s29, s15;
	v6 =	vld [tilespmem:s14+$0x8600]  }
0x47: {  	v7 =	vld [tilespmem:s12+$0x600]  }
0x48: {  	s6 =	sor.u32 s30, s15;
	v8 =	vld [tilespmem:s12+$0x8600]  }
0x49: {  	v9 =	vld [tilespmem:s6+$0x600]  }
0x4a: {  	v10 =	vld [tilespmem:s6+$0x8600]  }
0x4b: {  	v11 =	vld [tilespmem:s20+$0x610]  }
0x4c: {  	v12 =	vld [tilespmem:s20+$0x8610]  }
0x4d: {  	v13 =	vld [tilespmem:s14+$0x610]  }
0x4e: {  	v14 =	vld [tilespmem:s14+$0x8610]  }
0x4f: {  	v15 =	vld [tilespmem:s12+$0x610]  }
0x50: {  	v16 =	vld [tilespmem:s12+$0x8610]  }
0x51: {  	v17 =	vld [tilespmem:s6+$0x610]  }
0x52: {  	v18 =	vld [tilespmem:s6+$0x8610]  }
0x53: {  	v19 =	vld [tilespmem:s20+$0x620]  }
0x54: {  	v20 =	vld [tilespmem:s20+$0x8620]  }
0x55: {  	v21 =	vld [tilespmem:s14+$0x620]  }
0x56: {  	v22 =	vld [tilespmem:s14+$0x8620]  }
0x57: {  	v23 =	vld [tilespmem:s12+$0x620]  }
0x58: {  	v24 =	vld [tilespmem:s12+$0x8620]  }
0x59: {  	v25 =	vld [tilespmem:s6+$0x620]  }
0x5a: {  	v26 =	vld [tilespmem:s6+$0x8620]  }
0x5b: {  	v27 =	vld [tilespmem:s20+$0x630]  }
0x5c: {  	v28 =	vld [tilespmem:s20+$0x8630]  }
0x5d: {  	v29 =	vld [tilespmem:s14+$0x630]  }
0x5e: {  	v30 =	vld [tilespmem:s14+$0x8630]  }
0x5f: {  	v31 =	vld [tilespmem:s12+$0x630]  }
0x60: {  	v32 =	vld [tilespmem:s12+$0x8630]  }
0x61: {  	v33 =	vld [tilespmem:s6+$0x630]  }
0x62: {  	v34 =	vld [tilespmem:s6+$0x8630]  }
0x63: {  	v35 =	vld [tilespmem:s20+$0x640]  }
0x64: {  	v36 =	vld [tilespmem:s20+$0x8640]  }
0x65: {  	v37 =	vld [tilespmem:s14+$0x640]  }
0x66: {  	v38 =	vld [tilespmem:s14+$0x8640]  }
0x67: {  	v39 =	vld [tilespmem:s12+$0x640]  }
0x68: {  	v40 =	vld [tilespmem:s12+$0x8640]  }
0x69: {  	v41 =	vld [tilespmem:s6+$0x640]  }
0x6a: {  	v42 =	vld [tilespmem:s6+$0x8640]  }
0x6b: {  	v43 =	vld [tilespmem:s20+$0x650]  }
0x6c: {  	v44 =	vld [tilespmem:s20+$0x8650]  }
0x6d: {  	v45 =	vld [tilespmem:s14+$0x650]  }
0x6e: {  	v46 =	vld [tilespmem:s14+$0x8650]  }
0x6f: {  	v47 =	vld [tilespmem:s12+$0x650]  }
0x70: {  	v48 =	vld [tilespmem:s12+$0x8650]  }
0x71: {  	v49 =	vld [tilespmem:s6+$0x650]  }
0x72: {  	v50 =	vld [tilespmem:s6+$0x8650];
	v1 =	vmul.f32 v4, v1;
	v5 =	vmul.f32 v6, v5  }
0x73: {  	v55 =	vld [tilespmem:s14+$0x8660];
	v51 =	vmul.f32 v8, v7;
	v52 =	vmul.f32 v12, v11  }
0x74: {  	v57 =	vld [tilespmem:s12+$0x660];
	v53 =	vmul.f32 v14, v13;
	v9 =	vmul.f32 v10, v9  }
0x75: {  	v60 =	vld [tilespmem:s12+$0x8660];
	v54 =	vmul.f32 v16, v15;
	v56 =	vmul.f32 v18, v17  }
0x76: {  	v63 =	vld [tilespmem:s6+$0x660];
	v58 =	vmul.f32 v20, v19;
	v59 =	vmul.f32 v22, v21  }
0x77: {  	v4 =	vld [tilespmem:s20+$0x660];
	v61 =	vmul.f32 v24, v23;
	v62 =	vmul.f32 v26, v25  }
0x78: {  	v7 =	vld [tilespmem:s20+$0x8660];
	v27 =	vmul.f32 v28, v27;
	v29 =	vmul.f32 v30, v29  }
0x79: {  	v12 =	vld [tilespmem:s14+$0x660];
	v32 =	vmul.f32 v32, v31;
	v33 =	vmul.f32 v34, v33  }
0x7a: {  	v28 =	vld [tilespmem:s6+$0x8660];
	v36 =	vmul.f32 v36, v35;
	v37 =	vmul.f32 v38, v37;
	v1 =	vadd.f32 v52, v1  }
0x7b: {  	v30 =	vld [tilespmem:s20+$0x670];
	v39 =	vmul.f32 v40, v39;
	v41 =	vmul.f32 v42, v41;
	v5 =	vadd.f32 v53, v5  }
0x7c: {  	v34 =	vld [tilespmem:s20+$0x8670];
	v44 =	vmul.f32 v44, v43;
	v6 =	vadd.f32 v54, v51;
	v1 =	vadd.f32 v58, v1  }
0x7d: {  	v38 =	vld [tilespmem:s14+$0x670];
	v45 =	vmul.f32 v46, v45;
	v8 =	vadd.f32 v56, v9;
	v5 =	vadd.f32 v59, v5  }
0x7e: {  	v40 =	vld [tilespmem:s14+$0x8670];
	v51 =	vmul.f32 v48, v47;
	v6 =	vadd.f32 v61, v6;
	v1 =	vadd.f32 v27, v1  }
0x7f: {  	v42 =	vld [tilespmem:s12+$0x670];
	v52 =	vmul.f32 v50, v49;
	v8 =	vadd.f32 v62, v8;
	v5 =	vadd.f32 v29, v5  }
0x80: {  	v46 =	vld [tilespmem:s12+$0x8670];
	v56 =	vmul.f32 v60, v57;
	v6 =	vadd.f32 v32, v6;
	v1 =	vadd.f32 v36, v1  }
0x81: {  	v53 =	vld [tilespmem:s6+$0x670];
	v4 =	vmul.f32 v7, v4;
	v8 =	vadd.f32 v33, v8;
	v5 =	vadd.f32 v37, v5  }
0x82: {  	v54 =	vld [tilespmem:s6+$0x8670];
	v55 =	vmul.f32 v55, v12;
	v6 =	vadd.f32 v39, v6;
	v1 =	vadd.f32 v44, v1  }
0x83: {  	v57 =	vmul.f32 v34, v30;
	v8 =	vadd.f32 v41, v8;
	v5 =	vadd.f32 v45, v5  }
0x84: {  	v58 =	vmul.f32 v28, v63;
	v6 =	vadd.f32 v51, v6;
	v1 =	vadd.f32 v4, v1  }
0x85: {  	v59 =	vmul.f32 v40, v38;
	v8 =	vadd.f32 v52, v8;
	v5 =	vadd.f32 v55, v5  }
0x86: {  	v60 =	vmul.f32 v46, v42;
	v4 =	vadd.f32 v56, v6;
	v1 =	vadd.f32 v57, v1  }
0x87: {  	s12 =	sshll.u32 s11, $0x8;
	v7 =	vmul.f32 v54, v53;
	v8 =	vadd.f32 v58, v8;
	v5 =	vadd.f32 v59, v5  }
0x88: {  	v4 =	vadd.f32 v60, v4;
	[tilespmem:s12+$0x10800] =	vst v1  }
0x89: {  	v1 =	vadd.f32 v7, v8;
	[tilespmem:s12+$0x10810] =	vst v5  }
0x8a: {  	[tilespmem:s12+$0x10820] =	vst v4  }
0x8b: {  	s23 =	sor.u32 s31, s15;
	[tilespmem:s12+$0x10830] =	vst v1  }
0x8c: {  	v1 =	vld [tilespmem:s23+$0x600]  }
0x8d: {  	s14 =	sor.u32 s1, s15;
	v4 =	vld [tilespmem:s23+$0x8600]  }
0x8e: {  	v5 =	vld [tilespmem:s14+$0x600]  }
0x8f: {  	s24 =	sor.u32 s3, s15;
	v6 =	vld [tilespmem:s14+$0x8600]  }
0x90: {  	v7 =	vld [tilespmem:s24+$0x600]  }
0x91: {  	s0 =	sor.u32 s13, s15;
	v61 =	vld [tilespmem:s24+$0x8600]  }
0x92: {  	v9 =	vld [tilespmem:s0+$0x600]  }
0x93: {  	v10 =	vld [tilespmem:s0+$0x8600]  }
0x94: {  	v11 =	vld [tilespmem:s23+$0x610]  }
0x95: {  	v62 =	vld [tilespmem:s23+$0x8610]  }
0x96: {  	v13 =	vld [tilespmem:s14+$0x610]  }
0x97: {  	v63 =	vld [tilespmem:s14+$0x8610]  }
0x98: {  	v52 =	vld [tilespmem:s24+$0x610]  }
0x99: {  	v53 =	vld [tilespmem:s24+$0x8610]  }
0x9a: {  	v54 =	vld [tilespmem:s0+$0x610]  }
0x9b: {  	v55 =	vld [tilespmem:s0+$0x8610]  }
0x9c: {  	v19 =	vld [tilespmem:s23+$0x620]  }
0x9d: {  	v56 =	vld [tilespmem:s23+$0x8620]  }
0x9e: {  	v57 =	vld [tilespmem:s14+$0x620]  }
0x9f: {  	v58 =	vld [tilespmem:s14+$0x8620]  }
0xa0: {  	v23 =	vld [tilespmem:s24+$0x620]  }
0xa1: {  	v59 =	vld [tilespmem:s24+$0x8620]  }
0xa2: {  	v25 =	vld [tilespmem:s0+$0x620]  }
0xa3: {  	v60 =	vld [tilespmem:s0+$0x8620]  }
0xa4: {  	v27 =	vld [tilespmem:s23+$0x630]  }
0xa5: {  	v28 =	vld [tilespmem:s23+$0x8630]  }
0xa6: {  	v29 =	vld [tilespmem:s14+$0x630]  }
0xa7: {  	v30 =	vld [tilespmem:s14+$0x8630]  }
0xa8: {  	v31 =	vld [tilespmem:s24+$0x630]  }
0xa9: {  	v32 =	vld [tilespmem:s24+$0x8630]  }
0xaa: {  	v33 =	vld [tilespmem:s0+$0x630]  }
0xab: {  	v34 =	vld [tilespmem:s0+$0x8630]  }
0xac: {  	v35 =	vld [tilespmem:s23+$0x640]  }
0xad: {  	v36 =	vld [tilespmem:s23+$0x8640]  }
0xae: {  	v37 =	vld [tilespmem:s14+$0x640]  }
0xaf: {  	v38 =	vld [tilespmem:s14+$0x8640]  }
0xb0: {  	v39 =	vld [tilespmem:s24+$0x640]  }
0xb1: {  	v40 =	vld [tilespmem:s24+$0x8640]  }
0xb2: {  	v41 =	vld [tilespmem:s0+$0x640]  }
0xb3: {  	v42 =	vld [tilespmem:s0+$0x8640]  }
0xb4: {  	v43 =	vld [tilespmem:s23+$0x650]  }
0xb5: {  	v44 =	vld [tilespmem:s23+$0x8650]  }
0xb6: {  	v45 =	vld [tilespmem:s14+$0x650]  }
0xb7: {  	v46 =	vld [tilespmem:s14+$0x8650]  }
0xb8: {  	v47 =	vld [tilespmem:s24+$0x650]  }
0xb9: {  	v48 =	vld [tilespmem:s24+$0x8650]  }
0xba: {  	v49 =	vld [tilespmem:s0+$0x650]  }
0xbb: {  	v50 =	vld [tilespmem:s0+$0x8650]  }
0xbc: {  	v51 =	vld [tilespmem:s14+$0x660];
	v1 =	vmul.f32 v4, v1;
	v5 =	vmul.f32 v6, v5  }
0xbd: {  	v4 =	vld [tilespmem:s23+$0x660];
	v61 =	vmul.f32 v61, v7;
	v62 =	vmul.f32 v62, v11  }
0xbe: {  	v7 =	vld [tilespmem:s23+$0x8660];
	v63 =	vmul.f32 v63, v13;
	v9 =	vmul.f32 v10, v9  }
0xbf: {  	v52 =	vmul.f32 v53, v52;
	v53 =	vld [tilespmem:s14+$0x8660];
	v54 =	vmul.f32 v55, v54  }
0xc0: {  	v55 =	vld [tilespmem:s24+$0x660];
	v56 =	vmul.f32 v56, v19;
	v57 =	vmul.f32 v58, v57  }
0xc1: {  	v58 =	vld [tilespmem:s24+$0x8660];
	v59 =	vmul.f32 v59, v23;
	v60 =	vmul.f32 v60, v25;
	v1 =	vadd.f32 v62, v1  }
0xc2: {  	v6 =	vadd.f32 v52, v61;
	v61 =	vld [tilespmem:s0+$0x660];
	v62 =	vmul.f32 v28, v27;
	v27 =	vmul.f32 v30, v29  }
0xc3: {  	v5 =	vadd.f32 v63, v5;
	v63 =	vld [tilespmem:s0+$0x8660];
	v29 =	vmul.f32 v32, v31;
	v30 =	vmul.f32 v34, v33  }
0xc4: {  	v8 =	vadd.f32 v54, v9;
	v28 =	vld [tilespmem:s23+$0x670];
	v32 =	vmul.f32 v36, v35;
	v33 =	vmul.f32 v38, v37  }
0xc5: {  	v31 =	vld [tilespmem:s23+$0x8670];
	v35 =	vmul.f32 v40, v39;
	v37 =	vmul.f32 v42, v41;
	v1 =	vadd.f32 v56, v1  }
0xc6: {  	v34 =	vld [tilespmem:s14+$0x670];
	v39 =	vmul.f32 v44, v43;
	v40 =	vmul.f32 v46, v45;
	v5 =	vadd.f32 v57, v5  }
0xc7: {  	v36 =	vld [tilespmem:s14+$0x8670];
	v42 =	vmul.f32 v48, v47;
	v6 =	vadd.f32 v59, v6;
	v1 =	vadd.f32 v62, v1  }
0xc8: {  	v38 =	vld [tilespmem:s24+$0x670];
	v43 =	vmul.f32 v50, v49;
	v8 =	vadd.f32 v60, v8;
	v5 =	vadd.f32 v27, v5  }
0xc9: {  	v41 =	vld [tilespmem:s24+$0x8670];
	v4 =	vmul.f32 v7, v4;
	v6 =	vadd.f32 v29, v6;
	v1 =	vadd.f32 v32, v1  }
0xca: {  	v44 =	vld [tilespmem:s0+$0x670];
	v46 =	vmul.f32 v53, v51;
	v8 =	vadd.f32 v30, v8;
	v5 =	vadd.f32 v33, v5  }
0xcb: {  	v45 =	vld [tilespmem:s0+$0x8670];
	v47 =	vmul.f32 v58, v55;
	v6 =	vadd.f32 v35, v6;
	v1 =	vadd.f32 v39, v1  }
0xcc: {  	v48 =	vmul.f32 v31, v28;
	v8 =	vadd.f32 v37, v8;
	v5 =	vadd.f32 v40, v5  }
0xcd: {  	v49 =	vmul.f32 v63, v61;
	v6 =	vadd.f32 v42, v6;
	v1 =	vadd.f32 v4, v1  }
0xce: {  	v50 =	vmul.f32 v36, v34;
	v8 =	vadd.f32 v43, v8;
	v5 =	vadd.f32 v46, v5  }
0xcf: {  	v51 =	vmul.f32 v41, v38;
	v4 =	vadd.f32 v47, v6;
	v1 =	vadd.f32 v48, v1  }
0xd0: {  	v7 =	vmul.f32 v45, v44;
	v8 =	vadd.f32 v49, v8;
	v5 =	vadd.f32 v50, v5  }
0xd1: {  	v4 =	vadd.f32 v51, v4;
	[tilespmem:s12+$0x10840] =	vst v1  }
0xd2: {  	v1 =	vadd.f32 v7, v8;
	[tilespmem:s12+$0x10850] =	vst v5  }
0xd3: {  	[tilespmem:s12+$0x10860] =	vst v4  }
0xd4: {  	s20 =	sor.u32 s16, s15;
	[tilespmem:s12+$0x10870] =	vst v1  }
0xd5: {  	v1 =	vld [tilespmem:s20+$0x600]  }
0xd6: {  	s0 =	sor.u32 s17, s15;
	v4 =	vld [tilespmem:s20+$0x8600]  }
0xd7: {  	v5 =	vld [tilespmem:s0+$0x600]  }
0xd8: {  	s6 =	sor.u32 s18, s15;
	v6 =	vld [tilespmem:s0+$0x8600]  }
0xd9: {  	v7 =	vld [tilespmem:s6+$0x600]  }
0xda: {  	s24 =	sor.u32 s19, s15;
	v8 =	vld [tilespmem:s6+$0x8600]  }
0xdb: {  	v9 =	vld [tilespmem:s24+$0x600]  }
0xdc: {  	v10 =	vld [tilespmem:s24+$0x8600]  }
0xdd: {  	v11 =	vld [tilespmem:s20+$0x610]  }
0xde: {  	v52 =	vld [tilespmem:s20+$0x8610]  }
0xdf: {  	v13 =	vld [tilespmem:s0+$0x610]  }
0xe0: {  	v53 =	vld [tilespmem:s0+$0x8610]  }
0xe1: {  	v54 =	vld [tilespmem:s6+$0x610]  }
0xe2: {  	v55 =	vld [tilespmem:s6+$0x8610]  }
0xe3: {  	v56 =	vld [tilespmem:s24+$0x610]  }
0xe4: {  	v57 =	vld [tilespmem:s24+$0x8610]  }
0xe5: {  	v19 =	vld [tilespmem:s20+$0x620]  }
0xe6: {  	v58 =	vld [tilespmem:s20+$0x8620]  }
0xe7: {  	v59 =	vld [tilespmem:s0+$0x620]  }
0xe8: {  	v60 =	vld [tilespmem:s0+$0x8620]  }
0xe9: {  	v23 =	vld [tilespmem:s6+$0x620]  }
0xea: {  	v61 =	vld [tilespmem:s6+$0x8620]  }
0xeb: {  	v62 =	vld [tilespmem:s24+$0x620]  }
0xec: {  	v63 =	vld [tilespmem:s24+$0x8620]  }
0xed: {  	v27 =	vld [tilespmem:s20+$0x630]  }
0xee: {  	v28 =	vld [tilespmem:s20+$0x8630]  }
0xef: {  	v29 =	vld [tilespmem:s0+$0x630]  }
0xf0: {  	v30 =	vld [tilespmem:s0+$0x8630]  }
0xf1: {  	v31 =	vld [tilespmem:s6+$0x630]  }
0xf2: {  	v32 =	vld [tilespmem:s6+$0x8630]  }
0xf3: {  	v33 =	vld [tilespmem:s24+$0x630]  }
0xf4: {  	v34 =	vld [tilespmem:s24+$0x8630]  }
0xf5: {  	v35 =	vld [tilespmem:s20+$0x640]  }
0xf6: {  	v36 =	vld [tilespmem:s20+$0x8640]  }
0xf7: {  	v37 =	vld [tilespmem:s0+$0x640]  }
0xf8: {  	v38 =	vld [tilespmem:s0+$0x8640]  }
0xf9: {  	v39 =	vld [tilespmem:s6+$0x640]  }
0xfa: {  	v40 =	vld [tilespmem:s6+$0x8640]  }
0xfb: {  	v41 =	vld [tilespmem:s24+$0x640]  }
0xfc: {  	v42 =	vld [tilespmem:s24+$0x8640]  }
0xfd: {  	v43 =	vld [tilespmem:s20+$0x650]  }
0xfe: {  	v44 =	vld [tilespmem:s20+$0x8650]  }
0xff: {  	v45 =	vld [tilespmem:s0+$0x650]  }
0x100: {  	v46 =	vld [tilespmem:s0+$0x8650]  }
0x101: {  	v47 =	vld [tilespmem:s6+$0x650]  }
0x102: {  	v48 =	vld [tilespmem:s6+$0x8650]  }
0x103: {  	v49 =	vld [tilespmem:s24+$0x650]  }
0x104: {  	v50 =	vld [tilespmem:s24+$0x8650]  }
0x105: {  	v12 =	vld [tilespmem:s0+$0x660]  }
0x106: {  	v1 =	vmul.f32 v4, v1;
	v4 =	vld [tilespmem:s20+$0x660]  }
0x107: {  	v51 =	vmul.f32 v8, v7;
	v7 =	vld [tilespmem:s20+$0x8660]  }
0x108: {  	v54 =	vmul.f32 v55, v54;
	v55 =	vld [tilespmem:s0+$0x8660]  }
0x109: {  	v56 =	vmul.f32 v57, v56;
	v57 =	vld [tilespmem:s6+$0x660]  }
0x10a: {  	v59 =	vmul.f32 v60, v59;
	v60 =	vld [tilespmem:s6+$0x8660]  }
0x10b: {  	[tilespmem:$0x1FFD0] =	vst v0;
	v62 =	vmul.f32 v63, v62;
	v63 =	vld [tilespmem:s24+$0x660]  }
0x10c: {  	v27 =	vmul.f32 v28, v27;
	v28 =	vld [tilespmem:s24+$0x8660]  }
0x10d: {  	v29 =	vmul.f32 v30, v29;
	v30 =	vld [tilespmem:s20+$0x670]  }
0x10e: {  	v33 =	vmul.f32 v34, v33;
	v34 =	vld [tilespmem:s20+$0x8670]  }
0x10f: {  	v37 =	vmul.f32 v38, v37;
	v38 =	vld [tilespmem:s0+$0x670]  }
0x110: {  	v5 =	vmul.f32 v6, v5;
	v39 =	vmul.f32 v40, v39;
	v40 =	vld [tilespmem:s0+$0x8670]  }
0x111: {  	v52 =	vmul.f32 v52, v11;
	v41 =	vmul.f32 v42, v41;
	v42 =	vld [tilespmem:s6+$0x670]  }
0x112: {  	s23 =	sor.u32 $0x1, s11;
	v53 =	vmul.f32 v53, v13;
	v45 =	vmul.f32 v46, v45;
	v46 =	vld [tilespmem:s6+$0x8670]  }
0x113: {  	s6 =	sshll.u32 s23, $0xB;
	v1 =	vadd.f32 v52, v1;
	v52 =	vld [tilespmem:s24+$0x670]  }
0x114: {  	s0 =	sor.u32 s26, s6;
	v5 =	vadd.f32 v53, v5;
	v53 =	vld [tilespmem:s24+$0x8670]  }
0x115: {  	v11 =	vld [tilespmem:s0+$0x8600]  }
0x116: {  	v14 =	vld [tilespmem:s0+$0x610]  }
0x117: {  	v15 =	vld [tilespmem:s0+$0x8610]  }
0x118: {  	v16 =	vld [tilespmem:s0+$0x620]  }
0x119: {  	v9 =	vmul.f32 v10, v9;
	v58 =	vmul.f32 v58, v19;
	v17 =	vld [tilespmem:s0+$0x8620]  }
0x11a: {  	v61 =	vmul.f32 v61, v23;
	v32 =	vmul.f32 v32, v31;
	v18 =	vld [tilespmem:s0+$0x630]  }
0x11b: {  	v36 =	vmul.f32 v36, v35;
	v6 =	vadd.f32 v54, v51;
	v19 =	vld [tilespmem:s0+$0x8630];
	v1 =	vadd.f32 v58, v1  }
0x11c: {  	v44 =	vmul.f32 v44, v43;
	v8 =	vadd.f32 v56, v9;
	v20 =	vld [tilespmem:s0+$0x640];
	v5 =	vadd.f32 v59, v5  }
0x11d: {  	v48 =	vmul.f32 v48, v47;
	v21 =	vld [tilespmem:s0+$0x8640];
	v6 =	vadd.f32 v61, v6;
	v1 =	vadd.f32 v27, v1  }
0x11e: {  	v51 =	vmul.f32 v50, v49;
	v22 =	vld [tilespmem:s0+$0x650];
	v8 =	vadd.f32 v62, v8;
	v5 =	vadd.f32 v29, v5  }
0x11f: {  	v23 =	vld [tilespmem:s0+$0x8650];
	v4 =	vmul.f32 v7, v4;
	v6 =	vadd.f32 v32, v6;
	v1 =	vadd.f32 v36, v1  }
0x120: {  	v24 =	vld [tilespmem:s0+$0x660];
	v54 =	vmul.f32 v55, v12;
	v8 =	vadd.f32 v33, v8;
	v5 =	vadd.f32 v37, v5  }
0x121: {  	v25 =	vld [tilespmem:s0+$0x8660];
	v55 =	vmul.f32 v60, v57;
	v6 =	vadd.f32 v39, v6;
	v1 =	vadd.f32 v44, v1  }
0x122: {  	s20 =	sor.u32 s29, s6;
	v26 =	vld [tilespmem:s0+$0x670];
	v56 =	vmul.f32 v34, v30;
	v8 =	vadd.f32 v41, v8;
	v5 =	vadd.f32 v45, v5  }
0x123: {  	s24 =	sor.u32 s28, s6;
	v9 =	vld [tilespmem:s20+$0x8640];
	v57 =	vmul.f32 v28, v63;
	v6 =	vadd.f32 v48, v6;
	v1 =	vadd.f32 v4, v1  }
0x124: {  	v13 =	vld [tilespmem:s24+$0x8600];
	v58 =	vmul.f32 v40, v38;
	v8 =	vadd.f32 v51, v8;
	v5 =	vadd.f32 v54, v5  }
0x125: {  	v35 =	vld [tilespmem:s24+$0x8630];
	v59 =	vmul.f32 v46, v42;
	v4 =	vadd.f32 v55, v6;
	v1 =	vadd.f32 v56, v1  }
0x126: {  	v43 =	vld [tilespmem:s24+$0x8670];
	v7 =	vmul.f32 v53, v52;
	v8 =	vadd.f32 v57, v8;
	v5 =	vadd.f32 v58, v5  }
0x127: {  	v12 =	vld [tilespmem:s24+$0x600];
	v4 =	vadd.f32 v59, v4;
	[tilespmem:s12+$0x10880] =	vst v1  }
0x128: {  	v28 =	vld [tilespmem:s20+$0x600];
	v1 =	vadd.f32 v7, v8;
	[tilespmem:s12+$0x10890] =	vst v5  }
0x129: {  	v30 =	vld [tilespmem:s24+$0x610];
	[tilespmem:s12+$0x108A0] =	vst v4  }
0x12a: {  	s14 =	sor.u32 s22, s15;
	v60 =	vld [tilespmem:s24+$0x8610];
	[tilespmem:s12+$0x108B0] =	vst v1  }
0x12b: {  	v0 =	vld [tilespmem:s14+$0x600]  }
0x12c: {  	v34 =	vld [tilespmem:s24+$0x630]  }
0x12d: {  	v38 =	vld [tilespmem:s24+$0x650]  }
0x12e: {  	v40 =	vld [tilespmem:s24+$0x660]  }
0x12f: {  	v42 =	vld [tilespmem:s24+$0x670]  }
0x130: {  	[tilespmem:$0x1FCE0] =	vst v0;
	v0 =	vld [tilespmem:s14+$0x8600]  }
0x131: {  	v63 =	vld [tilespmem:s20+$0x610]  }
0x132: {  	v27 =	vld [tilespmem:s0+$0x8670]  }
0x133: {  	v29 =	vld [tilespmem:s20+$0x8600]  }
0x134: {  	v32 =	vld [tilespmem:s24+$0x620]  }
0x135: {  	[tilespmem:$0x1FCF0] =	vst v0;
	v0 =	vld [tilespmem:s14+$0x610]  }
0x136: {  	v33 =	vld [tilespmem:s24+$0x8620]  }
0x137: {  	v36 =	vld [tilespmem:s24+$0x640]  }
0x138: {  	v37 =	vld [tilespmem:s24+$0x8640]  }
0x139: {  	v39 =	vld [tilespmem:s24+$0x8650]  }
0x13a: {  	[tilespmem:$0x1FD60] =	vst v0;
	v0 =	vld [tilespmem:s14+$0x8610]  }
0x13b: {  	v41 =	vld [tilespmem:s24+$0x8660]  }
0x13c: {  	v51 =	vld [tilespmem:s20+$0x8620]  }
0x13d: {  	v48 =	vld [tilespmem:s20+$0x660]  }
0x13e: {  	v54 =	vld [tilespmem:s20+$0x630]  }
0x13f: {  	[tilespmem:$0x1FD70] =	vst v0;
	v0 =	vld [tilespmem:s14+$0x620]  }
0x140: {  	v55 =	vld [tilespmem:s20+$0x8630]  }
0x141: {  	v4 =	vld [tilespmem:s20+$0x8610]  }
0x142: {  	v7 =	vld [tilespmem:s20+$0x620]  }
0x143: {  	v1 =	vld [tilespmem:s0+$0x600]  }
0x144: {  	s0 =	sor.u32 s30, s6;
	[tilespmem:$0x1FDE0] =	vst v0;
	v0 =	vld [tilespmem:s14+$0x8620]  }
0x145: {  	v61 =	vld [tilespmem:s0+$0x600]  }
0x146: {  	v62 =	vld [tilespmem:s0+$0x8600]  }
0x147: {  	v5 =	vld [tilespmem:s0+$0x610]  }
0x148: {  	v6 =	vld [tilespmem:s0+$0x8610]  }
0x149: {  	[tilespmem:$0x1FDF0] =	vst v0;
	v0 =	vld [tilespmem:s14+$0x8630]  }
0x14a: {  	v52 =	vld [tilespmem:s0+$0x620]  }
0x14b: {  	v53 =	vld [tilespmem:s0+$0x8620]  }
0x14c: {  	v56 =	vld [tilespmem:s0+$0x630]  }
0x14d: {  	v57 =	vld [tilespmem:s0+$0x8630]  }
0x14e: {  	v14 =	vmul.f32 v15, v14;
	[tilespmem:$0x1FE60] =	vst v0;
	v0 =	vld [tilespmem:s14+$0x640]  }
0x14f: {  	v16 =	vmul.f32 v17, v16;
	v8 =	vmul.f32 v29, v28;
	v29 =	vld [tilespmem:s0+$0x640]  }
0x150: {  	v12 =	vmul.f32 v13, v12;
	v10 =	vmul.f32 v60, v30;
	v60 =	vld [tilespmem:s0+$0x8640]  }
0x151: {  	v45 =	vmul.f32 v19, v18;
	v47 =	vmul.f32 v35, v34;
	v46 =	vld [tilespmem:s0+$0x8650]  }
0x152: {  	v49 =	vmul.f32 v55, v54;
	v59 =	vmul.f32 v4, v63;
	v4 =	vld [tilespmem:s20+$0x8650]  }
0x153: {  	v12 =	vadd.f32 v10, v12;
	v63 =	vmul.f32 v33, v32;
	v1 =	vmul.f32 v11, v1;
	[tilespmem:$0x1FED0] =	vst v0;
	v0 =	vld [tilespmem:s14+$0x8640]  }
0x154: {  	v11 =	vld [tilespmem:s20+$0x640];
	v13 =	vadd.f32 v59, v8;
	v59 =	vmul.f32 v39, v38;
	v58 =	vmul.f32 v62, v61  }
0x155: {  	v61 =	vmul.f32 v6, v5;
	v62 =	vld [tilespmem:s20+$0x650];
	v5 =	vmul.f32 v51, v7  }
0x156: {  	v12 =	vadd.f32 v63, v12;
	v6 =	vmul.f32 v53, v52;
	v7 =	vld [tilespmem:s0+$0x650];
	v50 =	vmul.f32 v57, v56  }
0x157: {  	v51 =	vld [tilespmem:s20+$0x8660];
	v52 =	vmul.f32 v21, v20;
	v53 =	vmul.f32 v37, v36  }
0x158: {  	v56 =	vmul.f32 v60, v29;
	v1 =	vadd.f32 v14, v1;
	v12 =	vadd.f32 v47, v12;
	[tilespmem:$0x1FEE0] =	vst v0;
	v0 =	vld [tilespmem:s14+$0x650]  }
0x159: {  	v54 =	vld [tilespmem:s0+$0x660];
	v14 =	vadd.f32 v61, v58;
	v13 =	vadd.f32 v5, v13;
	v58 =	vmul.f32 v23, v22  }
0x15a: {  	v55 =	vld [tilespmem:s0+$0x8660];
	v5 =	vmul.f32 v41, v40;
	v1 =	vadd.f32 v16, v1;
	v12 =	vadd.f32 v53, v12  }
0x15b: {  	v57 =	vld [tilespmem:s20+$0x670];
	v14 =	vadd.f32 v6, v14;
	v13 =	vadd.f32 v49, v13;
	v11 =	vmul.f32 v9, v11  }
0x15c: {  	v60 =	vld [tilespmem:s20+$0x8670];
	v1 =	vadd.f32 v45, v1;
	v15 =	vmul.f32 v4, v62;
	v17 =	vmul.f32 v46, v7  }
0x15d: {  	v12 =	vadd.f32 v59, v12;
	v6 =	vmul.f32 v51, v48;
	v11 =	vadd.f32 v11, v13;
	[tilespmem:$0x1FF40] =	vst v0;
	v0 =	vld [tilespmem:s14+$0x8650]  }
0x15e: {  	v63 =	vld [tilespmem:s0+$0x8670];
	v7 =	vmul.f32 v27, v26;
	v14 =	vadd.f32 v50, v14;
	v1 =	vadd.f32 v52, v1  }
0x15f: {  	v61 =	vld [tilespmem:s0+$0x670];
	v26 =	vmul.f32 v43, v42;
	v12 =	vadd.f32 v5, v12;
	v11 =	vadd.f32 v15, v11  }
0x160: {  	v62 =	vmul.f32 v25, v24;
	v14 =	vadd.f32 v56, v14;
	v1 =	vadd.f32 v58, v1  }
0x161: {  	v20 =	vmul.f32 v60, v57;
	v12 =	vadd.f32 v26, v12;
	v11 =	vadd.f32 v6, v11  }
0x162: {  	v16 =	vmul.f32 v55, v54;
	v4 =	vadd.f32 v17, v14;
	v1 =	vadd.f32 v62, v1;
	[tilespmem:$0x1FF50] =	vst v0;
	v0 =	vld [tilespmem:s14+$0x660]  }
0x163: {  	s20 =	sshll.u32 s23, $0x8;
	v20 =	vadd.f32 v20, v11  }
0x164: {  	v28 =	vmul.f32 v63, v61;
	[tilespmem:s20+$0x10810] =	vst v12;
	v27 =	vadd.f32 v16, v4;
	v1 =	vadd.f32 v7, v1  }
0x165: {  	[tilespmem:s20+$0x10820] =	vst v20  }
0x166: {  	[tilespmem:s20+$0x10800] =	vst v1;
	v1 =	vadd.f32 v28, v27  }
0x167: {  	[tilespmem:$0x1FF70] =	vst v0;
	v0 =	vld [tilespmem:s14+$0x8660]  }
0x168: {  	v3 =	vld [tilespmem:s14+$0x630];
	s0 =	sor.u32 s31, s6;
	[tilespmem:s20+$0x10830] =	vst v1  }
0x169: {  	v29 =	vld [tilespmem:s0+$0x600]  }
0x16a: {  	v21 =	vld [tilespmem:s0+$0x8600]  }
0x16b: {  	v40 =	vld [tilespmem:s0+$0x610]  }
0x16c: {  	[tilespmem:$0x1FF80] =	vst v0;
	v0 =	vld [tilespmem:s14+$0x670]  }
0x16d: {  	v41 =	vld [tilespmem:s0+$0x8610]  }
0x16e: {  	v53 =	vld [tilespmem:s0+$0x620]  }
0x16f: {  	v54 =	vld [tilespmem:s0+$0x8620]  }
0x170: {  	v56 =	vld [tilespmem:s0+$0x630]  }
0x171: {  	[tilespmem:$0x1FF90] =	vst v0;
	v0 =	vld [tilespmem:s14+$0x8670]  }
0x172: {  	v57 =	vld [tilespmem:s0+$0x8630]  }
0x173: {  	v47 =	vld [tilespmem:s0+$0x640]  }
0x174: {  	v46 =	vld [tilespmem:s0+$0x8640]  }
0x175: {  	v50 =	vld [tilespmem:s0+$0x650]  }
0x176: {  	[tilespmem:$0x1FFA0] =	vst v0;
	v0 =	vld [tilespmem:s0+$0x670]  }
0x177: {  	v49 =	vld [tilespmem:s0+$0x8650]  }
0x178: {  	v52 =	vld [tilespmem:s0+$0x660]  }
0x179: {  	v51 =	vld [tilespmem:s0+$0x8660];
	s14 =	sor.u32 s7, s15  }
0x17a: {  	v60 =	vld [tilespmem:s14+$0x8600]  }
0x17b: {  	[tilespmem:$0x1FCC0] =	vst v0;
	v0 =	vld [tilespmem:s0+$0x8670];
	s0 =	sor.u32 s3, s6  }
0x17c: {  	v55 =	vld [tilespmem:s0+$0x600]  }
0x17d: {  	v63 =	vld [tilespmem:s0+$0x8600]  }
0x17e: {  	v10 =	vld [tilespmem:s0+$0x610]  }
0x17f: {  	v8 =	vld [tilespmem:s0+$0x8610]  }
0x180: {  	v16 =	vld [tilespmem:s0+$0x620]  }
0x181: {  	v14 =	vld [tilespmem:s0+$0x8620]  }
0x182: {  	v20 =	vld [tilespmem:s0+$0x630]  }
0x183: {  	v18 =	vld [tilespmem:s0+$0x8630]  }
0x184: {  	v28 =	vld [tilespmem:s0+$0x640]  }
0x185: {  	v27 =	vld [tilespmem:s0+$0x8640]  }
0x186: {  	v36 =	vld [tilespmem:s0+$0x650]  }
0x187: {  	v34 =	vld [tilespmem:s0+$0x8650]  }
0x188: {  	v42 =	vld [tilespmem:s0+$0x660]  }
0x189: {  	v38 =	vld [tilespmem:s0+$0x8660]  }
0x18a: {  	v48 =	vld [tilespmem:s0+$0x670]  }
0x18b: {  	v44 =	vld [tilespmem:s0+$0x8670];
	s0 =	sor.u32 s8, s15  }
0x18c: {  	[tilespmem:$0x1FD10] =	vst v60;
	v60 =	vld [tilespmem:s0+$0x600];
	_ =	sdelay $0x4  }
0x18d: {  	[tilespmem:$0x1FD20] =	vst v60;
	v60 =	vld [tilespmem:s0+$0x8600];
	_ =	sdelay $0x3  }
0x18e: {  	s15 =	sor.u32 s9, s15  }
0x18f: {  	[tilespmem:$0x1FD30] =	vst v60;
	v60 =	vld [tilespmem:s15+$0x600];
	_ =	sdelay $0x4  }
0x190: {  	[tilespmem:$0x1FD40] =	vst v60;
	v60 =	vld [tilespmem:s15+$0x8600];
	_ =	sdelay $0x4  }
0x191: {  	[tilespmem:$0x1FD50] =	vst v60;
	v60 =	vld [tilespmem:s14+$0x610];
	_ =	sdelay $0x4  }
0x192: {  	[tilespmem:$0x1FD80] =	vst v60;
	v60 =	vld [tilespmem:s14+$0x8610];
	_ =	sdelay $0x4  }
0x193: {  	[tilespmem:$0x1FD90] =	vst v60;
	v60 =	vld [tilespmem:s0+$0x610];
	_ =	sdelay $0x4  }
0x194: {  	[tilespmem:$0x1FDA0] =	vst v60;
	v60 =	vld [tilespmem:s0+$0x8610];
	_ =	sdelay $0x4  }
0x195: {  	[tilespmem:$0x1FDB0] =	vst v60;
	v60 =	vld [tilespmem:s15+$0x610];
	_ =	sdelay $0x4  }
0x196: {  	[tilespmem:$0x1FDC0] =	vst v60;
	v60 =	vld [tilespmem:s15+$0x8610];
	_ =	sdelay $0x4  }
0x197: {  	[tilespmem:$0x1FDD0] =	vst v60;
	v60 =	vld [tilespmem:s14+$0x620];
	_ =	sdelay $0x4  }
0x198: {  	[tilespmem:$0x1FE00] =	vst v60;
	v60 =	vld [tilespmem:s14+$0x8620];
	_ =	sdelay $0x4  }
0x199: {  	[tilespmem:$0x1FE10] =	vst v60;
	v60 =	vld [tilespmem:s0+$0x620];
	_ =	sdelay $0x4  }
0x19a: {  	s24 =	sor.u32 s1, s6;
	[tilespmem:$0x1FE20] =	vst v60;
	v60 =	vld [tilespmem:s0+$0x8620]  }
0x19b: {  	v26 =	vld [tilespmem:s24+$0x600]  }
0x19c: {  	v32 =	vld [tilespmem:s24+$0x8600]  }
0x19d: {  	v9 =	vld [tilespmem:s24+$0x610]  }
0x19e: {  	v5 =	vld [tilespmem:s24+$0x8610]  }
0x19f: {  	[tilespmem:$0x1FE30] =	vst v60;
	v60 =	vld [tilespmem:s15+$0x620]  }
0x1a0: {  	v15 =	vld [tilespmem:s24+$0x620]  }
0x1a1: {  	v12 =	vld [tilespmem:s24+$0x8620]  }
0x1a2: {  	v19 =	vld [tilespmem:s24+$0x630]  }
0x1a3: {  	v17 =	vld [tilespmem:s24+$0x8630]  }
0x1a4: {  	[tilespmem:$0x1FE40] =	vst v60;
	v60 =	vld [tilespmem:s15+$0x8620]  }
0x1a5: {  	v24 =	vld [tilespmem:s24+$0x640]  }
0x1a6: {  	v23 =	vld [tilespmem:s24+$0x8640]  }
0x1a7: {  	v35 =	vld [tilespmem:s24+$0x650]  }
0x1a8: {  	v31 =	vld [tilespmem:s24+$0x8650]  }
0x1a9: {  	[tilespmem:$0x1FE50] =	vst v60;
	v60 =	vld [tilespmem:s14+$0x630]  }
0x1aa: {  	v39 =	vld [tilespmem:s24+$0x660]  }
0x1ab: {  	v37 =	vld [tilespmem:s24+$0x8660]  }
0x1ac: {  	v45 =	vld [tilespmem:s24+$0x670]  }
0x1ad: {  	v43 =	vld [tilespmem:s24+$0x8670]  }
0x1ae: {  	s24 =	sor.u32 s13, s6;
	[tilespmem:$0x1FE70] =	vst v60;
	v60 =	vld [tilespmem:s14+$0x8630]  }
0x1af: {  	v61 =	vld [tilespmem:s24+$0x8600]  }
0x1b0: {  	v1 =	vld [tilespmem:s24+$0x610]  }
0x1b1: {  	v62 =	vld [tilespmem:s24+$0x8610]  }
0x1b2: {  	v2 =	vld [tilespmem:s24+$0x620]  }
0x1b3: {  	[tilespmem:$0x1FE80] =	vst v60;
	v60 =	vld [tilespmem:s0+$0x630]  }
0x1b4: {  	v59 =	vld [tilespmem:s24+$0x8620]  }
0x1b5: {  	v4 =	vld [tilespmem:s24+$0x630]  }
0x1b6: {  	v58 =	vld [tilespmem:s24+$0x8630]  }
0x1b7: {  	v7 =	vld [tilespmem:s24+$0x640]  }
0x1b8: {  	[tilespmem:$0x1FE90] =	vst v60;
	v60 =	vld [tilespmem:s0+$0x8630]  }
0x1b9: {  	[tilespmem:$0x1FCD0] =	vst v0;
	v0 =	vld [tilespmem:s14+$0x600]  }
0x1ba: {  	v6 =	vld [tilespmem:s24+$0x8640]  }
0x1bb: {  	v13 =	vld [tilespmem:s24+$0x650]  }
0x1bc: {  	v11 =	vld [tilespmem:s24+$0x8650]  }
0x1bd: {  	v26 =	vmul.f32 v32, v26;
	v40 =	vmul.f32 v41, v40;
	[tilespmem:$0x1FEA0] =	vst v60;
	v60 =	vld [tilespmem:s15+$0x630]  }
0x1be: {  	v5 =	vmul.f32 v5, v9;
	v12 =	vmul.f32 v12, v15;
	[tilespmem:$0x1FD00] =	vst v0;
	v0 =	vld [tilespmem:s24+$0x600]  }
0x1bf: {  	v52 =	vmul.f32 v51, v52;
	v1 =	vmul.f32 v62, v1  }
0x1c0: {  	v2 =	vmul.f32 v59, v2;
	v4 =	vmul.f32 v58, v4  }
0x1c1: {  	v25 =	vld [tilespmem:s24+$0x660];
	v6 =	vmul.f32 v6, v7;
	v11 =	vmul.f32 v11, v13  }
0x1c2: {  	v55 =	vmul.f32 v63, v55;
	[tilespmem:$0x1FEB0] =	vst v60;
	v60 =	vmul.f32 v21, v29;
	v29 =	vld [tilespmem:s15+$0x8630]  }
0x1c3: {  	v32 =	vld [tilespmem:s0+$0x640];
	v8 =	vmul.f32 v8, v10;
	v0 =	vmul.f32 v61, v0  }
0x1c4: {  	v5 =	vadd.f32 v5, v26;
	v26 =	vmul.f32 v46, v47;
	v47 =	vmul.f32 v49, v50;
	v63 =	vld [tilespmem:s14+$0x640]  }
0x1c5: {  	v22 =	vld [tilespmem:s24+$0x8660];
	v8 =	vadd.f32 v8, v55;
	v0 =	vadd.f32 v1, v0;
	v1 =	vmul.f32 v14, v16  }
0x1c6: {  	v49 =	vmul.f32 v31, v35;
	v62 =	vld [tilespmem:s15+$0x640];
	v61 =	vmul.f32 v54, v53  }
0x1c7: {  	v1 =	vadd.f32 v1, v8;
	v21 =	vmul.f32 v18, v20;
	v41 =	vadd.f32 v40, v60;
	[tilespmem:$0x1FEC0] =	vst v29;
	v29 =	vld [tilespmem:s14+$0x8640]  }
0x1c8: {  	v33 =	vld [tilespmem:s24+$0x670];
	v5 =	vadd.f32 v12, v5;
	[tilespmem:$0x1FF10] =	vst v32;
	v32 =	vmul.f32 v27, v28;
	v0 =	vadd.f32 v2, v0  }
0x1c9: {  	[tilespmem:$0x1FEF0] =	vst v63;
	v63 =	vmul.f32 v57, v56;
	v60 =	vld [tilespmem:s0+$0x8640];
	v1 =	vadd.f32 v21, v1;
	v10 =	vadd.f32 v61, v41  }
0x1ca: {  	v30 =	vld [tilespmem:s24+$0x8670];
	v50 =	vmul.f32 v34, v36;
	v2 =	vmul.f32 v17, v19;
	v0 =	vadd.f32 v4, v0  }
0x1cb: {  	v58 =	vld [tilespmem:$0x1FCD0];
	[tilespmem:$0x1FF30] =	vst v62;
	v62 =	vmul.f32 v44, v48;
	v46 =	vadd.f32 v32, v1;
	v19 =	vadd.f32 v63, v10  }
0x1cc: {  	v2 =	vadd.f32 v2, v5;
	v0 =	vadd.f32 v6, v0;
	v1 =	vld [tilespmem:$0x1FCC0];
	[tilespmem:$0x1FF00] =	vst v29;
	v29 =	vmul.f32 v23, v24  }
0x1cd: {  	v56 =	vmul.f32 v38, v42;
	v16 =	vld [tilespmem:s14+$0x650];
	v6 =	vadd.f32 v50, v46;
	v8 =	vadd.f32 v26, v19  }
0x1ce: {  	v0 =	vadd.f32 v11, v0;
	[tilespmem:$0x1FF20] =	vst v60;
	v60 =	vmul.f32 v22, v25;
	v2 =	vadd.f32 v29, v2  }
0x1cf: {  	v54 =	vmul.f32 v37, v39;
	v6 =	vadd.f32 v56, v6;
	v8 =	vadd.f32 v47, v8  }
0x1d0: {  	v63 =	vmul.f32 v30, v33;
	v0 =	vadd.f32 v60, v0;
	v2 =	vadd.f32 v49, v2  }
0x1d1: {  	v59 =	vmul.f32 v58, v1;
	v6 =	vadd.f32 v62, v6;
	v8 =	vadd.f32 v52, v8  }
0x1d2: {  	v57 =	vld [tilespmem:s14+$0x8650];
	[tilespmem:$0x1FF60] =	vst v16;
	v61 =	vmul.f32 v43, v45;
	v0 =	vadd.f32 v63, v0;
	v2 =	vadd.f32 v54, v2  }
0x1d3: {  	v14 =	vld [tilespmem:s14+$0x670];
	[tilespmem:s20+$0x10860] =	vst v6;
	v8 =	vadd.f32 v59, v8  }
0x1d4: {  	v16 =	vld [tilespmem:s14+$0x8670];
	[tilespmem:s20+$0x10870] =	vst v0;
	v2 =	vadd.f32 v61, v2  }
0x1d5: {  	v21 =	vld [tilespmem:s14+$0x8660];
	[tilespmem:s20+$0x10840] =	vst v8  }
0x1d6: {  	v23 =	vld [tilespmem:s14+$0x660];
	s14 =	sor.u32 s16, s6;
	[tilespmem:s20+$0x10850] =	vst v2  }
0x1d7: {  	v0 =	vld [tilespmem:s14+$0x670];
	_ =	sdelay $0x4  }
0x1d8: {  	[tilespmem:$0x1FFB0] =	vst v0;
	v0 =	vld [tilespmem:s14+$0x8670];
	_ =	sdelay $0x3  }
0x1d9: {  	v1 =	vld [tilespmem:$0x1FCF0]  }
0x1da: {  	[tilespmem:$0x1FFC0] =	vst v0;
	v0 =	vld [tilespmem:$0x1FCE0];
	_ =	sdelay $0x4  }
0x1db: {  	v47 =	vmul.f32 v1, v0;
	v0 =	vld [tilespmem:$0x1FD00]  }
0x1dc: {  	v1 =	vld [tilespmem:$0x1FD10];
	_ =	sdelay $0x4  }
0x1dd: {  	v49 =	vmul.f32 v1, v0;
	v0 =	vld [tilespmem:$0x1FD20]  }
0x1de: {  	v1 =	vld [tilespmem:$0x1FD30];
	_ =	sdelay $0x4  }
0x1df: {  	v50 =	vmul.f32 v1, v0;
	v0 =	vld [tilespmem:$0x1FD40]  }
0x1e0: {  	v1 =	vld [tilespmem:$0x1FD50];
	_ =	sdelay $0x4  }
0x1e1: {  	v52 =	vmul.f32 v1, v0;
	v0 =	vld [tilespmem:$0x1FD60]  }
0x1e2: {  	v1 =	vld [tilespmem:$0x1FD70];
	_ =	sdelay $0x3  }
0x1e3: {  	v13 =	vld [tilespmem:s0+$0x660]  }
0x1e4: {  	v59 =	vmul.f32 v1, v0;
	v0 =	vld [tilespmem:$0x1FD80]  }
0x1e5: {  	v1 =	vld [tilespmem:$0x1FD90]  }
0x1e6: {  	v12 =	vld [tilespmem:s0+$0x8660]  }
0x1e7: {  	v15 =	vld [tilespmem:s15+$0x660]  }
0x1e8: {  	v9 =	vld [tilespmem:s15+$0x670]  }
0x1e9: {  	v55 =	vld [tilespmem:s15+$0x8640]  }
0x1ea: {  	v61 =	vmul.f32 v1, v0;
	v0 =	vld [tilespmem:$0x1FDA0]  }
0x1eb: {  	v1 =	vld [tilespmem:$0x1FDB0]  }
0x1ec: {  	v53 =	vld [tilespmem:s0+$0x650]  }
0x1ed: {  	v17 =	vld [tilespmem:s15+$0x8660]  }
0x1ee: {  	v11 =	vld [tilespmem:s0+$0x670]  }
0x1ef: {  	v41 =	vld [tilespmem:s0+$0x8650]  }
0x1f0: {  	v62 =	vmul.f32 v1, v0;
	v0 =	vld [tilespmem:$0x1FDC0]  }
0x1f1: {  	v1 =	vld [tilespmem:$0x1FDD0]  }
0x1f2: {  	v40 =	vld [tilespmem:s15+$0x650]  }
0x1f3: {  	v10 =	vld [tilespmem:s15+$0x8670]  }
0x1f4: {  	v41 =	vmul.f32 v41, v53;
	v53 =	vld [tilespmem:$0x1FFA0]  }
0x1f5: {  	v29 =	vld [tilespmem:s15+$0x8650]  }
0x1f6: {  	v47 =	vadd.f32 v59, v47;
	v59 =	vmul.f32 v1, v0;
	v0 =	vld [tilespmem:$0x1FDE0]  }
0x1f7: {  	v1 =	vld [tilespmem:$0x1FDF0]  }
0x1f8: {  	v8 =	vld [tilespmem:s0+$0x8670]  }
0x1f9: {  	v2 =	vld [tilespmem:$0x1FE10]  }
0x1fa: {  	v18 =	vld [tilespmem:s14+$0x600]  }
0x1fb: {  	v19 =	vld [tilespmem:s14+$0x8600]  }
0x1fc: {  	s15 =	sor.u32 s17, s6;
	v0 =	vmul.f32 v1, v0;
	v1 =	vld [tilespmem:$0x1FE00]  }
0x1fd: {  	v20 =	vld [tilespmem:s15+$0x600]  }
0x1fe: {  	s24 =	sor.u32 s18, s6;
	v24 =	vld [tilespmem:s15+$0x8600]  }
0x1ff: {  	v25 =	vld [tilespmem:s24+$0x600]  }
0x200: {  	v26 =	vld [tilespmem:s14+$0x610]  }
0x201: {  	v5 =	vmul.f32 v2, v1;
	v1 =	vld [tilespmem:$0x1FE20]  }
0x202: {  	v2 =	vld [tilespmem:$0x1FE30]  }
0x203: {  	v27 =	vld [tilespmem:s14+$0x8610]  }
0x204: {  	v28 =	vld [tilespmem:s14+$0x620]  }
0x205: {  	v30 =	vld [tilespmem:s14+$0x8620]  }
0x206: {  	v31 =	vld [tilespmem:s14+$0x630]  }
0x207: {  	v0 =	vadd.f32 v0, v47;
	v47 =	vmul.f32 v2, v1;
	v1 =	vld [tilespmem:$0x1FE40]  }
0x208: {  	v2 =	vld [tilespmem:$0x1FE50]  }
0x209: {  	v33 =	vld [tilespmem:s14+$0x8630]  }
0x20a: {  	v32 =	vld [tilespmem:s14+$0x640]  }
0x20b: {  	v22 =	vld [tilespmem:s14+$0x8640]  }
0x20c: {  	v54 =	vld [tilespmem:s14+$0x650]  }
0x20d: {  	v49 =	vadd.f32 v61, v49;
	v61 =	vmul.f32 v2, v1;
	v1 =	vld [tilespmem:$0x1FE60]  }
0x20e: {  	v56 =	vld [tilespmem:s14+$0x8650]  }
0x20f: {  	v35 =	vld [tilespmem:s14+$0x660]  }
0x210: {  	v37 =	vld [tilespmem:s14+$0x8660]  }
0x211: {  	v2 =	vld [tilespmem:$0x1FE80]  }
0x212: {  	v63 =	vmul.f32 v1, v3;
	v1 =	vld [tilespmem:$0x1FE70]  }
0x213: {  	s0 =	sor.u32 s19, s6;
	v34 =	vld [tilespmem:s24+$0x8600]  }
0x214: {  	v36 =	vld [tilespmem:s0+$0x600]  }
0x215: {  	v38 =	vld [tilespmem:s0+$0x8600];
	v50 =	vadd.f32 v62, v50  }
0x216: {  	v39 =	vld [tilespmem:s15+$0x610]  }
0x217: {  	v47 =	vadd.f32 v47, v50;
	v50 =	vmul.f32 v2, v1;
	v1 =	vld [tilespmem:$0x1FE90]  }
0x218: {  	v2 =	vld [tilespmem:$0x1FEA0]  }
0x219: {  	v42 =	vld [tilespmem:s15+$0x8610]  }
0x21a: {  	v43 =	vld [tilespmem:s24+$0x610]  }
0x21b: {  	v44 =	vld [tilespmem:s24+$0x8610]  }
0x21c: {  	v45 =	vld [tilespmem:s0+$0x610]  }
0x21d: {  	v58 =	vmul.f32 v2, v1;
	v1 =	vld [tilespmem:$0x1FEB0]  }
0x21e: {  	v2 =	vld [tilespmem:$0x1FEC0]  }
0x21f: {  	v46 =	vld [tilespmem:s0+$0x8610]  }
0x220: {  	v48 =	vld [tilespmem:s15+$0x620]  }
0x221: {  	v51 =	vld [tilespmem:s15+$0x8620];
	v52 =	vadd.f32 v59, v52  }
0x222: {  	v60 =	vld [tilespmem:s24+$0x620]  }
0x223: {  	v52 =	vadd.f32 v61, v52;
	v61 =	vmul.f32 v2, v1;
	v1 =	vld [tilespmem:$0x1FED0]  }
0x224: {  	v2 =	vld [tilespmem:$0x1FEE0]  }
0x225: {  	v7 =	vld [tilespmem:s24+$0x8620]  }
0x226: {  	v6 =	vld [tilespmem:s0+$0x620]  }
0x227: {  	v4 =	vld [tilespmem:s24+$0x630];
	v49 =	vadd.f32 v5, v49  }
0x228: {  	v12 =	vmul.f32 v12, v13;
	v13 =	vld [tilespmem:s0+$0x640]  }
0x229: {  	v49 =	vadd.f32 v50, v49;
	v50 =	vmul.f32 v2, v1;
	v1 =	vld [tilespmem:$0x1FEF0]  }
0x22a: {  	v2 =	vld [tilespmem:$0x1FF00]  }
0x22b: {  	v15 =	vmul.f32 v17, v15;
	v17 =	vld [tilespmem:s0+$0x8640]  }
0x22c: {  	v8 =	vmul.f32 v8, v11;
	v11 =	vld [tilespmem:s15+$0x8650]  }
0x22d: {  	v42 =	vmul.f32 v42, v39;
	v28 =	vmul.f32 v30, v28;
	v39 =	vld [tilespmem:s24+$0x8660]  }
0x22e: {  	v30 =	vmul.f32 v51, v48;
	v48 =	vmul.f32 v56, v54;
	v54 =	vld [tilespmem:s0+$0x8670]  }
0x22f: {  	v52 =	vadd.f32 v61, v52;
	v61 =	vmul.f32 v2, v1;
	v1 =	vld [tilespmem:$0x1FF10]  }
0x230: {  	v2 =	vld [tilespmem:$0x1FF20]  }
0x231: {  	v62 =	vld [tilespmem:s0+$0x8620]  }
0x232: {  	v59 =	vld [tilespmem:s15+$0x630]  }
0x233: {  	v5 =	vld [tilespmem:s15+$0x8630]  }
0x234: {  	v49 =	vadd.f32 v61, v49;
	v61 =	vld [tilespmem:$0x1FF60]  }
0x235: {  	v3 =	vmul.f32 v2, v1;
	v2 =	vld [tilespmem:$0x1FF30]  }
0x236: {  	v0 =	vadd.f32 v63, v0;
	v63 =	vld [tilespmem:s24+$0x8630]  }
0x237: {  	v47 =	vadd.f32 v58, v47;
	v58 =	vld [tilespmem:s0+$0x630]  }
0x238: {  	v1 =	vld [tilespmem:s0+$0x8630]  }
0x239: {  	v3 =	vadd.f32 v3, v47;
	v47 =	vmul.f32 v57, v61;
	v57 =	vld [tilespmem:s15+$0x8640]  }
0x23a: {  	v0 =	vadd.f32 v50, v0;
	v50 =	vmul.f32 v55, v2;
	v2 =	vld [tilespmem:$0x1FF40]  }
0x23b: {  	v55 =	vld [tilespmem:$0x1FF50]  }
0x23c: {  	v61 =	vld [tilespmem:$0x1FF80]  }
0x23d: {  	v21 =	vmul.f32 v21, v23;
	v47 =	vadd.f32 v47, v49;
	v49 =	vld [tilespmem:s24+$0x8640]  }
0x23e: {  	v29 =	vmul.f32 v29, v40;
	v1 =	vmul.f32 v1, v58;
	v58 =	vld [tilespmem:$0x1FFC0]  }
0x23f: {  	v21 =	vadd.f32 v21, v47;
	v47 =	vmul.f32 v38, v36;
	v36 =	vld [tilespmem:s24+$0x660];
	v50 =	vadd.f32 v50, v52  }
0x240: {  	v52 =	vld [tilespmem:s24+$0x640];
	v55 =	vmul.f32 v55, v2  }
0x241: {  	v3 =	vadd.f32 v41, v3;
	v41 =	vadd.f32 v29, v50;
	v50 =	vld [tilespmem:$0x1FF90]  }
0x242: {  	v14 =	vmul.f32 v16, v14;
	v9 =	vmul.f32 v10, v9;
	v0 =	vadd.f32 v55, v0;
	v55 =	vld [tilespmem:$0x1FF70]  }
0x243: {  	v7 =	vmul.f32 v7, v60;
	v6 =	vmul.f32 v62, v6;
	v2 =	vld [tilespmem:s15+$0x640]  }
0x244: {  	v5 =	vmul.f32 v5, v59;
	v4 =	vmul.f32 v63, v4;
	v14 =	vadd.f32 v14, v21;
	v21 =	vld [tilespmem:s0+$0x650]  }
0x245: {  	v38 =	vmul.f32 v33, v31;
	v29 =	vld [tilespmem:s15+$0x650];
	v15 =	vadd.f32 v15, v41;
	v41 =	vmul.f32 v27, v26  }
0x246: {  	v3 =	vadd.f32 v12, v3;
	v12 =	vmul.f32 v53, v50;
	v50 =	vmul.f32 v44, v43;
	v43 =	vld [tilespmem:s15+$0x670]  }
0x247: {  	v44 =	vmul.f32 v49, v52;
	v49 =	vld [tilespmem:s24+$0x8670];
	v40 =	vmul.f32 v61, v55  }
0x248: {  	v3 =	vadd.f32 v8, v3;
	v2 =	vmul.f32 v57, v2;
	v57 =	vld [tilespmem:$0x1FFB0];
	v55 =	vmul.f32 v19, v18  }
0x249: {  	v56 =	vmul.f32 v39, v36;
	v61 =	vmul.f32 v24, v20;
	v19 =	vld [tilespmem:s24+$0x8650];
	v0 =	vadd.f32 v40, v0  }
0x24a: {  	v9 =	vadd.f32 v9, v15;
	v24 =	vld [tilespmem:s0+$0x8650];
	v40 =	vmul.f32 v34, v25;
	v8 =	vadd.f32 v41, v55  }
0x24b: {  	v53 =	vadd.f32 v42, v61;
	v55 =	vmul.f32 v46, v45;
	v61 =	vld [tilespmem:s15+$0x660];
	v0 =	vadd.f32 v12, v0  }
0x24c: {  	v11 =	vmul.f32 v11, v29;
	v34 =	vld [tilespmem:s15+$0x8660];
	v18 =	vadd.f32 v50, v40;
	v8 =	vadd.f32 v28, v8  }
0x24d: {  	v42 =	vmul.f32 v22, v32;
	v12 =	vld [tilespmem:s24+$0x650];
	v15 =	vadd.f32 v55, v47;
	v10 =	vadd.f32 v30, v53  }
0x24e: {  	v45 =	vld [tilespmem:s15+$0x8670];
	v46 =	vmul.f32 v17, v13;
	v7 =	vadd.f32 v7, v18;
	v8 =	vadd.f32 v38, v8  }
0x24f: {  	v41 =	vld [tilespmem:s0+$0x8660];
	v53 =	vmul.f32 v37, v35;
	v6 =	vadd.f32 v6, v15;
	v5 =	vadd.f32 v5, v10  }
0x250: {  	v40 =	vld [tilespmem:s0+$0x660];
	v51 =	vmul.f32 v24, v21;
	v4 =	vadd.f32 v4, v7;
	v8 =	vadd.f32 v42, v8  }
0x251: {  	v47 =	vld [tilespmem:s24+$0x670];
	v55 =	vmul.f32 v34, v61;
	v1 =	vadd.f32 v1, v6;
	v2 =	vadd.f32 v2, v5  }
0x252: {  	v52 =	vld [tilespmem:s0+$0x670];
	v50 =	vmul.f32 v19, v12;
	v4 =	vadd.f32 v44, v4;
	v6 =	vadd.f32 v48, v8  }
0x253: {  	v7 =	vmul.f32 v45, v43;
	v1 =	vadd.f32 v46, v1;
	v2 =	vadd.f32 v11, v2;
	v48 =	vld [tilespmem:$0x1FFE0]  }
0x254: {  	[tilespmem:s12+$0x108C0] =	vst v0;
	v8 =	vmul.f32 v58, v57;
	v4 =	vadd.f32 v50, v4;
	v0 =	vadd.f32 v53, v6  }
0x255: {  	[tilespmem:s12+$0x108D0] =	vst v14;
	v59 =	vmul.f32 v41, v40;
	v1 =	vadd.f32 v51, v1;
	v2 =	vadd.f32 v55, v2  }
0x256: {  	[tilespmem:s12+$0x108E0] =	vst v3;
	v60 =	vmul.f32 v49, v47;
	v3 =	vadd.f32 v56, v4;
	v0 =	vadd.f32 v8, v0  }
0x257: {  	[tilespmem:s12+$0x108F0] =	vst v9;
	v61 =	vmul.f32 v54, v52;
	v1 =	vadd.f32 v59, v1;
	v2 =	vadd.f32 v7, v2  }
0x258: {  	v3 =	vadd.f32 v60, v3;
	[tilespmem:s20+$0x10880] =	vst v0  }
0x259: {  	v0 =	vadd.f32 v61, v1;
	[tilespmem:s20+$0x10890] =	vst v2  }
0x25a: {  	s15 =	sshll.u32 s11, $0x4;
	[tilespmem:s20+$0x108A0] =	vst v3  }
0x25b: {  	s14 =	sor.u32 s22, s6;
	v1 =	vld.idx.msk [tilespmem:v48+s15+$0x0 ss:$0x1], $0xffff;
	[tilespmem:s20+$0x108B0] =	vst v0  }
0x25c: {  	v0 =	vld [tilespmem:s14+$0x600]  }
0x25d: {  	s24 =	sor.u32 s7, s6;
	v2 =	vld [tilespmem:s14+$0x8600]  }
0x25e: {  	v3 =	vld [tilespmem:s24+$0x600]  }
0x25f: {  	v4 =	vld [tilespmem:s24+$0x8600]  }
0x260: {  	v5 =	vld [tilespmem:s14+$0x610]  }
0x261: {  	v62 =	vld [tilespmem:s14+$0x8610]  }
0x262: {  	v7 =	vld [tilespmem:s14+$0x620]  }
0x263: {  	v8 =	vld [tilespmem:s14+$0x8620]  }
0x264: {  	v9 =	vld [tilespmem:s14+$0x630]  }
0x265: {  	v10 =	vld [tilespmem:s14+$0x8630]  }
0x266: {  	v11 =	vld [tilespmem:s14+$0x640]  }
0x267: {  	v12 =	vld [tilespmem:s14+$0x8640]  }
0x268: {  	v13 =	vld [tilespmem:s14+$0x650]  }
0x269: {  	v14 =	vld [tilespmem:s14+$0x8650]  }
0x26a: {  	v15 =	vld [tilespmem:s14+$0x660]  }
0x26b: {  	v16 =	vld [tilespmem:s14+$0x8660]  }
0x26c: {  	v17 =	vld [tilespmem:s14+$0x670]  }
0x26d: {  	s0 =	sor.u32 s8, s6;
	v18 =	vld [tilespmem:s14+$0x8670]  }
0x26e: {  	v19 =	vld [tilespmem:s0+$0x600]  }
0x26f: {  	s6 =	sor.u32 s9, s6;
	v63 =	vld [tilespmem:s0+$0x8600]  }
0x270: {  	v21 =	vld [tilespmem:s6+$0x600]  }
0x271: {  	v22 =	vld [tilespmem:s6+$0x8600]  }
0x272: {  	v23 =	vld [tilespmem:s24+$0x610]  }
0x273: {  	v24 =	vld [tilespmem:s24+$0x8610]  }
0x274: {  	v25 =	vld [tilespmem:s0+$0x610]  }
0x275: {  	v26 =	vld [tilespmem:s0+$0x8610]  }
0x276: {  	v49 =	vld [tilespmem:s6+$0x610]  }
0x277: {  	v50 =	vld [tilespmem:s6+$0x8610]  }
0x278: {  	v52 =	vld [tilespmem:s24+$0x620]  }
0x279: {  	v53 =	vld [tilespmem:s24+$0x8620]  }
0x27a: {  	v55 =	vld [tilespmem:s0+$0x620]  }
0x27b: {  	v56 =	vld [tilespmem:s0+$0x8620]  }
0x27c: {  	v57 =	vld [tilespmem:s6+$0x620]  }
0x27d: {  	v59 =	vld [tilespmem:s6+$0x8620]  }
0x27e: {  	v37 =	vld [tilespmem:s24+$0x630]  }
0x27f: {  	v60 =	vld [tilespmem:s24+$0x8630]  }
0x280: {  	v38 =	vld [tilespmem:s0+$0x630]  }
0x281: {  	v39 =	vld [tilespmem:s0+$0x8630];
	v51 =	vand.u32 $0x7FFFFF, v1  }
0x282: {  	v40 =	vld [tilespmem:s6+$0x630];
	v29 =	vor.u32 $0x3F800000, v51  }
0x283: {  	v41 =	vld [tilespmem:s6+$0x8630];
	v54 =	vmul.f32 $5.000000000e-01, v29  }
0x284: {  	v42 =	vld [tilespmem:s24+$0x640];
	vm0 =	vgt.f32 v29, $1.414213540e+00  }
0x285: {  	v43 =	vld [tilespmem:s24+$0x8640];
	v29 =	vsel vm0, v54, v29  }
0x286: {  	v44 =	vld [tilespmem:s0+$0x640];
	v58 =	vadd.f32 $1.000000000e+00, v29  }
0x287: {  	v45 =	vld [tilespmem:s0+$0x8640];
	v0 =	vmul.f32 v2, v0;
	v3 =	vmul.f32 v4, v3  }
0x288: {  	v47 =	vld [tilespmem:s6+$0x640];
	v62 =	vmul.f32 v62, v5;
	(erf) = vrcp.f32 v58  }
0x289: {  	v20 =	vld [tilespmem:s24+$0x8650];
	v63 =	vmul.f32 v63, v19;
	v24 =	vmul.f32 v24, v23  }
0x28a: {  	v46 =	vld [tilespmem:s0+$0x8650];
	v21 =	vmul.f32 v22, v21;
	v26 =	vmul.f32 v26, v25  }
0x28b: {  	v32 =	vld [tilespmem:s6+$0x660];
	v28 =	vmul.f32 v50, v49;
	v7 =	vmul.f32 v8, v7  }
0x28c: {  	v33 =	vld [tilespmem:s6+$0x8660];
	v49 =	vmul.f32 v53, v52;
	v50 =	vmul.f32 v56, v55  }
0x28d: {  	v35 =	vld [tilespmem:s24+$0x670];
	v53 =	vmul.f32 v59, v57;
	v55 =	vmul.f32 v10, v9  }
0x28e: {  	v36 =	vld [tilespmem:s24+$0x8670];
	v60 =	vmul.f32 v60, v37;
	v11 =	vmul.f32 v12, v11  }
0x28f: {  	v30 =	vld [tilespmem:s0+$0x8660];
	v1 =	vshra.s32 v1, $0x17;
	v31 =	vmul.f32 v43, v42;
	v34 =	vmul.f32 v45, v44  }
0x290: {  	v2 =	vld [tilespmem:s6+$0x8640];
	v13 =	vmul.f32 v14, v13;
	v1 =	vadd.s32 $0xFFFFFF81, v1;
	v29 =	vadd.f32 $-1.000000000e+00, v29  }
0x291: {  	v5 =	vld [tilespmem:s24+$0x650];
	v15 =	vmul.f32 v16, v15;
	v43 =	vmul.f32 v18, v17;
	v0 =	vadd.f32 v62, v0;
	v61 =	vpop (erf)  }
0x292: {  	v22 =	vld [tilespmem:s0+$0x650];
	v44 =	vmul.f32 v33, v32;
	v3 =	vadd.f32 v24, v3;
	v29 =	vmul.f32 v61, v29  }
0x293: {  	v56 =	vld [tilespmem:s24+$0x660];
	v45 =	vmul.f32 v36, v35;
	v4 =	vadd.f32 v26, v63;
	v0 =	vadd.f32 v7, v0  }
0x294: {  	v59 =	vld [tilespmem:s24+$0x8660];
	v19 =	vadd.f32 v28, v21;
	v3 =	vadd.f32 v49, v3;
	v52 =	vmul.f32 v29, v29  }
0x295: {  	v51 =	vld [tilespmem:s6+$0x650];
	v63 =	vmul.f32 v41, v40;
	v4 =	vadd.f32 v50, v4;
	v0 =	vadd.f32 v55, v0  }
0x296: {  	v54 =	vld [tilespmem:s6+$0x8650];
	v2 =	vmul.f32 v2, v47;
	v58 =	vadd.f32 v53, v19;
	v57 =	vmul.f32 $1.111111120e-01, v52  }
0x297: {  	v37 =	vld [tilespmem:s0+$0x670];
	v5 =	vmul.f32 v20, v5;
	v3 =	vadd.f32 v60, v3;
	v0 =	vadd.f32 v11, v0  }
0x298: {  	v62 =	vld [tilespmem:s0+$0x660];
	v10 =	vadd.f32 v63, v58;
	v61 =	vmul.f32 v39, v38;
	v9 =	vadd.f32 $1.428571490e-01, v57  }
0x299: {  	v40 =	vld [tilespmem:s6+$0x670];
	v7 =	vmul.f32 v59, v56;
	v3 =	vadd.f32 v31, v3;
	v0 =	vadd.f32 v13, v0  }
0x29a: {  	v41 =	vld [tilespmem:s6+$0x8670];
	v2 =	vadd.f32 v2, v10;
	v4 =	vadd.f32 v61, v4;
	v9 =	vmul.f32 v9, v52  }
0x29b: {  	v3 =	vadd.f32 v5, v3;
	v0 =	vadd.f32 v15, v0;
	v38 =	vld [tilespmem:s0+$0x8670];
	v39 =	vmul.f32 v54, v51  }
0x29c: {  	v8 =	vmul.f32 v46, v22;
	v4 =	vadd.f32 v34, v4;
	v9 =	vadd.f32 $2.000000030e-01, v9  }
0x29d: {  	v42 =	vmul.f32 v30, v62;
	v3 =	vadd.f32 v7, v3;
	v2 =	vadd.f32 v39, v2  }
0x29e: {  	v0 =	vadd.f32 v43, v0;
	v4 =	vadd.f32 v8, v4;
	v9 =	vmul.f32 v9, v52  }
0x29f: {  	v46 =	vmul.f32 v41, v40;
	v3 =	vadd.f32 v45, v3;
	v2 =	vadd.f32 v44, v2  }
0x2a0: {  	v5 =	vmul.f32 v38, v37;
	v4 =	vadd.f32 v42, v4;
	v9 =	vadd.f32 $3.333333430e-01, v9  }
0x2a1: {  	v25 =	vimm.f32 $0.0e+00;
	v1 =	vcvt.s32.f32 v1;
	[tilespmem:s20+$0x108C0] =	vst v0;
	v2 =	vadd.f32 v46, v2  }
0x2a2: {  	v0 =	vsel vm0, $0x3F800000, v25;
	[tilespmem:s20+$0x108D0] =	vst v3;
	v4 =	vadd.f32 v5, v4;
	v47 =	vmul.f32 v9, v52  }
0x2a3: {  	v0 =	vadd.f32 v1, v0;
	[tilespmem:s20+$0x108F0] =	vst v2  }
0x2a4: {  	s6 =	sshll.u32 s23, $0x4;
	v3 =	vadd.f32 v29, v29;
	[tilespmem:s20+$0x108E0] =	vst v4;
	v1 =	vadd.f32 $1.000000000e+00, v47  }
0x2a5: {  	v2 =	vld.idx.msk [tilespmem:v48+s6+$0x0 ss:$0x1], $0xffff  }
0x2a6: {  	v0 =	vmul.f32 $6.931471820e-01, v0;
	v1 =	vmul.f32 v1, v3;
	_ =	sdelay $0x1  }
0x2a7: {  	v4 =	vadd.f32 v1, v0;
	_ =	sdelay $0x1  }
0x2a8: {  	v1 =	vand.u32 $0x7FFFFF, v2;
	v0 =	vmul.f32 $7.500000000e-01, v4  }
0x2a9: {  	v1 =	vor.u32 $0x3F800000, v1  }
0x2aa: {  	v26 =	vld [tilespmem:$0x1FFF0];
	v3 =	vmul.f32 $5.000000000e-01, v1;
	v0 =	vadd.f32 $-3.453877690e+00, v0  }
0x2ab: {  	vm15 =	vgt.f32 v1, $1.414213540e+00  }
0x2ac: {  	v1 =	vsel vm15, v3, v1;
	v0 =	vmul.f32 $1.442695020e+00, v0  }
0x2ad: {  	v3 =	vadd.f32 $1.000000000e+00, v1  }
0x2ae: {  	s23 =	sor.u32 $0x3, s12;
	(erf) = vpow2.f32 v0  }
0x2af: {  	v49 =	vor.u32 s23, v26;
	(erf) = vrcp.f32 v3  }
0x2b0: {  	s14 =	sor.u32 $0x2, s12;
	v28 =	vor.u32 s20, v26  }
0x2b1: {  	v48 =	vor.u32 s14, v26;
	s14 =	sor.u32 $0x5, s12  }
0x2b2: {  	v51 =	vor.u32 s14, v26;
	s14 =	sor.u32 $0x8, s12  }
0x2b3: {  	s23 =	sor.u32 $0x6, s12;
	v55 =	vor.u32 s14, v26  }
0x2b4: {  	v6 =	vld.idx.msk [tilespmem:v49+s21+$0x0], $0xffff;
	s14 =	sor.u32 $0xB, s12;
	v52 =	vor.u32 s23, v26  }
0x2b5: {  	v36 =	vld.idx.msk [tilespmem:v28+s21+$0x0], $0xffff;
	s23 =	sor.u32 $0x9, s12;
	v59 =	vor.u32 s14, v26  }
0x2b6: {  	s14 =	sor.u32 $0xE, s12;
	v56 =	vor.u32 s23, v26;
	v53 =	vld.idx.msk [tilespmem:v48+s21+$0x0], $0xffff  }
0x2b7: {  	s23 =	sor.u32 $0xC, s12;
	v63 =	vor.u32 s14, v26;
	v8 =	vld.idx.msk [tilespmem:v51+s21+$0x0], $0xffff;
	v1 =	vadd.f32 $-1.000000000e+00, v1;
	v5 =	vpop (erf)  }
0x2b8: {  	s14 =	sor.u32 $0x3, s20;
	v60 =	vor.u32 s23, v26;
	v12 =	vld.idx.msk [tilespmem:v55+s21+$0x0], $0xffff;
	v57 =	vpop (erf)  }
0x2b9: {  	s23 =	sor.u32 $0xF, s12;
	v33 =	vor.u32 s14, v26;
	v9 =	vld.idx.msk [tilespmem:v52+s21+$0x0], $0xffff;
	v1 =	vmul.f32 v57, v1  }
0x2ba: {  	s14 =	sor.u32 $0x7, s20;
	v27 =	vor.u32 s23, v26;
	v14 =	vld.idx.msk [tilespmem:v59+s21+$0x0], $0xffff  }
0x2bb: {  	v41 =	vor.u32 s14, v26;
	v13 =	vld.idx.msk [tilespmem:v56+s21+$0x0], $0xffff;
	v61 =	vmul.f32 v1, v1  }
0x2bc: {  	s24 =	sor.u32 $0x1, s12;
	v32 =	vld.idx.msk [tilespmem:v63+s21+$0x0], $0xffff;
	v0 =	vor.u32 s12, v26  }
0x2bd: {  	v16 =	vld.idx.msk [tilespmem:v60+s21+$0x0], $0xffff;
	v3 =	vor.u32 s24, v26;
	s24 =	sor.u32 $0x4, s12;
	v24 =	vmul.f32 $1.111111120e-01, v61  }
0x2be: {  	s23 =	sor.u32 $0x4, s20;
	v19 =	vld.idx.msk [tilespmem:v33+s21+$0x0], $0xffff;
	v50 =	vor.u32 s24, v26;
	s24 =	sor.u32 $0x7, s12  }
0x2bf: {  	v35 =	vor.u32 s23, v26;
	v34 =	vld.idx.msk [tilespmem:v27+s21+$0x0], $0xffff;
	v54 =	vor.u32 s24, v26;
	s24 =	sor.u32 $0xA, s12;
	v20 =	vadd.f32 $1.428571490e-01, v24  }
0x2c0: {  	v18 =	vld.idx.msk [tilespmem:v41+s21+$0x0], $0xffff;
	v58 =	vor.u32 s24, v26;
	s24 =	sor.u32 $0xD, s12;
	s12 =	sor.u32 $0x2, s20  }
0x2c1: {  	v0 =	vld.idx.msk [tilespmem:v0+s21+$0x0], $0xffff;
	v62 =	vor.u32 s24, v26;
	s24 =	sor.u32 $0x1, s20;
	v31 =	vor.u32 s12, v26;
	v20 =	vmul.f32 v20, v61  }
0x2c2: {  	s23 =	sor.u32 $0x8, s20;
	v3 =	vld.idx.msk [tilespmem:v3+s21+$0x0], $0xffff;
	v29 =	vor.u32 s24, v26  }
0x2c3: {  	s14 =	sor.u32 $0xB, s20;
	v42 =	vor.u32 s23, v26;
	s24 =	sor.u32 $0x5, s20;
	v7 =	vld.idx.msk [tilespmem:v50+s21+$0x0], $0xffff;
	v20 =	vadd.f32 $2.000000030e-01, v20  }
0x2c4: {  	v47 =	vor.u32 s14, v26;
	s23 =	sor.u32 $0xC, s20;
	v2 =	vshra.s32 v2, $0x17;
	v43 =	vld.idx.msk [tilespmem:v35+s21+$0x0], $0xffff;
	v37 =	vor.u32 s24, v26  }
0x2c5: {  	v48 =	vor.u32 s23, v26;
	v2 =	vadd.s32 $0xFFFFFF81, v2;
	s12 =	sor.u32 $0x6, s20;
	v11 =	vld.idx.msk [tilespmem:v54+s21+$0x0], $0xffff;
	v20 =	vmul.f32 v20, v61  }
0x2c6: {  	v2 =	vcvt.s32.f32 v2;
	v39 =	vor.u32 s12, v26;
	v0 =	vadd.f32 v53, v0;
	v40 =	vld.idx.msk [tilespmem:v31+s21+$0x0], $0xffff  }
0x2c7: {  	v25 =	vsel vm15, $0x3F800000, v25;
	s24 =	sor.u32 $0x9, s20;
	v3 =	vadd.f32 v6, v3;
	v38 =	vld.idx.msk [tilespmem:v29+s21+$0x0], $0xffff;
	v20 =	vadd.f32 $3.333333430e-01, v20  }
0x2c8: {  	v2 =	vadd.f32 v2, v25;
	v49 =	vld.idx.msk [tilespmem:v42+s21+$0x0], $0xffff;
	s12 =	sor.u32 $0xA, s20;
	v44 =	vor.u32 s24, v26;
	v0 =	vadd.f32 v7, v0  }
0x2c9: {  	v45 =	vor.u32 s12, v26;
	v22 =	vld.idx.msk [tilespmem:v37+s21+$0x0], $0xffff;
	v3 =	vadd.f32 v8, v3;
	v17 =	vmul.f32 v20, v61  }
0x2ca: {  	v2 =	vmul.f32 $6.931471820e-01, v2;
	s12 =	sor.u32 $0xE, s20;
	v15 =	vld.idx.msk [tilespmem:v58+s21+$0x0], $0xffff;
	v1 =	vadd.f32 v1, v1;
	v0 =	vadd.f32 v9, v0  }
0x2cb: {  	s24 =	sor.u32 $0xD, s20;
	v51 =	vor.u32 s12, v26;
	v46 =	vld.idx.msk [tilespmem:v39+s21+$0x0], $0xffff;
	v3 =	vadd.f32 v11, v3;
	v17 =	vadd.f32 $1.000000000e+00, v17  }
0x2cc: {  	v50 =	vor.u32 s24, v26;
	v30 =	vld.idx.msk [tilespmem:v62+s21+$0x0], $0xffff;
	v8 =	vadd.f32 v40, v36;
	v9 =	vadd.f32 v19, v38  }
0x2cd: {  	s14 =	sor.u32 $0xF, s20;
	v21 =	vld.idx.msk [tilespmem:v44+s21+$0x0], $0xffff;
	v0 =	vadd.f32 v12, v0;
	v3 =	vadd.f32 v13, v3;
	v1 =	vmul.f32 v17, v1  }
0x2ce: {  	v53 =	vor.u32 s14, v26;
	v52 =	vld.idx.msk [tilespmem:v45+s21+$0x0], $0xffff;
	v8 =	vadd.f32 v43, v8;
	v9 =	vadd.f32 v22, v9  }
0x2cf: {  	v0 =	vadd.f32 v15, v0;
	v1 =	vadd.f32 v1, v2;
	v2 =	vld.idx.msk [tilespmem:v47+s21+$0x0], $0xffff  }
0x2d0: {  	v54 =	vld.idx.msk [tilespmem:v48+s21+$0x0], $0xffff;
	v8 =	vadd.f32 v46, v8;
	v9 =	vadd.f32 v18, v9  }
0x2d1: {  	v55 =	vld.idx.msk [tilespmem:v50+s21+$0x0], $0xffff;
	v3 =	vadd.f32 v14, v3;
	v0 =	vadd.f32 v16, v0  }
0x2d2: {  	v57 =	vld.idx.msk [tilespmem:v51+s21+$0x0], $0xffff;
	v8 =	vadd.f32 v49, v8;
	v9 =	vadd.f32 v21, v9  }
0x2d3: {  	s20 =	sor.u32 s10, s15;
	v58 =	vld.idx.msk [tilespmem:v53+s21+$0x0], $0xffff;
	v3 =	vadd.f32 v30, v3;
	v0 =	vadd.f32 v32, v0;
	v56 =	vmul.f32 $7.500000000e-01, v1  }
0x2d4: {  	v59 =	vld [tilespmem:s20+$0x10600];
	v8 =	vadd.f32 v52, v8;
	v2 =	vadd.f32 v2, v9  }
0x2d5: {  	v3 =	vadd.f32 v34, v3;
	v15 =	vadd.f32 $-3.453877690e+00, v56  }
0x2d6: {  	s23 =	sor.u32 s10, s6;
	v8 =	vadd.f32 v54, v8;
	v61 =	vld [tilespmem:s20+$0x10700];
	v2 =	vadd.f32 v55, v2  }
0x2d7: {  	v0 =	vadd.f32 v3, v0;
	v3 =	vld [tilespmem:s23+$0x10600];
	v60 =	vmul.f32 $1.442695020e+00, v15  }
0x2d8: {  	v62 =	vadd.f32 v57, v8;
	v2 =	vadd.f32 v58, v2  }
0x2d9: {  	v63 =	vld [tilespmem:s23+$0x10700];
	v0 =	vadd.f32 v0, v59;
	(erf) = vpow2.f32 v60  }
0x2da: {  	v2 =	vadd.f32 v2, v62  }
0x2db: {  	v0 =	vadd.f32 v0, v61  }
0x2dc: {  	v2 =	vadd.f32 v2, v3  }
0x2dd: {  	v0 =	vsub.f32 v0, v4  }
0x2de: {  	v3 =	vmin.f32 v5, $1.000000000e+00;
	v2 =	vadd.f32 v2, v63  }
0x2df: {  	v3 =	vmul.f32 v3, v0;
	_ =	sdelay $0x1  }
0x2e0: {  	v0 =	vmul.f32 v3, v0;
	v3 =	vld [tilespmem:$0x1FFD0]  }
0x2e1: {  	v1 =	vsub.f32 v2, v1;
	v2 =	vpop (erf)  }
0x2e2: {  	p0 =	slt.u32 s11, $0x6;
	v2 =	vmin.f32 v2, $1.000000000e+00  }
.Ltmp0:
0x2e3: {  	v2 =	vmul.f32 v2, v1;
	(pc) =	sbr.rel @p0 .LBB2_4-.Ltmp0, $4  }
0x2e4: {  	_ = 	snop  }
0x2e5: {  	v0 =	vadd.f32 v0, v3;
	v1 =	vmul.f32 v2, v1  }
0x2e6: {  	s24 =	sadd.s32 $0x2, s11  }
0x2e7: {  	s11 =	smov.u32 s24;
	v0 =	vadd.f32 v1, v0  }
0x2e8: {  	p0 =	seq.s32 s25, $0x4  }
.Ltmp1:
0x2e9: {  	_ = 	snop;
	(pc) =	sbr.rel @!p0 .LBB2_3-.Ltmp1, $1  }
0x2ea: {  	_ =	sdelay $0x3  }
0x2eb: {  	s12 =	simm.s32 $0x0  }
0x2ec: {  	[tilespmem:$0x11000] =	vst v0;
	s0 =	rddreg [dreg:$0xc];
	s1 =	simm.s32 $0x11000;
	s30 =	simm.s32 $0x3  }
0x2ed: {  	[hbm4b:s0+s12] =	stream.linear.scatter [tilespmem:s1], [sflag:$0x3], $0x80, $0x38;
	[tilespmem:$0x11080] =	vst v63  }
0x2ee: {  	_ =	swait.ge [sflag:s30], $0x80  }
0x2ef: {  	s3 =	rddreg [dreg:$0xe]  }
0x2f0: {  	s31 =	rddreg [dreg:$0xd];
	s3 =	sadd.s32 $0x1, s3  }
0x2f1: {  	p0 =	sne.s32 s3, s31  }
.Ltmp2:
0x2f2: {  	_ = 	snop;
	(pc) =	sbr.rel @p0 .LBB2_1-.Ltmp2, $3  }
0x2f3: {  	_ =	sdelay $0x1  }
0x2f4: {  	[sflag:s30] =	ssyncset.done $0x0  }
0x2f5: {  	[sflag:s30] =	ssyncadd.s32 $0xFFFFFF80  }
0x2f6: {  	_ =	sfence.sel $0x180000  }
0x2f7: {  	[bflag:$0x0] =	sbarrier.arrive $0xFFFF  }
0x2f8: {  	_ =	strace $0x90000047  }
0x2f9: {  	s0 =	stileid.u32;
	[bflag:$0x2] =	sbarrier.arrive $0xFFFF  }
0x2fa: {  	p0 =	sne.s32 s0, $0x0;
	s0 =	rddreg [dreg:$0x8]  }
0x2fb: {  	s0 =	sadd.s32 @!p0 $0x100000, s0  }
0x2fc: {  	[sflag:s0] =	ssyncadd.tile.s32 @!p0 $0x1;
	_ =	shalt  }
.Lfunc_end2:
_tile_overlayer_lowered:
.L_overlay_start_2:
0x2fd: {  	(tag) =	ssettag $0x2  }
0x2fe: {  	s0 =	rddreg [dreg:$0x0];
	s2 =	stileid.u32  }
0x2ff: {  	s1 =	rddreg [dreg:$0x1];
	p0 =	sne.s32 s2, $0x0  }
0x300: {  	s3 =	rddreg [dreg:$0x2];
	[bflag:$0x3] =	sbarrier.arrive $0xFFFF;
	s2 =	simm.s32 @!p0 $0x1C03  }
0x301: {  	[timem:s3], [sflag:s2] =	dma.local @!p0 [hbm:s0], s1  }
0x302: {  	s0 =	simm.s32 @!p0 $0x3  }
0x303: {  	_ =	swait.ge @!p0 [sflag:s0], s1  }
0x304: {  	s1 =	ssub.s32 @!p0 $0x0, s1;
	[sflag:s0] =	ssyncset.done @!p0 $0x0  }
0x305: {  	[sflag:s0] =	ssyncadd.s32 @!p0 s1  }
0x306: {  	[bflag:$0x3] =	sbarrier.arrive $0xFFFF  }
0x307: {  	_ =	shalt  }

</sc_bundles>
